<compile_context>
chip_gen: v7x
topology: tpu7x:2x2x1
jax: 0.10.2.dev20260603
libtpu: 0.0.44.dev20260713+nightly
codegen_flags: <defaults>
</compile_context>

<pallas_src>
import functools

import jax
import jax.numpy as jnp
from jax import lax
from jax.experimental import pallas as pl
from jax.experimental.pallas import tpu as pltpu
from jax.experimental.pallas import tpu_sc as plsc

B = 4096
N_DENSE = 13
N_SPARSE = 26
VOCAB = 1000
EDIM = 128
EPS = 1e-3
ROWS = B * N_SPARSE
NW = 32
RPW = ROWS // NW
CH = 128
NCHUNK = RPW // CH
NBUF = 2
SPLITS = (2048, 2048)


@functools.cache
def _make_sc_gather(nb):
    nchunk = N_SPARSE * (nb // CH)
    lo = nchunk // NW
    hi = lo + (1 if nchunk % NW else 0)
    nhi = nchunk - lo * NW
    rows_pad = -(-hi // 8) * 8
    mesh = plsc.VectorSubcoreMesh(core_axis_name="c", subcore_axis_name="s")
    if nhi == 0:
        return pl.kernel(
            functools.partial(_sc_gather_ring_body, nb=nb, ncw=lo),
            out_type=jax.ShapeDtypeStruct((nb, N_SPARSE * EDIM),
                                          jnp.float32),
            mesh=mesh,
            scratch_types=(
                [pltpu.VMEM((rows_pad, CH), jnp.int32)]
                + [pltpu.VMEM((CH, EDIM), jnp.float32)] * 4
                + [pltpu.SemaphoreType.DMA] * 8
            ),
        )
    return pl.kernel(
        functools.partial(_sc_gather_body, nb=nb, lo=lo, hi=hi, nhi=nhi),
        out_type=jax.ShapeDtypeStruct((nb, N_SPARSE * EDIM), jnp.float32),
        mesh=mesh,
        scratch_types=[
            pltpu.VMEM((rows_pad, CH), jnp.int32),
            pltpu.VMEM((CH, EDIM), jnp.float32),
            pltpu.VMEM((CH, EDIM), jnp.float32),
            pltpu.SemaphoreType.DMA,
            pltpu.SemaphoreType.DMA,
        ],
    )


def _sc_gather_ring_body(table_hbm, idx_hbm, out_hbm, idx_v, b0, b1, b2, b3,
                         g0, g1, g2, g3, w0, w1, w2, w3, *, nb, ncw):
    nbb = nb // CH
    wid = lax.axis_index("s") * 2 + lax.axis_index("c")
    pltpu.sync_copy(idx_hbm.at[wid], idx_v)
    base = wid * ncw
    bufs = (b0, b1, b2, b3)
    gsems = (g0, g1, g2, g3)
    wsems = (w0, w1, w2, w3)

    def chunk_out(q):
        c = base + q
        return out_hbm.at[pl.ds((c % nbb) * CH, CH),
                          pl.ds((c // nbb) * EDIM, EDIM)]

    def start_gather(q, slot):
        pltpu.async_copy(table_hbm.at[idx_v.at[q]], bufs[slot], gsems[slot])

    def wait_gather(slot):
        pltpu.make_async_copy(table_hbm.at[idx_v.at[0]], bufs[slot],
                              gsems[slot]).wait()

    def start_wb(q, slot):
        pltpu.async_copy(bufs[slot], chunk_out(q), wsems[slot])

    def wait_wb(q, slot):
        pltpu.make_async_copy(bufs[slot], chunk_out(q), wsems[slot]).wait()

    for slot in range(4):
        start_gather(slot, slot)
    for q in range(ncw):
        slot = q % 4
        if 2 <= q and q + 2 < ncw:
            wait_wb(q - 2, (q + 2) % 4)
            start_gather(q + 2, (q + 2) % 4)
        wait_gather(slot)
        start_wb(q, slot)
    for q in range(max(ncw - 4, 0), ncw):
        wait_wb(q, q % 4)


def _sc_gather_body(table_hbm, idx_hbm, out_hbm, idx_v, buf0, buf1, sem0,
                    sem1, *, nb, lo, hi, nhi):
    nbb = nb // CH
    wid = lax.axis_index("s") * 2 + lax.axis_index("c")
    pltpu.sync_copy(idx_hbm.at[wid], idx_v)
    myn = jnp.where(wid < nhi, hi, lo)
    base = jnp.where(wid < nhi, wid * hi, nhi * hi + (wid - nhi) * lo)
    bufs = (buf0, buf1)
    sems = (sem0, sem1)

    def start(q, slot):
        pltpu.async_copy(table_hbm.at[idx_v.at[q]], bufs[slot], sems[slot])

    def wait_wb(q, slot):
        pltpu.make_async_copy(table_hbm.at[idx_v.at[0]], bufs[slot],
                              sems[slot]).wait()
        c = base + q
        field = c // nbb
        brow = (c % nbb) * CH
        pltpu.sync_copy(bufs[slot],
                        out_hbm.at[pl.ds(brow, CH),
                                   pl.ds(field * EDIM, EDIM)])

    for slot in range(NBUF):
        start(slot, slot)

    n_main = (lo // NBUF) * NBUF

    def outer(q0, carry):
        for slot in range(NBUF):
            q = q0 * NBUF + slot
            wait_wb(q, slot)

            @pl.when(q + NBUF < myn)
            def _():
                start(q + NBUF, slot)
        return carry

    lax.fori_loop(0, n_main // NBUF, outer, 0)
    for q in range(n_main, hi):
        @pl.when(myn > q)
        def _():
            wait_wb(q, q % NBUF)


_S = float(1.0 / (1.0 + EPS) ** 0.5)


def _mlp_body(inp_ref, emb_ref, w_ref, W1s_ref, W1d_ref, b1_ref, g1_ref,
              e1_ref, W2_ref, b2_ref, g2_ref, e2_ref, W3_ref, b3_ref,
              g3_ref, e3_ref, Wo_ref, wb_ref, out_ref):
    f32 = jnp.float32
    bf16 = jnp.bfloat16
    inp = inp_ref[...]
    h = jnp.dot(emb_ref[...].astype(bf16), W1s_ref[...],
                preferred_element_type=f32)
    h = h + jnp.dot(inp, W1d_ref[...], preferred_element_type=f32)
    h = jnp.maximum((h + b1_ref[...]) * (g1_ref[...] * _S) + e1_ref[...],
                    0.0)
    h = jnp.dot(h.astype(bf16), W2_ref[...], preferred_element_type=f32)
    h = jnp.maximum((h + b2_ref[...]) * (g2_ref[...] * _S) + e2_ref[...],
                    0.0)
    h = jnp.dot(h.astype(bf16), W3_ref[...], preferred_element_type=f32)
    h = jnp.maximum((h + b3_ref[...]) * (g3_ref[...] * _S) + e3_ref[...],
                    0.0)
    deep = jnp.dot(h.astype(bf16), Wo_ref[...], preferred_element_type=f32)
    wide = jnp.dot(inp, w_ref[...], preferred_element_type=f32)
    out_ref[...] = jax.nn.sigmoid(deep + wide + wb_ref[...])


def _mlp_call(inputs, emb, w2d, W1s, W1d_ext, *rest):
    nb = inputs.shape[0]
    blk = 512
    grid = (nb // blk,)
    full = lambda a: pl.BlockSpec(a.shape, lambda i: (0,) * a.ndim)
    in_specs = [
        pl.BlockSpec((blk, N_DENSE + N_SPARSE), lambda i: (i, 0)),
        pl.BlockSpec((blk, N_SPARSE * EDIM), lambda i: (i, 0)),
        full(w2d), full(W1s), full(W1d_ext),
    ] + [full(a) for a in rest]
    return pl.pallas_call(
        _mlp_body,
        grid=grid,
        in_specs=in_specs,
        out_specs=pl.BlockSpec((blk, 1), lambda i: (i, 0)),
        out_shape=jax.ShapeDtypeStruct((nb, 1), jnp.float32),
    )(inputs, emb, w2d, W1s, W1d_ext, *rest)


def kernel(inputs, tables, w, b, W1, B1, g1, be1, W2, B2, g2, be2, W3, B3,
           g3, be3, Wo, Bo):
    idx = inputs[:, N_DENSE:].astype(jnp.int32)
    flat_idx = (idx + jnp.arange(N_SPARSE, dtype=jnp.int32)[None, :] * VOCAB)
    tables_flat = tables.reshape(N_SPARSE * VOCAB, EDIM)

    W1s = W1[: N_SPARSE * EDIM].astype(jnp.bfloat16)
    W1d_ext = jnp.pad(W1[N_SPARSE * EDIM:], ((0, N_SPARSE), (0, 0)))
    vecs = (B1.reshape(1, -1), g1.reshape(1, -1), be1.reshape(1, -1),
            W2.astype(jnp.bfloat16), B2.reshape(1, -1), g2.reshape(1, -1),
            be2.reshape(1, -1), W3.astype(jnp.bfloat16), B3.reshape(1, -1),
            g3.reshape(1, -1), be3.reshape(1, -1), Wo.astype(jnp.bfloat16),
            (b + Bo).reshape(1, 1))

    outs = []
    off = 0
    for nb in SPLITS:
        nbb = nb // CH
        nchunk = N_SPARSE * nbb
        lo = nchunk // NW
        hi = lo + (1 if nchunk % NW else 0)
        nhi = nchunk - lo * NW
        rows_pad = -(-hi // 8) * 8
        rows = flat_idx[off:off + nb].T.reshape(nchunk, CH)
        if nhi:
            first = rows[: nhi * hi].reshape(nhi, hi, CH)
            first = jnp.pad(first, ((0, 0), (0, rows_pad - hi), (0, 0)))
            last = rows[nhi * hi:].reshape(NW - nhi, lo, CH)
            last = jnp.pad(last, ((0, 0), (0, rows_pad - lo), (0, 0)))
            idx_h = jnp.concatenate([first, last], axis=0)
        else:
            idx_h = rows.reshape(NW, lo, CH)
            idx_h = jnp.pad(idx_h, ((0, 0), (0, rows_pad - lo), (0, 0)))
        emb_h = _make_sc_gather(nb)(tables_flat, idx_h)
        outs.append(_mlp_call(inputs[off:off + nb], emb_h, w,
                              W1s, W1d_ext, *vecs))
        off += nb
    return jnp.concatenate(outs, axis=0) if len(SPLITS) > 1 else outs[0]

# --- scband reference (transcript-rebuilt; emitter-appended) ---
"""Pipeline reference for scband-wide-deep-net-6700148981878 (READ-ONLY COPY).

The authoritative reference and input builder live on the scoring server;
editing this copy changes nothing except your own understanding.
"""

import jax, jax.numpy as jnp
import numpy as np

B = 4096
N_DENSE = 13
N_SPARSE = 26
VOCAB = 1000
EDIM = 128
HIDDEN = [1024, 512, 256]
EPS = 1e-3
DIN = N_SPARSE * EDIM + N_DENSE


def setup_inputs(seed: int = 0):
    key = jax.random.key(seed)
    ks = jax.random.split(key, 16)
    inp = {}
    inp['inputs'] = jax.random.randint(ks[0], (B, N_DENSE + N_SPARSE), 0, VOCAB).astype(jnp.float32)
    inp['tables'] = jax.random.normal(ks[1], (N_SPARSE, VOCAB, EDIM), dtype=jnp.float32) * 0.05
    inp['w'] = jax.random.normal(ks[2], (N_DENSE + N_SPARSE, 1), dtype=jnp.float32) * 0.05
    inp['b'] = jnp.zeros((1,), dtype=jnp.float32)
    dims = [DIN] + HIDDEN
    for i in range(3):
        inp['W%d' % (i + 1)] = jax.random.normal(ks[3 + i], (dims[i], dims[i + 1]), dtype=jnp.float32) * (1.0 / np.sqrt(dims[i]))
        inp['B%d' % (i + 1)] = jnp.zeros((dims[i + 1],), dtype=jnp.float32)
        inp['g%d' % (i + 1)] = jnp.ones((dims[i + 1],), dtype=jnp.float32)
        inp['be%d' % (i + 1)] = jnp.zeros((dims[i + 1],), dtype=jnp.float32)
    inp['Wo'] = jax.random.normal(ks[10], (HIDDEN[-1], 1), dtype=jnp.float32) * 0.05
    inp['Bo'] = jnp.zeros((1,), dtype=jnp.float32)
    return inp


def reference(inputs, tables, w, b, W1, B1, g1, be1, W2, B2, g2, be2, W3, B3, g3, be3, Wo, Bo):
    dense_inputs = inputs[:, :N_DENSE]
    sparse_inputs = inputs[:, N_DENSE:]
    # wide part: inputs @ w + b
    wide_out = inputs @ w + b
    # embedding lookup per sparse field (indices are non-differentiable)
    idx = jax.lax.stop_gradient(sparse_inputs).astype(jnp.int32)
    embeds = [jnp.take(tables[i], idx[:, i], axis=0) for i in range(N_SPARSE)]
    sparse_embed = jnp.concatenate(embeds, axis=-1)
    h = jnp.concatenate([sparse_embed, dense_inputs], axis=-1)
    # DNN: Dense -> BatchNorm (inference: moving_mean=0, moving_var=1) -> ReLU -> Dropout(identity at inference)
    for (W, Bi, g, be) in ((W1, B1, g1, be1), (W2, B2, g2, be2), (W3, B3, g3, be3)):
        h = h @ W + Bi
        h = (h / jnp.sqrt(1.0 + EPS)) * g + be
        h = jax.nn.relu(h)
    deep_out = h @ Wo + Bo
    return jax.nn.sigmoid(wide_out + deep_out)

if __name__ == "__main__":
    import jax
    _d = setup_inputs()
    print(jax.jit(kernel)(*tuple(_d.values())))

</pallas_src>

<mosaic_0001>
#map = affine_map<(d0, d1) -> (0, 0)>
#map1 = affine_map<(d0, d1) -> (0, 0, 0)>
module attributes {stable_mosaic.version = 14 : i64} {
  func.func @_sc_gather_ring_body(%arg0: i32, %arg1: i32, %arg2: memref<26000x128xf32, #tpu.memory_space<hbm>>, %arg3: memref<32x16x128xi32, #tpu.memory_space<hbm>>, %arg4: memref<2048x3328xf32, #tpu.memory_space<hbm>>, %arg5: memref<16x128xi32, #tpu.memory_space<vmem>>, %arg6: memref<128x128xf32, #tpu.memory_space<vmem>>, %arg7: memref<128x128xf32, #tpu.memory_space<vmem>>, %arg8: memref<128x128xf32, #tpu.memory_space<vmem>>, %arg9: memref<128x128xf32, #tpu.memory_space<vmem>>, %arg10: memref<!tpu.dma_semaphore, #tpu.memory_space<semaphore_mem>>, %arg11: memref<!tpu.dma_semaphore, #tpu.memory_space<semaphore_mem>>, %arg12: memref<!tpu.dma_semaphore, #tpu.memory_space<semaphore_mem>>, %arg13: memref<!tpu.dma_semaphore, #tpu.memory_space<semaphore_mem>>, %arg14: memref<!tpu.dma_semaphore, #tpu.memory_space<semaphore_mem>>, %arg15: memref<!tpu.dma_semaphore, #tpu.memory_space<semaphore_mem>>, %arg16: memref<!tpu.dma_semaphore, #tpu.memory_space<semaphore_mem>>, %arg17: memref<!tpu.dma_semaphore, #tpu.memory_space<semaphore_mem>>) attributes {dimension_semantics = [#tpu.dimension_semantics<core_parallel>, #tpu.dimension_semantics<subcore_parallel>], iteration_bounds = array<i64: 2, 16>, scalar_prefetch = 0 : i64, scratch_operands = 13 : i64, tpu.core_type = #tpu.core_type<sc_vector_subcore>, window_params = [{transform_indices = #map}, {transform_indices = #map1}, {transform_indices = #map}]} {
    %mul3A = arith.constant 2 : i32
    %mul3A_0 = arith.muli %arg1, %mul3A : i32
    %add3A = arith.addi %mul3A_0, %arg0 : i32
    "tpu.region"() ({
      %run_scoped3A = tpu.sem_alloc : memref<!tpu.dma_semaphore, #tpu.memory_space<semaphore_mem>>
      %dma_start3A_1421 = arith.constant 0 : i32
      %dma_start3A_1422 = arith.constant 0 : i32
      %dma_start3A_1423 = tpu.memref_slice %arg3[%add3A, %dma_start3A_1421, %dma_start3A_1422] : memref<32x16x128xi32, #tpu.memory_space<hbm>> -> memref<1x16x128xi32, #tpu.memory_space<hbm>>
      %dma_start3A_1424 = tpu.memref_squeeze %dma_start3A_1423 : memref<1x16x128xi32, #tpu.memory_space<hbm>> -> memref<16x128xi32, #tpu.memory_space<hbm>>
      %dma_start3A_1425 = arith.constant 0 : i32
      %dma_start3A_1426 = arith.constant 0 : i32
      %dma_start3A_1427 = tpu.memref_slice %arg3[%add3A, %dma_start3A_1425, %dma_start3A_1426] : memref<32x16x128xi32, #tpu.memory_space<hbm>> -> memref<1x16x128xi32, #tpu.memory_space<hbm>>
      %dma_start3A_1428 = tpu.memref_squeeze %dma_start3A_1427 : memref<1x16x128xi32, #tpu.memory_space<hbm>> -> memref<16x128xi32, #tpu.memory_space<hbm>>
      tpu.enqueue_dma source(%dma_start3A_1428 : memref<16x128xi32, #tpu.memory_space<hbm>>) target(%arg5 : memref<16x128xi32, #tpu.memory_space<vmem>>) target_semaphore(%run_scoped3A : memref<!tpu.dma_semaphore, #tpu.memory_space<semaphore_mem>>)
      %dma_wait3A_1429 = arith.constant 0 : i32
      %dma_wait3A_1430 = arith.constant 0 : i32
      %dma_wait3A_1431 = tpu.memref_slice %arg3[%add3A, %dma_wait3A_1429, %dma_wait3A_1430] : memref<32x16x128xi32, #tpu.memory_space<hbm>> -> memref<1x16x128xi32, #tpu.memory_space<hbm>>
      %dma_wait3A_1432 = tpu.memref_squeeze %dma_wait3A_1431 : memref<1x16x128xi32, #tpu.memory_space<hbm>> -> memref<16x128xi32, #tpu.memory_space<hbm>>
      %dma_wait3A_1433 = arith.constant 0 : i32
      %dma_wait3A_1434 = arith.constant 0 : i32
      %dma_wait3A_1435 = tpu.memref_slice %arg3[%add3A, %dma_wait3A_1433, %dma_wait3A_1434] : memref<32x16x128xi32, #tpu.memory_space<hbm>> -> memref<1x16x128xi32, #tpu.memory_space<hbm>>
      %dma_wait3A_1436 = tpu.memref_squeeze %dma_wait3A_1435 : memref<1x16x128xi32, #tpu.memory_space<hbm>> -> memref<16x128xi32, #tpu.memory_space<hbm>>
      tpu.wait_dma2 semaphore(%run_scoped3A : memref<!tpu.dma_semaphore, #tpu.memory_space<semaphore_mem>>) src(%dma_wait3A_1436 : memref<16x128xi32, #tpu.memory_space<hbm>>) dst(%arg5 : memref<16x128xi32, #tpu.memory_space<vmem>>)
      tpu.yield
    }) : () -> ()
    %mul3A_1 = arith.constant 13 : i32
    %mul3A_2 = arith.muli %add3A, %mul3A_1 : i32
    %dma_start3A = arith.constant 0 : i32
    %dma_start3A_3 = arith.constant 0 : i32
    %dma_start3A_4 = tpu.memref_slice %arg5[%dma_start3A, %dma_start3A_3] : memref<16x128xi32, #tpu.memory_space<vmem>> -> memref<1x128xi32, #tpu.memory_space<vmem>>
    %dma_start3A_5 = tpu.memref_squeeze %dma_start3A_4 : memref<1x128xi32, #tpu.memory_space<vmem>> -> memref<128xi32, #tpu.memory_space<vmem>>
    %dma_start3A_6 = arith.constant 0 : i32
    %dma_start3A_7 = arith.constant 0 : i32
    %dma_start3A_8 = tpu.memref_slice %arg2[%dma_start3A_6, %dma_start3A_7] : memref<26000x128xf32, #tpu.memory_space<hbm>> -> memref<26000x128xf32, #tpu.memory_space<hbm>>
    tpu.enqueue_indirect_dma source(%dma_start3A_8 : memref<26000x128xf32, #tpu.memory_space<hbm>>) target(%arg6 : memref<128x128xf32, #tpu.memory_space<vmem>>) offsets(%dma_start3A_5 : memref<128xi32, #tpu.memory_space<vmem>>) semaphore(%arg10 : memref<!tpu.dma_semaphore, #tpu.memory_space<semaphore_mem>>)
    %dma_start3A_9 = arith.constant 1 : i32
    %dma_start3A_10 = arith.constant 0 : i32
    %dma_start3A_11 = tpu.memref_slice %arg5[%dma_start3A_9, %dma_start3A_10] : memref<16x128xi32, #tpu.memory_space<vmem>> -> memref<1x128xi32, #tpu.memory_space<vmem>>
    %dma_start3A_12 = tpu.memref_squeeze %dma_start3A_11 : memref<1x128xi32, #tpu.memory_space<vmem>> -> memref<128xi32, #tpu.memory_space<vmem>>
    %dma_start3A_13 = arith.constant 0 : i32
    %dma_start3A_14 = arith.constant 0 : i32
    %dma_start3A_15 = tpu.memref_slice %arg2[%dma_start3A_13, %dma_start3A_14] : memref<26000x128xf32, #tpu.memory_space<hbm>> -> memref<26000x128xf32, #tpu.memory_space<hbm>>
    tpu.enqueue_indirect_dma source(%dma_start3A_15 : memref<26000x128xf32, #tpu.memory_space<hbm>>) target(%arg7 : memref<128x128xf32, #tpu.memory_space<vmem>>) offsets(%dma_start3A_12 : memref<128xi32, #tpu.memory_space<vmem>>) semaphore(%arg11 : memref<!tpu.dma_semaphore, #tpu.memory_space<semaphore_mem>>)
    %dma_start3A_16 = arith.constant 2 : i32
    %dma_start3A_17 = arith.constant 0 : i32
    %dma_start3A_18 = tpu.memref_slice %arg5[%dma_start3A_16, %dma_start3A_17] : memref<16x128xi32, #tpu.memory_space<vmem>> -> memref<1x128xi32, #tpu.memory_space<vmem>>
    %dma_start3A_19 = tpu.memref_squeeze %dma_start3A_18 : memref<1x128xi32, #tpu.memory_space<vmem>> -> memref<128xi32, #tpu.memory_space<vmem>>
    %dma_start3A_20 = arith.constant 0 : i32
    %dma_start3A_21 = arith.constant 0 : i32
    %dma_start3A_22 = tpu.memref_slice %arg2[%dma_start3A_20, %dma_start3A_21] : memref<26000x128xf32, #tpu.memory_space<hbm>> -> memref<26000x128xf32, #tpu.memory_space<hbm>>
    tpu.enqueue_indirect_dma source(%dma_start3A_22 : memref<26000x128xf32, #tpu.memory_space<hbm>>) target(%arg8 : memref<128x128xf32, #tpu.memory_space<vmem>>) offsets(%dma_start3A_19 : memref<128xi32, #tpu.memory_space<vmem>>) semaphore(%arg12 : memref<!tpu.dma_semaphore, #tpu.memory_space<semaphore_mem>>)
    %dma_start3A_23 = arith.constant 3 : i32
    %dma_start3A_24 = arith.constant 0 : i32
    %dma_start3A_25 = tpu.memref_slice %arg5[%dma_start3A_23, %dma_start3A_24] : memref<16x128xi32, #tpu.memory_space<vmem>> -> memref<1x128xi32, #tpu.memory_space<vmem>>
    %dma_start3A_26 = tpu.memref_squeeze %dma_start3A_25 : memref<1x128xi32, #tpu.memory_space<vmem>> -> memref<128xi32, #tpu.memory_space<vmem>>
    %dma_start3A_27 = arith.constant 0 : i32
    %dma_start3A_28 = arith.constant 0 : i32
    %dma_start3A_29 = tpu.memref_slice %arg2[%dma_start3A_27, %dma_start3A_28] : memref<26000x128xf32, #tpu.memory_space<hbm>> -> memref<26000x128xf32, #tpu.memory_space<hbm>>
    tpu.enqueue_indirect_dma source(%dma_start3A_29 : memref<26000x128xf32, #tpu.memory_space<hbm>>) target(%arg9 : memref<128x128xf32, #tpu.memory_space<vmem>>) offsets(%dma_start3A_26 : memref<128xi32, #tpu.memory_space<vmem>>) semaphore(%arg13 : memref<!tpu.dma_semaphore, #tpu.memory_space<semaphore_mem>>)
    %dma_wait3A = arith.constant 0 : i32
    %dma_wait3A_30 = arith.constant 0 : i32
    %dma_wait3A_31 = tpu.memref_slice %arg5[%dma_wait3A, %dma_wait3A_30] : memref<16x128xi32, #tpu.memory_space<vmem>> -> memref<1x128xi32, #tpu.memory_space<vmem>>
    %dma_wait3A_32 = tpu.memref_squeeze %dma_wait3A_31 : memref<1x128xi32, #tpu.memory_space<vmem>> -> memref<128xi32, #tpu.memory_space<vmem>>
    %dma_wait3A_33 = arith.constant 0 : i32
    %dma_wait3A_34 = arith.constant 0 : i32
    %dma_wait3A_35 = tpu.memref_slice %arg2[%dma_wait3A_33, %dma_wait3A_34] : memref<26000x128xf32, #tpu.memory_space<hbm>> -> memref<26000x128xf32, #tpu.memory_space<hbm>>
    tpu.wait_indirect_dma semaphore(%arg10 : memref<!tpu.dma_semaphore, #tpu.memory_space<semaphore_mem>>) src(%dma_wait3A_35 : memref<26000x128xf32, #tpu.memory_space<hbm>>) dst(%arg6 : memref<128x128xf32, #tpu.memory_space<vmem>>)
    %add3A_36 = arith.constant 0 : i32
    %add3A_37 = arith.addi %mul3A_2, %add3A_36 : i32
    %jit3A = arith.constant 16 : i32
    %eq3A = arith.constant 0 : i32
    %eq3A_38 = arith.cmpi eq, %jit3A, %eq3A : i32
    %jit3A_39 = arith.constant 1 : i32
    %select_n3A = arith.select %eq3A_38, %jit3A_39, %jit3A : i32
    %rem3A = arith.remsi %add3A_37, %select_n3A : i32
    %ne3A = arith.constant 0 : i32
    %ne3A_40 = arith.cmpi ne, %rem3A, %ne3A : i32
    %lt3A = arith.constant 0 : i32
    %lt3A_41 = arith.cmpi slt, %rem3A, %lt3A : i32
    %lt3A_42 = arith.constant 0 : i32
    %lt3A_43 = arith.cmpi slt, %select_n3A, %lt3A_42 : i32
    %ne3A_44 = arith.xori %lt3A_41, %lt3A_43 : i1
    %and3A = arith.andi %ne3A_44, %ne3A_40 : i1
    %add3A_45 = arith.addi %rem3A, %select_n3A : i32
    %select_n3A_46 = arith.select %and3A, %add3A_45, %rem3A : i32
    %mul3A_47 = arith.constant 128 : i32
    %mul3A_48 = arith.muli %select_n3A_46, %mul3A_47 : i32
    %jit3A_49 = arith.constant 16 : i32
    %div3A = arith.divsi %add3A_37, %jit3A_49 : i32
    %sign3A = arith.constant 0 : i32
    %sign3A_50 = arith.cmpi sgt, %add3A_37, %sign3A : i32
    %sign3A_51 = arith.extui %sign3A_50 : i1 to i32
    %sign3A_52 = arith.constant 0 : i32
    %sign3A_53 = arith.cmpi slt, %add3A_37, %sign3A_52 : i32
    %sign3A_54 = arith.extui %sign3A_53 : i1 to i32
    %sign3A_55 = arith.subi %sign3A_51, %sign3A_54 : i32
    %sign3A_56 = arith.constant 0 : i32
    %sign3A_57 = arith.cmpi sgt, %jit3A_49, %sign3A_56 : i32
    %sign3A_58 = arith.extui %sign3A_57 : i1 to i32
    %sign3A_59 = arith.constant 0 : i32
    %sign3A_60 = arith.cmpi slt, %jit3A_49, %sign3A_59 : i32
    %sign3A_61 = arith.extui %sign3A_60 : i1 to i32
    %sign3A_62 = arith.subi %sign3A_58, %sign3A_61 : i32
    %ne3A_63 = arith.cmpi ne, %sign3A_55, %sign3A_62 : i32
    %rem3A_64 = arith.remsi %add3A_37, %jit3A_49 : i32
    %ne3A_65 = arith.constant 0 : i32
    %ne3A_66 = arith.cmpi ne, %rem3A_64, %ne3A_65 : i32
    %and3A_67 = arith.andi %ne3A_63, %ne3A_66 : i1
    %sub3A = arith.constant 1 : i32
    %sub3A_68 = arith.subi %div3A, %sub3A : i32
    %select_n3A_69 = arith.select %and3A_67, %sub3A_68, %div3A : i32
    %mul3A_70 = arith.constant 128 : i32
    %mul3A_71 = arith.muli %select_n3A_69, %mul3A_70 : i32
    %dma_start3A_72 = tpu.memref_slice %arg4[%mul3A_48, %mul3A_71] : memref<2048x3328xf32, #tpu.memory_space<hbm>> -> memref<128x128xf32, #tpu.memory_space<hbm>>
    %dma_start3A_73 = tpu.memref_slice %arg4[%mul3A_48, %mul3A_71] : memref<2048x3328xf32, #tpu.memory_space<hbm>> -> memref<128x128xf32, #tpu.memory_space<hbm>>
    tpu.enqueue_dma source(%arg6 : memref<128x128xf32, #tpu.memory_space<vmem>>) target(%dma_start3A_73 : memref<128x128xf32, #tpu.memory_space<hbm>>) target_semaphore(%arg14 : memref<!tpu.dma_semaphore, #tpu.memory_space<semaphore_mem>>)
    %dma_wait3A_74 = arith.constant 0 : i32
    %dma_wait3A_75 = arith.constant 0 : i32
    %dma_wait3A_76 = tpu.memref_slice %arg5[%dma_wait3A_74, %dma_wait3A_75] : memref<16x128xi32, #tpu.memory_space<vmem>> -> memref<1x128xi32, #tpu.memory_space<vmem>>
    %dma_wait3A_77 = tpu.memref_squeeze %dma_wait3A_76 : memref<1x128xi32, #tpu.memory_space<vmem>> -> memref<128xi32, #tpu.memory_space<vmem>>
    %dma_wait3A_78 = arith.constant 0 : i32
    %dma_wait3A_79 = arith.constant 0 : i32
    %dma_wait3A_80 = tpu.memref_slice %arg2[%dma_wait3A_78, %dma_wait3A_79] : memref<26000x128xf32, #tpu.memory_space<hbm>> -> memref<26000x128xf32, #tpu.memory_space<hbm>>
    tpu.wait_indirect_dma semaphore(%arg11 : memref<!tpu.dma_semaphore, #tpu.memory_space<semaphore_mem>>) src(%dma_wait3A_80 : memref<26000x128xf32, #tpu.memory_space<hbm>>) dst(%arg7 : memref<128x128xf32, #tpu.memory_space<vmem>>)
    %add3A_81 = arith.constant 1 : i32
    %add3A_82 = arith.addi %mul3A_2, %add3A_81 : i32
    %jit3A_83 = arith.constant 16 : i32
    %eq3A_84 = arith.constant 0 : i32
    %eq3A_85 = arith.cmpi eq, %jit3A_83, %eq3A_84 : i32
    %jit3A_86 = arith.constant 1 : i32
    %select_n3A_87 = arith.select %eq3A_85, %jit3A_86, %jit3A_83 : i32
    %rem3A_88 = arith.remsi %add3A_82, %select_n3A_87 : i32
    %ne3A_89 = arith.constant 0 : i32
    %ne3A_90 = arith.cmpi ne, %rem3A_88, %ne3A_89 : i32
    %lt3A_91 = arith.constant 0 : i32
    %lt3A_92 = arith.cmpi slt, %rem3A_88, %lt3A_91 : i32
    %lt3A_93 = arith.constant 0 : i32
    %lt3A_94 = arith.cmpi slt, %select_n3A_87, %lt3A_93 : i32
    %ne3A_95 = arith.xori %lt3A_92, %lt3A_94 : i1
    %and3A_96 = arith.andi %ne3A_95, %ne3A_90 : i1
    %add3A_97 = arith.addi %rem3A_88, %select_n3A_87 : i32
    %select_n3A_98 = arith.select %and3A_96, %add3A_97, %rem3A_88 : i32
    %mul3A_99 = arith.constant 128 : i32
    %mul3A_100 = arith.muli %select_n3A_98, %mul3A_99 : i32
    %jit3A_101 = arith.constant 16 : i32
    %div3A_102 = arith.divsi %add3A_82, %jit3A_101 : i32
    %sign3A_103 = arith.constant 0 : i32
    %sign3A_104 = arith.cmpi sgt, %add3A_82, %sign3A_103 : i32
    %sign3A_105 = arith.extui %sign3A_104 : i1 to i32
    %sign3A_106 = arith.constant 0 : i32
    %sign3A_107 = arith.cmpi slt, %add3A_82, %sign3A_106 : i32
    %sign3A_108 = arith.extui %sign3A_107 : i1 to i32
    %sign3A_109 = arith.subi %sign3A_105, %sign3A_108 : i32
    %sign3A_110 = arith.constant 0 : i32
    %sign3A_111 = arith.cmpi sgt, %jit3A_101, %sign3A_110 : i32
    %sign3A_112 = arith.extui %sign3A_111 : i1 to i32
    %sign3A_113 = arith.constant 0 : i32
    %sign3A_114 = arith.cmpi slt, %jit3A_101, %sign3A_113 : i32
    %sign3A_115 = arith.extui %sign3A_114 : i1 to i32
    %sign3A_116 = arith.subi %sign3A_112, %sign3A_115 : i32
    %ne3A_117 = arith.cmpi ne, %sign3A_109, %sign3A_116 : i32
    %rem3A_118 = arith.remsi %add3A_82, %jit3A_101 : i32
    %ne3A_119 = arith.constant 0 : i32
    %ne3A_120 = arith.cmpi ne, %rem3A_118, %ne3A_119 : i32
    %and3A_121 = arith.andi %ne3A_117, %ne3A_120 : i1
    %sub3A_122 = arith.constant 1 : i32
    %sub3A_123 = arith.subi %div3A_102, %sub3A_122 : i32
    %select_n3A_124 = arith.select %and3A_121, %sub3A_123, %div3A_102 : i32
    %mul3A_125 = arith.constant 128 : i32
    %mul3A_126 = arith.muli %select_n3A_124, %mul3A_125 : i32
    %dma_start3A_127 = tpu.memref_slice %arg4[%mul3A_100, %mul3A_126] : memref<2048x3328xf32, #tpu.memory_space<hbm>> -> memref<128x128xf32, #tpu.memory_space<hbm>>
    %dma_start3A_128 = tpu.memref_slice %arg4[%mul3A_100, %mul3A_126] : memref<2048x3328xf32, #tpu.memory_space<hbm>> -> memref<128x128xf32, #tpu.memory_space<hbm>>
    tpu.enqueue_dma source(%arg7 : memref<128x128xf32, #tpu.memory_space<vmem>>) target(%dma_start3A_128 : memref<128x128xf32, #tpu.memory_space<hbm>>) target_semaphore(%arg15 : memref<!tpu.dma_semaphore, #tpu.memory_space<semaphore_mem>>)
    %add3A_129 = arith.constant 0 : i32
    %add3A_130 = arith.addi %mul3A_2, %add3A_129 : i32
    %jit3A_131 = arith.constant 16 : i32
    %eq3A_132 = arith.constant 0 : i32
    %eq3A_133 = arith.cmpi eq, %jit3A_131, %eq3A_132 : i32
    %jit3A_134 = arith.constant 1 : i32
    %select_n3A_135 = arith.select %eq3A_133, %jit3A_134, %jit3A_131 : i32
    %rem3A_136 = arith.remsi %add3A_130, %select_n3A_135 : i32
    %ne3A_137 = arith.constant 0 : i32
    %ne3A_138 = arith.cmpi ne, %rem3A_136, %ne3A_137 : i32
    %lt3A_139 = arith.constant 0 : i32
    %lt3A_140 = arith.cmpi slt, %rem3A_136, %lt3A_139 : i32
    %lt3A_141 = arith.constant 0 : i32
    %lt3A_142 = arith.cmpi slt, %select_n3A_135, %lt3A_141 : i32
    %ne3A_143 = arith.xori %lt3A_140, %lt3A_142 : i1
    %and3A_144 = arith.andi %ne3A_143, %ne3A_138 : i1
    %add3A_145 = arith.addi %rem3A_136, %select_n3A_135 : i32
    %select_n3A_146 = arith.select %and3A_144, %add3A_145, %rem3A_136 : i32
    %mul3A_147 = arith.constant 128 : i32
    %mul3A_148 = arith.muli %select_n3A_146, %mul3A_147 : i32
    %jit3A_149 = arith.constant 16 : i32
    %div3A_150 = arith.divsi %add3A_130, %jit3A_149 : i32
    %sign3A_151 = arith.constant 0 : i32
    %sign3A_152 = arith.cmpi sgt, %add3A_130, %sign3A_151 : i32
    %sign3A_153 = arith.extui %sign3A_152 : i1 to i32
    %sign3A_154 = arith.constant 0 : i32
    %sign3A_155 = arith.cmpi slt, %add3A_130, %sign3A_154 : i32
    %sign3A_156 = arith.extui %sign3A_155 : i1 to i32
    %sign3A_157 = arith.subi %sign3A_153, %sign3A_156 : i32
    %sign3A_158 = arith.constant 0 : i32
    %sign3A_159 = arith.cmpi sgt, %jit3A_149, %sign3A_158 : i32
    %sign3A_160 = arith.extui %sign3A_159 : i1 to i32
    %sign3A_161 = arith.constant 0 : i32
    %sign3A_162 = arith.cmpi slt, %jit3A_149, %sign3A_161 : i32
    %sign3A_163 = arith.extui %sign3A_162 : i1 to i32
    %sign3A_164 = arith.subi %sign3A_160, %sign3A_163 : i32
    %ne3A_165 = arith.cmpi ne, %sign3A_157, %sign3A_164 : i32
    %rem3A_166 = arith.remsi %add3A_130, %jit3A_149 : i32
    %ne3A_167 = arith.constant 0 : i32
    %ne3A_168 = arith.cmpi ne, %rem3A_166, %ne3A_167 : i32
    %and3A_169 = arith.andi %ne3A_165, %ne3A_168 : i1
    %sub3A_170 = arith.constant 1 : i32
    %sub3A_171 = arith.subi %div3A_150, %sub3A_170 : i32
    %select_n3A_172 = arith.select %and3A_169, %sub3A_171, %div3A_150 : i32
    %mul3A_173 = arith.constant 128 : i32
    %mul3A_174 = arith.muli %select_n3A_172, %mul3A_173 : i32
    %dma_wait3A_175 = tpu.memref_slice %arg4[%mul3A_148, %mul3A_174] : memref<2048x3328xf32, #tpu.memory_space<hbm>> -> memref<128x128xf32, #tpu.memory_space<hbm>>
    %dma_wait3A_176 = tpu.memref_slice %arg4[%mul3A_148, %mul3A_174] : memref<2048x3328xf32, #tpu.memory_space<hbm>> -> memref<128x128xf32, #tpu.memory_space<hbm>>
    tpu.wait_dma2 semaphore(%arg14 : memref<!tpu.dma_semaphore, #tpu.memory_space<semaphore_mem>>) src(%arg6 : memref<128x128xf32, #tpu.memory_space<vmem>>) dst(%dma_wait3A_176 : memref<128x128xf32, #tpu.memory_space<hbm>>)
    %dma_start3A_177 = arith.constant 4 : i32
    %dma_start3A_178 = arith.constant 0 : i32
    %dma_start3A_179 = tpu.memref_slice %arg5[%dma_start3A_177, %dma_start3A_178] : memref<16x128xi32, #tpu.memory_space<vmem>> -> memref<1x128xi32, #tpu.memory_space<vmem>>
    %dma_start3A_180 = tpu.memref_squeeze %dma_start3A_179 : memref<1x128xi32, #tpu.memory_space<vmem>> -> memref<128xi32, #tpu.memory_space<vmem>>
    %dma_start3A_181 = arith.constant 0 : i32
    %dma_start3A_182 = arith.constant 0 : i32
    %dma_start3A_183 = tpu.memref_slice %arg2[%dma_start3A_181, %dma_start3A_182] : memref<26000x128xf32, #tpu.memory_space<hbm>> -> memref<26000x128xf32, #tpu.memory_space<hbm>>
    tpu.enqueue_indirect_dma source(%dma_start3A_183 : memref<26000x128xf32, #tpu.memory_space<hbm>>) target(%arg6 : memref<128x128xf32, #tpu.memory_space<vmem>>) offsets(%dma_start3A_180 : memref<128xi32, #tpu.memory_space<vmem>>) semaphore(%arg10 : memref<!tpu.dma_semaphore, #tpu.memory_space<semaphore_mem>>)
    %dma_wait3A_184 = arith.constant 0 : i32
    %dma_wait3A_185 = arith.constant 0 : i32
    %dma_wait3A_186 = tpu.memref_slice %arg5[%dma_wait3A_184, %dma_wait3A_185] : memref<16x128xi32, #tpu.memory_space<vmem>> -> memref<1x128xi32, #tpu.memory_space<vmem>>
    %dma_wait3A_187 = tpu.memref_squeeze %dma_wait3A_186 : memref<1x128xi32, #tpu.memory_space<vmem>> -> memref<128xi32, #tpu.memory_space<vmem>>
    %dma_wait3A_188 = arith.constant 0 : i32
    %dma_wait3A_189 = arith.constant 0 : i32
    %dma_wait3A_190 = tpu.memref_slice %arg2[%dma_wait3A_188, %dma_wait3A_189] : memref<26000x128xf32, #tpu.memory_space<hbm>> -> memref<26000x128xf32, #tpu.memory_space<hbm>>
    tpu.wait_indirect_dma semaphore(%arg12 : memref<!tpu.dma_semaphore, #tpu.memory_space<semaphore_mem>>) src(%dma_wait3A_190 : memref<26000x128xf32, #tpu.memory_space<hbm>>) dst(%arg8 : memref<128x128xf32, #tpu.memory_space<vmem>>)
    %add3A_191 = arith.constant 2 : i32
    %add3A_192 = arith.addi %mul3A_2, %add3A_191 : i32
    %jit3A_193 = arith.constant 16 : i32
    %eq3A_194 = arith.constant 0 : i32
    %eq3A_195 = arith.cmpi eq, %jit3A_193, %eq3A_194 : i32
    %jit3A_196 = arith.constant 1 : i32
    %select_n3A_197 = arith.select %eq3A_195, %jit3A_196, %jit3A_193 : i32
    %rem3A_198 = arith.remsi %add3A_192, %select_n3A_197 : i32
    %ne3A_199 = arith.constant 0 : i32
    %ne3A_200 = arith.cmpi ne, %rem3A_198, %ne3A_199 : i32
    %lt3A_201 = arith.constant 0 : i32
    %lt3A_202 = arith.cmpi slt, %rem3A_198, %lt3A_201 : i32
    %lt3A_203 = arith.constant 0 : i32
    %lt3A_204 = arith.cmpi slt, %select_n3A_197, %lt3A_203 : i32
    %ne3A_205 = arith.xori %lt3A_202, %lt3A_204 : i1
    %and3A_206 = arith.andi %ne3A_205, %ne3A_200 : i1
    %add3A_207 = arith.addi %rem3A_198, %select_n3A_197 : i32
    %select_n3A_208 = arith.select %and3A_206, %add3A_207, %rem3A_198 : i32
    %mul3A_209 = arith.constant 128 : i32
    %mul3A_210 = arith.muli %select_n3A_208, %mul3A_209 : i32
    %jit3A_211 = arith.constant 16 : i32
    %div3A_212 = arith.divsi %add3A_192, %jit3A_211 : i32
    %sign3A_213 = arith.constant 0 : i32
    %sign3A_214 = arith.cmpi sgt, %add3A_192, %sign3A_213 : i32
    %sign3A_215 = arith.extui %sign3A_214 : i1 to i32
    %sign3A_216 = arith.constant 0 : i32
    %sign3A_217 = arith.cmpi slt, %add3A_192, %sign3A_216 : i32
    %sign3A_218 = arith.extui %sign3A_217 : i1 to i32
    %sign3A_219 = arith.subi %sign3A_215, %sign3A_218 : i32
    %sign3A_220 = arith.constant 0 : i32
    %sign3A_221 = arith.cmpi sgt, %jit3A_211, %sign3A_220 : i32
    %sign3A_222 = arith.extui %sign3A_221 : i1 to i32
    %sign3A_223 = arith.constant 0 : i32
    %sign3A_224 = arith.cmpi slt, %jit3A_211, %sign3A_223 : i32
    %sign3A_225 = arith.extui %sign3A_224 : i1 to i32
    %sign3A_226 = arith.subi %sign3A_222, %sign3A_225 : i32
    %ne3A_227 = arith.cmpi ne, %sign3A_219, %sign3A_226 : i32
    %rem3A_228 = arith.remsi %add3A_192, %jit3A_211 : i32
    %ne3A_229 = arith.constant 0 : i32
    %ne3A_230 = arith.cmpi ne, %rem3A_228, %ne3A_229 : i32
    %and3A_231 = arith.andi %ne3A_227, %ne3A_230 : i1
    %sub3A_232 = arith.constant 1 : i32
    %sub3A_233 = arith.subi %div3A_212, %sub3A_232 : i32
    %select_n3A_234 = arith.select %and3A_231, %sub3A_233, %div3A_212 : i32
    %mul3A_235 = arith.constant 128 : i32
    %mul3A_236 = arith.muli %select_n3A_234, %mul3A_235 : i32
    %dma_start3A_237 = tpu.memref_slice %arg4[%mul3A_210, %mul3A_236] : memref<2048x3328xf32, #tpu.memory_space<hbm>> -> memref<128x128xf32, #tpu.memory_space<hbm>>
    %dma_start3A_238 = tpu.memref_slice %arg4[%mul3A_210, %mul3A_236] : memref<2048x3328xf32, #tpu.memory_space<hbm>> -> memref<128x128xf32, #tpu.memory_space<hbm>>
    tpu.enqueue_dma source(%arg8 : memref<128x128xf32, #tpu.memory_space<vmem>>) target(%dma_start3A_238 : memref<128x128xf32, #tpu.memory_space<hbm>>) target_semaphore(%arg16 : memref<!tpu.dma_semaphore, #tpu.memory_space<semaphore_mem>>)
    %add3A_239 = arith.constant 1 : i32
    %add3A_240 = arith.addi %mul3A_2, %add3A_239 : i32
    %jit3A_241 = arith.constant 16 : i32
    %eq3A_242 = arith.constant 0 : i32
    %eq3A_243 = arith.cmpi eq, %jit3A_241, %eq3A_242 : i32
    %jit3A_244 = arith.constant 1 : i32
    %select_n3A_245 = arith.select %eq3A_243, %jit3A_244, %jit3A_241 : i32
    %rem3A_246 = arith.remsi %add3A_240, %select_n3A_245 : i32
    %ne3A_247 = arith.constant 0 : i32
    %ne3A_248 = arith.cmpi ne, %rem3A_246, %ne3A_247 : i32
    %lt3A_249 = arith.constant 0 : i32
    %lt3A_250 = arith.cmpi slt, %rem3A_246, %lt3A_249 : i32
    %lt3A_251 = arith.constant 0 : i32
    %lt3A_252 = arith.cmpi slt, %select_n3A_245, %lt3A_251 : i32
    %ne3A_253 = arith.xori %lt3A_250, %lt3A_252 : i1
    %and3A_254 = arith.andi %ne3A_253, %ne3A_248 : i1
    %add3A_255 = arith.addi %rem3A_246, %select_n3A_245 : i32
    %select_n3A_256 = arith.select %and3A_254, %add3A_255, %rem3A_246 : i32
    %mul3A_257 = arith.constant 128 : i32
    %mul3A_258 = arith.muli %select_n3A_256, %mul3A_257 : i32
    %jit3A_259 = arith.constant 16 : i32
    %div3A_260 = arith.divsi %add3A_240, %jit3A_259 : i32
    %sign3A_261 = arith.constant 0 : i32
    %sign3A_262 = arith.cmpi sgt, %add3A_240, %sign3A_261 : i32
    %sign3A_263 = arith.extui %sign3A_262 : i1 to i32
    %sign3A_264 = arith.constant 0 : i32
    %sign3A_265 = arith.cmpi slt, %add3A_240, %sign3A_264 : i32
    %sign3A_266 = arith.extui %sign3A_265 : i1 to i32
    %sign3A_267 = arith.subi %sign3A_263, %sign3A_266 : i32
    %sign3A_268 = arith.constant 0 : i32
    %sign3A_269 = arith.cmpi sgt, %jit3A_259, %sign3A_268 : i32
    %sign3A_270 = arith.extui %sign3A_269 : i1 to i32
    %sign3A_271 = arith.constant 0 : i32
    %sign3A_272 = arith.cmpi slt, %jit3A_259, %sign3A_271 : i32
    %sign3A_273 = arith.extui %sign3A_272 : i1 to i32
    %sign3A_274 = arith.subi %sign3A_270, %sign3A_273 : i32
    %ne3A_275 = arith.cmpi ne, %sign3A_267, %sign3A_274 : i32
    %rem3A_276 = arith.remsi %add3A_240, %jit3A_259 : i32
    %ne3A_277 = arith.constant 0 : i32
    %ne3A_278 = arith.cmpi ne, %rem3A_276, %ne3A_277 : i32
    %and3A_279 = arith.andi %ne3A_275, %ne3A_278 : i1
    %sub3A_280 = arith.constant 1 : i32
    %sub3A_281 = arith.subi %div3A_260, %sub3A_280 : i32
    %select_n3A_282 = arith.select %and3A_279, %sub3A_281, %div3A_260 : i32
    %mul3A_283 = arith.constant 128 : i32
    %mul3A_284 = arith.muli %select_n3A_282, %mul3A_283 : i32
    %dma_wait3A_285 = tpu.memref_slice %arg4[%mul3A_258, %mul3A_284] : memref<2048x3328xf32, #tpu.memory_space<hbm>> -> memref<128x128xf32, #tpu.memory_space<hbm>>
    %dma_wait3A_286 = tpu.memref_slice %arg4[%mul3A_258, %mul3A_284] : memref<2048x3328xf32, #tpu.memory_space<hbm>> -> memref<128x128xf32, #tpu.memory_space<hbm>>
    tpu.wait_dma2 semaphore(%arg15 : memref<!tpu.dma_semaphore, #tpu.memory_space<semaphore_mem>>) src(%arg7 : memref<128x128xf32, #tpu.memory_space<vmem>>) dst(%dma_wait3A_286 : memref<128x128xf32, #tpu.memory_space<hbm>>)
    %dma_start3A_287 = arith.constant 5 : i32
    %dma_start3A_288 = arith.constant 0 : i32
    %dma_start3A_289 = tpu.memref_slice %arg5[%dma_start3A_287, %dma_start3A_288] : memref<16x128xi32, #tpu.memory_space<vmem>> -> memref<1x128xi32, #tpu.memory_space<vmem>>
    %dma_start3A_290 = tpu.memref_squeeze %dma_start3A_289 : memref<1x128xi32, #tpu.memory_space<vmem>> -> memref<128xi32, #tpu.memory_space<vmem>>
    %dma_start3A_291 = arith.constant 0 : i32
    %dma_start3A_292 = arith.constant 0 : i32
    %dma_start3A_293 = tpu.memref_slice %arg2[%dma_start3A_291, %dma_start3A_292] : memref<26000x128xf32, #tpu.memory_space<hbm>> -> memref<26000x128xf32, #tpu.memory_space<hbm>>
    tpu.enqueue_indirect_dma source(%dma_start3A_293 : memref<26000x128xf32, #tpu.memory_space<hbm>>) target(%arg7 : memref<128x128xf32, #tpu.memory_space<vmem>>) offsets(%dma_start3A_290 : memref<128xi32, #tpu.memory_space<vmem>>) semaphore(%arg11 : memref<!tpu.dma_semaphore, #tpu.memory_space<semaphore_mem>>)
    %dma_wait3A_294 = arith.constant 0 : i32
    %dma_wait3A_295 = arith.constant 0 : i32
    %dma_wait3A_296 = tpu.memref_slice %arg5[%dma_wait3A_294, %dma_wait3A_295] : memref<16x128xi32, #tpu.memory_space<vmem>> -> memref<1x128xi32, #tpu.memory_space<vmem>>
    %dma_wait3A_297 = tpu.memref_squeeze %dma_wait3A_296 : memref<1x128xi32, #tpu.memory_space<vmem>> -> memref<128xi32, #tpu.memory_space<vmem>>
    %dma_wait3A_298 = arith.constant 0 : i32
    %dma_wait3A_299 = arith.constant 0 : i32
    %dma_wait3A_300 = tpu.memref_slice %arg2[%dma_wait3A_298, %dma_wait3A_299] : memref<26000x128xf32, #tpu.memory_space<hbm>> -> memref<26000x128xf32, #tpu.memory_space<hbm>>
    tpu.wait_indirect_dma semaphore(%arg13 : memref<!tpu.dma_semaphore, #tpu.memory_space<semaphore_mem>>) src(%dma_wait3A_300 : memref<26000x128xf32, #tpu.memory_space<hbm>>) dst(%arg9 : memref<128x128xf32, #tpu.memory_space<vmem>>)
    %add3A_301 = arith.constant 3 : i32
    %add3A_302 = arith.addi %mul3A_2, %add3A_301 : i32
    %jit3A_303 = arith.constant 16 : i32
    %eq3A_304 = arith.constant 0 : i32
    %eq3A_305 = arith.cmpi eq, %jit3A_303, %eq3A_304 : i32
    %jit3A_306 = arith.constant 1 : i32
    %select_n3A_307 = arith.select %eq3A_305, %jit3A_306, %jit3A_303 : i32
    %rem3A_308 = arith.remsi %add3A_302, %select_n3A_307 : i32
    %ne3A_309 = arith.constant 0 : i32
    %ne3A_310 = arith.cmpi ne, %rem3A_308, %ne3A_309 : i32
    %lt3A_311 = arith.constant 0 : i32
    %lt3A_312 = arith.cmpi slt, %rem3A_308, %lt3A_311 : i32
    %lt3A_313 = arith.constant 0 : i32
    %lt3A_314 = arith.cmpi slt, %select_n3A_307, %lt3A_313 : i32
    %ne3A_315 = arith.xori %lt3A_312, %lt3A_314 : i1
    %and3A_316 = arith.andi %ne3A_315, %ne3A_310 : i1
    %add3A_317 = arith.addi %rem3A_308, %select_n3A_307 : i32
    %select_n3A_318 = arith.select %and3A_316, %add3A_317, %rem3A_308 : i32
    %mul3A_319 = arith.constant 128 : i32
    %mul3A_320 = arith.muli %select_n3A_318, %mul3A_319 : i32
    %jit3A_321 = arith.constant 16 : i32
    %div3A_322 = arith.divsi %add3A_302, %jit3A_321 : i32
    %sign3A_323 = arith.constant 0 : i32
    %sign3A_324 = arith.cmpi sgt, %add3A_302, %sign3A_323 : i32
    %sign3A_325 = arith.extui %sign3A_324 : i1 to i32
    %sign3A_326 = arith.constant 0 : i32
    %sign3A_327 = arith.cmpi slt, %add3A_302, %sign3A_326 : i32
    %sign3A_328 = arith.extui %sign3A_327 : i1 to i32
    %sign3A_329 = arith.subi %sign3A_325, %sign3A_328 : i32
    %sign3A_330 = arith.constant 0 : i32
    %sign3A_331 = arith.cmpi sgt, %jit3A_321, %sign3A_330 : i32
    %sign3A_332 = arith.extui %sign3A_331 : i1 to i32
    %sign3A_333 = arith.constant 0 : i32
    %sign3A_334 = arith.cmpi slt, %jit3A_321, %sign3A_333 : i32
    %sign3A_335 = arith.extui %sign3A_334 : i1 to i32
    %sign3A_336 = arith.subi %sign3A_332, %sign3A_335 : i32
    %ne3A_337 = arith.cmpi ne, %sign3A_329, %sign3A_336 : i32
    %rem3A_338 = arith.remsi %add3A_302, %jit3A_321 : i32
    %ne3A_339 = arith.constant 0 : i32
    %ne3A_340 = arith.cmpi ne, %rem3A_338, %ne3A_339 : i32
    %and3A_341 = arith.andi %ne3A_337, %ne3A_340 : i1
    %sub3A_342 = arith.constant 1 : i32
    %sub3A_343 = arith.subi %div3A_322, %sub3A_342 : i32
    %select_n3A_344 = arith.select %and3A_341, %sub3A_343, %div3A_322 : i32
    %mul3A_345 = arith.constant 128 : i32
    %mul3A_346 = arith.muli %select_n3A_344, %mul3A_345 : i32
    %dma_start3A_347 = tpu.memref_slice %arg4[%mul3A_320, %mul3A_346] : memref<2048x3328xf32, #tpu.memory_space<hbm>> -> memref<128x128xf32, #tpu.memory_space<hbm>>
    %dma_start3A_348 = tpu.memref_slice %arg4[%mul3A_320, %mul3A_346] : memref<2048x3328xf32, #tpu.memory_space<hbm>> -> memref<128x128xf32, #tpu.memory_space<hbm>>
    tpu.enqueue_dma source(%arg9 : memref<128x128xf32, #tpu.memory_space<vmem>>) target(%dma_start3A_348 : memref<128x128xf32, #tpu.memory_space<hbm>>) target_semaphore(%arg17 : memref<!tpu.dma_semaphore, #tpu.memory_space<semaphore_mem>>)
    %add3A_349 = arith.constant 2 : i32
    %add3A_350 = arith.addi %mul3A_2, %add3A_349 : i32
    %jit3A_351 = arith.constant 16 : i32
    %eq3A_352 = arith.constant 0 : i32
    %eq3A_353 = arith.cmpi eq, %jit3A_351, %eq3A_352 : i32
    %jit3A_354 = arith.constant 1 : i32
    %select_n3A_355 = arith.select %eq3A_353, %jit3A_354, %jit3A_351 : i32
    %rem3A_356 = arith.remsi %add3A_350, %select_n3A_355 : i32
    %ne3A_357 = arith.constant 0 : i32
    %ne3A_358 = arith.cmpi ne, %rem3A_356, %ne3A_357 : i32
    %lt3A_359 = arith.constant 0 : i32
    %lt3A_360 = arith.cmpi slt, %rem3A_356, %lt3A_359 : i32
    %lt3A_361 = arith.constant 0 : i32
    %lt3A_362 = arith.cmpi slt, %select_n3A_355, %lt3A_361 : i32
    %ne3A_363 = arith.xori %lt3A_360, %lt3A_362 : i1
    %and3A_364 = arith.andi %ne3A_363, %ne3A_358 : i1
    %add3A_365 = arith.addi %rem3A_356, %select_n3A_355 : i32
    %select_n3A_366 = arith.select %and3A_364, %add3A_365, %rem3A_356 : i32
    %mul3A_367 = arith.constant 128 : i32
    %mul3A_368 = arith.muli %select_n3A_366, %mul3A_367 : i32
    %jit3A_369 = arith.constant 16 : i32
    %div3A_370 = arith.divsi %add3A_350, %jit3A_369 : i32
    %sign3A_371 = arith.constant 0 : i32
    %sign3A_372 = arith.cmpi sgt, %add3A_350, %sign3A_371 : i32
    %sign3A_373 = arith.extui %sign3A_372 : i1 to i32
    %sign3A_374 = arith.constant 0 : i32
    %sign3A_375 = arith.cmpi slt, %add3A_350, %sign3A_374 : i32
    %sign3A_376 = arith.extui %sign3A_375 : i1 to i32
    %sign3A_377 = arith.subi %sign3A_373, %sign3A_376 : i32
    %sign3A_378 = arith.constant 0 : i32
    %sign3A_379 = arith.cmpi sgt, %jit3A_369, %sign3A_378 : i32
    %sign3A_380 = arith.extui %sign3A_379 : i1 to i32
    %sign3A_381 = arith.constant 0 : i32
    %sign3A_382 = arith.cmpi slt, %jit3A_369, %sign3A_381 : i32
    %sign3A_383 = arith.extui %sign3A_382 : i1 to i32
    %sign3A_384 = arith.subi %sign3A_380, %sign3A_383 : i32
    %ne3A_385 = arith.cmpi ne, %sign3A_377, %sign3A_384 : i32
    %rem3A_386 = arith.remsi %add3A_350, %jit3A_369 : i32
    %ne3A_387 = arith.constant 0 : i32
    %ne3A_388 = arith.cmpi ne, %rem3A_386, %ne3A_387 : i32
    %and3A_389 = arith.andi %ne3A_385, %ne3A_388 : i1
    %sub3A_390 = arith.constant 1 : i32
    %sub3A_391 = arith.subi %div3A_370, %sub3A_390 : i32
    %select_n3A_392 = arith.select %and3A_389, %sub3A_391, %div3A_370 : i32
    %mul3A_393 = arith.constant 128 : i32
    %mul3A_394 = arith.muli %select_n3A_392, %mul3A_393 : i32
    %dma_wait3A_395 = tpu.memref_slice %arg4[%mul3A_368, %mul3A_394] : memref<2048x3328xf32, #tpu.memory_space<hbm>> -> memref<128x128xf32, #tpu.memory_space<hbm>>
    %dma_wait3A_396 = tpu.memref_slice %arg4[%mul3A_368, %mul3A_394] : memref<2048x3328xf32, #tpu.memory_space<hbm>> -> memref<128x128xf32, #tpu.memory_space<hbm>>
    tpu.wait_dma2 semaphore(%arg16 : memref<!tpu.dma_semaphore, #tpu.memory_space<semaphore_mem>>) src(%arg8 : memref<128x128xf32, #tpu.memory_space<vmem>>) dst(%dma_wait3A_396 : memref<128x128xf32, #tpu.memory_space<hbm>>)
    %dma_start3A_397 = arith.constant 6 : i32
    %dma_start3A_398 = arith.constant 0 : i32
    %dma_start3A_399 = tpu.memref_slice %arg5[%dma_start3A_397, %dma_start3A_398] : memref<16x128xi32, #tpu.memory_space<vmem>> -> memref<1x128xi32, #tpu.memory_space<vmem>>
    %dma_start3A_400 = tpu.memref_squeeze %dma_start3A_399 : memref<1x128xi32, #tpu.memory_space<vmem>> -> memref<128xi32, #tpu.memory_space<vmem>>
    %dma_start3A_401 = arith.constant 0 : i32
    %dma_start3A_402 = arith.constant 0 : i32
    %dma_start3A_403 = tpu.memref_slice %arg2[%dma_start3A_401, %dma_start3A_402] : memref<26000x128xf32, #tpu.memory_space<hbm>> -> memref<26000x128xf32, #tpu.memory_space<hbm>>
    tpu.enqueue_indirect_dma source(%dma_start3A_403 : memref<26000x128xf32, #tpu.memory_space<hbm>>) target(%arg8 : memref<128x128xf32, #tpu.memory_space<vmem>>) offsets(%dma_start3A_400 : memref<128xi32, #tpu.memory_space<vmem>>) semaphore(%arg12 : memref<!tpu.dma_semaphore, #tpu.memory_space<semaphore_mem>>)
    %dma_wait3A_404 = arith.constant 0 : i32
    %dma_wait3A_405 = arith.constant 0 : i32
    %dma_wait3A_406 = tpu.memref_slice %arg5[%dma_wait3A_404, %dma_wait3A_405] : memref<16x128xi32, #tpu.memory_space<vmem>> -> memref<1x128xi32, #tpu.memory_space<vmem>>
    %dma_wait3A_407 = tpu.memref_squeeze %dma_wait3A_406 : memref<1x128xi32, #tpu.memory_space<vmem>> -> memref<128xi32, #tpu.memory_space<vmem>>
    %dma_wait3A_408 = arith.constant 0 : i32
    %dma_wait3A_409 = arith.constant 0 : i32
    %dma_wait3A_410 = tpu.memref_slice %arg2[%dma_wait3A_408, %dma_wait3A_409] : memref<26000x128xf32, #tpu.memory_space<hbm>> -> memref<26000x128xf32, #tpu.memory_space<hbm>>
    tpu.wait_indirect_dma semaphore(%arg10 : memref<!tpu.dma_semaphore, #tpu.memory_space<semaphore_mem>>) src(%dma_wait3A_410 : memref<26000x128xf32, #tpu.memory_space<hbm>>) dst(%arg6 : memref<128x128xf32, #tpu.memory_space<vmem>>)
    %add3A_411 = arith.constant 4 : i32
    %add3A_412 = arith.addi %mul3A_2, %add3A_411 : i32
    %jit3A_413 = arith.constant 16 : i32
    %eq3A_414 = arith.constant 0 : i32
    %eq3A_415 = arith.cmpi eq, %jit3A_413, %eq3A_414 : i32
    %jit3A_416 = arith.constant 1 : i32
    %select_n3A_417 = arith.select %eq3A_415, %jit3A_416, %jit3A_413 : i32
    %rem3A_418 = arith.remsi %add3A_412, %select_n3A_417 : i32
    %ne3A_419 = arith.constant 0 : i32
    %ne3A_420 = arith.cmpi ne, %rem3A_418, %ne3A_419 : i32
    %lt3A_421 = arith.constant 0 : i32
    %lt3A_422 = arith.cmpi slt, %rem3A_418, %lt3A_421 : i32
    %lt3A_423 = arith.constant 0 : i32
    %lt3A_424 = arith.cmpi slt, %select_n3A_417, %lt3A_423 : i32
    %ne3A_425 = arith.xori %lt3A_422, %lt3A_424 : i1
    %and3A_426 = arith.andi %ne3A_425, %ne3A_420 : i1
    %add3A_427 = arith.addi %rem3A_418, %select_n3A_417 : i32
    %select_n3A_428 = arith.select %and3A_426, %add3A_427, %rem3A_418 : i32
    %mul3A_429 = arith.constant 128 : i32
    %mul3A_430 = arith.muli %select_n3A_428, %mul3A_429 : i32
    %jit3A_431 = arith.constant 16 : i32
    %div3A_432 = arith.divsi %add3A_412, %jit3A_431 : i32
    %sign3A_433 = arith.constant 0 : i32
    %sign3A_434 = arith.cmpi sgt, %add3A_412, %sign3A_433 : i32
    %sign3A_435 = arith.extui %sign3A_434 : i1 to i32
    %sign3A_436 = arith.constant 0 : i32
    %sign3A_437 = arith.cmpi slt, %add3A_412, %sign3A_436 : i32
    %sign3A_438 = arith.extui %sign3A_437 : i1 to i32
    %sign3A_439 = arith.subi %sign3A_435, %sign3A_438 : i32
    %sign3A_440 = arith.constant 0 : i32
    %sign3A_441 = arith.cmpi sgt, %jit3A_431, %sign3A_440 : i32
    %sign3A_442 = arith.extui %sign3A_441 : i1 to i32
    %sign3A_443 = arith.constant 0 : i32
    %sign3A_444 = arith.cmpi slt, %jit3A_431, %sign3A_443 : i32
    %sign3A_445 = arith.extui %sign3A_444 : i1 to i32
    %sign3A_446 = arith.subi %sign3A_442, %sign3A_445 : i32
    %ne3A_447 = arith.cmpi ne, %sign3A_439, %sign3A_446 : i32
    %rem3A_448 = arith.remsi %add3A_412, %jit3A_431 : i32
    %ne3A_449 = arith.constant 0 : i32
    %ne3A_450 = arith.cmpi ne, %rem3A_448, %ne3A_449 : i32
    %and3A_451 = arith.andi %ne3A_447, %ne3A_450 : i1
    %sub3A_452 = arith.constant 1 : i32
    %sub3A_453 = arith.subi %div3A_432, %sub3A_452 : i32
    %select_n3A_454 = arith.select %and3A_451, %sub3A_453, %div3A_432 : i32
    %mul3A_455 = arith.constant 128 : i32
    %mul3A_456 = arith.muli %select_n3A_454, %mul3A_455 : i32
    %dma_start3A_457 = tpu.memref_slice %arg4[%mul3A_430, %mul3A_456] : memref<2048x3328xf32, #tpu.memory_space<hbm>> -> memref<128x128xf32, #tpu.memory_space<hbm>>
    %dma_start3A_458 = tpu.memref_slice %arg4[%mul3A_430, %mul3A_456] : memref<2048x3328xf32, #tpu.memory_space<hbm>> -> memref<128x128xf32, #tpu.memory_space<hbm>>
    tpu.enqueue_dma source(%arg6 : memref<128x128xf32, #tpu.memory_space<vmem>>) target(%dma_start3A_458 : memref<128x128xf32, #tpu.memory_space<hbm>>) target_semaphore(%arg14 : memref<!tpu.dma_semaphore, #tpu.memory_space<semaphore_mem>>)
    %add3A_459 = arith.constant 3 : i32
    %add3A_460 = arith.addi %mul3A_2, %add3A_459 : i32
    %jit3A_461 = arith.constant 16 : i32
    %eq3A_462 = arith.constant 0 : i32
    %eq3A_463 = arith.cmpi eq, %jit3A_461, %eq3A_462 : i32
    %jit3A_464 = arith.constant 1 : i32
    %select_n3A_465 = arith.select %eq3A_463, %jit3A_464, %jit3A_461 : i32
    %rem3A_466 = arith.remsi %add3A_460, %select_n3A_465 : i32
    %ne3A_467 = arith.constant 0 : i32
    %ne3A_468 = arith.cmpi ne, %rem3A_466, %ne3A_467 : i32
    %lt3A_469 = arith.constant 0 : i32
    %lt3A_470 = arith.cmpi slt, %rem3A_466, %lt3A_469 : i32
    %lt3A_471 = arith.constant 0 : i32
    %lt3A_472 = arith.cmpi slt, %select_n3A_465, %lt3A_471 : i32
    %ne3A_473 = arith.xori %lt3A_470, %lt3A_472 : i1
    %and3A_474 = arith.andi %ne3A_473, %ne3A_468 : i1
    %add3A_475 = arith.addi %rem3A_466, %select_n3A_465 : i32
    %select_n3A_476 = arith.select %and3A_474, %add3A_475, %rem3A_466 : i32
    %mul3A_477 = arith.constant 128 : i32
    %mul3A_478 = arith.muli %select_n3A_476, %mul3A_477 : i32
    %jit3A_479 = arith.constant 16 : i32
    %div3A_480 = arith.divsi %add3A_460, %jit3A_479 : i32
    %sign3A_481 = arith.constant 0 : i32
    %sign3A_482 = arith.cmpi sgt, %add3A_460, %sign3A_481 : i32
    %sign3A_483 = arith.extui %sign3A_482 : i1 to i32
    %sign3A_484 = arith.constant 0 : i32
    %sign3A_485 = arith.cmpi slt, %add3A_460, %sign3A_484 : i32
    %sign3A_486 = arith.extui %sign3A_485 : i1 to i32
    %sign3A_487 = arith.subi %sign3A_483, %sign3A_486 : i32
    %sign3A_488 = arith.constant 0 : i32
    %sign3A_489 = arith.cmpi sgt, %jit3A_479, %sign3A_488 : i32
    %sign3A_490 = arith.extui %sign3A_489 : i1 to i32
    %sign3A_491 = arith.constant 0 : i32
    %sign3A_492 = arith.cmpi slt, %jit3A_479, %sign3A_491 : i32
    %sign3A_493 = arith.extui %sign3A_492 : i1 to i32
    %sign3A_494 = arith.subi %sign3A_490, %sign3A_493 : i32
    %ne3A_495 = arith.cmpi ne, %sign3A_487, %sign3A_494 : i32
    %rem3A_496 = arith.remsi %add3A_460, %jit3A_479 : i32
    %ne3A_497 = arith.constant 0 : i32
    %ne3A_498 = arith.cmpi ne, %rem3A_496, %ne3A_497 : i32
    %and3A_499 = arith.andi %ne3A_495, %ne3A_498 : i1
    %sub3A_500 = arith.constant 1 : i32
    %sub3A_501 = arith.subi %div3A_480, %sub3A_500 : i32
    %select_n3A_502 = arith.select %and3A_499, %sub3A_501, %div3A_480 : i32
    %mul3A_503 = arith.constant 128 : i32
    %mul3A_504 = arith.muli %select_n3A_502, %mul3A_503 : i32
    %dma_wait3A_505 = tpu.memref_slice %arg4[%mul3A_478, %mul3A_504] : memref<2048x3328xf32, #tpu.memory_space<hbm>> -> memref<128x128xf32, #tpu.memory_space<hbm>>
    %dma_wait3A_506 = tpu.memref_slice %arg4[%mul3A_478, %mul3A_504] : memref<2048x3328xf32, #tpu.memory_space<hbm>> -> memref<128x128xf32, #tpu.memory_space<hbm>>
    tpu.wait_dma2 semaphore(%arg17 : memref<!tpu.dma_semaphore, #tpu.memory_space<semaphore_mem>>) src(%arg9 : memref<128x128xf32, #tpu.memory_space<vmem>>) dst(%dma_wait3A_506 : memref<128x128xf32, #tpu.memory_space<hbm>>)
    %dma_start3A_507 = arith.constant 7 : i32
    %dma_start3A_508 = arith.constant 0 : i32
    %dma_start3A_509 = tpu.memref_slice %arg5[%dma_start3A_507, %dma_start3A_508] : memref<16x128xi32, #tpu.memory_space<vmem>> -> memref<1x128xi32, #tpu.memory_space<vmem>>
    %dma_start3A_510 = tpu.memref_squeeze %dma_start3A_509 : memref<1x128xi32, #tpu.memory_space<vmem>> -> memref<128xi32, #tpu.memory_space<vmem>>
    %dma_start3A_511 = arith.constant 0 : i32
    %dma_start3A_512 = arith.constant 0 : i32
    %dma_start3A_513 = tpu.memref_slice %arg2[%dma_start3A_511, %dma_start3A_512] : memref<26000x128xf32, #tpu.memory_space<hbm>> -> memref<26000x128xf32, #tpu.memory_space<hbm>>
    tpu.enqueue_indirect_dma source(%dma_start3A_513 : memref<26000x128xf32, #tpu.memory_space<hbm>>) target(%arg9 : memref<128x128xf32, #tpu.memory_space<vmem>>) offsets(%dma_start3A_510 : memref<128xi32, #tpu.memory_space<vmem>>) semaphore(%arg13 : memref<!tpu.dma_semaphore, #tpu.memory_space<semaphore_mem>>)
    %dma_wait3A_514 = arith.constant 0 : i32
    %dma_wait3A_515 = arith.constant 0 : i32
    %dma_wait3A_516 = tpu.memref_slice %arg5[%dma_wait3A_514, %dma_wait3A_515] : memref<16x128xi32, #tpu.memory_space<vmem>> -> memref<1x128xi32, #tpu.memory_space<vmem>>
    %dma_wait3A_517 = tpu.memref_squeeze %dma_wait3A_516 : memref<1x128xi32, #tpu.memory_space<vmem>> -> memref<128xi32, #tpu.memory_space<vmem>>
    %dma_wait3A_518 = arith.constant 0 : i32
    %dma_wait3A_519 = arith.constant 0 : i32
    %dma_wait3A_520 = tpu.memref_slice %arg2[%dma_wait3A_518, %dma_wait3A_519] : memref<26000x128xf32, #tpu.memory_space<hbm>> -> memref<26000x128xf32, #tpu.memory_space<hbm>>
    tpu.wait_indirect_dma semaphore(%arg11 : memref<!tpu.dma_semaphore, #tpu.memory_space<semaphore_mem>>) src(%dma_wait3A_520 : memref<26000x128xf32, #tpu.memory_space<hbm>>) dst(%arg7 : memref<128x128xf32, #tpu.memory_space<vmem>>)
    %add3A_521 = arith.constant 5 : i32
    %add3A_522 = arith.addi %mul3A_2, %add3A_521 : i32
    %jit3A_523 = arith.constant 16 : i32
    %eq3A_524 = arith.constant 0 : i32
    %eq3A_525 = arith.cmpi eq, %jit3A_523, %eq3A_524 : i32
    %jit3A_526 = arith.constant 1 : i32
    %select_n3A_527 = arith.select %eq3A_525, %jit3A_526, %jit3A_523 : i32
    %rem3A_528 = arith.remsi %add3A_522, %select_n3A_527 : i32
    %ne3A_529 = arith.constant 0 : i32
    %ne3A_530 = arith.cmpi ne, %rem3A_528, %ne3A_529 : i32
    %lt3A_531 = arith.constant 0 : i32
    %lt3A_532 = arith.cmpi slt, %rem3A_528, %lt3A_531 : i32
    %lt3A_533 = arith.constant 0 : i32
    %lt3A_534 = arith.cmpi slt, %select_n3A_527, %lt3A_533 : i32
    %ne3A_535 = arith.xori %lt3A_532, %lt3A_534 : i1
    %and3A_536 = arith.andi %ne3A_535, %ne3A_530 : i1
    %add3A_537 = arith.addi %rem3A_528, %select_n3A_527 : i32
    %select_n3A_538 = arith.select %and3A_536, %add3A_537, %rem3A_528 : i32
    %mul3A_539 = arith.constant 128 : i32
    %mul3A_540 = arith.muli %select_n3A_538, %mul3A_539 : i32
    %jit3A_541 = arith.constant 16 : i32
    %div3A_542 = arith.divsi %add3A_522, %jit3A_541 : i32
    %sign3A_543 = arith.constant 0 : i32
    %sign3A_544 = arith.cmpi sgt, %add3A_522, %sign3A_543 : i32
    %sign3A_545 = arith.extui %sign3A_544 : i1 to i32
    %sign3A_546 = arith.constant 0 : i32
    %sign3A_547 = arith.cmpi slt, %add3A_522, %sign3A_546 : i32
    %sign3A_548 = arith.extui %sign3A_547 : i1 to i32
    %sign3A_549 = arith.subi %sign3A_545, %sign3A_548 : i32
    %sign3A_550 = arith.constant 0 : i32
    %sign3A_551 = arith.cmpi sgt, %jit3A_541, %sign3A_550 : i32
    %sign3A_552 = arith.extui %sign3A_551 : i1 to i32
    %sign3A_553 = arith.constant 0 : i32
    %sign3A_554 = arith.cmpi slt, %jit3A_541, %sign3A_553 : i32
    %sign3A_555 = arith.extui %sign3A_554 : i1 to i32
    %sign3A_556 = arith.subi %sign3A_552, %sign3A_555 : i32
    %ne3A_557 = arith.cmpi ne, %sign3A_549, %sign3A_556 : i32
    %rem3A_558 = arith.remsi %add3A_522, %jit3A_541 : i32
    %ne3A_559 = arith.constant 0 : i32
    %ne3A_560 = arith.cmpi ne, %rem3A_558, %ne3A_559 : i32
    %and3A_561 = arith.andi %ne3A_557, %ne3A_560 : i1
    %sub3A_562 = arith.constant 1 : i32
    %sub3A_563 = arith.subi %div3A_542, %sub3A_562 : i32
    %select_n3A_564 = arith.select %and3A_561, %sub3A_563, %div3A_542 : i32
    %mul3A_565 = arith.constant 128 : i32
    %mul3A_566 = arith.muli %select_n3A_564, %mul3A_565 : i32
    %dma_start3A_567 = tpu.memref_slice %arg4[%mul3A_540, %mul3A_566] : memref<2048x3328xf32, #tpu.memory_space<hbm>> -> memref<128x128xf32, #tpu.memory_space<hbm>>
    %dma_start3A_568 = tpu.memref_slice %arg4[%mul3A_540, %mul3A_566] : memref<2048x3328xf32, #tpu.memory_space<hbm>> -> memref<128x128xf32, #tpu.memory_space<hbm>>
    tpu.enqueue_dma source(%arg7 : memref<128x128xf32, #tpu.memory_space<vmem>>) target(%dma_start3A_568 : memref<128x128xf32, #tpu.memory_space<hbm>>) target_semaphore(%arg15 : memref<!tpu.dma_semaphore, #tpu.memory_space<semaphore_mem>>)
    %add3A_569 = arith.constant 4 : i32
    %add3A_570 = arith.addi %mul3A_2, %add3A_569 : i32
    %jit3A_571 = arith.constant 16 : i32
    %eq3A_572 = arith.constant 0 : i32
    %eq3A_573 = arith.cmpi eq, %jit3A_571, %eq3A_572 : i32
    %jit3A_574 = arith.constant 1 : i32
    %select_n3A_575 = arith.select %eq3A_573, %jit3A_574, %jit3A_571 : i32
    %rem3A_576 = arith.remsi %add3A_570, %select_n3A_575 : i32
    %ne3A_577 = arith.constant 0 : i32
    %ne3A_578 = arith.cmpi ne, %rem3A_576, %ne3A_577 : i32
    %lt3A_579 = arith.constant 0 : i32
    %lt3A_580 = arith.cmpi slt, %rem3A_576, %lt3A_579 : i32
    %lt3A_581 = arith.constant 0 : i32
    %lt3A_582 = arith.cmpi slt, %select_n3A_575, %lt3A_581 : i32
    %ne3A_583 = arith.xori %lt3A_580, %lt3A_582 : i1
    %and3A_584 = arith.andi %ne3A_583, %ne3A_578 : i1
    %add3A_585 = arith.addi %rem3A_576, %select_n3A_575 : i32
    %select_n3A_586 = arith.select %and3A_584, %add3A_585, %rem3A_576 : i32
    %mul3A_587 = arith.constant 128 : i32
    %mul3A_588 = arith.muli %select_n3A_586, %mul3A_587 : i32
    %jit3A_589 = arith.constant 16 : i32
    %div3A_590 = arith.divsi %add3A_570, %jit3A_589 : i32
    %sign3A_591 = arith.constant 0 : i32
    %sign3A_592 = arith.cmpi sgt, %add3A_570, %sign3A_591 : i32
    %sign3A_593 = arith.extui %sign3A_592 : i1 to i32
    %sign3A_594 = arith.constant 0 : i32
    %sign3A_595 = arith.cmpi slt, %add3A_570, %sign3A_594 : i32
    %sign3A_596 = arith.extui %sign3A_595 : i1 to i32
    %sign3A_597 = arith.subi %sign3A_593, %sign3A_596 : i32
    %sign3A_598 = arith.constant 0 : i32
    %sign3A_599 = arith.cmpi sgt, %jit3A_589, %sign3A_598 : i32
    %sign3A_600 = arith.extui %sign3A_599 : i1 to i32
    %sign3A_601 = arith.constant 0 : i32
    %sign3A_602 = arith.cmpi slt, %jit3A_589, %sign3A_601 : i32
    %sign3A_603 = arith.extui %sign3A_602 : i1 to i32
    %sign3A_604 = arith.subi %sign3A_600, %sign3A_603 : i32
    %ne3A_605 = arith.cmpi ne, %sign3A_597, %sign3A_604 : i32
    %rem3A_606 = arith.remsi %add3A_570, %jit3A_589 : i32
    %ne3A_607 = arith.constant 0 : i32
    %ne3A_608 = arith.cmpi ne, %rem3A_606, %ne3A_607 : i32
    %and3A_609 = arith.andi %ne3A_605, %ne3A_608 : i1
    %sub3A_610 = arith.constant 1 : i32
    %sub3A_611 = arith.subi %div3A_590, %sub3A_610 : i32
    %select_n3A_612 = arith.select %and3A_609, %sub3A_611, %div3A_590 : i32
    %mul3A_613 = arith.constant 128 : i32
    %mul3A_614 = arith.muli %select_n3A_612, %mul3A_613 : i32
    %dma_wait3A_615 = tpu.memref_slice %arg4[%mul3A_588, %mul3A_614] : memref<2048x3328xf32, #tpu.memory_space<hbm>> -> memref<128x128xf32, #tpu.memory_space<hbm>>
    %dma_wait3A_616 = tpu.memref_slice %arg4[%mul3A_588, %mul3A_614] : memref<2048x3328xf32, #tpu.memory_space<hbm>> -> memref<128x128xf32, #tpu.memory_space<hbm>>
    tpu.wait_dma2 semaphore(%arg14 : memref<!tpu.dma_semaphore, #tpu.memory_space<semaphore_mem>>) src(%arg6 : memref<128x128xf32, #tpu.memory_space<vmem>>) dst(%dma_wait3A_616 : memref<128x128xf32, #tpu.memory_space<hbm>>)
    %dma_start3A_617 = arith.constant 8 : i32
    %dma_start3A_618 = arith.constant 0 : i32
    %dma_start3A_619 = tpu.memref_slice %arg5[%dma_start3A_617, %dma_start3A_618] : memref<16x128xi32, #tpu.memory_space<vmem>> -> memref<1x128xi32, #tpu.memory_space<vmem>>
    %dma_start3A_620 = tpu.memref_squeeze %dma_start3A_619 : memref<1x128xi32, #tpu.memory_space<vmem>> -> memref<128xi32, #tpu.memory_space<vmem>>
    %dma_start3A_621 = arith.constant 0 : i32
    %dma_start3A_622 = arith.constant 0 : i32
    %dma_start3A_623 = tpu.memref_slice %arg2[%dma_start3A_621, %dma_start3A_622] : memref<26000x128xf32, #tpu.memory_space<hbm>> -> memref<26000x128xf32, #tpu.memory_space<hbm>>
    tpu.enqueue_indirect_dma source(%dma_start3A_623 : memref<26000x128xf32, #tpu.memory_space<hbm>>) target(%arg6 : memref<128x128xf32, #tpu.memory_space<vmem>>) offsets(%dma_start3A_620 : memref<128xi32, #tpu.memory_space<vmem>>) semaphore(%arg10 : memref<!tpu.dma_semaphore, #tpu.memory_space<semaphore_mem>>)
    %dma_wait3A_624 = arith.constant 0 : i32
    %dma_wait3A_625 = arith.constant 0 : i32
    %dma_wait3A_626 = tpu.memref_slice %arg5[%dma_wait3A_624, %dma_wait3A_625] : memref<16x128xi32, #tpu.memory_space<vmem>> -> memref<1x128xi32, #tpu.memory_space<vmem>>
    %dma_wait3A_627 = tpu.memref_squeeze %dma_wait3A_626 : memref<1x128xi32, #tpu.memory_space<vmem>> -> memref<128xi32, #tpu.memory_space<vmem>>
    %dma_wait3A_628 = arith.constant 0 : i32
    %dma_wait3A_629 = arith.constant 0 : i32
    %dma_wait3A_630 = tpu.memref_slice %arg2[%dma_wait3A_628, %dma_wait3A_629] : memref<26000x128xf32, #tpu.memory_space<hbm>> -> memref<26000x128xf32, #tpu.memory_space<hbm>>
    tpu.wait_indirect_dma semaphore(%arg12 : memref<!tpu.dma_semaphore, #tpu.memory_space<semaphore_mem>>) src(%dma_wait3A_630 : memref<26000x128xf32, #tpu.memory_space<hbm>>) dst(%arg8 : memref<128x128xf32, #tpu.memory_space<vmem>>)
    %add3A_631 = arith.constant 6 : i32
    %add3A_632 = arith.addi %mul3A_2, %add3A_631 : i32
    %jit3A_633 = arith.constant 16 : i32
    %eq3A_634 = arith.constant 0 : i32
    %eq3A_635 = arith.cmpi eq, %jit3A_633, %eq3A_634 : i32
    %jit3A_636 = arith.constant 1 : i32
    %select_n3A_637 = arith.select %eq3A_635, %jit3A_636, %jit3A_633 : i32
    %rem3A_638 = arith.remsi %add3A_632, %select_n3A_637 : i32
    %ne3A_639 = arith.constant 0 : i32
    %ne3A_640 = arith.cmpi ne, %rem3A_638, %ne3A_639 : i32
    %lt3A_641 = arith.constant 0 : i32
    %lt3A_642 = arith.cmpi slt, %rem3A_638, %lt3A_641 : i32
    %lt3A_643 = arith.constant 0 : i32
    %lt3A_644 = arith.cmpi slt, %select_n3A_637, %lt3A_643 : i32
    %ne3A_645 = arith.xori %lt3A_642, %lt3A_644 : i1
    %and3A_646 = arith.andi %ne3A_645, %ne3A_640 : i1
    %add3A_647 = arith.addi %rem3A_638, %select_n3A_637 : i32
    %select_n3A_648 = arith.select %and3A_646, %add3A_647, %rem3A_638 : i32
    %mul3A_649 = arith.constant 128 : i32
    %mul3A_650 = arith.muli %select_n3A_648, %mul3A_649 : i32
    %jit3A_651 = arith.constant 16 : i32
    %div3A_652 = arith.divsi %add3A_632, %jit3A_651 : i32
    %sign3A_653 = arith.constant 0 : i32
    %sign3A_654 = arith.cmpi sgt, %add3A_632, %sign3A_653 : i32
    %sign3A_655 = arith.extui %sign3A_654 : i1 to i32
    %sign3A_656 = arith.constant 0 : i32
    %sign3A_657 = arith.cmpi slt, %add3A_632, %sign3A_656 : i32
    %sign3A_658 = arith.extui %sign3A_657 : i1 to i32
    %sign3A_659 = arith.subi %sign3A_655, %sign3A_658 : i32
    %sign3A_660 = arith.constant 0 : i32
    %sign3A_661 = arith.cmpi sgt, %jit3A_651, %sign3A_660 : i32
    %sign3A_662 = arith.extui %sign3A_661 : i1 to i32
    %sign3A_663 = arith.constant 0 : i32
    %sign3A_664 = arith.cmpi slt, %jit3A_651, %sign3A_663 : i32
    %sign3A_665 = arith.extui %sign3A_664 : i1 to i32
    %sign3A_666 = arith.subi %sign3A_662, %sign3A_665 : i32
    %ne3A_667 = arith.cmpi ne, %sign3A_659, %sign3A_666 : i32
    %rem3A_668 = arith.remsi %add3A_632, %jit3A_651 : i32
    %ne3A_669 = arith.constant 0 : i32
    %ne3A_670 = arith.cmpi ne, %rem3A_668, %ne3A_669 : i32
    %and3A_671 = arith.andi %ne3A_667, %ne3A_670 : i1
    %sub3A_672 = arith.constant 1 : i32
    %sub3A_673 = arith.subi %div3A_652, %sub3A_672 : i32
    %select_n3A_674 = arith.select %and3A_671, %sub3A_673, %div3A_652 : i32
    %mul3A_675 = arith.constant 128 : i32
    %mul3A_676 = arith.muli %select_n3A_674, %mul3A_675 : i32
    %dma_start3A_677 = tpu.memref_slice %arg4[%mul3A_650, %mul3A_676] : memref<2048x3328xf32, #tpu.memory_space<hbm>> -> memref<128x128xf32, #tpu.memory_space<hbm>>
    %dma_start3A_678 = tpu.memref_slice %arg4[%mul3A_650, %mul3A_676] : memref<2048x3328xf32, #tpu.memory_space<hbm>> -> memref<128x128xf32, #tpu.memory_space<hbm>>
    tpu.enqueue_dma source(%arg8 : memref<128x128xf32, #tpu.memory_space<vmem>>) target(%dma_start3A_678 : memref<128x128xf32, #tpu.memory_space<hbm>>) target_semaphore(%arg16 : memref<!tpu.dma_semaphore, #tpu.memory_space<semaphore_mem>>)
    %add3A_679 = arith.constant 5 : i32
    %add3A_680 = arith.addi %mul3A_2, %add3A_679 : i32
    %jit3A_681 = arith.constant 16 : i32
    %eq3A_682 = arith.constant 0 : i32
    %eq3A_683 = arith.cmpi eq, %jit3A_681, %eq3A_682 : i32
    %jit3A_684 = arith.constant 1 : i32
    %select_n3A_685 = arith.select %eq3A_683, %jit3A_684, %jit3A_681 : i32
    %rem3A_686 = arith.remsi %add3A_680, %select_n3A_685 : i32
    %ne3A_687 = arith.constant 0 : i32
    %ne3A_688 = arith.cmpi ne, %rem3A_686, %ne3A_687 : i32
    %lt3A_689 = arith.constant 0 : i32
    %lt3A_690 = arith.cmpi slt, %rem3A_686, %lt3A_689 : i32
    %lt3A_691 = arith.constant 0 : i32
    %lt3A_692 = arith.cmpi slt, %select_n3A_685, %lt3A_691 : i32
    %ne3A_693 = arith.xori %lt3A_690, %lt3A_692 : i1
    %and3A_694 = arith.andi %ne3A_693, %ne3A_688 : i1
    %add3A_695 = arith.addi %rem3A_686, %select_n3A_685 : i32
    %select_n3A_696 = arith.select %and3A_694, %add3A_695, %rem3A_686 : i32
    %mul3A_697 = arith.constant 128 : i32
    %mul3A_698 = arith.muli %select_n3A_696, %mul3A_697 : i32
    %jit3A_699 = arith.constant 16 : i32
    %div3A_700 = arith.divsi %add3A_680, %jit3A_699 : i32
    %sign3A_701 = arith.constant 0 : i32
    %sign3A_702 = arith.cmpi sgt, %add3A_680, %sign3A_701 : i32
    %sign3A_703 = arith.extui %sign3A_702 : i1 to i32
    %sign3A_704 = arith.constant 0 : i32
    %sign3A_705 = arith.cmpi slt, %add3A_680, %sign3A_704 : i32
    %sign3A_706 = arith.extui %sign3A_705 : i1 to i32
    %sign3A_707 = arith.subi %sign3A_703, %sign3A_706 : i32
    %sign3A_708 = arith.constant 0 : i32
    %sign3A_709 = arith.cmpi sgt, %jit3A_699, %sign3A_708 : i32
    %sign3A_710 = arith.extui %sign3A_709 : i1 to i32
    %sign3A_711 = arith.constant 0 : i32
    %sign3A_712 = arith.cmpi slt, %jit3A_699, %sign3A_711 : i32
    %sign3A_713 = arith.extui %sign3A_712 : i1 to i32
    %sign3A_714 = arith.subi %sign3A_710, %sign3A_713 : i32
    %ne3A_715 = arith.cmpi ne, %sign3A_707, %sign3A_714 : i32
    %rem3A_716 = arith.remsi %add3A_680, %jit3A_699 : i32
    %ne3A_717 = arith.constant 0 : i32
    %ne3A_718 = arith.cmpi ne, %rem3A_716, %ne3A_717 : i32
    %and3A_719 = arith.andi %ne3A_715, %ne3A_718 : i1
    %sub3A_720 = arith.constant 1 : i32
    %sub3A_721 = arith.subi %div3A_700, %sub3A_720 : i32
    %select_n3A_722 = arith.select %and3A_719, %sub3A_721, %div3A_700 : i32
    %mul3A_723 = arith.constant 128 : i32
    %mul3A_724 = arith.muli %select_n3A_722, %mul3A_723 : i32
    %dma_wait3A_725 = tpu.memref_slice %arg4[%mul3A_698, %mul3A_724] : memref<2048x3328xf32, #tpu.memory_space<hbm>> -> memref<128x128xf32, #tpu.memory_space<hbm>>
    %dma_wait3A_726 = tpu.memref_slice %arg4[%mul3A_698, %mul3A_724] : memref<2048x3328xf32, #tpu.memory_space<hbm>> -> memref<128x128xf32, #tpu.memory_space<hbm>>
    tpu.wait_dma2 semaphore(%arg15 : memref<!tpu.dma_semaphore, #tpu.memory_space<semaphore_mem>>) src(%arg7 : memref<128x128xf32, #tpu.memory_space<vmem>>) dst(%dma_wait3A_726 : memref<128x128xf32, #tpu.memory_space<hbm>>)
    %dma_start3A_727 = arith.constant 9 : i32
    %dma_start3A_728 = arith.constant 0 : i32
    %dma_start3A_729 = tpu.memref_slice %arg5[%dma_start3A_727, %dma_start3A_728] : memref<16x128xi32, #tpu.memory_space<vmem>> -> memref<1x128xi32, #tpu.memory_space<vmem>>
    %dma_start3A_730 = tpu.memref_squeeze %dma_start3A_729 : memref<1x128xi32, #tpu.memory_space<vmem>> -> memref<128xi32, #tpu.memory_space<vmem>>
    %dma_start3A_731 = arith.constant 0 : i32
    %dma_start3A_732 = arith.constant 0 : i32
    %dma_start3A_733 = tpu.memref_slice %arg2[%dma_start3A_731, %dma_start3A_732] : memref<26000x128xf32, #tpu.memory_space<hbm>> -> memref<26000x128xf32, #tpu.memory_space<hbm>>
    tpu.enqueue_indirect_dma source(%dma_start3A_733 : memref<26000x128xf32, #tpu.memory_space<hbm>>) target(%arg7 : memref<128x128xf32, #tpu.memory_space<vmem>>) offsets(%dma_start3A_730 : memref<128xi32, #tpu.memory_space<vmem>>) semaphore(%arg11 : memref<!tpu.dma_semaphore, #tpu.memory_space<semaphore_mem>>)
    %dma_wait3A_734 = arith.constant 0 : i32
    %dma_wait3A_735 = arith.constant 0 : i32
    %dma_wait3A_736 = tpu.memref_slice %arg5[%dma_wait3A_734, %dma_wait3A_735] : memref<16x128xi32, #tpu.memory_space<vmem>> -> memref<1x128xi32, #tpu.memory_space<vmem>>
    %dma_wait3A_737 = tpu.memref_squeeze %dma_wait3A_736 : memref<1x128xi32, #tpu.memory_space<vmem>> -> memref<128xi32, #tpu.memory_space<vmem>>
    %dma_wait3A_738 = arith.constant 0 : i32
    %dma_wait3A_739 = arith.constant 0 : i32
    %dma_wait3A_740 = tpu.memref_slice %arg2[%dma_wait3A_738, %dma_wait3A_739] : memref<26000x128xf32, #tpu.memory_space<hbm>> -> memref<26000x128xf32, #tpu.memory_space<hbm>>
    tpu.wait_indirect_dma semaphore(%arg13 : memref<!tpu.dma_semaphore, #tpu.memory_space<semaphore_mem>>) src(%dma_wait3A_740 : memref<26000x128xf32, #tpu.memory_space<hbm>>) dst(%arg9 : memref<128x128xf32, #tpu.memory_space<vmem>>)
    %add3A_741 = arith.constant 7 : i32
    %add3A_742 = arith.addi %mul3A_2, %add3A_741 : i32
    %jit3A_743 = arith.constant 16 : i32
    %eq3A_744 = arith.constant 0 : i32
    %eq3A_745 = arith.cmpi eq, %jit3A_743, %eq3A_744 : i32
    %jit3A_746 = arith.constant 1 : i32
    %select_n3A_747 = arith.select %eq3A_745, %jit3A_746, %jit3A_743 : i32
    %rem3A_748 = arith.remsi %add3A_742, %select_n3A_747 : i32
    %ne3A_749 = arith.constant 0 : i32
    %ne3A_750 = arith.cmpi ne, %rem3A_748, %ne3A_749 : i32
    %lt3A_751 = arith.constant 0 : i32
    %lt3A_752 = arith.cmpi slt, %rem3A_748, %lt3A_751 : i32
    %lt3A_753 = arith.constant 0 : i32
    %lt3A_754 = arith.cmpi slt, %select_n3A_747, %lt3A_753 : i32
    %ne3A_755 = arith.xori %lt3A_752, %lt3A_754 : i1
    %and3A_756 = arith.andi %ne3A_755, %ne3A_750 : i1
    %add3A_757 = arith.addi %rem3A_748, %select_n3A_747 : i32
    %select_n3A_758 = arith.select %and3A_756, %add3A_757, %rem3A_748 : i32
    %mul3A_759 = arith.constant 128 : i32
    %mul3A_760 = arith.muli %select_n3A_758, %mul3A_759 : i32
    %jit3A_761 = arith.constant 16 : i32
    %div3A_762 = arith.divsi %add3A_742, %jit3A_761 : i32
    %sign3A_763 = arith.constant 0 : i32
    %sign3A_764 = arith.cmpi sgt, %add3A_742, %sign3A_763 : i32
    %sign3A_765 = arith.extui %sign3A_764 : i1 to i32
    %sign3A_766 = arith.constant 0 : i32
    %sign3A_767 = arith.cmpi slt, %add3A_742, %sign3A_766 : i32
    %sign3A_768 = arith.extui %sign3A_767 : i1 to i32
    %sign3A_769 = arith.subi %sign3A_765, %sign3A_768 : i32
    %sign3A_770 = arith.constant 0 : i32
    %sign3A_771 = arith.cmpi sgt, %jit3A_761, %sign3A_770 : i32
    %sign3A_772 = arith.extui %sign3A_771 : i1 to i32
    %sign3A_773 = arith.constant 0 : i32
    %sign3A_774 = arith.cmpi slt, %jit3A_761, %sign3A_773 : i32
    %sign3A_775 = arith.extui %sign3A_774 : i1 to i32
    %sign3A_776 = arith.subi %sign3A_772, %sign3A_775 : i32
    %ne3A_777 = arith.cmpi ne, %sign3A_769, %sign3A_776 : i32
    %rem3A_778 = arith.remsi %add3A_742, %jit3A_761 : i32
    %ne3A_779 = arith.constant 0 : i32
    %ne3A_780 = arith.cmpi ne, %rem3A_778, %ne3A_779 : i32
    %and3A_781 = arith.andi %ne3A_777, %ne3A_780 : i1
    %sub3A_782 = arith.constant 1 : i32
    %sub3A_783 = arith.subi %div3A_762, %sub3A_782 : i32
    %select_n3A_784 = arith.select %and3A_781, %sub3A_783, %div3A_762 : i32
    %mul3A_785 = arith.constant 128 : i32
    %mul3A_786 = arith.muli %select_n3A_784, %mul3A_785 : i32
    %dma_start3A_787 = tpu.memref_slice %arg4[%mul3A_760, %mul3A_786] : memref<2048x3328xf32, #tpu.memory_space<hbm>> -> memref<128x128xf32, #tpu.memory_space<hbm>>
    %dma_start3A_788 = tpu.memref_slice %arg4[%mul3A_760, %mul3A_786] : memref<2048x3328xf32, #tpu.memory_space<hbm>> -> memref<128x128xf32, #tpu.memory_space<hbm>>
    tpu.enqueue_dma source(%arg9 : memref<128x128xf32, #tpu.memory_space<vmem>>) target(%dma_start3A_788 : memref<128x128xf32, #tpu.memory_space<hbm>>) target_semaphore(%arg17 : memref<!tpu.dma_semaphore, #tpu.memory_space<semaphore_mem>>)
    %add3A_789 = arith.constant 6 : i32
    %add3A_790 = arith.addi %mul3A_2, %add3A_789 : i32
    %jit3A_791 = arith.constant 16 : i32
    %eq3A_792 = arith.constant 0 : i32
    %eq3A_793 = arith.cmpi eq, %jit3A_791, %eq3A_792 : i32
    %jit3A_794 = arith.constant 1 : i32
    %select_n3A_795 = arith.select %eq3A_793, %jit3A_794, %jit3A_791 : i32
    %rem3A_796 = arith.remsi %add3A_790, %select_n3A_795 : i32
    %ne3A_797 = arith.constant 0 : i32
    %ne3A_798 = arith.cmpi ne, %rem3A_796, %ne3A_797 : i32
    %lt3A_799 = arith.constant 0 : i32
    %lt3A_800 = arith.cmpi slt, %rem3A_796, %lt3A_799 : i32
    %lt3A_801 = arith.constant 0 : i32
    %lt3A_802 = arith.cmpi slt, %select_n3A_795, %lt3A_801 : i32
    %ne3A_803 = arith.xori %lt3A_800, %lt3A_802 : i1
    %and3A_804 = arith.andi %ne3A_803, %ne3A_798 : i1
    %add3A_805 = arith.addi %rem3A_796, %select_n3A_795 : i32
    %select_n3A_806 = arith.select %and3A_804, %add3A_805, %rem3A_796 : i32
    %mul3A_807 = arith.constant 128 : i32
    %mul3A_808 = arith.muli %select_n3A_806, %mul3A_807 : i32
    %jit3A_809 = arith.constant 16 : i32
    %div3A_810 = arith.divsi %add3A_790, %jit3A_809 : i32
    %sign3A_811 = arith.constant 0 : i32
    %sign3A_812 = arith.cmpi sgt, %add3A_790, %sign3A_811 : i32
    %sign3A_813 = arith.extui %sign3A_812 : i1 to i32
    %sign3A_814 = arith.constant 0 : i32
    %sign3A_815 = arith.cmpi slt, %add3A_790, %sign3A_814 : i32
    %sign3A_816 = arith.extui %sign3A_815 : i1 to i32
    %sign3A_817 = arith.subi %sign3A_813, %sign3A_816 : i32
    %sign3A_818 = arith.constant 0 : i32
    %sign3A_819 = arith.cmpi sgt, %jit3A_809, %sign3A_818 : i32
    %sign3A_820 = arith.extui %sign3A_819 : i1 to i32
    %sign3A_821 = arith.constant 0 : i32
    %sign3A_822 = arith.cmpi slt, %jit3A_809, %sign3A_821 : i32
    %sign3A_823 = arith.extui %sign3A_822 : i1 to i32
    %sign3A_824 = arith.subi %sign3A_820, %sign3A_823 : i32
    %ne3A_825 = arith.cmpi ne, %sign3A_817, %sign3A_824 : i32
    %rem3A_826 = arith.remsi %add3A_790, %jit3A_809 : i32
    %ne3A_827 = arith.constant 0 : i32
    %ne3A_828 = arith.cmpi ne, %rem3A_826, %ne3A_827 : i32
    %and3A_829 = arith.andi %ne3A_825, %ne3A_828 : i1
    %sub3A_830 = arith.constant 1 : i32
    %sub3A_831 = arith.subi %div3A_810, %sub3A_830 : i32
    %select_n3A_832 = arith.select %and3A_829, %sub3A_831, %div3A_810 : i32
    %mul3A_833 = arith.constant 128 : i32
    %mul3A_834 = arith.muli %select_n3A_832, %mul3A_833 : i32
    %dma_wait3A_835 = tpu.memref_slice %arg4[%mul3A_808, %mul3A_834] : memref<2048x3328xf32, #tpu.memory_space<hbm>> -> memref<128x128xf32, #tpu.memory_space<hbm>>
    %dma_wait3A_836 = tpu.memref_slice %arg4[%mul3A_808, %mul3A_834] : memref<2048x3328xf32, #tpu.memory_space<hbm>> -> memref<128x128xf32, #tpu.memory_space<hbm>>
    tpu.wait_dma2 semaphore(%arg16 : memref<!tpu.dma_semaphore, #tpu.memory_space<semaphore_mem>>) src(%arg8 : memref<128x128xf32, #tpu.memory_space<vmem>>) dst(%dma_wait3A_836 : memref<128x128xf32, #tpu.memory_space<hbm>>)
    %dma_start3A_837 = arith.constant 10 : i32
    %dma_start3A_838 = arith.constant 0 : i32
    %dma_start3A_839 = tpu.memref_slice %arg5[%dma_start3A_837, %dma_start3A_838] : memref<16x128xi32, #tpu.memory_space<vmem>> -> memref<1x128xi32, #tpu.memory_space<vmem>>
    %dma_start3A_840 = tpu.memref_squeeze %dma_start3A_839 : memref<1x128xi32, #tpu.memory_space<vmem>> -> memref<128xi32, #tpu.memory_space<vmem>>
    %dma_start3A_841 = arith.constant 0 : i32
    %dma_start3A_842 = arith.constant 0 : i32
    %dma_start3A_843 = tpu.memref_slice %arg2[%dma_start3A_841, %dma_start3A_842] : memref<26000x128xf32, #tpu.memory_space<hbm>> -> memref<26000x128xf32, #tpu.memory_space<hbm>>
    tpu.enqueue_indirect_dma source(%dma_start3A_843 : memref<26000x128xf32, #tpu.memory_space<hbm>>) target(%arg8 : memref<128x128xf32, #tpu.memory_space<vmem>>) offsets(%dma_start3A_840 : memref<128xi32, #tpu.memory_space<vmem>>) semaphore(%arg12 : memref<!tpu.dma_semaphore, #tpu.memory_space<semaphore_mem>>)
    %dma_wait3A_844 = arith.constant 0 : i32
    %dma_wait3A_845 = arith.constant 0 : i32
    %dma_wait3A_846 = tpu.memref_slice %arg5[%dma_wait3A_844, %dma_wait3A_845] : memref<16x128xi32, #tpu.memory_space<vmem>> -> memref<1x128xi32, #tpu.memory_space<vmem>>
    %dma_wait3A_847 = tpu.memref_squeeze %dma_wait3A_846 : memref<1x128xi32, #tpu.memory_space<vmem>> -> memref<128xi32, #tpu.memory_space<vmem>>
    %dma_wait3A_848 = arith.constant 0 : i32
    %dma_wait3A_849 = arith.constant 0 : i32
    %dma_wait3A_850 = tpu.memref_slice %arg2[%dma_wait3A_848, %dma_wait3A_849] : memref<26000x128xf32, #tpu.memory_space<hbm>> -> memref<26000x128xf32, #tpu.memory_space<hbm>>
    tpu.wait_indirect_dma semaphore(%arg10 : memref<!tpu.dma_semaphore, #tpu.memory_space<semaphore_mem>>) src(%dma_wait3A_850 : memref<26000x128xf32, #tpu.memory_space<hbm>>) dst(%arg6 : memref<128x128xf32, #tpu.memory_space<vmem>>)
    %add3A_851 = arith.constant 8 : i32
    %add3A_852 = arith.addi %mul3A_2, %add3A_851 : i32
    %jit3A_853 = arith.constant 16 : i32
    %eq3A_854 = arith.constant 0 : i32
    %eq3A_855 = arith.cmpi eq, %jit3A_853, %eq3A_854 : i32
    %jit3A_856 = arith.constant 1 : i32
    %select_n3A_857 = arith.select %eq3A_855, %jit3A_856, %jit3A_853 : i32
    %rem3A_858 = arith.remsi %add3A_852, %select_n3A_857 : i32
    %ne3A_859 = arith.constant 0 : i32
    %ne3A_860 = arith.cmpi ne, %rem3A_858, %ne3A_859 : i32
    %lt3A_861 = arith.constant 0 : i32
    %lt3A_862 = arith.cmpi slt, %rem3A_858, %lt3A_861 : i32
    %lt3A_863 = arith.constant 0 : i32
    %lt3A_864 = arith.cmpi slt, %select_n3A_857, %lt3A_863 : i32
    %ne3A_865 = arith.xori %lt3A_862, %lt3A_864 : i1
    %and3A_866 = arith.andi %ne3A_865, %ne3A_860 : i1
    %add3A_867 = arith.addi %rem3A_858, %select_n3A_857 : i32
    %select_n3A_868 = arith.select %and3A_866, %add3A_867, %rem3A_858 : i32
    %mul3A_869 = arith.constant 128 : i32
    %mul3A_870 = arith.muli %select_n3A_868, %mul3A_869 : i32
    %jit3A_871 = arith.constant 16 : i32
    %div3A_872 = arith.divsi %add3A_852, %jit3A_871 : i32
    %sign3A_873 = arith.constant 0 : i32
    %sign3A_874 = arith.cmpi sgt, %add3A_852, %sign3A_873 : i32
    %sign3A_875 = arith.extui %sign3A_874 : i1 to i32
    %sign3A_876 = arith.constant 0 : i32
    %sign3A_877 = arith.cmpi slt, %add3A_852, %sign3A_876 : i32
    %sign3A_878 = arith.extui %sign3A_877 : i1 to i32
    %sign3A_879 = arith.subi %sign3A_875, %sign3A_878 : i32
    %sign3A_880 = arith.constant 0 : i32
    %sign3A_881 = arith.cmpi sgt, %jit3A_871, %sign3A_880 : i32
    %sign3A_882 = arith.extui %sign3A_881 : i1 to i32
    %sign3A_883 = arith.constant 0 : i32
    %sign3A_884 = arith.cmpi slt, %jit3A_871, %sign3A_883 : i32
    %sign3A_885 = arith.extui %sign3A_884 : i1 to i32
    %sign3A_886 = arith.subi %sign3A_882, %sign3A_885 : i32
    %ne3A_887 = arith.cmpi ne, %sign3A_879, %sign3A_886 : i32
    %rem3A_888 = arith.remsi %add3A_852, %jit3A_871 : i32
    %ne3A_889 = arith.constant 0 : i32
    %ne3A_890 = arith.cmpi ne, %rem3A_888, %ne3A_889 : i32
    %and3A_891 = arith.andi %ne3A_887, %ne3A_890 : i1
    %sub3A_892 = arith.constant 1 : i32
    %sub3A_893 = arith.subi %div3A_872, %sub3A_892 : i32
    %select_n3A_894 = arith.select %and3A_891, %sub3A_893, %div3A_872 : i32
    %mul3A_895 = arith.constant 128 : i32
    %mul3A_896 = arith.muli %select_n3A_894, %mul3A_895 : i32
    %dma_start3A_897 = tpu.memref_slice %arg4[%mul3A_870, %mul3A_896] : memref<2048x3328xf32, #tpu.memory_space<hbm>> -> memref<128x128xf32, #tpu.memory_space<hbm>>
    %dma_start3A_898 = tpu.memref_slice %arg4[%mul3A_870, %mul3A_896] : memref<2048x3328xf32, #tpu.memory_space<hbm>> -> memref<128x128xf32, #tpu.memory_space<hbm>>
    tpu.enqueue_dma source(%arg6 : memref<128x128xf32, #tpu.memory_space<vmem>>) target(%dma_start3A_898 : memref<128x128xf32, #tpu.memory_space<hbm>>) target_semaphore(%arg14 : memref<!tpu.dma_semaphore, #tpu.memory_space<semaphore_mem>>)
    %add3A_899 = arith.constant 7 : i32
    %add3A_900 = arith.addi %mul3A_2, %add3A_899 : i32
    %jit3A_901 = arith.constant 16 : i32
    %eq3A_902 = arith.constant 0 : i32
    %eq3A_903 = arith.cmpi eq, %jit3A_901, %eq3A_902 : i32
    %jit3A_904 = arith.constant 1 : i32
    %select_n3A_905 = arith.select %eq3A_903, %jit3A_904, %jit3A_901 : i32
    %rem3A_906 = arith.remsi %add3A_900, %select_n3A_905 : i32
    %ne3A_907 = arith.constant 0 : i32
    %ne3A_908 = arith.cmpi ne, %rem3A_906, %ne3A_907 : i32
    %lt3A_909 = arith.constant 0 : i32
    %lt3A_910 = arith.cmpi slt, %rem3A_906, %lt3A_909 : i32
    %lt3A_911 = arith.constant 0 : i32
    %lt3A_912 = arith.cmpi slt, %select_n3A_905, %lt3A_911 : i32
    %ne3A_913 = arith.xori %lt3A_910, %lt3A_912 : i1
    %and3A_914 = arith.andi %ne3A_913, %ne3A_908 : i1
    %add3A_915 = arith.addi %rem3A_906, %select_n3A_905 : i32
    %select_n3A_916 = arith.select %and3A_914, %add3A_915, %rem3A_906 : i32
    %mul3A_917 = arith.constant 128 : i32
    %mul3A_918 = arith.muli %select_n3A_916, %mul3A_917 : i32
    %jit3A_919 = arith.constant 16 : i32
    %div3A_920 = arith.divsi %add3A_900, %jit3A_919 : i32
    %sign3A_921 = arith.constant 0 : i32
    %sign3A_922 = arith.cmpi sgt, %add3A_900, %sign3A_921 : i32
    %sign3A_923 = arith.extui %sign3A_922 : i1 to i32
    %sign3A_924 = arith.constant 0 : i32
    %sign3A_925 = arith.cmpi slt, %add3A_900, %sign3A_924 : i32
    %sign3A_926 = arith.extui %sign3A_925 : i1 to i32
    %sign3A_927 = arith.subi %sign3A_923, %sign3A_926 : i32
    %sign3A_928 = arith.constant 0 : i32
    %sign3A_929 = arith.cmpi sgt, %jit3A_919, %sign3A_928 : i32
    %sign3A_930 = arith.extui %sign3A_929 : i1 to i32
    %sign3A_931 = arith.constant 0 : i32
    %sign3A_932 = arith.cmpi slt, %jit3A_919, %sign3A_931 : i32
    %sign3A_933 = arith.extui %sign3A_932 : i1 to i32
    %sign3A_934 = arith.subi %sign3A_930, %sign3A_933 : i32
    %ne3A_935 = arith.cmpi ne, %sign3A_927, %sign3A_934 : i32
    %rem3A_936 = arith.remsi %add3A_900, %jit3A_919 : i32
    %ne3A_937 = arith.constant 0 : i32
    %ne3A_938 = arith.cmpi ne, %rem3A_936, %ne3A_937 : i32
    %and3A_939 = arith.andi %ne3A_935, %ne3A_938 : i1
    %sub3A_940 = arith.constant 1 : i32
    %sub3A_941 = arith.subi %div3A_920, %sub3A_940 : i32
    %select_n3A_942 = arith.select %and3A_939, %sub3A_941, %div3A_920 : i32
    %mul3A_943 = arith.constant 128 : i32
    %mul3A_944 = arith.muli %select_n3A_942, %mul3A_943 : i32
    %dma_wait3A_945 = tpu.memref_slice %arg4[%mul3A_918, %mul3A_944] : memref<2048x3328xf32, #tpu.memory_space<hbm>> -> memref<128x128xf32, #tpu.memory_space<hbm>>
    %dma_wait3A_946 = tpu.memref_slice %arg4[%mul3A_918, %mul3A_944] : memref<2048x3328xf32, #tpu.memory_space<hbm>> -> memref<128x128xf32, #tpu.memory_space<hbm>>
    tpu.wait_dma2 semaphore(%arg17 : memref<!tpu.dma_semaphore, #tpu.memory_space<semaphore_mem>>) src(%arg9 : memref<128x128xf32, #tpu.memory_space<vmem>>) dst(%dma_wait3A_946 : memref<128x128xf32, #tpu.memory_space<hbm>>)
    %dma_start3A_947 = arith.constant 11 : i32
    %dma_start3A_948 = arith.constant 0 : i32
    %dma_start3A_949 = tpu.memref_slice %arg5[%dma_start3A_947, %dma_start3A_948] : memref<16x128xi32, #tpu.memory_space<vmem>> -> memref<1x128xi32, #tpu.memory_space<vmem>>
    %dma_start3A_950 = tpu.memref_squeeze %dma_start3A_949 : memref<1x128xi32, #tpu.memory_space<vmem>> -> memref<128xi32, #tpu.memory_space<vmem>>
    %dma_start3A_951 = arith.constant 0 : i32
    %dma_start3A_952 = arith.constant 0 : i32
    %dma_start3A_953 = tpu.memref_slice %arg2[%dma_start3A_951, %dma_start3A_952] : memref<26000x128xf32, #tpu.memory_space<hbm>> -> memref<26000x128xf32, #tpu.memory_space<hbm>>
    tpu.enqueue_indirect_dma source(%dma_start3A_953 : memref<26000x128xf32, #tpu.memory_space<hbm>>) target(%arg9 : memref<128x128xf32, #tpu.memory_space<vmem>>) offsets(%dma_start3A_950 : memref<128xi32, #tpu.memory_space<vmem>>) semaphore(%arg13 : memref<!tpu.dma_semaphore, #tpu.memory_space<semaphore_mem>>)
    %dma_wait3A_954 = arith.constant 0 : i32
    %dma_wait3A_955 = arith.constant 0 : i32
    %dma_wait3A_956 = tpu.memref_slice %arg5[%dma_wait3A_954, %dma_wait3A_955] : memref<16x128xi32, #tpu.memory_space<vmem>> -> memref<1x128xi32, #tpu.memory_space<vmem>>
    %dma_wait3A_957 = tpu.memref_squeeze %dma_wait3A_956 : memref<1x128xi32, #tpu.memory_space<vmem>> -> memref<128xi32, #tpu.memory_space<vmem>>
    %dma_wait3A_958 = arith.constant 0 : i32
    %dma_wait3A_959 = arith.constant 0 : i32
    %dma_wait3A_960 = tpu.memref_slice %arg2[%dma_wait3A_958, %dma_wait3A_959] : memref<26000x128xf32, #tpu.memory_space<hbm>> -> memref<26000x128xf32, #tpu.memory_space<hbm>>
    tpu.wait_indirect_dma semaphore(%arg11 : memref<!tpu.dma_semaphore, #tpu.memory_space<semaphore_mem>>) src(%dma_wait3A_960 : memref<26000x128xf32, #tpu.memory_space<hbm>>) dst(%arg7 : memref<128x128xf32, #tpu.memory_space<vmem>>)
    %add3A_961 = arith.constant 9 : i32
    %add3A_962 = arith.addi %mul3A_2, %add3A_961 : i32
    %jit3A_963 = arith.constant 16 : i32
    %eq3A_964 = arith.constant 0 : i32
    %eq3A_965 = arith.cmpi eq, %jit3A_963, %eq3A_964 : i32
    %jit3A_966 = arith.constant 1 : i32
    %select_n3A_967 = arith.select %eq3A_965, %jit3A_966, %jit3A_963 : i32
    %rem3A_968 = arith.remsi %add3A_962, %select_n3A_967 : i32
    %ne3A_969 = arith.constant 0 : i32
    %ne3A_970 = arith.cmpi ne, %rem3A_968, %ne3A_969 : i32
    %lt3A_971 = arith.constant 0 : i32
    %lt3A_972 = arith.cmpi slt, %rem3A_968, %lt3A_971 : i32
    %lt3A_973 = arith.constant 0 : i32
    %lt3A_974 = arith.cmpi slt, %select_n3A_967, %lt3A_973 : i32
    %ne3A_975 = arith.xori %lt3A_972, %lt3A_974 : i1
    %and3A_976 = arith.andi %ne3A_975, %ne3A_970 : i1
    %add3A_977 = arith.addi %rem3A_968, %select_n3A_967 : i32
    %select_n3A_978 = arith.select %and3A_976, %add3A_977, %rem3A_968 : i32
    %mul3A_979 = arith.constant 128 : i32
    %mul3A_980 = arith.muli %select_n3A_978, %mul3A_979 : i32
    %jit3A_981 = arith.constant 16 : i32
    %div3A_982 = arith.divsi %add3A_962, %jit3A_981 : i32
    %sign3A_983 = arith.constant 0 : i32
    %sign3A_984 = arith.cmpi sgt, %add3A_962, %sign3A_983 : i32
    %sign3A_985 = arith.extui %sign3A_984 : i1 to i32
    %sign3A_986 = arith.constant 0 : i32
    %sign3A_987 = arith.cmpi slt, %add3A_962, %sign3A_986 : i32
    %sign3A_988 = arith.extui %sign3A_987 : i1 to i32
    %sign3A_989 = arith.subi %sign3A_985, %sign3A_988 : i32
    %sign3A_990 = arith.constant 0 : i32
    %sign3A_991 = arith.cmpi sgt, %jit3A_981, %sign3A_990 : i32
    %sign3A_992 = arith.extui %sign3A_991 : i1 to i32
    %sign3A_993 = arith.constant 0 : i32
    %sign3A_994 = arith.cmpi slt, %jit3A_981, %sign3A_993 : i32
    %sign3A_995 = arith.extui %sign3A_994 : i1 to i32
    %sign3A_996 = arith.subi %sign3A_992, %sign3A_995 : i32
    %ne3A_997 = arith.cmpi ne, %sign3A_989, %sign3A_996 : i32
    %rem3A_998 = arith.remsi %add3A_962, %jit3A_981 : i32
    %ne3A_999 = arith.constant 0 : i32
    %ne3A_1000 = arith.cmpi ne, %rem3A_998, %ne3A_999 : i32
    %and3A_1001 = arith.andi %ne3A_997, %ne3A_1000 : i1
    %sub3A_1002 = arith.constant 1 : i32
    %sub3A_1003 = arith.subi %div3A_982, %sub3A_1002 : i32
    %select_n3A_1004 = arith.select %and3A_1001, %sub3A_1003, %div3A_982 : i32
    %mul3A_1005 = arith.constant 128 : i32
    %mul3A_1006 = arith.muli %select_n3A_1004, %mul3A_1005 : i32
    %dma_start3A_1007 = tpu.memref_slice %arg4[%mul3A_980, %mul3A_1006] : memref<2048x3328xf32, #tpu.memory_space<hbm>> -> memref<128x128xf32, #tpu.memory_space<hbm>>
    %dma_start3A_1008 = tpu.memref_slice %arg4[%mul3A_980, %mul3A_1006] : memref<2048x3328xf32, #tpu.memory_space<hbm>> -> memref<128x128xf32, #tpu.memory_space<hbm>>
    tpu.enqueue_dma source(%arg7 : memref<128x128xf32, #tpu.memory_space<vmem>>) target(%dma_start3A_1008 : memref<128x128xf32, #tpu.memory_space<hbm>>) target_semaphore(%arg15 : memref<!tpu.dma_semaphore, #tpu.memory_space<semaphore_mem>>)
    %add3A_1009 = arith.constant 8 : i32
    %add3A_1010 = arith.addi %mul3A_2, %add3A_1009 : i32
    %jit3A_1011 = arith.constant 16 : i32
    %eq3A_1012 = arith.constant 0 : i32
    %eq3A_1013 = arith.cmpi eq, %jit3A_1011, %eq3A_1012 : i32
    %jit3A_1014 = arith.constant 1 : i32
    %select_n3A_1015 = arith.select %eq3A_1013, %jit3A_1014, %jit3A_1011 : i32
    %rem3A_1016 = arith.remsi %add3A_1010, %select_n3A_1015 : i32
    %ne3A_1017 = arith.constant 0 : i32
    %ne3A_1018 = arith.cmpi ne, %rem3A_1016, %ne3A_1017 : i32
    %lt3A_1019 = arith.constant 0 : i32
    %lt3A_1020 = arith.cmpi slt, %rem3A_1016, %lt3A_1019 : i32
    %lt3A_1021 = arith.constant 0 : i32
    %lt3A_1022 = arith.cmpi slt, %select_n3A_1015, %lt3A_1021 : i32
    %ne3A_1023 = arith.xori %lt3A_1020, %lt3A_1022 : i1
    %and3A_1024 = arith.andi %ne3A_1023, %ne3A_1018 : i1
    %add3A_1025 = arith.addi %rem3A_1016, %select_n3A_1015 : i32
    %select_n3A_1026 = arith.select %and3A_1024, %add3A_1025, %rem3A_1016 : i32
    %mul3A_1027 = arith.constant 128 : i32
    %mul3A_1028 = arith.muli %select_n3A_1026, %mul3A_1027 : i32
    %jit3A_1029 = arith.constant 16 : i32
    %div3A_1030 = arith.divsi %add3A_1010, %jit3A_1029 : i32
    %sign3A_1031 = arith.constant 0 : i32
    %sign3A_1032 = arith.cmpi sgt, %add3A_1010, %sign3A_1031 : i32
    %sign3A_1033 = arith.extui %sign3A_1032 : i1 to i32
    %sign3A_1034 = arith.constant 0 : i32
    %sign3A_1035 = arith.cmpi slt, %add3A_1010, %sign3A_1034 : i32
    %sign3A_1036 = arith.extui %sign3A_1035 : i1 to i32
    %sign3A_1037 = arith.subi %sign3A_1033, %sign3A_1036 : i32
    %sign3A_1038 = arith.constant 0 : i32
    %sign3A_1039 = arith.cmpi sgt, %jit3A_1029, %sign3A_1038 : i32
    %sign3A_1040 = arith.extui %sign3A_1039 : i1 to i32
    %sign3A_1041 = arith.constant 0 : i32
    %sign3A_1042 = arith.cmpi slt, %jit3A_1029, %sign3A_1041 : i32
    %sign3A_1043 = arith.extui %sign3A_1042 : i1 to i32
    %sign3A_1044 = arith.subi %sign3A_1040, %sign3A_1043 : i32
    %ne3A_1045 = arith.cmpi ne, %sign3A_1037, %sign3A_1044 : i32
    %rem3A_1046 = arith.remsi %add3A_1010, %jit3A_1029 : i32
    %ne3A_1047 = arith.constant 0 : i32
    %ne3A_1048 = arith.cmpi ne, %rem3A_1046, %ne3A_1047 : i32
    %and3A_1049 = arith.andi %ne3A_1045, %ne3A_1048 : i1
    %sub3A_1050 = arith.constant 1 : i32
    %sub3A_1051 = arith.subi %div3A_1030, %sub3A_1050 : i32
    %select_n3A_1052 = arith.select %and3A_1049, %sub3A_1051, %div3A_1030 : i32
    %mul3A_1053 = arith.constant 128 : i32
    %mul3A_1054 = arith.muli %select_n3A_1052, %mul3A_1053 : i32
    %dma_wait3A_1055 = tpu.memref_slice %arg4[%mul3A_1028, %mul3A_1054] : memref<2048x3328xf32, #tpu.memory_space<hbm>> -> memref<128x128xf32, #tpu.memory_space<hbm>>
    %dma_wait3A_1056 = tpu.memref_slice %arg4[%mul3A_1028, %mul3A_1054] : memref<2048x3328xf32, #tpu.memory_space<hbm>> -> memref<128x128xf32, #tpu.memory_space<hbm>>
    tpu.wait_dma2 semaphore(%arg14 : memref<!tpu.dma_semaphore, #tpu.memory_space<semaphore_mem>>) src(%arg6 : memref<128x128xf32, #tpu.memory_space<vmem>>) dst(%dma_wait3A_1056 : memref<128x128xf32, #tpu.memory_space<hbm>>)
    %dma_start3A_1057 = arith.constant 12 : i32
    %dma_start3A_1058 = arith.constant 0 : i32
    %dma_start3A_1059 = tpu.memref_slice %arg5[%dma_start3A_1057, %dma_start3A_1058] : memref<16x128xi32, #tpu.memory_space<vmem>> -> memref<1x128xi32, #tpu.memory_space<vmem>>
    %dma_start3A_1060 = tpu.memref_squeeze %dma_start3A_1059 : memref<1x128xi32, #tpu.memory_space<vmem>> -> memref<128xi32, #tpu.memory_space<vmem>>
    %dma_start3A_1061 = arith.constant 0 : i32
    %dma_start3A_1062 = arith.constant 0 : i32
    %dma_start3A_1063 = tpu.memref_slice %arg2[%dma_start3A_1061, %dma_start3A_1062] : memref<26000x128xf32, #tpu.memory_space<hbm>> -> memref<26000x128xf32, #tpu.memory_space<hbm>>
    tpu.enqueue_indirect_dma source(%dma_start3A_1063 : memref<26000x128xf32, #tpu.memory_space<hbm>>) target(%arg6 : memref<128x128xf32, #tpu.memory_space<vmem>>) offsets(%dma_start3A_1060 : memref<128xi32, #tpu.memory_space<vmem>>) semaphore(%arg10 : memref<!tpu.dma_semaphore, #tpu.memory_space<semaphore_mem>>)
    %dma_wait3A_1064 = arith.constant 0 : i32
    %dma_wait3A_1065 = arith.constant 0 : i32
    %dma_wait3A_1066 = tpu.memref_slice %arg5[%dma_wait3A_1064, %dma_wait3A_1065] : memref<16x128xi32, #tpu.memory_space<vmem>> -> memref<1x128xi32, #tpu.memory_space<vmem>>
    %dma_wait3A_1067 = tpu.memref_squeeze %dma_wait3A_1066 : memref<1x128xi32, #tpu.memory_space<vmem>> -> memref<128xi32, #tpu.memory_space<vmem>>
    %dma_wait3A_1068 = arith.constant 0 : i32
    %dma_wait3A_1069 = arith.constant 0 : i32
    %dma_wait3A_1070 = tpu.memref_slice %arg2[%dma_wait3A_1068, %dma_wait3A_1069] : memref<26000x128xf32, #tpu.memory_space<hbm>> -> memref<26000x128xf32, #tpu.memory_space<hbm>>
    tpu.wait_indirect_dma semaphore(%arg12 : memref<!tpu.dma_semaphore, #tpu.memory_space<semaphore_mem>>) src(%dma_wait3A_1070 : memref<26000x128xf32, #tpu.memory_space<hbm>>) dst(%arg8 : memref<128x128xf32, #tpu.memory_space<vmem>>)
    %add3A_1071 = arith.constant 10 : i32
    %add3A_1072 = arith.addi %mul3A_2, %add3A_1071 : i32
    %jit3A_1073 = arith.constant 16 : i32
    %eq3A_1074 = arith.constant 0 : i32
    %eq3A_1075 = arith.cmpi eq, %jit3A_1073, %eq3A_1074 : i32
    %jit3A_1076 = arith.constant 1 : i32
    %select_n3A_1077 = arith.select %eq3A_1075, %jit3A_1076, %jit3A_1073 : i32
    %rem3A_1078 = arith.remsi %add3A_1072, %select_n3A_1077 : i32
    %ne3A_1079 = arith.constant 0 : i32
    %ne3A_1080 = arith.cmpi ne, %rem3A_1078, %ne3A_1079 : i32
    %lt3A_1081 = arith.constant 0 : i32
    %lt3A_1082 = arith.cmpi slt, %rem3A_1078, %lt3A_1081 : i32
    %lt3A_1083 = arith.constant 0 : i32
    %lt3A_1084 = arith.cmpi slt, %select_n3A_1077, %lt3A_1083 : i32
    %ne3A_1085 = arith.xori %lt3A_1082, %lt3A_1084 : i1
    %and3A_1086 = arith.andi %ne3A_1085, %ne3A_1080 : i1
    %add3A_1087 = arith.addi %rem3A_1078, %select_n3A_1077 : i32
    %select_n3A_1088 = arith.select %and3A_1086, %add3A_1087, %rem3A_1078 : i32
    %mul3A_1089 = arith.constant 128 : i32
    %mul3A_1090 = arith.muli %select_n3A_1088, %mul3A_1089 : i32
    %jit3A_1091 = arith.constant 16 : i32
    %div3A_1092 = arith.divsi %add3A_1072, %jit3A_1091 : i32
    %sign3A_1093 = arith.constant 0 : i32
    %sign3A_1094 = arith.cmpi sgt, %add3A_1072, %sign3A_1093 : i32
    %sign3A_1095 = arith.extui %sign3A_1094 : i1 to i32
    %sign3A_1096 = arith.constant 0 : i32
    %sign3A_1097 = arith.cmpi slt, %add3A_1072, %sign3A_1096 : i32
    %sign3A_1098 = arith.extui %sign3A_1097 : i1 to i32
    %sign3A_1099 = arith.subi %sign3A_1095, %sign3A_1098 : i32
    %sign3A_1100 = arith.constant 0 : i32
    %sign3A_1101 = arith.cmpi sgt, %jit3A_1091, %sign3A_1100 : i32
    %sign3A_1102 = arith.extui %sign3A_1101 : i1 to i32
    %sign3A_1103 = arith.constant 0 : i32
    %sign3A_1104 = arith.cmpi slt, %jit3A_1091, %sign3A_1103 : i32
    %sign3A_1105 = arith.extui %sign3A_1104 : i1 to i32
    %sign3A_1106 = arith.subi %sign3A_1102, %sign3A_1105 : i32
    %ne3A_1107 = arith.cmpi ne, %sign3A_1099, %sign3A_1106 : i32
    %rem3A_1108 = arith.remsi %add3A_1072, %jit3A_1091 : i32
    %ne3A_1109 = arith.constant 0 : i32
    %ne3A_1110 = arith.cmpi ne, %rem3A_1108, %ne3A_1109 : i32
    %and3A_1111 = arith.andi %ne3A_1107, %ne3A_1110 : i1
    %sub3A_1112 = arith.constant 1 : i32
    %sub3A_1113 = arith.subi %div3A_1092, %sub3A_1112 : i32
    %select_n3A_1114 = arith.select %and3A_1111, %sub3A_1113, %div3A_1092 : i32
    %mul3A_1115 = arith.constant 128 : i32
    %mul3A_1116 = arith.muli %select_n3A_1114, %mul3A_1115 : i32
    %dma_start3A_1117 = tpu.memref_slice %arg4[%mul3A_1090, %mul3A_1116] : memref<2048x3328xf32, #tpu.memory_space<hbm>> -> memref<128x128xf32, #tpu.memory_space<hbm>>
    %dma_start3A_1118 = tpu.memref_slice %arg4[%mul3A_1090, %mul3A_1116] : memref<2048x3328xf32, #tpu.memory_space<hbm>> -> memref<128x128xf32, #tpu.memory_space<hbm>>
    tpu.enqueue_dma source(%arg8 : memref<128x128xf32, #tpu.memory_space<vmem>>) target(%dma_start3A_1118 : memref<128x128xf32, #tpu.memory_space<hbm>>) target_semaphore(%arg16 : memref<!tpu.dma_semaphore, #tpu.memory_space<semaphore_mem>>)
    %dma_wait3A_1119 = arith.constant 0 : i32
    %dma_wait3A_1120 = arith.constant 0 : i32
    %dma_wait3A_1121 = tpu.memref_slice %arg5[%dma_wait3A_1119, %dma_wait3A_1120] : memref<16x128xi32, #tpu.memory_space<vmem>> -> memref<1x128xi32, #tpu.memory_space<vmem>>
    %dma_wait3A_1122 = tpu.memref_squeeze %dma_wait3A_1121 : memref<1x128xi32, #tpu.memory_space<vmem>> -> memref<128xi32, #tpu.memory_space<vmem>>
    %dma_wait3A_1123 = arith.constant 0 : i32
    %dma_wait3A_1124 = arith.constant 0 : i32
    %dma_wait3A_1125 = tpu.memref_slice %arg2[%dma_wait3A_1123, %dma_wait3A_1124] : memref<26000x128xf32, #tpu.memory_space<hbm>> -> memref<26000x128xf32, #tpu.memory_space<hbm>>
    tpu.wait_indirect_dma semaphore(%arg13 : memref<!tpu.dma_semaphore, #tpu.memory_space<semaphore_mem>>) src(%dma_wait3A_1125 : memref<26000x128xf32, #tpu.memory_space<hbm>>) dst(%arg9 : memref<128x128xf32, #tpu.memory_space<vmem>>)
    %add3A_1126 = arith.constant 11 : i32
    %add3A_1127 = arith.addi %mul3A_2, %add3A_1126 : i32
    %jit3A_1128 = arith.constant 16 : i32
    %eq3A_1129 = arith.constant 0 : i32
    %eq3A_1130 = arith.cmpi eq, %jit3A_1128, %eq3A_1129 : i32
    %jit3A_1131 = arith.constant 1 : i32
    %select_n3A_1132 = arith.select %eq3A_1130, %jit3A_1131, %jit3A_1128 : i32
    %rem3A_1133 = arith.remsi %add3A_1127, %select_n3A_1132 : i32
    %ne3A_1134 = arith.constant 0 : i32
    %ne3A_1135 = arith.cmpi ne, %rem3A_1133, %ne3A_1134 : i32
    %lt3A_1136 = arith.constant 0 : i32
    %lt3A_1137 = arith.cmpi slt, %rem3A_1133, %lt3A_1136 : i32
    %lt3A_1138 = arith.constant 0 : i32
    %lt3A_1139 = arith.cmpi slt, %select_n3A_1132, %lt3A_1138 : i32
    %ne3A_1140 = arith.xori %lt3A_1137, %lt3A_1139 : i1
    %and3A_1141 = arith.andi %ne3A_1140, %ne3A_1135 : i1
    %add3A_1142 = arith.addi %rem3A_1133, %select_n3A_1132 : i32
    %select_n3A_1143 = arith.select %and3A_1141, %add3A_1142, %rem3A_1133 : i32
    %mul3A_1144 = arith.constant 128 : i32
    %mul3A_1145 = arith.muli %select_n3A_1143, %mul3A_1144 : i32
    %jit3A_1146 = arith.constant 16 : i32
    %div3A_1147 = arith.divsi %add3A_1127, %jit3A_1146 : i32
    %sign3A_1148 = arith.constant 0 : i32
    %sign3A_1149 = arith.cmpi sgt, %add3A_1127, %sign3A_1148 : i32
    %sign3A_1150 = arith.extui %sign3A_1149 : i1 to i32
    %sign3A_1151 = arith.constant 0 : i32
    %sign3A_1152 = arith.cmpi slt, %add3A_1127, %sign3A_1151 : i32
    %sign3A_1153 = arith.extui %sign3A_1152 : i1 to i32
    %sign3A_1154 = arith.subi %sign3A_1150, %sign3A_1153 : i32
    %sign3A_1155 = arith.constant 0 : i32
    %sign3A_1156 = arith.cmpi sgt, %jit3A_1146, %sign3A_1155 : i32
    %sign3A_1157 = arith.extui %sign3A_1156 : i1 to i32
    %sign3A_1158 = arith.constant 0 : i32
    %sign3A_1159 = arith.cmpi slt, %jit3A_1146, %sign3A_1158 : i32
    %sign3A_1160 = arith.extui %sign3A_1159 : i1 to i32
    %sign3A_1161 = arith.subi %sign3A_1157, %sign3A_1160 : i32
    %ne3A_1162 = arith.cmpi ne, %sign3A_1154, %sign3A_1161 : i32
    %rem3A_1163 = arith.remsi %add3A_1127, %jit3A_1146 : i32
    %ne3A_1164 = arith.constant 0 : i32
    %ne3A_1165 = arith.cmpi ne, %rem3A_1163, %ne3A_1164 : i32
    %and3A_1166 = arith.andi %ne3A_1162, %ne3A_1165 : i1
    %sub3A_1167 = arith.constant 1 : i32
    %sub3A_1168 = arith.subi %div3A_1147, %sub3A_1167 : i32
    %select_n3A_1169 = arith.select %and3A_1166, %sub3A_1168, %div3A_1147 : i32
    %mul3A_1170 = arith.constant 128 : i32
    %mul3A_1171 = arith.muli %select_n3A_1169, %mul3A_1170 : i32
    %dma_start3A_1172 = tpu.memref_slice %arg4[%mul3A_1145, %mul3A_1171] : memref<2048x3328xf32, #tpu.memory_space<hbm>> -> memref<128x128xf32, #tpu.memory_space<hbm>>
    %dma_start3A_1173 = tpu.memref_slice %arg4[%mul3A_1145, %mul3A_1171] : memref<2048x3328xf32, #tpu.memory_space<hbm>> -> memref<128x128xf32, #tpu.memory_space<hbm>>
    tpu.enqueue_dma source(%arg9 : memref<128x128xf32, #tpu.memory_space<vmem>>) target(%dma_start3A_1173 : memref<128x128xf32, #tpu.memory_space<hbm>>) target_semaphore(%arg17 : memref<!tpu.dma_semaphore, #tpu.memory_space<semaphore_mem>>)
    %dma_wait3A_1174 = arith.constant 0 : i32
    %dma_wait3A_1175 = arith.constant 0 : i32
    %dma_wait3A_1176 = tpu.memref_slice %arg5[%dma_wait3A_1174, %dma_wait3A_1175] : memref<16x128xi32, #tpu.memory_space<vmem>> -> memref<1x128xi32, #tpu.memory_space<vmem>>
    %dma_wait3A_1177 = tpu.memref_squeeze %dma_wait3A_1176 : memref<1x128xi32, #tpu.memory_space<vmem>> -> memref<128xi32, #tpu.memory_space<vmem>>
    %dma_wait3A_1178 = arith.constant 0 : i32
    %dma_wait3A_1179 = arith.constant 0 : i32
    %dma_wait3A_1180 = tpu.memref_slice %arg2[%dma_wait3A_1178, %dma_wait3A_1179] : memref<26000x128xf32, #tpu.memory_space<hbm>> -> memref<26000x128xf32, #tpu.memory_space<hbm>>
    tpu.wait_indirect_dma semaphore(%arg10 : memref<!tpu.dma_semaphore, #tpu.memory_space<semaphore_mem>>) src(%dma_wait3A_1180 : memref<26000x128xf32, #tpu.memory_space<hbm>>) dst(%arg6 : memref<128x128xf32, #tpu.memory_space<vmem>>)
    %add3A_1181 = arith.constant 12 : i32
    %add3A_1182 = arith.addi %mul3A_2, %add3A_1181 : i32
    %jit3A_1183 = arith.constant 16 : i32
    %eq3A_1184 = arith.constant 0 : i32
    %eq3A_1185 = arith.cmpi eq, %jit3A_1183, %eq3A_1184 : i32
    %jit3A_1186 = arith.constant 1 : i32
    %select_n3A_1187 = arith.select %eq3A_1185, %jit3A_1186, %jit3A_1183 : i32
    %rem3A_1188 = arith.remsi %add3A_1182, %select_n3A_1187 : i32
    %ne3A_1189 = arith.constant 0 : i32
    %ne3A_1190 = arith.cmpi ne, %rem3A_1188, %ne3A_1189 : i32
    %lt3A_1191 = arith.constant 0 : i32
    %lt3A_1192 = arith.cmpi slt, %rem3A_1188, %lt3A_1191 : i32
    %lt3A_1193 = arith.constant 0 : i32
    %lt3A_1194 = arith.cmpi slt, %select_n3A_1187, %lt3A_1193 : i32
    %ne3A_1195 = arith.xori %lt3A_1192, %lt3A_1194 : i1
    %and3A_1196 = arith.andi %ne3A_1195, %ne3A_1190 : i1
    %add3A_1197 = arith.addi %rem3A_1188, %select_n3A_1187 : i32
    %select_n3A_1198 = arith.select %and3A_1196, %add3A_1197, %rem3A_1188 : i32
    %mul3A_1199 = arith.constant 128 : i32
    %mul3A_1200 = arith.muli %select_n3A_1198, %mul3A_1199 : i32
    %jit3A_1201 = arith.constant 16 : i32
    %div3A_1202 = arith.divsi %add3A_1182, %jit3A_1201 : i32
    %sign3A_1203 = arith.constant 0 : i32
    %sign3A_1204 = arith.cmpi sgt, %add3A_1182, %sign3A_1203 : i32
    %sign3A_1205 = arith.extui %sign3A_1204 : i1 to i32
    %sign3A_1206 = arith.constant 0 : i32
    %sign3A_1207 = arith.cmpi slt, %add3A_1182, %sign3A_1206 : i32
    %sign3A_1208 = arith.extui %sign3A_1207 : i1 to i32
    %sign3A_1209 = arith.subi %sign3A_1205, %sign3A_1208 : i32
    %sign3A_1210 = arith.constant 0 : i32
    %sign3A_1211 = arith.cmpi sgt, %jit3A_1201, %sign3A_1210 : i32
    %sign3A_1212 = arith.extui %sign3A_1211 : i1 to i32
    %sign3A_1213 = arith.constant 0 : i32
    %sign3A_1214 = arith.cmpi slt, %jit3A_1201, %sign3A_1213 : i32
    %sign3A_1215 = arith.extui %sign3A_1214 : i1 to i32
    %sign3A_1216 = arith.subi %sign3A_1212, %sign3A_1215 : i32
    %ne3A_1217 = arith.cmpi ne, %sign3A_1209, %sign3A_1216 : i32
    %rem3A_1218 = arith.remsi %add3A_1182, %jit3A_1201 : i32
    %ne3A_1219 = arith.constant 0 : i32
    %ne3A_1220 = arith.cmpi ne, %rem3A_1218, %ne3A_1219 : i32
    %and3A_1221 = arith.andi %ne3A_1217, %ne3A_1220 : i1
    %sub3A_1222 = arith.constant 1 : i32
    %sub3A_1223 = arith.subi %div3A_1202, %sub3A_1222 : i32
    %select_n3A_1224 = arith.select %and3A_1221, %sub3A_1223, %div3A_1202 : i32
    %mul3A_1225 = arith.constant 128 : i32
    %mul3A_1226 = arith.muli %select_n3A_1224, %mul3A_1225 : i32
    %dma_start3A_1227 = tpu.memref_slice %arg4[%mul3A_1200, %mul3A_1226] : memref<2048x3328xf32, #tpu.memory_space<hbm>> -> memref<128x128xf32, #tpu.memory_space<hbm>>
    %dma_start3A_1228 = tpu.memref_slice %arg4[%mul3A_1200, %mul3A_1226] : memref<2048x3328xf32, #tpu.memory_space<hbm>> -> memref<128x128xf32, #tpu.memory_space<hbm>>
    tpu.enqueue_dma source(%arg6 : memref<128x128xf32, #tpu.memory_space<vmem>>) target(%dma_start3A_1228 : memref<128x128xf32, #tpu.memory_space<hbm>>) target_semaphore(%arg14 : memref<!tpu.dma_semaphore, #tpu.memory_space<semaphore_mem>>)
    %add3A_1229 = arith.constant 9 : i32
    %add3A_1230 = arith.addi %mul3A_2, %add3A_1229 : i32
    %jit3A_1231 = arith.constant 16 : i32
    %eq3A_1232 = arith.constant 0 : i32
    %eq3A_1233 = arith.cmpi eq, %jit3A_1231, %eq3A_1232 : i32
    %jit3A_1234 = arith.constant 1 : i32
    %select_n3A_1235 = arith.select %eq3A_1233, %jit3A_1234, %jit3A_1231 : i32
    %rem3A_1236 = arith.remsi %add3A_1230, %select_n3A_1235 : i32
    %ne3A_1237 = arith.constant 0 : i32
    %ne3A_1238 = arith.cmpi ne, %rem3A_1236, %ne3A_1237 : i32
    %lt3A_1239 = arith.constant 0 : i32
    %lt3A_1240 = arith.cmpi slt, %rem3A_1236, %lt3A_1239 : i32
    %lt3A_1241 = arith.constant 0 : i32
    %lt3A_1242 = arith.cmpi slt, %select_n3A_1235, %lt3A_1241 : i32
    %ne3A_1243 = arith.xori %lt3A_1240, %lt3A_1242 : i1
    %and3A_1244 = arith.andi %ne3A_1243, %ne3A_1238 : i1
    %add3A_1245 = arith.addi %rem3A_1236, %select_n3A_1235 : i32
    %select_n3A_1246 = arith.select %and3A_1244, %add3A_1245, %rem3A_1236 : i32
    %mul3A_1247 = arith.constant 128 : i32
    %mul3A_1248 = arith.muli %select_n3A_1246, %mul3A_1247 : i32
    %jit3A_1249 = arith.constant 16 : i32
    %div3A_1250 = arith.divsi %add3A_1230, %jit3A_1249 : i32
    %sign3A_1251 = arith.constant 0 : i32
    %sign3A_1252 = arith.cmpi sgt, %add3A_1230, %sign3A_1251 : i32
    %sign3A_1253 = arith.extui %sign3A_1252 : i1 to i32
    %sign3A_1254 = arith.constant 0 : i32
    %sign3A_1255 = arith.cmpi slt, %add3A_1230, %sign3A_1254 : i32
    %sign3A_1256 = arith.extui %sign3A_1255 : i1 to i32
    %sign3A_1257 = arith.subi %sign3A_1253, %sign3A_1256 : i32
    %sign3A_1258 = arith.constant 0 : i32
    %sign3A_1259 = arith.cmpi sgt, %jit3A_1249, %sign3A_1258 : i32
    %sign3A_1260 = arith.extui %sign3A_1259 : i1 to i32
    %sign3A_1261 = arith.constant 0 : i32
    %sign3A_1262 = arith.cmpi slt, %jit3A_1249, %sign3A_1261 : i32
    %sign3A_1263 = arith.extui %sign3A_1262 : i1 to i32
    %sign3A_1264 = arith.subi %sign3A_1260, %sign3A_1263 : i32
    %ne3A_1265 = arith.cmpi ne, %sign3A_1257, %sign3A_1264 : i32
    %rem3A_1266 = arith.remsi %add3A_1230, %jit3A_1249 : i32
    %ne3A_1267 = arith.constant 0 : i32
    %ne3A_1268 = arith.cmpi ne, %rem3A_1266, %ne3A_1267 : i32
    %and3A_1269 = arith.andi %ne3A_1265, %ne3A_1268 : i1
    %sub3A_1270 = arith.constant 1 : i32
    %sub3A_1271 = arith.subi %div3A_1250, %sub3A_1270 : i32
    %select_n3A_1272 = arith.select %and3A_1269, %sub3A_1271, %div3A_1250 : i32
    %mul3A_1273 = arith.constant 128 : i32
    %mul3A_1274 = arith.muli %select_n3A_1272, %mul3A_1273 : i32
    %dma_wait3A_1275 = tpu.memref_slice %arg4[%mul3A_1248, %mul3A_1274] : memref<2048x3328xf32, #tpu.memory_space<hbm>> -> memref<128x128xf32, #tpu.memory_space<hbm>>
    %dma_wait3A_1276 = tpu.memref_slice %arg4[%mul3A_1248, %mul3A_1274] : memref<2048x3328xf32, #tpu.memory_space<hbm>> -> memref<128x128xf32, #tpu.memory_space<hbm>>
    tpu.wait_dma2 semaphore(%arg15 : memref<!tpu.dma_semaphore, #tpu.memory_space<semaphore_mem>>) src(%arg7 : memref<128x128xf32, #tpu.memory_space<vmem>>) dst(%dma_wait3A_1276 : memref<128x128xf32, #tpu.memory_space<hbm>>)
    %add3A_1277 = arith.constant 10 : i32
    %add3A_1278 = arith.addi %mul3A_2, %add3A_1277 : i32
    %jit3A_1279 = arith.constant 16 : i32
    %eq3A_1280 = arith.constant 0 : i32
    %eq3A_1281 = arith.cmpi eq, %jit3A_1279, %eq3A_1280 : i32
    %jit3A_1282 = arith.constant 1 : i32
    %select_n3A_1283 = arith.select %eq3A_1281, %jit3A_1282, %jit3A_1279 : i32
    %rem3A_1284 = arith.remsi %add3A_1278, %select_n3A_1283 : i32
    %ne3A_1285 = arith.constant 0 : i32
    %ne3A_1286 = arith.cmpi ne, %rem3A_1284, %ne3A_1285 : i32
    %lt3A_1287 = arith.constant 0 : i32
    %lt3A_1288 = arith.cmpi slt, %rem3A_1284, %lt3A_1287 : i32
    %lt3A_1289 = arith.constant 0 : i32
    %lt3A_1290 = arith.cmpi slt, %select_n3A_1283, %lt3A_1289 : i32
    %ne3A_1291 = arith.xori %lt3A_1288, %lt3A_1290 : i1
    %and3A_1292 = arith.andi %ne3A_1291, %ne3A_1286 : i1
    %add3A_1293 = arith.addi %rem3A_1284, %select_n3A_1283 : i32
    %select_n3A_1294 = arith.select %and3A_1292, %add3A_1293, %rem3A_1284 : i32
    %mul3A_1295 = arith.constant 128 : i32
    %mul3A_1296 = arith.muli %select_n3A_1294, %mul3A_1295 : i32
    %jit3A_1297 = arith.constant 16 : i32
    %div3A_1298 = arith.divsi %add3A_1278, %jit3A_1297 : i32
    %sign3A_1299 = arith.constant 0 : i32
    %sign3A_1300 = arith.cmpi sgt, %add3A_1278, %sign3A_1299 : i32
    %sign3A_1301 = arith.extui %sign3A_1300 : i1 to i32
    %sign3A_1302 = arith.constant 0 : i32
    %sign3A_1303 = arith.cmpi slt, %add3A_1278, %sign3A_1302 : i32
    %sign3A_1304 = arith.extui %sign3A_1303 : i1 to i32
    %sign3A_1305 = arith.subi %sign3A_1301, %sign3A_1304 : i32
    %sign3A_1306 = arith.constant 0 : i32
    %sign3A_1307 = arith.cmpi sgt, %jit3A_1297, %sign3A_1306 : i32
    %sign3A_1308 = arith.extui %sign3A_1307 : i1 to i32
    %sign3A_1309 = arith.constant 0 : i32
    %sign3A_1310 = arith.cmpi slt, %jit3A_1297, %sign3A_1309 : i32
    %sign3A_1311 = arith.extui %sign3A_1310 : i1 to i32
    %sign3A_1312 = arith.subi %sign3A_1308, %sign3A_1311 : i32
    %ne3A_1313 = arith.cmpi ne, %sign3A_1305, %sign3A_1312 : i32
    %rem3A_1314 = arith.remsi %add3A_1278, %jit3A_1297 : i32
    %ne3A_1315 = arith.constant 0 : i32
    %ne3A_1316 = arith.cmpi ne, %rem3A_1314, %ne3A_1315 : i32
    %and3A_1317 = arith.andi %ne3A_1313, %ne3A_1316 : i1
    %sub3A_1318 = arith.constant 1 : i32
    %sub3A_1319 = arith.subi %div3A_1298, %sub3A_1318 : i32
    %select_n3A_1320 = arith.select %and3A_1317, %sub3A_1319, %div3A_1298 : i32
    %mul3A_1321 = arith.constant 128 : i32
    %mul3A_1322 = arith.muli %select_n3A_1320, %mul3A_1321 : i32
    %dma_wait3A_1323 = tpu.memref_slice %arg4[%mul3A_1296, %mul3A_1322] : memref<2048x3328xf32, #tpu.memory_space<hbm>> -> memref<128x128xf32, #tpu.memory_space<hbm>>
    %dma_wait3A_1324 = tpu.memref_slice %arg4[%mul3A_1296, %mul3A_1322] : memref<2048x3328xf32, #tpu.memory_space<hbm>> -> memref<128x128xf32, #tpu.memory_space<hbm>>
    tpu.wait_dma2 semaphore(%arg16 : memref<!tpu.dma_semaphore, #tpu.memory_space<semaphore_mem>>) src(%arg8 : memref<128x128xf32, #tpu.memory_space<vmem>>) dst(%dma_wait3A_1324 : memref<128x128xf32, #tpu.memory_space<hbm>>)
    %add3A_1325 = arith.constant 11 : i32
    %add3A_1326 = arith.addi %mul3A_2, %add3A_1325 : i32
    %jit3A_1327 = arith.constant 16 : i32
    %eq3A_1328 = arith.constant 0 : i32
    %eq3A_1329 = arith.cmpi eq, %jit3A_1327, %eq3A_1328 : i32
    %jit3A_1330 = arith.constant 1 : i32
    %select_n3A_1331 = arith.select %eq3A_1329, %jit3A_1330, %jit3A_1327 : i32
    %rem3A_1332 = arith.remsi %add3A_1326, %select_n3A_1331 : i32
    %ne3A_1333 = arith.constant 0 : i32
    %ne3A_1334 = arith.cmpi ne, %rem3A_1332, %ne3A_1333 : i32
    %lt3A_1335 = arith.constant 0 : i32
    %lt3A_1336 = arith.cmpi slt, %rem3A_1332, %lt3A_1335 : i32
    %lt3A_1337 = arith.constant 0 : i32
    %lt3A_1338 = arith.cmpi slt, %select_n3A_1331, %lt3A_1337 : i32
    %ne3A_1339 = arith.xori %lt3A_1336, %lt3A_1338 : i1
    %and3A_1340 = arith.andi %ne3A_1339, %ne3A_1334 : i1
    %add3A_1341 = arith.addi %rem3A_1332, %select_n3A_1331 : i32
    %select_n3A_1342 = arith.select %and3A_1340, %add3A_1341, %rem3A_1332 : i32
    %mul3A_1343 = arith.constant 128 : i32
    %mul3A_1344 = arith.muli %select_n3A_1342, %mul3A_1343 : i32
    %jit3A_1345 = arith.constant 16 : i32
    %div3A_1346 = arith.divsi %add3A_1326, %jit3A_1345 : i32
    %sign3A_1347 = arith.constant 0 : i32
    %sign3A_1348 = arith.cmpi sgt, %add3A_1326, %sign3A_1347 : i32
    %sign3A_1349 = arith.extui %sign3A_1348 : i1 to i32
    %sign3A_1350 = arith.constant 0 : i32
    %sign3A_1351 = arith.cmpi slt, %add3A_1326, %sign3A_1350 : i32
    %sign3A_1352 = arith.extui %sign3A_1351 : i1 to i32
    %sign3A_1353 = arith.subi %sign3A_1349, %sign3A_1352 : i32
    %sign3A_1354 = arith.constant 0 : i32
    %sign3A_1355 = arith.cmpi sgt, %jit3A_1345, %sign3A_1354 : i32
    %sign3A_1356 = arith.extui %sign3A_1355 : i1 to i32
    %sign3A_1357 = arith.constant 0 : i32
    %sign3A_1358 = arith.cmpi slt, %jit3A_1345, %sign3A_1357 : i32
    %sign3A_1359 = arith.extui %sign3A_1358 : i1 to i32
    %sign3A_1360 = arith.subi %sign3A_1356, %sign3A_1359 : i32
    %ne3A_1361 = arith.cmpi ne, %sign3A_1353, %sign3A_1360 : i32
    %rem3A_1362 = arith.remsi %add3A_1326, %jit3A_1345 : i32
    %ne3A_1363 = arith.constant 0 : i32
    %ne3A_1364 = arith.cmpi ne, %rem3A_1362, %ne3A_1363 : i32
    %and3A_1365 = arith.andi %ne3A_1361, %ne3A_1364 : i1
    %sub3A_1366 = arith.constant 1 : i32
    %sub3A_1367 = arith.subi %div3A_1346, %sub3A_1366 : i32
    %select_n3A_1368 = arith.select %and3A_1365, %sub3A_1367, %div3A_1346 : i32
    %mul3A_1369 = arith.constant 128 : i32
    %mul3A_1370 = arith.muli %select_n3A_1368, %mul3A_1369 : i32
    %dma_wait3A_1371 = tpu.memref_slice %arg4[%mul3A_1344, %mul3A_1370] : memref<2048x3328xf32, #tpu.memory_space<hbm>> -> memref<128x128xf32, #tpu.memory_space<hbm>>
    %dma_wait3A_1372 = tpu.memref_slice %arg4[%mul3A_1344, %mul3A_1370] : memref<2048x3328xf32, #tpu.memory_space<hbm>> -> memref<128x128xf32, #tpu.memory_space<hbm>>
    tpu.wait_dma2 semaphore(%arg17 : memref<!tpu.dma_semaphore, #tpu.memory_space<semaphore_mem>>) src(%arg9 : memref<128x128xf32, #tpu.memory_space<vmem>>) dst(%dma_wait3A_1372 : memref<128x128xf32, #tpu.memory_space<hbm>>)
    %add3A_1373 = arith.constant 12 : i32
    %add3A_1374 = arith.addi %mul3A_2, %add3A_1373 : i32
    %jit3A_1375 = arith.constant 16 : i32
    %eq3A_1376 = arith.constant 0 : i32
    %eq3A_1377 = arith.cmpi eq, %jit3A_1375, %eq3A_1376 : i32
    %jit3A_1378 = arith.constant 1 : i32
    %select_n3A_1379 = arith.select %eq3A_1377, %jit3A_1378, %jit3A_1375 : i32
    %rem3A_1380 = arith.remsi %add3A_1374, %select_n3A_1379 : i32
    %ne3A_1381 = arith.constant 0 : i32
    %ne3A_1382 = arith.cmpi ne, %rem3A_1380, %ne3A_1381 : i32
    %lt3A_1383 = arith.constant 0 : i32
    %lt3A_1384 = arith.cmpi slt, %rem3A_1380, %lt3A_1383 : i32
    %lt3A_1385 = arith.constant 0 : i32
    %lt3A_1386 = arith.cmpi slt, %select_n3A_1379, %lt3A_1385 : i32
    %ne3A_1387 = arith.xori %lt3A_1384, %lt3A_1386 : i1
    %and3A_1388 = arith.andi %ne3A_1387, %ne3A_1382 : i1
    %add3A_1389 = arith.addi %rem3A_1380, %select_n3A_1379 : i32
    %select_n3A_1390 = arith.select %and3A_1388, %add3A_1389, %rem3A_1380 : i32
    %mul3A_1391 = arith.constant 128 : i32
    %mul3A_1392 = arith.muli %select_n3A_1390, %mul3A_1391 : i32
    %jit3A_1393 = arith.constant 16 : i32
    %div3A_1394 = arith.divsi %add3A_1374, %jit3A_1393 : i32
    %sign3A_1395 = arith.constant 0 : i32
    %sign3A_1396 = arith.cmpi sgt, %add3A_1374, %sign3A_1395 : i32
    %sign3A_1397 = arith.extui %sign3A_1396 : i1 to i32
    %sign3A_1398 = arith.constant 0 : i32
    %sign3A_1399 = arith.cmpi slt, %add3A_1374, %sign3A_1398 : i32
    %sign3A_1400 = arith.extui %sign3A_1399 : i1 to i32
    %sign3A_1401 = arith.subi %sign3A_1397, %sign3A_1400 : i32
    %sign3A_1402 = arith.constant 0 : i32
    %sign3A_1403 = arith.cmpi sgt, %jit3A_1393, %sign3A_1402 : i32
    %sign3A_1404 = arith.extui %sign3A_1403 : i1 to i32
    %sign3A_1405 = arith.constant 0 : i32
    %sign3A_1406 = arith.cmpi slt, %jit3A_1393, %sign3A_1405 : i32
    %sign3A_1407 = arith.extui %sign3A_1406 : i1 to i32
    %sign3A_1408 = arith.subi %sign3A_1404, %sign3A_1407 : i32
    %ne3A_1409 = arith.cmpi ne, %sign3A_1401, %sign3A_1408 : i32
    %rem3A_1410 = arith.remsi %add3A_1374, %jit3A_1393 : i32
    %ne3A_1411 = arith.constant 0 : i32
    %ne3A_1412 = arith.cmpi ne, %rem3A_1410, %ne3A_1411 : i32
    %and3A_1413 = arith.andi %ne3A_1409, %ne3A_1412 : i1
    %sub3A_1414 = arith.constant 1 : i32
    %sub3A_1415 = arith.subi %div3A_1394, %sub3A_1414 : i32
    %select_n3A_1416 = arith.select %and3A_1413, %sub3A_1415, %div3A_1394 : i32
    %mul3A_1417 = arith.constant 128 : i32
    %mul3A_1418 = arith.muli %select_n3A_1416, %mul3A_1417 : i32
    %dma_wait3A_1419 = tpu.memref_slice %arg4[%mul3A_1392, %mul3A_1418] : memref<2048x3328xf32, #tpu.memory_space<hbm>> -> memref<128x128xf32, #tpu.memory_space<hbm>>
    %dma_wait3A_1420 = tpu.memref_slice %arg4[%mul3A_1392, %mul3A_1418] : memref<2048x3328xf32, #tpu.memory_space<hbm>> -> memref<128x128xf32, #tpu.memory_space<hbm>>
    tpu.wait_dma2 semaphore(%arg14 : memref<!tpu.dma_semaphore, #tpu.memory_space<semaphore_mem>>) src(%arg6 : memref<128x128xf32, #tpu.memory_space<vmem>>) dst(%dma_wait3A_1420 : memref<128x128xf32, #tpu.memory_space<hbm>>)
    return
  }
}

#map = affine_map<(d0, d1) -> (0, 0)>
#map1 = affine_map<(d0, d1) -> (0, 0, 0)>
module attributes {stable_mosaic.version = 14 : i64} {
  func.func @_sc_gather_ring_body(%arg0: i32, %arg1: i32, %arg2: memref<26000x128xf32, #tpu.memory_space<hbm>>, %arg3: memref<32x16x128xi32, #tpu.memory_space<hbm>>, %arg4: memref<2048x3328xf32, #tpu.memory_space<hbm>>, %arg5: memref<16x128xi32, #tpu.memory_space<vmem>>, %arg6: memref<128x128xf32, #tpu.memory_space<vmem>>, %arg7: memref<128x128xf32, #tpu.memory_space<vmem>>, %arg8: memref<128x128xf32, #tpu.memory_space<vmem>>, %arg9: memref<128x128xf32, #tpu.memory_space<vmem>>, %arg10: memref<!tpu.dma_semaphore, #tpu.memory_space<semaphore_mem>>, %arg11: memref<!tpu.dma_semaphore, #tpu.memory_space<semaphore_mem>>, %arg12: memref<!tpu.dma_semaphore, #tpu.memory_space<semaphore_mem>>, %arg13: memref<!tpu.dma_semaphore, #tpu.memory_space<semaphore_mem>>, %arg14: memref<!tpu.dma_semaphore, #tpu.memory_space<semaphore_mem>>, %arg15: memref<!tpu.dma_semaphore, #tpu.memory_space<semaphore_mem>>, %arg16: memref<!tpu.dma_semaphore, #tpu.memory_space<semaphore_mem>>, %arg17: memref<!tpu.dma_semaphore, #tpu.memory_space<semaphore_mem>>) attributes {dimension_semantics = [#tpu.dimension_semantics<core_parallel>, #tpu.dimension_semantics<subcore_parallel>], iteration_bounds = array<i64: 2, 16>, scalar_prefetch = 0 : i64, scratch_operands = 13 : i64, tpu.core_type = #tpu.core_type<sc_vector_subcore>, window_params = [{transform_indices = #map}, {transform_indices = #map1}, {transform_indices = #map}]} {
    %mul3A = arith.constant 2 : i32
    %mul3A_0 = arith.muli %arg1, %mul3A : i32
    %add3A = arith.addi %mul3A_0, %arg0 : i32
    "tpu.region"() ({
      %run_scoped3A = tpu.sem_alloc : memref<!tpu.dma_semaphore, #tpu.memory_space<semaphore_mem>>
      %dma_start3A_1421 = arith.constant 0 : i32
      %dma_start3A_1422 = arith.constant 0 : i32
      %dma_start3A_1423 = tpu.memref_slice %arg3[%add3A, %dma_start3A_1421, %dma_start3A_1422] : memref<32x16x128xi32, #tpu.memory_space<hbm>> -> memref<1x16x128xi32, #tpu.memory_space<hbm>>
      %dma_start3A_1424 = tpu.memref_squeeze %dma_start3A_1423 : memref<1x16x128xi32, #tpu.memory_space<hbm>> -> memref<16x128xi32, #tpu.memory_space<hbm>>
      %dma_start3A_1425 = arith.constant 0 : i32
      %dma_start3A_1426 = arith.constant 0 : i32
      %dma_start3A_1427 = tpu.memref_slice %arg3[%add3A, %dma_start3A_1425, %dma_start3A_1426] : memref<32x16x128xi32, #tpu.memory_space<hbm>> -> memref<1x16x128xi32, #tpu.memory_space<hbm>>
      %dma_start3A_1428 = tpu.memref_squeeze %dma_start3A_1427 : memref<1x16x128xi32, #tpu.memory_space<hbm>> -> memref<16x128xi32, #tpu.memory_space<hbm>>
      tpu.enqueue_dma source(%dma_start3A_1428 : memref<16x128xi32, #tpu.memory_space<hbm>>) target(%arg5 : memref<16x128xi32, #tpu.memory_space<vmem>>) target_semaphore(%run_scoped3A : memref<!tpu.dma_semaphore, #tpu.memory_space<semaphore_mem>>)
      %dma_wait3A_1429 = arith.constant 0 : i32
      %dma_wait3A_1430 = arith.constant 0 : i32
      %dma_wait3A_1431 = tpu.memref_slice %arg3[%add3A, %dma_wait3A_1429, %dma_wait3A_1430] : memref<32x16x128xi32, #tpu.memory_space<hbm>> -> memref<1x16x128xi32, #tpu.memory_space<hbm>>
      %dma_wait3A_1432 = tpu.memref_squeeze %dma_wait3A_1431 : memref<1x16x128xi32, #tpu.memory_space<hbm>> -> memref<16x128xi32, #tpu.memory_space<hbm>>
      %dma_wait3A_1433 = arith.constant 0 : i32
      %dma_wait3A_1434 = arith.constant 0 : i32
      %dma_wait3A_1435 = tpu.memref_slice %arg3[%add3A, %dma_wait3A_1433, %dma_wait3A_1434] : memref<32x16x128xi32, #tpu.memory_space<hbm>> -> memref<1x16x128xi32, #tpu.memory_space<hbm>>
      %dma_wait3A_1436 = tpu.memref_squeeze %dma_wait3A_1435 : memref<1x16x128xi32, #tpu.memory_space<hbm>> -> memref<16x128xi32, #tpu.memory_space<hbm>>
      tpu.wait_dma2 semaphore(%run_scoped3A : memref<!tpu.dma_semaphore, #tpu.memory_space<semaphore_mem>>) src(%dma_wait3A_1436 : memref<16x128xi32, #tpu.memory_space<hbm>>) dst(%arg5 : memref<16x128xi32, #tpu.memory_space<vmem>>)
      tpu.yield
    }) : () -> ()
    %mul3A_1 = arith.constant 13 : i32
    %mul3A_2 = arith.muli %add3A, %mul3A_1 : i32
    %dma_start3A = arith.constant 0 : i32
    %dma_start3A_3 = arith.constant 0 : i32
    %dma_start3A_4 = tpu.memref_slice %arg5[%dma_start3A, %dma_start3A_3] : memref<16x128xi32, #tpu.memory_space<vmem>> -> memref<1x128xi32, #tpu.memory_space<vmem>>
    %dma_start3A_5 = tpu.memref_squeeze %dma_start3A_4 : memref<1x128xi32, #tpu.memory_space<vmem>> -> memref<128xi32, #tpu.memory_space<vmem>>
    %dma_start3A_6 = arith.constant 0 : i32
    %dma_start3A_7 = arith.constant 0 : i32
    %dma_start3A_8 = tpu.memref_slice %arg2[%dma_start3A_6, %dma_start3A_7] : memref<26000x128xf32, #tpu.memory_space<hbm>> -> memref<26000x128xf32, #tpu.memory_space<hbm>>
    tpu.enqueue_indirect_dma source(%dma_start3A_8 : memref<26000x128xf32, #tpu.memory_space<hbm>>) target(%arg6 : memref<128x128xf32, #tpu.memory_space<vmem>>) offsets(%dma_start3A_5 : memref<128xi32, #tpu.memory_space<vmem>>) semaphore(%arg10 : memref<!tpu.dma_semaphore, #tpu.memory_space<semaphore_mem>>)
    %dma_start3A_9 = arith.constant 1 : i32
    %dma_start3A_10 = arith.constant 0 : i32
    %dma_start3A_11 = tpu.memref_slice %arg5[%dma_start3A_9, %dma_start3A_10] : memref<16x128xi32, #tpu.memory_space<vmem>> -> memref<1x128xi32, #tpu.memory_space<vmem>>
    %dma_start3A_12 = tpu.memref_squeeze %dma_start3A_11 : memref<1x128xi32, #tpu.memory_space<vmem>> -> memref<128xi32, #tpu.memory_space<vmem>>
    %dma_start3A_13 = arith.constant 0 : i32
    %dma_start3A_14 = arith.constant 0 : i32
    %dma_start3A_15 = tpu.memref_slice %arg2[%dma_start3A_13, %dma_start3A_14] : memref<26000x128xf32, #tpu.memory_space<hbm>> -> memref<26000x128xf32, #tpu.memory_space<hbm>>
    tpu.enqueue_indirect_dma source(%dma_start3A_15 : memref<26000x128xf32, #tpu.memory_space<hbm>>) target(%arg7 : memref<128x128xf32, #tpu.memory_space<vmem>>) offsets(%dma_start3A_12 : memref<128xi32, #tpu.memory_space<vmem>>) semaphore(%arg11 : memref<!tpu.dma_semaphore, #tpu.memory_space<semaphore_mem>>)
    %dma_start3A_16 = arith.constant 2 : i32
    %dma_start3A_17 = arith.constant 0 : i32
    %dma_start3A_18 = tpu.memref_slice %arg5[%dma_start3A_16, %dma_start3A_17] : memref<16x128xi32, #tpu.memory_space<vmem>> -> memref<1x128xi32, #tpu.memory_space<vmem>>
    %dma_start3A_19 = tpu.memref_squeeze %dma_start3A_18 : memref<1x128xi32, #tpu.memory_space<vmem>> -> memref<128xi32, #tpu.memory_space<vmem>>
    %dma_start3A_20 = arith.constant 0 : i32
    %dma_start3A_21 = arith.constant 0 : i32
    %dma_start3A_22 = tpu.memref_slice %arg2[%dma_start3A_20, %dma_start3A_21] : memref<26000x128xf32, #tpu.memory_space<hbm>> -> memref<26000x128xf32, #tpu.memory_space<hbm>>
    tpu.enqueue_indirect_dma source(%dma_start3A_22 : memref<26000x128xf32, #tpu.memory_space<hbm>>) target(%arg8 : memref<128x128xf32, #tpu.memory_space<vmem>>) offsets(%dma_start3A_19 : memref<128xi32, #tpu.memory_space<vmem>>) semaphore(%arg12 : memref<!tpu.dma_semaphore, #tpu.memory_space<semaphore_mem>>)
    %dma_start3A_23 = arith.constant 3 : i32
    %dma_start3A_24 = arith.constant 0 : i32
    %dma_start3A_25 = tpu.memref_slice %arg5[%dma_start3A_23, %dma_start3A_24] : memref<16x128xi32, #tpu.memory_space<vmem>> -> memref<1x128xi32, #tpu.memory_space<vmem>>
    %dma_start3A_26 = tpu.memref_squeeze %dma_start3A_25 : memref<1x128xi32, #tpu.memory_space<vmem>> -> memref<128xi32, #tpu.memory_space<vmem>>
    %dma_start3A_27 = arith.constant 0 : i32
    %dma_start3A_28 = arith.constant 0 : i32
    %dma_start3A_29 = tpu.memref_slice %arg2[%dma_start3A_27, %dma_start3A_28] : memref<26000x128xf32, #tpu.memory_space<hbm>> -> memref<26000x128xf32, #tpu.memory_space<hbm>>
    tpu.enqueue_indirect_dma source(%dma_start3A_29 : memref<26000x128xf32, #tpu.memory_space<hbm>>) target(%arg9 : memref<128x128xf32, #tpu.memory_space<vmem>>) offsets(%dma_start3A_26 : memref<128xi32, #tpu.memory_space<vmem>>) semaphore(%arg13 : memref<!tpu.dma_semaphore, #tpu.memory_space<semaphore_mem>>)
    %dma_wait3A = arith.constant 0 : i32
    %dma_wait3A_30 = arith.constant 0 : i32
    %dma_wait3A_31 = tpu.memref_slice %arg5[%dma_wait3A, %dma_wait3A_30] : memref<16x128xi32, #tpu.memory_space<vmem>> -> memref<1x128xi32, #tpu.memory_space<vmem>>
    %dma_wait3A_32 = tpu.memref_squeeze %dma_wait3A_31 : memref<1x128xi32, #tpu.memory_space<vmem>> -> memref<128xi32, #tpu.memory_space<vmem>>
    %dma_wait3A_33 = arith.constant 0 : i32
    %dma_wait3A_34 = arith.constant 0 : i32
    %dma_wait3A_35 = tpu.memref_slice %arg2[%dma_wait3A_33, %dma_wait3A_34] : memref<26000x128xf32, #tpu.memory_space<hbm>> -> memref<26000x128xf32, #tpu.memory_space<hbm>>
    tpu.wait_indirect_dma semaphore(%arg10 : memref<!tpu.dma_semaphore, #tpu.memory_space<semaphore_mem>>) src(%dma_wait3A_35 : memref<26000x128xf32, #tpu.memory_space<hbm>>) dst(%arg6 : memref<128x128xf32, #tpu.memory_space<vmem>>)
    %add3A_36 = arith.constant 0 : i32
    %add3A_37 = arith.addi %mul3A_2, %add3A_36 : i32
    %jit3A = arith.constant 16 : i32
    %eq3A = arith.constant 0 : i32
    %eq3A_38 = arith.cmpi eq, %jit3A, %eq3A : i32
    %jit3A_39 = arith.constant 1 : i32
    %select_n3A = arith.select %eq3A_38, %jit3A_39, %jit3A : i32
    %rem3A = arith.remsi %add3A_37, %select_n3A : i32
    %ne3A = arith.constant 0 : i32
    %ne3A_40 = arith.cmpi ne, %rem3A, %ne3A : i32
    %lt3A = arith.constant 0 : i32
    %lt3A_41 = arith.cmpi slt, %rem3A, %lt3A : i32
    %lt3A_42 = arith.constant 0 : i32
    %lt3A_43 = arith.cmpi slt, %select_n3A, %lt3A_42 : i32
    %ne3A_44 = arith.xori %lt3A_41, %lt3A_43 : i1
    %and3A = arith.andi %ne3A_44, %ne3A_40 : i1
    %add3A_45 = arith.addi %rem3A, %select_n3A : i32
    %select_n3A_46 = arith.select %and3A, %add3A_45, %rem3A : i32
    %mul3A_47 = arith.constant 128 : i32
    %mul3A_48 = arith.muli %select_n3A_46, %mul3A_47 : i32
    %jit3A_49 = arith.constant 16 : i32
    %div3A = arith.divsi %add3A_37, %jit3A_49 : i32
    %sign3A = arith.constant 0 : i32
    %sign3A_50 = arith.cmpi sgt, %add3A_37, %sign3A : i32
    %sign3A_51 = arith.extui %sign3A_50 : i1 to i32
    %sign3A_52 = arith.constant 0 : i32
    %sign3A_53 = arith.cmpi slt, %add3A_37, %sign3A_52 : i32
    %sign3A_54 = arith.extui %sign3A_53 : i1 to i32
    %sign3A_55 = arith.subi %sign3A_51, %sign3A_54 : i32
    %sign3A_56 = arith.constant 0 : i32
    %sign3A_57 = arith.cmpi sgt, %jit3A_49, %sign3A_56 : i32
    %sign3A_58 = arith.extui %sign3A_57 : i1 to i32
    %sign3A_59 = arith.constant 0 : i32
    %sign3A_60 = arith.cmpi slt, %jit3A_49, %sign3A_59 : i32
    %sign3A_61 = arith.extui %sign3A_60 : i1 to i32
    %sign3A_62 = arith.subi %sign3A_58, %sign3A_61 : i32
    %ne3A_63 = arith.cmpi ne, %sign3A_55, %sign3A_62 : i32
    %rem3A_64 = arith.remsi %add3A_37, %jit3A_49 : i32
    %ne3A_65 = arith.constant 0 : i32
    %ne3A_66 = arith.cmpi ne, %rem3A_64, %ne3A_65 : i32
    %and3A_67 = arith.andi %ne3A_63, %ne3A_66 : i1
    %sub3A = arith.constant 1 : i32
    %sub3A_68 = arith.subi %div3A, %sub3A : i32
    %select_n3A_69 = arith.select %and3A_67, %sub3A_68, %div3A : i32
    %mul3A_70 = arith.constant 128 : i32
    %mul3A_71 = arith.muli %select_n3A_69, %mul3A_70 : i32
    %dma_start3A_72 = tpu.memref_slice %arg4[%mul3A_48, %mul3A_71] : memref<2048x3328xf32, #tpu.memory_space<hbm>> -> memref<128x128xf32, #tpu.memory_space<hbm>>
    %dma_start3A_73 = tpu.memref_slice %arg4[%mul3A_48, %mul3A_71] : memref<2048x3328xf32, #tpu.memory_space<hbm>> -> memref<128x128xf32, #tpu.memory_space<hbm>>
    tpu.enqueue_dma source(%arg6 : memref<128x128xf32, #tpu.memory_space<vmem>>) target(%dma_start3A_73 : memref<128x128xf32, #tpu.memory_space<hbm>>) target_semaphore(%arg14 : memref<!tpu.dma_semaphore, #tpu.memory_space<semaphore_mem>>)
    %dma_wait3A_74 = arith.constant 0 : i32
    %dma_wait3A_75 = arith.constant 0 : i32
    %dma_wait3A_76 = tpu.memref_slice %arg5[%dma_wait3A_74, %dma_wait3A_75] : memref<16x128xi32, #tpu.memory_space<vmem>> -> memref<1x128xi32, #tpu.memory_space<vmem>>
    %dma_wait3A_77 = tpu.memref_squeeze %dma_wait3A_76 : memref<1x128xi32, #tpu.memory_space<vmem>> -> memref<128xi32, #tpu.memory_space<vmem>>
    %dma_wait3A_78 = arith.constant 0 : i32
    %dma_wait3A_79 = arith.constant 0 : i32
    %dma_wait3A_80 = tpu.memref_slice %arg2[%dma_wait3A_78, %dma_wait3A_79] : memref<26000x128xf32, #tpu.memory_space<hbm>> -> memref<26000x128xf32, #tpu.memory_space<hbm>>
    tpu.wait_indirect_dma semaphore(%arg11 : memref<!tpu.dma_semaphore, #tpu.memory_space<semaphore_mem>>) src(%dma_wait3A_80 : memref<26000x128xf32, #tpu.memory_space<hbm>>) dst(%arg7 : memref<128x128xf32, #tpu.memory_space<vmem>>)
    %add3A_81 = arith.constant 1 : i32
    %add3A_82 = arith.addi %mul3A_2, %add3A_81 : i32
    %jit3A_83 = arith.constant 16 : i32
    %eq3A_84 = arith.constant 0 : i32
    %eq3A_85 = arith.cmpi eq, %jit3A_83, %eq3A_84 : i32
    %jit3A_86 = arith.constant 1 : i32
    %select_n3A_87 = arith.select %eq3A_85, %jit3A_86, %jit3A_83 : i32
    %rem3A_88 = arith.remsi %add3A_82, %select_n3A_87 : i32
    %ne3A_89 = arith.constant 0 : i32
    %ne3A_90 = arith.cmpi ne, %rem3A_88, %ne3A_89 : i32
    %lt3A_91 = arith.constant 0 : i32
    %lt3A_92 = arith.cmpi slt, %rem3A_88, %lt3A_91 : i32
    %lt3A_93 = arith.constant 0 : i32
    %lt3A_94 = arith.cmpi slt, %select_n3A_87, %lt3A_93 : i32
    %ne3A_95 = arith.xori %lt3A_92, %lt3A_94 : i1
    %and3A_96 = arith.andi %ne3A_95, %ne3A_90 : i1
    %add3A_97 = arith.addi %rem3A_88, %select_n3A_87 : i32
    %select_n3A_98 = arith.select %and3A_96, %add3A_97, %rem3A_88 : i32
    %mul3A_99 = arith.constant 128 : i32
    %mul3A_100 = arith.muli %select_n3A_98, %mul3A_99 : i32
    %jit3A_101 = arith.constant 16 : i32
    %div3A_102 = arith.divsi %add3A_82, %jit3A_101 : i32
    %sign3A_103 = arith.constant 0 : i32
    %sign3A_104 = arith.cmpi sgt, %add3A_82, %sign3A_103 : i32
    %sign3A_105 = arith.extui %sign3A_104 : i1 to i32
    %sign3A_106 = arith.constant 0 : i32
    %sign3A_107 = arith.cmpi slt, %add3A_82, %sign3A_106 : i32
    %sign3A_108 = arith.extui %sign3A_107 : i1 to i32
    %sign3A_109 = arith.subi %sign3A_105, %sign3A_108 : i32
    %sign3A_110 = arith.constant 0 : i32
    %sign3A_111 = arith.cmpi sgt, %jit3A_101, %sign3A_110 : i32
    %sign3A_112 = arith.extui %sign3A_111 : i1 to i32
    %sign3A_113 = arith.constant 0 : i32
    %sign3A_114 = arith.cmpi slt, %jit3A_101, %sign3A_113 : i32
    %sign3A_115 = arith.extui %sign3A_114 : i1 to i32
    %sign3A_116 = arith.subi %sign3A_112, %sign3A_115 : i32
    %ne3A_117 = arith.cmpi ne, %sign3A_109, %sign3A_116 : i32
    %rem3A_118 = arith.remsi %add3A_82, %jit3A_101 : i32
    %ne3A_119 = arith.constant 0 : i32
    %ne3A_120 = arith.cmpi ne, %rem3A_118, %ne3A_119 : i32
    %and3A_121 = arith.andi %ne3A_117, %ne3A_120 : i1
    %sub3A_122 = arith.constant 1 : i32
    %sub3A_123 = arith.subi %div3A_102, %sub3A_122 : i32
    %select_n3A_124 = arith.select %and3A_121, %sub3A_123, %div3A_102 : i32
    %mul3A_125 = arith.constant 128 : i32
    %mul3A_126 = arith.muli %select_n3A_124, %mul3A_125 : i32
    %dma_start3A_127 = tpu.memref_slice %arg4[%mul3A_100, %mul3A_126] : memref<2048x3328xf32, #tpu.memory_space<hbm>> -> memref<128x128xf32, #tpu.memory_space<hbm>>
    %dma_start3A_128 = tpu.memref_slice %arg4[%mul3A_100, %mul3A_126] : memref<2048x3328xf32, #tpu.memory_space<hbm>> -> memref<128x128xf32, #tpu.memory_space<hbm>>
    tpu.enqueue_dma source(%arg7 : memref<128x128xf32, #tpu.memory_space<vmem>>) target(%dma_start3A_128 : memref<128x128xf32, #tpu.memory_space<hbm>>) target_semaphore(%arg15 : memref<!tpu.dma_semaphore, #tpu.memory_space<semaphore_mem>>)
    %add3A_129 = arith.constant 0 : i32
    %add3A_130 = arith.addi %mul3A_2, %add3A_129 : i32
    %jit3A_131 = arith.constant 16 : i32
    %eq3A_132 = arith.constant 0 : i32
    %eq3A_133 = arith.cmpi eq, %jit3A_131, %eq3A_132 : i32
    %jit3A_134 = arith.constant 1 : i32
    %select_n3A_135 = arith.select %eq3A_133, %jit3A_134, %jit3A_131 : i32
    %rem3A_136 = arith.remsi %add3A_130, %select_n3A_135 : i32
    %ne3A_137 = arith.constant 0 : i32
    %ne3A_138 = arith.cmpi ne, %rem3A_136, %ne3A_137 : i32
    %lt3A_139 = arith.constant 0 : i32
    %lt3A_140 = arith.cmpi slt, %rem3A_136, %lt3A_139 : i32
    %lt3A_141 = arith.constant 0 : i32
    %lt3A_142 = arith.cmpi slt, %select_n3A_135, %lt3A_141 : i32
    %ne3A_143 = arith.xori %lt3A_140, %lt3A_142 : i1
    %and3A_144 = arith.andi %ne3A_143, %ne3A_138 : i1
    %add3A_145 = arith.addi %rem3A_136, %select_n3A_135 : i32
    %select_n3A_146 = arith.select %and3A_144, %add3A_145, %rem3A_136 : i32
    %mul3A_147 = arith.constant 128 : i32
    %mul3A_148 = arith.muli %select_n3A_146, %mul3A_147 : i32
    %jit3A_149 = arith.constant 16 : i32
    %div3A_150 = arith.divsi %add3A_130, %jit3A_149 : i32
    %sign3A_151 = arith.constant 0 : i32
    %sign3A_152 = arith.cmpi sgt, %add3A_130, %sign3A_151 : i32
    %sign3A_153 = arith.extui %sign3A_152 : i1 to i32
    %sign3A_154 = arith.constant 0 : i32
    %sign3A_155 = arith.cmpi slt, %add3A_130, %sign3A_154 : i32
    %sign3A_156 = arith.extui %sign3A_155 : i1 to i32
    %sign3A_157 = arith.subi %sign3A_153, %sign3A_156 : i32
    %sign3A_158 = arith.constant 0 : i32
    %sign3A_159 = arith.cmpi sgt, %jit3A_149, %sign3A_158 : i32
    %sign3A_160 = arith.extui %sign3A_159 : i1 to i32
    %sign3A_161 = arith.constant 0 : i32
    %sign3A_162 = arith.cmpi slt, %jit3A_149, %sign3A_161 : i32
    %sign3A_163 = arith.extui %sign3A_162 : i1 to i32
    %sign3A_164 = arith.subi %sign3A_160, %sign3A_163 : i32
    %ne3A_165 = arith.cmpi ne, %sign3A_157, %sign3A_164 : i32
    %rem3A_166 = arith.remsi %add3A_130, %jit3A_149 : i32
    %ne3A_167 = arith.constant 0 : i32
    %ne3A_168 = arith.cmpi ne, %rem3A_166, %ne3A_167 : i32
    %and3A_169 = arith.andi %ne3A_165, %ne3A_168 : i1
    %sub3A_170 = arith.constant 1 : i32
    %sub3A_171 = arith.subi %div3A_150, %sub3A_170 : i32
    %select_n3A_172 = arith.select %and3A_169, %sub3A_171, %div3A_150 : i32
    %mul3A_173 = arith.constant 128 : i32
    %mul3A_174 = arith.muli %select_n3A_172, %mul3A_173 : i32
    %dma_wait3A_175 = tpu.memref_slice %arg4[%mul3A_148, %mul3A_174] : memref<2048x3328xf32, #tpu.memory_space<hbm>> -> memref<128x128xf32, #tpu.memory_space<hbm>>
    %dma_wait3A_176 = tpu.memref_slice %arg4[%mul3A_148, %mul3A_174] : memref<2048x3328xf32, #tpu.memory_space<hbm>> -> memref<128x128xf32, #tpu.memory_space<hbm>>
    tpu.wait_dma2 semaphore(%arg14 : memref<!tpu.dma_semaphore, #tpu.memory_space<semaphore_mem>>) src(%arg6 : memref<128x128xf32, #tpu.memory_space<vmem>>) dst(%dma_wait3A_176 : memref<128x128xf32, #tpu.memory_space<hbm>>)
    %dma_start3A_177 = arith.constant 4 : i32
    %dma_start3A_178 = arith.constant 0 : i32
    %dma_start3A_179 = tpu.memref_slice %arg5[%dma_start3A_177, %dma_start3A_178] : memref<16x128xi32, #tpu.memory_space<vmem>> -> memref<1x128xi32, #tpu.memory_space<vmem>>
    %dma_start3A_180 = tpu.memref_squeeze %dma_start3A_179 : memref<1x128xi32, #tpu.memory_space<vmem>> -> memref<128xi32, #tpu.memory_space<vmem>>
    %dma_start3A_181 = arith.constant 0 : i32
    %dma_start3A_182 = arith.constant 0 : i32
    %dma_start3A_183 = tpu.memref_slice %arg2[%dma_start3A_181, %dma_start3A_182] : memref<26000x128xf32, #tpu.memory_space<hbm>> -> memref<26000x128xf32, #tpu.memory_space<hbm>>
    tpu.enqueue_indirect_dma source(%dma_start3A_183 : memref<26000x128xf32, #tpu.memory_space<hbm>>) target(%arg6 : memref<128x128xf32, #tpu.memory_space<vmem>>) offsets(%dma_start3A_180 : memref<128xi32, #tpu.memory_space<vmem>>) semaphore(%arg10 : memref<!tpu.dma_semaphore, #tpu.memory_space<semaphore_mem>>)
    %dma_wait3A_184 = arith.constant 0 : i32
    %dma_wait3A_185 = arith.constant 0 : i32
    %dma_wait3A_186 = tpu.memref_slice %arg5[%dma_wait3A_184, %dma_wait3A_185] : memref<16x128xi32, #tpu.memory_space<vmem>> -> memref<1x128xi32, #tpu.memory_space<vmem>>
    %dma_wait3A_187 = tpu.memref_squeeze %dma_wait3A_186 : memref<1x128xi32, #tpu.memory_space<vmem>> -> memref<128xi32, #tpu.memory_space<vmem>>
    %dma_wait3A_188 = arith.constant 0 : i32
    %dma_wait3A_189 = arith.constant 0 : i32
    %dma_wait3A_190 = tpu.memref_slice %arg2[%dma_wait3A_188, %dma_wait3A_189] : memref<26000x128xf32, #tpu.memory_space<hbm>> -> memref<26000x128xf32, #tpu.memory_space<hbm>>
    tpu.wait_indirect_dma semaphore(%arg12 : memref<!tpu.dma_semaphore, #tpu.memory_space<semaphore_mem>>) src(%dma_wait3A_190 : memref<26000x128xf32, #tpu.memory_space<hbm>>) dst(%arg8 : memref<128x128xf32, #tpu.memory_space<vmem>>)
    %add3A_191 = arith.constant 2 : i32
    %add3A_192 = arith.addi %mul3A_2, %add3A_191 : i32
    %jit3A_193 = arith.constant 16 : i32
    %eq3A_194 = arith.constant 0 : i32
    %eq3A_195 = arith.cmpi eq, %jit3A_193, %eq3A_194 : i32
    %jit3A_196 = arith.constant 1 : i32
    %select_n3A_197 = arith.select %eq3A_195, %jit3A_196, %jit3A_193 : i32
    %rem3A_198 = arith.remsi %add3A_192, %select_n3A_197 : i32
    %ne3A_199 = arith.constant 0 : i32
    %ne3A_200 = arith.cmpi ne, %rem3A_198, %ne3A_199 : i32
    %lt3A_201 = arith.constant 0 : i32
    %lt3A_202 = arith.cmpi slt, %rem3A_198, %lt3A_201 : i32
    %lt3A_203 = arith.constant 0 : i32
    %lt3A_204 = arith.cmpi slt, %select_n3A_197, %lt3A_203 : i32
    %ne3A_205 = arith.xori %lt3A_202, %lt3A_204 : i1
    %and3A_206 = arith.andi %ne3A_205, %ne3A_200 : i1
    %add3A_207 = arith.addi %rem3A_198, %select_n3A_197 : i32
    %select_n3A_208 = arith.select %and3A_206, %add3A_207, %rem3A_198 : i32
    %mul3A_209 = arith.constant 128 : i32
    %mul3A_210 = arith.muli %select_n3A_208, %mul3A_209 : i32
    %jit3A_211 = arith.constant 16 : i32
    %div3A_212 = arith.divsi %add3A_192, %jit3A_211 : i32
    %sign3A_213 = arith.constant 0 : i32
    %sign3A_214 = arith.cmpi sgt, %add3A_192, %sign3A_213 : i32
    %sign3A_215 = arith.extui %sign3A_214 : i1 to i32
    %sign3A_216 = arith.constant 0 : i32
    %sign3A_217 = arith.cmpi slt, %add3A_192, %sign3A_216 : i32
    %sign3A_218 = arith.extui %sign3A_217 : i1 to i32
    %sign3A_219 = arith.subi %sign3A_215, %sign3A_218 : i32
    %sign3A_220 = arith.constant 0 : i32
    %sign3A_221 = arith.cmpi sgt, %jit3A_211, %sign3A_220 : i32
    %sign3A_222 = arith.extui %sign3A_221 : i1 to i32
    %sign3A_223 = arith.constant 0 : i32
    %sign3A_224 = arith.cmpi slt, %jit3A_211, %sign3A_223 : i32
    %sign3A_225 = arith.extui %sign3A_224 : i1 to i32
    %sign3A_226 = arith.subi %sign3A_222, %sign3A_225 : i32
    %ne3A_227 = arith.cmpi ne, %sign3A_219, %sign3A_226 : i32
    %rem3A_228 = arith.remsi %add3A_192, %jit3A_211 : i32
    %ne3A_229 = arith.constant 0 : i32
    %ne3A_230 = arith.cmpi ne, %rem3A_228, %ne3A_229 : i32
    %and3A_231 = arith.andi %ne3A_227, %ne3A_230 : i1
    %sub3A_232 = arith.constant 1 : i32
    %sub3A_233 = arith.subi %div3A_212, %sub3A_232 : i32
    %select_n3A_234 = arith.select %and3A_231, %sub3A_233, %div3A_212 : i32
    %mul3A_235 = arith.constant 128 : i32
    %mul3A_236 = arith.muli %select_n3A_234, %mul3A_235 : i32
    %dma_start3A_237 = tpu.memref_slice %arg4[%mul3A_210, %mul3A_236] : memref<2048x3328xf32, #tpu.memory_space<hbm>> -> memref<128x128xf32, #tpu.memory_space<hbm>>
    %dma_start3A_238 = tpu.memref_slice %arg4[%mul3A_210, %mul3A_236] : memref<2048x3328xf32, #tpu.memory_space<hbm>> -> memref<128x128xf32, #tpu.memory_space<hbm>>
    tpu.enqueue_dma source(%arg8 : memref<128x128xf32, #tpu.memory_space<vmem>>) target(%dma_start3A_238 : memref<128x128xf32, #tpu.memory_space<hbm>>) target_semaphore(%arg16 : memref<!tpu.dma_semaphore, #tpu.memory_space<semaphore_mem>>)
    %add3A_239 = arith.constant 1 : i32
    %add3A_240 = arith.addi %mul3A_2, %add3A_239 : i32
    %jit3A_241 = arith.constant 16 : i32
    %eq3A_242 = arith.constant 0 : i32
    %eq3A_243 = arith.cmpi eq, %jit3A_241, %eq3A_242 : i32
    %jit3A_244 = arith.constant 1 : i32
    %select_n3A_245 = arith.select %eq3A_243, %jit3A_244, %jit3A_241 : i32
    %rem3A_246 = arith.remsi %add3A_240, %select_n3A_245 : i32
    %ne3A_247 = arith.constant 0 : i32
    %ne3A_248 = arith.cmpi ne, %rem3A_246, %ne3A_247 : i32
    %lt3A_249 = arith.constant 0 : i32
    %lt3A_250 = arith.cmpi slt, %rem3A_246, %lt3A_249 : i32
    %lt3A_251 = arith.constant 0 : i32
    %lt3A_252 = arith.cmpi slt, %select_n3A_245, %lt3A_251 : i32
    %ne3A_253 = arith.xori %lt3A_250, %lt3A_252 : i1
    %and3A_254 = arith.andi %ne3A_253, %ne3A_248 : i1
    %add3A_255 = arith.addi %rem3A_246, %select_n3A_245 : i32
    %select_n3A_256 = arith.select %and3A_254, %add3A_255, %rem3A_246 : i32
    %mul3A_257 = arith.constant 128 : i32
    %mul3A_258 = arith.muli %select_n3A_256, %mul3A_257 : i32
    %jit3A_259 = arith.constant 16 : i32
    %div3A_260 = arith.divsi %add3A_240, %jit3A_259 : i32
    %sign3A_261 = arith.constant 0 : i32
    %sign3A_262 = arith.cmpi sgt, %add3A_240, %sign3A_261 : i32
    %sign3A_263 = arith.extui %sign3A_262 : i1 to i32
    %sign3A_264 = arith.constant 0 : i32
    %sign3A_265 = arith.cmpi slt, %add3A_240, %sign3A_264 : i32
    %sign3A_266 = arith.extui %sign3A_265 : i1 to i32
    %sign3A_267 = arith.subi %sign3A_263, %sign3A_266 : i32
    %sign3A_268 = arith.constant 0 : i32
    %sign3A_269 = arith.cmpi sgt, %jit3A_259, %sign3A_268 : i32
    %sign3A_270 = arith.extui %sign3A_269 : i1 to i32
    %sign3A_271 = arith.constant 0 : i32
    %sign3A_272 = arith.cmpi slt, %jit3A_259, %sign3A_271 : i32
    %sign3A_273 = arith.extui %sign3A_272 : i1 to i32
    %sign3A_274 = arith.subi %sign3A_270, %sign3A_273 : i32
    %ne3A_275 = arith.cmpi ne, %sign3A_267, %sign3A_274 : i32
    %rem3A_276 = arith.remsi %add3A_240, %jit3A_259 : i32
    %ne3A_277 = arith.constant 0 : i32
    %ne3A_278 = arith.cmpi ne, %rem3A_276, %ne3A_277 : i32
    %and3A_279 = arith.andi %ne3A_275, %ne3A_278 : i1
    %sub3A_280 = arith.constant 1 : i32
    %sub3A_281 = arith.subi %div3A_260, %sub3A_280 : i32
    %select_n3A_282 = arith.select %and3A_279, %sub3A_281, %div3A_260 : i32
    %mul3A_283 = arith.constant 128 : i32
    %mul3A_284 = arith.muli %select_n3A_282, %mul3A_283 : i32
    %dma_wait3A_285 = tpu.memref_slice %arg4[%mul3A_258, %mul3A_284] : memref<2048x3328xf32, #tpu.memory_space<hbm>> -> memref<128x128xf32, #tpu.memory_space<hbm>>
    %dma_wait3A_286 = tpu.memref_slice %arg4[%mul3A_258, %mul3A_284] : memref<2048x3328xf32, #tpu.memory_space<hbm>> -> memref<128x128xf32, #tpu.memory_space<hbm>>
    tpu.wait_dma2 semaphore(%arg15 : memref<!tpu.dma_semaphore, #tpu.memory_space<semaphore_mem>>) src(%arg7 : memref<128x128xf32, #tpu.memory_space<vmem>>) dst(%dma_wait3A_286 : memref<128x128xf32, #tpu.memory_space<hbm>>)
    %dma_start3A_287 = arith.constant 5 : i32
    %dma_start3A_288 = arith.constant 0 : i32
    %dma_start3A_289 = tpu.memref_slice %arg5[%dma_start3A_287, %dma_start3A_288] : memref<16x128xi32, #tpu.memory_space<vmem>> -> memref<1x128xi32, #tpu.memory_space<vmem>>
    %dma_start3A_290 = tpu.memref_squeeze %dma_start3A_289 : memref<1x128xi32, #tpu.memory_space<vmem>> -> memref<128xi32, #tpu.memory_space<vmem>>
    %dma_start3A_291 = arith.constant 0 : i32
    %dma_start3A_292 = arith.constant 0 : i32
    %dma_start3A_293 = tpu.memref_slice %arg2[%dma_start3A_291, %dma_start3A_292] : memref<26000x128xf32, #tpu.memory_space<hbm>> -> memref<26000x128xf32, #tpu.memory_space<hbm>>
    tpu.enqueue_indirect_dma source(%dma_start3A_293 : memref<26000x128xf32, #tpu.memory_space<hbm>>) target(%arg7 : memref<128x128xf32, #tpu.memory_space<vmem>>) offsets(%dma_start3A_290 : memref<128xi32, #tpu.memory_space<vmem>>) semaphore(%arg11 : memref<!tpu.dma_semaphore, #tpu.memory_space<semaphore_mem>>)
    %dma_wait3A_294 = arith.constant 0 : i32
    %dma_wait3A_295 = arith.constant 0 : i32
    %dma_wait3A_296 = tpu.memref_slice %arg5[%dma_wait3A_294, %dma_wait3A_295] : memref<16x128xi32, #tpu.memory_space<vmem>> -> memref<1x128xi32, #tpu.memory_space<vmem>>
    %dma_wait3A_297 = tpu.memref_squeeze %dma_wait3A_296 : memref<1x128xi32, #tpu.memory_space<vmem>> -> memref<128xi32, #tpu.memory_space<vmem>>
    %dma_wait3A_298 = arith.constant 0 : i32
    %dma_wait3A_299 = arith.constant 0 : i32
    %dma_wait3A_300 = tpu.memref_slice %arg2[%dma_wait3A_298, %dma_wait3A_299] : memref<26000x128xf32, #tpu.memory_space<hbm>> -> memref<26000x128xf32, #tpu.memory_space<hbm>>
    tpu.wait_indirect_dma semaphore(%arg13 : memref<!tpu.dma_semaphore, #tpu.memory_space<semaphore_mem>>) src(%dma_wait3A_300 : memref<26000x128xf32, #tpu.memory_space<hbm>>) dst(%arg9 : memref<128x128xf32, #tpu.memory_space<vmem>>)
    %add3A_301 = arith.constant 3 : i32
    %add3A_302 = arith.addi %mul3A_2, %add3A_301 : i32
    %jit3A_303 = arith.constant 16 : i32
    %eq3A_304 = arith.constant 0 : i32
    %eq3A_305 = arith.cmpi eq, %jit3A_303, %eq3A_304 : i32
    %jit3A_306 = arith.constant 1 : i32
    %select_n3A_307 = arith.select %eq3A_305, %jit3A_306, %jit3A_303 : i32
    %rem3A_308 = arith.remsi %add3A_302, %select_n3A_307 : i32
    %ne3A_309 = arith.constant 0 : i32
    %ne3A_310 = arith.cmpi ne, %rem3A_308, %ne3A_309 : i32
    %lt3A_311 = arith.constant 0 : i32
    %lt3A_312 = arith.cmpi slt, %rem3A_308, %lt3A_311 : i32
    %lt3A_313 = arith.constant 0 : i32
    %lt3A_314 = arith.cmpi slt, %select_n3A_307, %lt3A_313 : i32
    %ne3A_315 = arith.xori %lt3A_312, %lt3A_314 : i1
    %and3A_316 = arith.andi %ne3A_315, %ne3A_310 : i1
    %add3A_317 = arith.addi %rem3A_308, %select_n3A_307 : i32
    %select_n3A_318 = arith.select %and3A_316, %add3A_317, %rem3A_308 : i32
    %mul3A_319 = arith.constant 128 : i32
    %mul3A_320 = arith.muli %select_n3A_318, %mul3A_319 : i32
    %jit3A_321 = arith.constant 16 : i32
    %div3A_322 = arith.divsi %add3A_302, %jit3A_321 : i32
    %sign3A_323 = arith.constant 0 : i32
    %sign3A_324 = arith.cmpi sgt, %add3A_302, %sign3A_323 : i32
    %sign3A_325 = arith.extui %sign3A_324 : i1 to i32
    %sign3A_326 = arith.constant 0 : i32
    %sign3A_327 = arith.cmpi slt, %add3A_302, %sign3A_326 : i32
    %sign3A_328 = arith.extui %sign3A_327 : i1 to i32
    %sign3A_329 = arith.subi %sign3A_325, %sign3A_328 : i32
    %sign3A_330 = arith.constant 0 : i32
    %sign3A_331 = arith.cmpi sgt, %jit3A_321, %sign3A_330 : i32
    %sign3A_332 = arith.extui %sign3A_331 : i1 to i32
    %sign3A_333 = arith.constant 0 : i32
    %sign3A_334 = arith.cmpi slt, %jit3A_321, %sign3A_333 : i32
    %sign3A_335 = arith.extui %sign3A_334 : i1 to i32
    %sign3A_336 = arith.subi %sign3A_332, %sign3A_335 : i32
    %ne3A_337 = arith.cmpi ne, %sign3A_329, %sign3A_336 : i32
    %rem3A_338 = arith.remsi %add3A_302, %jit3A_321 : i32
    %ne3A_339 = arith.constant 0 : i32
    %ne3A_340 = arith.cmpi ne, %rem3A_338, %ne3A_339 : i32
    %and3A_341 = arith.andi %ne3A_337, %ne3A_340 : i1
    %sub3A_342 = arith.constant 1 : i32
    %sub3A_343 = arith.subi %div3A_322, %sub3A_342 : i32
    %select_n3A_344 = arith.select %and3A_341, %sub3A_343, %div3A_322 : i32
    %mul3A_345 = arith.constant 128 : i32
    %mul3A_346 = arith.muli %select_n3A_344, %mul3A_345 : i32
    %dma_start3A_347 = tpu.memref_slice %arg4[%mul3A_320, %mul3A_346] : memref<2048x3328xf32, #tpu.memory_space<hbm>> -> memref<128x128xf32, #tpu.memory_space<hbm>>
    %dma_start3A_348 = tpu.memref_slice %arg4[%mul3A_320, %mul3A_346] : memref<2048x3328xf32, #tpu.memory_space<hbm>> -> memref<128x128xf32, #tpu.memory_space<hbm>>
    tpu.enqueue_dma source(%arg9 : memref<128x128xf32, #tpu.memory_space<vmem>>) target(%dma_start3A_348 : memref<128x128xf32, #tpu.memory_space<hbm>>) target_semaphore(%arg17 : memref<!tpu.dma_semaphore, #tpu.memory_space<semaphore_mem>>)
    %add3A_349 = arith.constant 2 : i32
    %add3A_350 = arith.addi %mul3A_2, %add3A_349 : i32
    %jit3A_351 = arith.constant 16 : i32
    %eq3A_352 = arith.constant 0 : i32
    %eq3A_353 = arith.cmpi eq, %jit3A_351, %eq3A_352 : i32
    %jit3A_354 = arith.constant 1 : i32
    %select_n3A_355 = arith.select %eq3A_353, %jit3A_354, %jit3A_351 : i32
    %rem3A_356 = arith.remsi %add3A_350, %select_n3A_355 : i32
    %ne3A_357 = arith.constant 0 : i32
    %ne3A_358 = arith.cmpi ne, %rem3A_356, %ne3A_357 : i32
    %lt3A_359 = arith.constant 0 : i32
    %lt3A_360 = arith.cmpi slt, %rem3A_356, %lt3A_359 : i32
    %lt3A_361 = arith.constant 0 : i32
    %lt3A_362 = arith.cmpi slt, %select_n3A_355, %lt3A_361 : i32
    %ne3A_363 = arith.xori %lt3A_360, %lt3A_362 : i1
    %and3A_364 = arith.andi %ne3A_363, %ne3A_358 : i1
    %add3A_365 = arith.addi %rem3A_356, %select_n3A_355 : i32
    %select_n3A_366 = arith.select %and3A_364, %add3A_365, %rem3A_356 : i32
    %mul3A_367 = arith.constant 128 : i32
    %mul3A_368 = arith.muli %select_n3A_366, %mul3A_367 : i32
    %jit3A_369 = arith.constant 16 : i32
    %div3A_370 = arith.divsi %add3A_350, %jit3A_369 : i32
    %sign3A_371 = arith.constant 0 : i32
    %sign3A_372 = arith.cmpi sgt, %add3A_350, %sign3A_371 : i32
    %sign3A_373 = arith.extui %sign3A_372 : i1 to i32
    %sign3A_374 = arith.constant 0 : i32
    %sign3A_375 = arith.cmpi slt, %add3A_350, %sign3A_374 : i32
    %sign3A_376 = arith.extui %sign3A_375 : i1 to i32
    %sign3A_377 = arith.subi %sign3A_373, %sign3A_376 : i32
    %sign3A_378 = arith.constant 0 : i32
    %sign3A_379 = arith.cmpi sgt, %jit3A_369, %sign3A_378 : i32
    %sign3A_380 = arith.extui %sign3A_379 : i1 to i32
    %sign3A_381 = arith.constant 0 : i32
    %sign3A_382 = arith.cmpi slt, %jit3A_369, %sign3A_381 : i32
    %sign3A_383 = arith.extui %sign3A_382 : i1 to i32
    %sign3A_384 = arith.subi %sign3A_380, %sign3A_383 : i32
    %ne3A_385 = arith.cmpi ne, %sign3A_377, %sign3A_384 : i32
    %rem3A_386 = arith.remsi %add3A_350, %jit3A_369 : i32
    %ne3A_387 = arith.constant 0 : i32
    %ne3A_388 = arith.cmpi ne, %rem3A_386, %ne3A_387 : i32
    %and3A_389 = arith.andi %ne3A_385, %ne3A_388 : i1
    %sub3A_390 = arith.constant 1 : i32
    %sub3A_391 = arith.subi %div3A_370, %sub3A_390 : i32
    %select_n3A_392 = arith.select %and3A_389, %sub3A_391, %div3A_370 : i32
    %mul3A_393 = arith.constant 128 : i32
    %mul3A_394 = arith.muli %select_n3A_392, %mul3A_393 : i32
    %dma_wait3A_395 = tpu.memref_slice %arg4[%mul3A_368, %mul3A_394] : memref<2048x3328xf32, #tpu.memory_space<hbm>> -> memref<128x128xf32, #tpu.memory_space<hbm>>
    %dma_wait3A_396 = tpu.memref_slice %arg4[%mul3A_368, %mul3A_394] : memref<2048x3328xf32, #tpu.memory_space<hbm>> -> memref<128x128xf32, #tpu.memory_space<hbm>>
    tpu.wait_dma2 semaphore(%arg16 : memref<!tpu.dma_semaphore, #tpu.memory_space<semaphore_mem>>) src(%arg8 : memref<128x128xf32, #tpu.memory_space<vmem>>) dst(%dma_wait3A_396 : memref<128x128xf32, #tpu.memory_space<hbm>>)
    %dma_start3A_397 = arith.constant 6 : i32
    %dma_start3A_398 = arith.constant 0 : i32
    %dma_start3A_399 = tpu.memref_slice %arg5[%dma_start3A_397, %dma_start3A_398] : memref<16x128xi32, #tpu.memory_space<vmem>> -> memref<1x128xi32, #tpu.memory_space<vmem>>
    %dma_start3A_400 = tpu.memref_squeeze %dma_start3A_399 : memref<1x128xi32, #tpu.memory_space<vmem>> -> memref<128xi32, #tpu.memory_space<vmem>>
    %dma_start3A_401 = arith.constant 0 : i32
    %dma_start3A_402 = arith.constant 0 : i32
    %dma_start3A_403 = tpu.memref_slice %arg2[%dma_start3A_401, %dma_start3A_402] : memref<26000x128xf32, #tpu.memory_space<hbm>> -> memref<26000x128xf32, #tpu.memory_space<hbm>>
    tpu.enqueue_indirect_dma source(%dma_start3A_403 : memref<26000x128xf32, #tpu.memory_space<hbm>>) target(%arg8 : memref<128x128xf32, #tpu.memory_space<vmem>>) offsets(%dma_start3A_400 : memref<128xi32, #tpu.memory_space<vmem>>) semaphore(%arg12 : memref<!tpu.dma_semaphore, #tpu.memory_space<semaphore_mem>>)
    %dma_wait3A_404 = arith.constant 0 : i32
    %dma_wait3A_405 = arith.constant 0 : i32
    %dma_wait3A_406 = tpu.memref_slice %arg5[%dma_wait3A_404, %dma_wait3A_405] : memref<16x128xi32, #tpu.memory_space<vmem>> -> memref<1x128xi32, #tpu.memory_space<vmem>>
    %dma_wait3A_407 = tpu.memref_squeeze %dma_wait3A_406 : memref<1x128xi32, #tpu.memory_space<vmem>> -> memref<128xi32, #tpu.memory_space<vmem>>
    %dma_wait3A_408 = arith.constant 0 : i32
    %dma_wait3A_409 = arith.constant 0 : i32
    %dma_wait3A_410 = tpu.memref_slice %arg2[%dma_wait3A_408, %dma_wait3A_409] : memref<26000x128xf32, #tpu.memory_space<hbm>> -> memref<26000x128xf32, #tpu.memory_space<hbm>>
    tpu.wait_indirect_dma semaphore(%arg10 : memref<!tpu.dma_semaphore, #tpu.memory_space<semaphore_mem>>) src(%dma_wait3A_410 : memref<26000x128xf32, #tpu.memory_space<hbm>>) dst(%arg6 : memref<128x128xf32, #tpu.memory_space<vmem>>)
    %add3A_411 = arith.constant 4 : i32
    %add3A_412 = arith.addi %mul3A_2, %add3A_411 : i32
    %jit3A_413 = arith.constant 16 : i32
    %eq3A_414 = arith.constant 0 : i32
    %eq3A_415 = arith.cmpi eq, %jit3A_413, %eq3A_414 : i32
    %jit3A_416 = arith.constant 1 : i32
    %select_n3A_417 = arith.select %eq3A_415, %jit3A_416, %jit3A_413 : i32
    %rem3A_418 = arith.remsi %add3A_412, %select_n3A_417 : i32
    %ne3A_419 = arith.constant 0 : i32
    %ne3A_420 = arith.cmpi ne, %rem3A_418, %ne3A_419 : i32
    %lt3A_421 = arith.constant 0 : i32
    %lt3A_422 = arith.cmpi slt, %rem3A_418, %lt3A_421 : i32
    %lt3A_423 = arith.constant 0 : i32
    %lt3A_424 = arith.cmpi slt, %select_n3A_417, %lt3A_423 : i32
    %ne3A_425 = arith.xori %lt3A_422, %lt3A_424 : i1
    %and3A_426 = arith.andi %ne3A_425, %ne3A_420 : i1
    %add3A_427 = arith.addi %rem3A_418, %select_n3A_417 : i32
    %select_n3A_428 = arith.select %and3A_426, %add3A_427, %rem3A_418 : i32
    %mul3A_429 = arith.constant 128 : i32
    %mul3A_430 = arith.muli %select_n3A_428, %mul3A_429 : i32
    %jit3A_431 = arith.constant 16 : i32
    %div3A_432 = arith.divsi %add3A_412, %jit3A_431 : i32
    %sign3A_433 = arith.constant 0 : i32
    %sign3A_434 = arith.cmpi sgt, %add3A_412, %sign3A_433 : i32
    %sign3A_435 = arith.extui %sign3A_434 : i1 to i32
    %sign3A_436 = arith.constant 0 : i32
    %sign3A_437 = arith.cmpi slt, %add3A_412, %sign3A_436 : i32
    %sign3A_438 = arith.extui %sign3A_437 : i1 to i32
    %sign3A_439 = arith.subi %sign3A_435, %sign3A_438 : i32
    %sign3A_440 = arith.constant 0 : i32
    %sign3A_441 = arith.cmpi sgt, %jit3A_431, %sign3A_440 : i32
    %sign3A_442 = arith.extui %sign3A_441 : i1 to i32
    %sign3A_443 = arith.constant 0 : i32
    %sign3A_444 = arith.cmpi slt, %jit3A_431, %sign3A_443 : i32
    %sign3A_445 = arith.extui %sign3A_444 : i1 to i32
    %sign3A_446 = arith.subi %sign3A_442, %sign3A_445 : i32
    %ne3A_447 = arith.cmpi ne, %sign3A_439, %sign3A_446 : i32
    %rem3A_448 = arith.remsi %add3A_412, %jit3A_431 : i32
    %ne3A_449 = arith.constant 0 : i32
    %ne3A_450 = arith.cmpi ne, %rem3A_448, %ne3A_449 : i32
    %and3A_451 = arith.andi %ne3A_447, %ne3A_450 : i1
    %sub3A_452 = arith.constant 1 : i32
    %sub3A_453 = arith.subi %div3A_432, %sub3A_452 : i32
    %select_n3A_454 = arith.select %and3A_451, %sub3A_453, %div3A_432 : i32
    %mul3A_455 = arith.constant 128 : i32
    %mul3A_456 = arith.muli %select_n3A_454, %mul3A_455 : i32
    %dma_start3A_457 = tpu.memref_slice %arg4[%mul3A_430, %mul3A_456] : memref<2048x3328xf32, #tpu.memory_space<hbm>> -> memref<128x128xf32, #tpu.memory_space<hbm>>
    %dma_start3A_458 = tpu.memref_slice %arg4[%mul3A_430, %mul3A_456] : memref<2048x3328xf32, #tpu.memory_space<hbm>> -> memref<128x128xf32, #tpu.memory_space<hbm>>
    tpu.enqueue_dma source(%arg6 : memref<128x128xf32, #tpu.memory_space<vmem>>) target(%dma_start3A_458 : memref<128x128xf32, #tpu.memory_space<hbm>>) target_semaphore(%arg14 : memref<!tpu.dma_semaphore, #tpu.memory_space<semaphore_mem>>)
    %add3A_459 = arith.constant 3 : i32
    %add3A_460 = arith.addi %mul3A_2, %add3A_459 : i32
    %jit3A_461 = arith.constant 16 : i32
    %eq3A_462 = arith.constant 0 : i32
    %eq3A_463 = arith.cmpi eq, %jit3A_461, %eq3A_462 : i32
    %jit3A_464 = arith.constant 1 : i32
    %select_n3A_465 = arith.select %eq3A_463, %jit3A_464, %jit3A_461 : i32
    %rem3A_466 = arith.remsi %add3A_460, %select_n3A_465 : i32
    %ne3A_467 = arith.constant 0 : i32
    %ne3A_468 = arith.cmpi ne, %rem3A_466, %ne3A_467 : i32
    %lt3A_469 = arith.constant 0 : i32
    %lt3A_470 = arith.cmpi slt, %rem3A_466, %lt3A_469 : i32
    %lt3A_471 = arith.constant 0 : i32
    %lt3A_472 = arith.cmpi slt, %select_n3A_465, %lt3A_471 : i32
    %ne3A_473 = arith.xori %lt3A_470, %lt3A_472 : i1
    %and3A_474 = arith.andi %ne3A_473, %ne3A_468 : i1
    %add3A_475 = arith.addi %rem3A_466, %select_n3A_465 : i32
    %select_n3A_476 = arith.select %and3A_474, %add3A_475, %rem3A_466 : i32
    %mul3A_477 = arith.constant 128 : i32
    %mul3A_478 = arith.muli %select_n3A_476, %mul3A_477 : i32
    %jit3A_479 = arith.constant 16 : i32
    %div3A_480 = arith.divsi %add3A_460, %jit3A_479 : i32
    %sign3A_481 = arith.constant 0 : i32
    %sign3A_482 = arith.cmpi sgt, %add3A_460, %sign3A_481 : i32
    %sign3A_483 = arith.extui %sign3A_482 : i1 to i32
    %sign3A_484 = arith.constant 0 : i32
    %sign3A_485 = arith.cmpi slt, %add3A_460, %sign3A_484 : i32
    %sign3A_486 = arith.extui %sign3A_485 : i1 to i32
    %sign3A_487 = arith.subi %sign3A_483, %sign3A_486 : i32
    %sign3A_488 = arith.constant 0 : i32
    %sign3A_489 = arith.cmpi sgt, %jit3A_479, %sign3A_488 : i32
    %sign3A_490 = arith.extui %sign3A_489 : i1 to i32
    %sign3A_491 = arith.constant 0 : i32
    %sign3A_492 = arith.cmpi slt, %jit3A_479, %sign3A_491 : i32
    %sign3A_493 = arith.extui %sign3A_492 : i1 to i32
    %sign3A_494 = arith.subi %sign3A_490, %sign3A_493 : i32
    %ne3A_495 = arith.cmpi ne, %sign3A_487, %sign3A_494 : i32
    %rem3A_496 = arith.remsi %add3A_460, %jit3A_479 : i32
    %ne3A_497 = arith.constant 0 : i32
    %ne3A_498 = arith.cmpi ne, %rem3A_496, %ne3A_497 : i32
    %and3A_499 = arith.andi %ne3A_495, %ne3A_498 : i1
    %sub3A_500 = arith.constant 1 : i32
    %sub3A_501 = arith.subi %div3A_480, %sub3A_500 : i32
    %select_n3A_502 = arith.select %and3A_499, %sub3A_501, %div3A_480 : i32
    %mul3A_503 = arith.constant 128 : i32
    %mul3A_504 = arith.muli %select_n3A_502, %mul3A_503 : i32
    %dma_wait3A_505 = tpu.memref_slice %arg4[%mul3A_478, %mul3A_504] : memref<2048x3328xf32, #tpu.memory_space<hbm>> -> memref<128x128xf32, #tpu.memory_space<hbm>>
    %dma_wait3A_506 = tpu.memref_slice %arg4[%mul3A_478, %mul3A_504] : memref<2048x3328xf32, #tpu.memory_space<hbm>> -> memref<128x128xf32, #tpu.memory_space<hbm>>
    tpu.wait_dma2 semaphore(%arg17 : memref<!tpu.dma_semaphore, #tpu.memory_space<semaphore_mem>>) src(%arg9 : memref<128x128xf32, #tpu.memory_space<vmem>>) dst(%dma_wait3A_506 : memref<128x128xf32, #tpu.memory_space<hbm>>)
    %dma_start3A_507 = arith.constant 7 : i32
    %dma_start3A_508 = arith.constant 0 : i32
    %dma_start3A_509 = tpu.memref_slice %arg5[%dma_start3A_507, %dma_start3A_508] : memref<16x128xi32, #tpu.memory_space<vmem>> -> memref<1x128xi32, #tpu.memory_space<vmem>>
    %dma_start3A_510 = tpu.memref_squeeze %dma_start3A_509 : memref<1x128xi32, #tpu.memory_space<vmem>> -> memref<128xi32, #tpu.memory_space<vmem>>
    %dma_start3A_511 = arith.constant 0 : i32
    %dma_start3A_512 = arith.constant 0 : i32
    %dma_start3A_513 = tpu.memref_slice %arg2[%dma_start3A_511, %dma_start3A_512] : memref<26000x128xf32, #tpu.memory_space<hbm>> -> memref<26000x128xf32, #tpu.memory_space<hbm>>
    tpu.enqueue_indirect_dma source(%dma_start3A_513 : memref<26000x128xf32, #tpu.memory_space<hbm>>) target(%arg9 : memref<128x128xf32, #tpu.memory_space<vmem>>) offsets(%dma_start3A_510 : memref<128xi32, #tpu.memory_space<vmem>>) semaphore(%arg13 : memref<!tpu.dma_semaphore, #tpu.memory_space<semaphore_mem>>)
    %dma_wait3A_514 = arith.constant 0 : i32
    %dma_wait3A_515 = arith.constant 0 : i32
    %dma_wait3A_516 = tpu.memref_slice %arg5[%dma_wait3A_514, %dma_wait3A_515] : memref<16x128xi32, #tpu.memory_space<vmem>> -> memref<1x128xi32, #tpu.memory_space<vmem>>
    %dma_wait3A_517 = tpu.memref_squeeze %dma_wait3A_516 : memref<1x128xi32, #tpu.memory_space<vmem>> -> memref<128xi32, #tpu.memory_space<vmem>>
    %dma_wait3A_518 = arith.constant 0 : i32
    %dma_wait3A_519 = arith.constant 0 : i32
    %dma_wait3A_520 = tpu.memref_slice %arg2[%dma_wait3A_518, %dma_wait3A_519] : memref<26000x128xf32, #tpu.memory_space<hbm>> -> memref<26000x128xf32, #tpu.memory_space<hbm>>
    tpu.wait_indirect_dma semaphore(%arg11 : memref<!tpu.dma_semaphore, #tpu.memory_space<semaphore_mem>>) src(%dma_wait3A_520 : memref<26000x128xf32, #tpu.memory_space<hbm>>) dst(%arg7 : memref<128x128xf32, #tpu.memory_space<vmem>>)
    %add3A_521 = arith.constant 5 : i32
    %add3A_522 = arith.addi %mul3A_2, %add3A_521 : i32
    %jit3A_523 = arith.constant 16 : i32
    %eq3A_524 = arith.constant 0 : i32
    %eq3A_525 = arith.cmpi eq, %jit3A_523, %eq3A_524 : i32
    %jit3A_526 = arith.constant 1 : i32
    %select_n3A_527 = arith.select %eq3A_525, %jit3A_526, %jit3A_523 : i32
    %rem3A_528 = arith.remsi %add3A_522, %select_n3A_527 : i32
    %ne3A_529 = arith.constant 0 : i32
    %ne3A_530 = arith.cmpi ne, %rem3A_528, %ne3A_529 : i32
    %lt3A_531 = arith.constant 0 : i32
    %lt3A_532 = arith.cmpi slt, %rem3A_528, %lt3A_531 : i32
    %lt3A_533 = arith.constant 0 : i32
    %lt3A_534 = arith.cmpi slt, %select_n3A_527, %lt3A_533 : i32
    %ne3A_535 = arith.xori %lt3A_532, %lt3A_534 : i1
    %and3A_536 = arith.andi %ne3A_535, %ne3A_530 : i1
    %add3A_537 = arith.addi %rem3A_528, %select_n3A_527 : i32
    %select_n3A_538 = arith.select %and3A_536, %add3A_537, %rem3A_528 : i32
    %mul3A_539 = arith.constant 128 : i32
    %mul3A_540 = arith.muli %select_n3A_538, %mul3A_539 : i32
    %jit3A_541 = arith.constant 16 : i32
    %div3A_542 = arith.divsi %add3A_522, %jit3A_541 : i32
    %sign3A_543 = arith.constant 0 : i32
    %sign3A_544 = arith.cmpi sgt, %add3A_522, %sign3A_543 : i32
    %sign3A_545 = arith.extui %sign3A_544 : i1 to i32
    %sign3A_546 = arith.constant 0 : i32
    %sign3A_547 = arith.cmpi slt, %add3A_522, %sign3A_546 : i32
    %sign3A_548 = arith.extui %sign3A_547 : i1 to i32
    %sign3A_549 = arith.subi %sign3A_545, %sign3A_548 : i32
    %sign3A_550 = arith.constant 0 : i32
    %sign3A_551 = arith.cmpi sgt, %jit3A_541, %sign3A_550 : i32
    %sign3A_552 = arith.extui %sign3A_551 : i1 to i32
    %sign3A_553 = arith.constant 0 : i32
    %sign3A_554 = arith.cmpi slt, %jit3A_541, %sign3A_553 : i32
    %sign3A_555 = arith.extui %sign3A_554 : i1 to i32
    %sign3A_556 = arith.subi %sign3A_552, %sign3A_555 : i32
    %ne3A_557 = arith.cmpi ne, %sign3A_549, %sign3A_556 : i32
    %rem3A_558 = arith.remsi %add3A_522, %jit3A_541 : i32
    %ne3A_559 = arith.constant 0 : i32
    %ne3A_560 = arith.cmpi ne, %rem3A_558, %ne3A_559 : i32
    %and3A_561 = arith.andi %ne3A_557, %ne3A_560 : i1
    %sub3A_562 = arith.constant 1 : i32
    %sub3A_563 = arith.subi %div3A_542, %sub3A_562 : i32
    %select_n3A_564 = arith.select %and3A_561, %sub3A_563, %div3A_542 : i32
    %mul3A_565 = arith.constant 128 : i32
    %mul3A_566 = arith.muli %select_n3A_564, %mul3A_565 : i32
    %dma_start3A_567 = tpu.memref_slice %arg4[%mul3A_540, %mul3A_566] : memref<2048x3328xf32, #tpu.memory_space<hbm>> -> memref<128x128xf32, #tpu.memory_space<hbm>>
    %dma_start3A_568 = tpu.memref_slice %arg4[%mul3A_540, %mul3A_566] : memref<2048x3328xf32, #tpu.memory_space<hbm>> -> memref<128x128xf32, #tpu.memory_space<hbm>>
    tpu.enqueue_dma source(%arg7 : memref<128x128xf32, #tpu.memory_space<vmem>>) target(%dma_start3A_568 : memref<128x128xf32, #tpu.memory_space<hbm>>) target_semaphore(%arg15 : memref<!tpu.dma_semaphore, #tpu.memory_space<semaphore_mem>>)
    %add3A_569 = arith.constant 4 : i32
    %add3A_570 = arith.addi %mul3A_2, %add3A_569 : i32
    %jit3A_571 = arith.constant 16 : i32
    %eq3A_572 = arith.constant 0 : i32
    %eq3A_573 = arith.cmpi eq, %jit3A_571, %eq3A_572 : i32
    %jit3A_574 = arith.constant 1 : i32
    %select_n3A_575 = arith.select %eq3A_573, %jit3A_574, %jit3A_571 : i32
    %rem3A_576 = arith.remsi %add3A_570, %select_n3A_575 : i32
    %ne3A_577 = arith.constant 0 : i32
    %ne3A_578 = arith.cmpi ne, %rem3A_576, %ne3A_577 : i32
    %lt3A_579 = arith.constant 0 : i32
    %lt3A_580 = arith.cmpi slt, %rem3A_576, %lt3A_579 : i32
    %lt3A_581 = arith.constant 0 : i32
    %lt3A_582 = arith.cmpi slt, %select_n3A_575, %lt3A_581 : i32
    %ne3A_583 = arith.xori %lt3A_580, %lt3A_582 : i1
    %and3A_584 = arith.andi %ne3A_583, %ne3A_578 : i1
    %add3A_585 = arith.addi %rem3A_576, %select_n3A_575 : i32
    %select_n3A_586 = arith.select %and3A_584, %add3A_585, %rem3A_576 : i32
    %mul3A_587 = arith.constant 128 : i32
    %mul3A_588 = arith.muli %select_n3A_586, %mul3A_587 : i32
    %jit3A_589 = arith.constant 16 : i32
    %div3A_590 = arith.divsi %add3A_570, %jit3A_589 : i32
    %sign3A_591 = arith.constant 0 : i32
    %sign3A_592 = arith.cmpi sgt, %add3A_570, %sign3A_591 : i32
    %sign3A_593 = arith.extui %sign3A_592 : i1 to i32
    %sign3A_594 = arith.constant 0 : i32
    %sign3A_595 = arith.cmpi slt, %add3A_570, %sign3A_594 : i32
    %sign3A_596 = arith.extui %sign3A_595 : i1 to i32
    %sign3A_597 = arith.subi %sign3A_593, %sign3A_596 : i32
    %sign3A_598 = arith.constant 0 : i32
    %sign3A_599 = arith.cmpi sgt, %jit3A_589, %sign3A_598 : i32
    %sign3A_600 = arith.extui %sign3A_599 : i1 to i32
    %sign3A_601 = arith.constant 0 : i32
    %sign3A_602 = arith.cmpi slt, %jit3A_589, %sign3A_601 : i32
    %sign3A_603 = arith.extui %sign3A_602 : i1 to i32
    %sign3A_604 = arith.subi %sign3A_600, %sign3A_603 : i32
    %ne3A_605 = arith.cmpi ne, %sign3A_597, %sign3A_604 : i32
    %rem3A_606 = arith.remsi %add3A_570, %jit3A_589 : i32
    %ne3A_607 = arith.constant 0 : i32
    %ne3A_608 = arith.cmpi ne, %rem3A_606, %ne3A_607 : i32
    %and3A_609 = arith.andi %ne3A_605, %ne3A_608 : i1
    %sub3A_610 = arith.constant 1 : i32
    %sub3A_611 = arith.subi %div3A_590, %sub3A_610 : i32
    %select_n3A_612 = arith.select %and3A_609, %sub3A_611, %div3A_590 : i32
    %mul3A_613 = arith.constant 128 : i32
    %mul3A_614 = arith.muli %select_n3A_612, %mul3A_613 : i32
    %dma_wait3A_615 = tpu.memref_slice %arg4[%mul3A_588, %mul3A_614] : memref<2048x3328xf32, #tpu.memory_space<hbm>> -> memref<128x128xf32, #tpu.memory_space<hbm>>
    %dma_wait3A_616 = tpu.memref_slice %arg4[%mul3A_588, %mul3A_614] : memref<2048x3328xf32, #tpu.memory_space<hbm>> -> memref<128x128xf32, #tpu.memory_space<hbm>>
    tpu.wait_dma2 semaphore(%arg14 : memref<!tpu.dma_semaphore, #tpu.memory_space<semaphore_mem>>) src(%arg6 : memref<128x128xf32, #tpu.memory_space<vmem>>) dst(%dma_wait3A_616 : memref<128x128xf32, #tpu.memory_space<hbm>>)
    %dma_start3A_617 = arith.constant 8 : i32
    %dma_start3A_618 = arith.constant 0 : i32
    %dma_start3A_619 = tpu.memref_slice %arg5[%dma_start3A_617, %dma_start3A_618] : memref<16x128xi32, #tpu.memory_space<vmem>> -> memref<1x128xi32, #tpu.memory_space<vmem>>
    %dma_start3A_620 = tpu.memref_squeeze %dma_start3A_619 : memref<1x128xi32, #tpu.memory_space<vmem>> -> memref<128xi32, #tpu.memory_space<vmem>>
    %dma_start3A_621 = arith.constant 0 : i32
    %dma_start3A_622 = arith.constant 0 : i32
    %dma_start3A_623 = tpu.memref_slice %arg2[%dma_start3A_621, %dma_start3A_622] : memref<26000x128xf32, #tpu.memory_space<hbm>> -> memref<26000x128xf32, #tpu.memory_space<hbm>>
    tpu.enqueue_indirect_dma source(%dma_start3A_623 : memref<26000x128xf32, #tpu.memory_space<hbm>>) target(%arg6 : memref<128x128xf32, #tpu.memory_space<vmem>>) offsets(%dma_start3A_620 : memref<128xi32, #tpu.memory_space<vmem>>) semaphore(%arg10 : memref<!tpu.dma_semaphore, #tpu.memory_space<semaphore_mem>>)
    %dma_wait3A_624 = arith.constant 0 : i32
    %dma_wait3A_625 = arith.constant 0 : i32
    %dma_wait3A_626 = tpu.memref_slice %arg5[%dma_wait3A_624, %dma_wait3A_625] : memref<16x128xi32, #tpu.memory_space<vmem>> -> memref<1x128xi32, #tpu.memory_space<vmem>>
    %dma_wait3A_627 = tpu.memref_squeeze %dma_wait3A_626 : memref<1x128xi32, #tpu.memory_space<vmem>> -> memref<128xi32, #tpu.memory_space<vmem>>
    %dma_wait3A_628 = arith.constant 0 : i32
    %dma_wait3A_629 = arith.constant 0 : i32
    %dma_wait3A_630 = tpu.memref_slice %arg2[%dma_wait3A_628, %dma_wait3A_629] : memref<26000x128xf32, #tpu.memory_space<hbm>> -> memref<26000x128xf32, #tpu.memory_space<hbm>>
    tpu.wait_indirect_dma semaphore(%arg12 : memref<!tpu.dma_semaphore, #tpu.memory_space<semaphore_mem>>) src(%dma_wait3A_630 : memref<26000x128xf32, #tpu.memory_space<hbm>>) dst(%arg8 : memref<128x128xf32, #tpu.memory_space<vmem>>)
    %add3A_631 = arith.constant 6 : i32
    %add3A_632 = arith.addi %mul3A_2, %add3A_631 : i32
    %jit3A_633 = arith.constant 16 : i32
    %eq3A_634 = arith.constant 0 : i32
    %eq3A_635 = arith.cmpi eq, %jit3A_633, %eq3A_634 : i32
    %jit3A_636 = arith.constant 1 : i32
    %select_n3A_637 = arith.select %eq3A_635, %jit3A_636, %jit3A_633 : i32
    %rem3A_638 = arith.remsi %add3A_632, %select_n3A_637 : i32
    %ne3A_639 = arith.constant 0 : i32
    %ne3A_640 = arith.cmpi ne, %rem3A_638, %ne3A_639 : i32
    %lt3A_641 = arith.constant 0 : i32
    %lt3A_642 = arith.cmpi slt, %rem3A_638, %lt3A_641 : i32
    %lt3A_643 = arith.constant 0 : i32
    %lt3A_644 = arith.cmpi slt, %select_n3A_637, %lt3A_643 : i32
    %ne3A_645 = arith.xori %lt3A_642, %lt3A_644 : i1
    %and3A_646 = arith.andi %ne3A_645, %ne3A_640 : i1
    %add3A_647 = arith.addi %rem3A_638, %select_n3A_637 : i32
    %select_n3A_648 = arith.select %and3A_646, %add3A_647, %rem3A_638 : i32
    %mul3A_649 = arith.constant 128 : i32
    %mul3A_650 = arith.muli %select_n3A_648, %mul3A_649 : i32
    %jit3A_651 = arith.constant 16 : i32
    %div3A_652 = arith.divsi %add3A_632, %jit3A_651 : i32
    %sign3A_653 = arith.constant 0 : i32
    %sign3A_654 = arith.cmpi sgt, %add3A_632, %sign3A_653 : i32
    %sign3A_655 = arith.extui %sign3A_654 : i1 to i32
    %sign3A_656 = arith.constant 0 : i32
    %sign3A_657 = arith.cmpi slt, %add3A_632, %sign3A_656 : i32
    %sign3A_658 = arith.extui %sign3A_657 : i1 to i32
    %sign3A_659 = arith.subi %sign3A_655, %sign3A_658 : i32
    %sign3A_660 = arith.constant 0 : i32
    %sign3A_661 = arith.cmpi sgt, %jit3A_651, %sign3A_660 : i32
    %sign3A_662 = arith.extui %sign3A_661 : i1 to i32
    %sign3A_663 = arith.constant 0 : i32
    %sign3A_664 = arith.cmpi slt, %jit3A_651, %sign3A_663 : i32
    %sign3A_665 = arith.extui %sign3A_664 : i1 to i32
    %sign3A_666 = arith.subi %sign3A_662, %sign3A_665 : i32
    %ne3A_667 = arith.cmpi ne, %sign3A_659, %sign3A_666 : i32
    %rem3A_668 = arith.remsi %add3A_632, %jit3A_651 : i32
    %ne3A_669 = arith.constant 0 : i32
    %ne3A_670 = arith.cmpi ne, %rem3A_668, %ne3A_669 : i32
    %and3A_671 = arith.andi %ne3A_667, %ne3A_670 : i1
    %sub3A_672 = arith.constant 1 : i32
    %sub3A_673 = arith.subi %div3A_652, %sub3A_672 : i32
    %select_n3A_674 = arith.select %and3A_671, %sub3A_673, %div3A_652 : i32
    %mul3A_675 = arith.constant 128 : i32
    %mul3A_676 = arith.muli %select_n3A_674, %mul3A_675 : i32
    %dma_start3A_677 = tpu.memref_slice %arg4[%mul3A_650, %mul3A_676] : memref<2048x3328xf32, #tpu.memory_space<hbm>> -> memref<128x128xf32, #tpu.memory_space<hbm>>
    %dma_start3A_678 = tpu.memref_slice %arg4[%mul3A_650, %mul3A_676] : memref<2048x3328xf32, #tpu.memory_space<hbm>> -> memref<128x128xf32, #tpu.memory_space<hbm>>
    tpu.enqueue_dma source(%arg8 : memref<128x128xf32, #tpu.memory_space<vmem>>) target(%dma_start3A_678 : memref<128x128xf32, #tpu.memory_space<hbm>>) target_semaphore(%arg16 : memref<!tpu.dma_semaphore, #tpu.memory_space<semaphore_mem>>)
    %add3A_679 = arith.constant 5 : i32
    %add3A_680 = arith.addi %mul3A_2, %add3A_679 : i32
    %jit3A_681 = arith.constant 16 : i32
    %eq3A_682 = arith.constant 0 : i32
    %eq3A_683 = arith.cmpi eq, %jit3A_681, %eq3A_682 : i32
    %jit3A_684 = arith.constant 1 : i32
    %select_n3A_685 = arith.select %eq3A_683, %jit3A_684, %jit3A_681 : i32
    %rem3A_686 = arith.remsi %add3A_680, %select_n3A_685 : i32
    %ne3A_687 = arith.constant 0 : i32
    %ne3A_688 = arith.cmpi ne, %rem3A_686, %ne3A_687 : i32
    %lt3A_689 = arith.constant 0 : i32
    %lt3A_690 = arith.cmpi slt, %rem3A_686, %lt3A_689 : i32
    %lt3A_691 = arith.constant 0 : i32
    %lt3A_692 = arith.cmpi slt, %select_n3A_685, %lt3A_691 : i32
    %ne3A_693 = arith.xori %lt3A_690, %lt3A_692 : i1
    %and3A_694 = arith.andi %ne3A_693, %ne3A_688 : i1
    %add3A_695 = arith.addi %rem3A_686, %select_n3A_685 : i32
    %select_n3A_696 = arith.select %and3A_694, %add3A_695, %rem3A_686 : i32
    %mul3A_697 = arith.constant 128 : i32
    %mul3A_698 = arith.muli %select_n3A_696, %mul3A_697 : i32
    %jit3A_699 = arith.constant 16 : i32
    %div3A_700 = arith.divsi %add3A_680, %jit3A_699 : i32
    %sign3A_701 = arith.constant 0 : i32
    %sign3A_702 = arith.cmpi sgt, %add3A_680, %sign3A_701 : i32
    %sign3A_703 = arith.extui %sign3A_702 : i1 to i32
    %sign3A_704 = arith.constant 0 : i32
    %sign3A_705 = arith.cmpi slt, %add3A_680, %sign3A_704 : i32
    %sign3A_706 = arith.extui %sign3A_705 : i1 to i32
    %sign3A_707 = arith.subi %sign3A_703, %sign3A_706 : i32
    %sign3A_708 = arith.constant 0 : i32
    %sign3A_709 = arith.cmpi sgt, %jit3A_699, %sign3A_708 : i32
    %sign3A_710 = arith.extui %sign3A_709 : i1 to i32
    %sign3A_711 = arith.constant 0 : i32
    %sign3A_712 = arith.cmpi slt, %jit3A_699, %sign3A_711 : i32
    %sign3A_713 = arith.extui %sign3A_712 : i1 to i32
    %sign3A_714 = arith.subi %sign3A_710, %sign3A_713 : i32
    %ne3A_715 = arith.cmpi ne, %sign3A_707, %sign3A_714 : i32
    %rem3A_716 = arith.remsi %add3A_680, %jit3A_699 : i32
    %ne3A_717 = arith.constant 0 : i32
    %ne3A_718 = arith.cmpi ne, %rem3A_716, %ne3A_717 : i32
    %and3A_719 = arith.andi %ne3A_715, %ne3A_718 : i1
    %sub3A_720 = arith.constant 1 : i32
    %sub3A_721 = arith.subi %div3A_700, %sub3A_720 : i32
    %select_n3A_722 = arith.select %and3A_719, %sub3A_721, %div3A_700 : i32
    %mul3A_723 = arith.constant 128 : i32
    %mul3A_724 = arith.muli %select_n3A_722, %mul3A_723 : i32
    %dma_wait3A_725 = tpu.memref_slice %arg4[%mul3A_698, %mul3A_724] : memref<2048x3328xf32, #tpu.memory_space<hbm>> -> memref<128x128xf32, #tpu.memory_space<hbm>>
    %dma_wait3A_726 = tpu.memref_slice %arg4[%mul3A_698, %mul3A_724] : memref<2048x3328xf32, #tpu.memory_space<hbm>> -> memref<128x128xf32, #tpu.memory_space<hbm>>
    tpu.wait_dma2 semaphore(%arg15 : memref<!tpu.dma_semaphore, #tpu.memory_space<semaphore_mem>>) src(%arg7 : memref<128x128xf32, #tpu.memory_space<vmem>>) dst(%dma_wait3A_726 : memref<128x128xf32, #tpu.memory_space<hbm>>)
    %dma_start3A_727 = arith.constant 9 : i32
    %dma_start3A_728 = arith.constant 0 : i32
    %dma_start3A_729 = tpu.memref_slice %arg5[%dma_start3A_727, %dma_start3A_728] : memref<16x128xi32, #tpu.memory_space<vmem>> -> memref<1x128xi32, #tpu.memory_space<vmem>>
    %dma_start3A_730 = tpu.memref_squeeze %dma_start3A_729 : memref<1x128xi32, #tpu.memory_space<vmem>> -> memref<128xi32, #tpu.memory_space<vmem>>
    %dma_start3A_731 = arith.constant 0 : i32
    %dma_start3A_732 = arith.constant 0 : i32
    %dma_start3A_733 = tpu.memref_slice %arg2[%dma_start3A_731, %dma_start3A_732] : memref<26000x128xf32, #tpu.memory_space<hbm>> -> memref<26000x128xf32, #tpu.memory_space<hbm>>
    tpu.enqueue_indirect_dma source(%dma_start3A_733 : memref<26000x128xf32, #tpu.memory_space<hbm>>) target(%arg7 : memref<128x128xf32, #tpu.memory_space<vmem>>) offsets(%dma_start3A_730 : memref<128xi32, #tpu.memory_space<vmem>>) semaphore(%arg11 : memref<!tpu.dma_semaphore, #tpu.memory_space<semaphore_mem>>)
    %dma_wait3A_734 = arith.constant 0 : i32
    %dma_wait3A_735 = arith.constant 0 : i32
    %dma_wait3A_736 = tpu.memref_slice %arg5[%dma_wait3A_734, %dma_wait3A_735] : memref<16x128xi32, #tpu.memory_space<vmem>> -> memref<1x128xi32, #tpu.memory_space<vmem>>
    %dma_wait3A_737 = tpu.memref_squeeze %dma_wait3A_736 : memref<1x128xi32, #tpu.memory_space<vmem>> -> memref<128xi32, #tpu.memory_space<vmem>>
    %dma_wait3A_738 = arith.constant 0 : i32
    %dma_wait3A_739 = arith.constant 0 : i32
    %dma_wait3A_740 = tpu.memref_slice %arg2[%dma_wait3A_738, %dma_wait3A_739] : memref<26000x128xf32, #tpu.memory_space<hbm>> -> memref<26000x128xf32, #tpu.memory_space<hbm>>
    tpu.wait_indirect_dma semaphore(%arg13 : memref<!tpu.dma_semaphore, #tpu.memory_space<semaphore_mem>>) src(%dma_wait3A_740 : memref<26000x128xf32, #tpu.memory_space<hbm>>) dst(%arg9 : memref<128x128xf32, #tpu.memory_space<vmem>>)
    %add3A_741 = arith.constant 7 : i32
    %add3A_742 = arith.addi %mul3A_2, %add3A_741 : i32
    %jit3A_743 = arith.constant 16 : i32
    %eq3A_744 = arith.constant 0 : i32
    %eq3A_745 = arith.cmpi eq, %jit3A_743, %eq3A_744 : i32
    %jit3A_746 = arith.constant 1 : i32
    %select_n3A_747 = arith.select %eq3A_745, %jit3A_746, %jit3A_743 : i32
    %rem3A_748 = arith.remsi %add3A_742, %select_n3A_747 : i32
    %ne3A_749 = arith.constant 0 : i32
    %ne3A_750 = arith.cmpi ne, %rem3A_748, %ne3A_749 : i32
    %lt3A_751 = arith.constant 0 : i32
    %lt3A_752 = arith.cmpi slt, %rem3A_748, %lt3A_751 : i32
    %lt3A_753 = arith.constant 0 : i32
    %lt3A_754 = arith.cmpi slt, %select_n3A_747, %lt3A_753 : i32
    %ne3A_755 = arith.xori %lt3A_752, %lt3A_754 : i1
    %and3A_756 = arith.andi %ne3A_755, %ne3A_750 : i1
    %add3A_757 = arith.addi %rem3A_748, %select_n3A_747 : i32
    %select_n3A_758 = arith.select %and3A_756, %add3A_757, %rem3A_748 : i32
    %mul3A_759 = arith.constant 128 : i32
    %mul3A_760 = arith.muli %select_n3A_758, %mul3A_759 : i32
    %jit3A_761 = arith.constant 16 : i32
    %div3A_762 = arith.divsi %add3A_742, %jit3A_761 : i32
    %sign3A_763 = arith.constant 0 : i32
    %sign3A_764 = arith.cmpi sgt, %add3A_742, %sign3A_763 : i32
    %sign3A_765 = arith.extui %sign3A_764 : i1 to i32
    %sign3A_766 = arith.constant 0 : i32
    %sign3A_767 = arith.cmpi slt, %add3A_742, %sign3A_766 : i32
    %sign3A_768 = arith.extui %sign3A_767 : i1 to i32
    %sign3A_769 = arith.subi %sign3A_765, %sign3A_768 : i32
    %sign3A_770 = arith.constant 0 : i32
    %sign3A_771 = arith.cmpi sgt, %jit3A_761, %sign3A_770 : i32
    %sign3A_772 = arith.extui %sign3A_771 : i1 to i32
    %sign3A_773 = arith.constant 0 : i32
    %sign3A_774 = arith.cmpi slt, %jit3A_761, %sign3A_773 : i32
    %sign3A_775 = arith.extui %sign3A_774 : i1 to i32
    %sign3A_776 = arith.subi %sign3A_772, %sign3A_775 : i32
    %ne3A_777 = arith.cmpi ne, %sign3A_769, %sign3A_776 : i32
    %rem3A_778 = arith.remsi %add3A_742, %jit3A_761 : i32
    %ne3A_779 = arith.constant 0 : i32
    %ne3A_780 = arith.cmpi ne, %rem3A_778, %ne3A_779 : i32
    %and3A_781 = arith.andi %ne3A_777, %ne3A_780 : i1
    %sub3A_782 = arith.constant 1 : i32
    %sub3A_783 = arith.subi %div3A_762, %sub3A_782 : i32
    %select_n3A_784 = arith.select %and3A_781, %sub3A_783, %div3A_762 : i32
    %mul3A_785 = arith.constant 128 : i32
    %mul3A_786 = arith.muli %select_n3A_784, %mul3A_785 : i32
    %dma_start3A_787 = tpu.memref_slice %arg4[%mul3A_760, %mul3A_786] : memref<2048x3328xf32, #tpu.memory_space<hbm>> -> memref<128x128xf32, #tpu.memory_space<hbm>>
    %dma_start3A_788 = tpu.memref_slice %arg4[%mul3A_760, %mul3A_786] : memref<2048x3328xf32, #tpu.memory_space<hbm>> -> memref<128x128xf32, #tpu.memory_space<hbm>>
    tpu.enqueue_dma source(%arg9 : memref<128x128xf32, #tpu.memory_space<vmem>>) target(%dma_start3A_788 : memref<128x128xf32, #tpu.memory_space<hbm>>) target_semaphore(%arg17 : memref<!tpu.dma_semaphore, #tpu.memory_space<semaphore_mem>>)
    %add3A_789 = arith.constant 6 : i32
    %add3A_790 = arith.addi %mul3A_2, %add3A_789 : i32
    %jit3A_791 = arith.constant 16 : i32
    %eq3A_792 = arith.constant 0 : i32
    %eq3A_793 = arith.cmpi eq, %jit3A_791, %eq3A_792 : i32
    %jit3A_794 = arith.constant 1 : i32
    %select_n3A_795 = arith.select %eq3A_793, %jit3A_794, %jit3A_791 : i32
    %rem3A_796 = arith.remsi %add3A_790, %select_n3A_795 : i32
    %ne3A_797 = arith.constant 0 : i32
    %ne3A_798 = arith.cmpi ne, %rem3A_796, %ne3A_797 : i32
    %lt3A_799 = arith.constant 0 : i32
    %lt3A_800 = arith.cmpi slt, %rem3A_796, %lt3A_799 : i32
    %lt3A_801 = arith.constant 0 : i32
    %lt3A_802 = arith.cmpi slt, %select_n3A_795, %lt3A_801 : i32
    %ne3A_803 = arith.xori %lt3A_800, %lt3A_802 : i1
    %and3A_804 = arith.andi %ne3A_803, %ne3A_798 : i1
    %add3A_805 = arith.addi %rem3A_796, %select_n3A_795 : i32
    %select_n3A_806 = arith.select %and3A_804, %add3A_805, %rem3A_796 : i32
    %mul3A_807 = arith.constant 128 : i32
    %mul3A_808 = arith.muli %select_n3A_806, %mul3A_807 : i32
    %jit3A_809 = arith.constant 16 : i32
    %div3A_810 = arith.divsi %add3A_790, %jit3A_809 : i32
    %sign3A_811 = arith.constant 0 : i32
    %sign3A_812 = arith.cmpi sgt, %add3A_790, %sign3A_811 : i32
    %sign3A_813 = arith.extui %sign3A_812 : i1 to i32
    %sign3A_814 = arith.constant 0 : i32
    %sign3A_815 = arith.cmpi slt, %add3A_790, %sign3A_814 : i32
    %sign3A_816 = arith.extui %sign3A_815 : i1 to i32
    %sign3A_817 = arith.subi %sign3A_813, %sign3A_816 : i32
    %sign3A_818 = arith.constant 0 : i32
    %sign3A_819 = arith.cmpi sgt, %jit3A_809, %sign3A_818 : i32
    %sign3A_820 = arith.extui %sign3A_819 : i1 to i32
    %sign3A_821 = arith.constant 0 : i32
    %sign3A_822 = arith.cmpi slt, %jit3A_809, %sign3A_821 : i32
    %sign3A_823 = arith.extui %sign3A_822 : i1 to i32
    %sign3A_824 = arith.subi %sign3A_820, %sign3A_823 : i32
    %ne3A_825 = arith.cmpi ne, %sign3A_817, %sign3A_824 : i32
    %rem3A_826 = arith.remsi %add3A_790, %jit3A_809 : i32
    %ne3A_827 = arith.constant 0 : i32
    %ne3A_828 = arith.cmpi ne, %rem3A_826, %ne3A_827 : i32
    %and3A_829 = arith.andi %ne3A_825, %ne3A_828 : i1
    %sub3A_830 = arith.constant 1 : i32
    %sub3A_831 = arith.subi %div3A_810, %sub3A_830 : i32
    %select_n3A_832 = arith.select %and3A_829, %sub3A_831, %div3A_810 : i32
    %mul3A_833 = arith.constant 128 : i32
    %mul3A_834 = arith.muli %select_n3A_832, %mul3A_833 : i32
    %dma_wait3A_835 = tpu.memref_slice %arg4[%mul3A_808, %mul3A_834] : memref<2048x3328xf32, #tpu.memory_space<hbm>> -> memref<128x128xf32, #tpu.memory_space<hbm>>
    %dma_wait3A_836 = tpu.memref_slice %arg4[%mul3A_808, %mul3A_834] : memref<2048x3328xf32, #tpu.memory_space<hbm>> -> memref<128x128xf32, #tpu.memory_space<hbm>>
    tpu.wait_dma2 semaphore(%arg16 : memref<!tpu.dma_semaphore, #tpu.memory_space<semaphore_mem>>) src(%arg8 : memref<128x128xf32, #tpu.memory_space<vmem>>) dst(%dma_wait3A_836 : memref<128x128xf32, #tpu.memory_space<hbm>>)
    %dma_start3A_837 = arith.constant 10 : i32
    %dma_start3A_838 = arith.constant 0 : i32
    %dma_start3A_839 = tpu.memref_slice %arg5[%dma_start3A_837, %dma_start3A_838] : memref<16x128xi32, #tpu.memory_space<vmem>> -> memref<1x128xi32, #tpu.memory_space<vmem>>
    %dma_start3A_840 = tpu.memref_squeeze %dma_start3A_839 : memref<1x128xi32, #tpu.memory_space<vmem>> -> memref<128xi32, #tpu.memory_space<vmem>>
    %dma_start3A_841 = arith.constant 0 : i32
    %dma_start3A_842 = arith.constant 0 : i32
    %dma_start3A_843 = tpu.memref_slice %arg2[%dma_start3A_841, %dma_start3A_842] : memref<26000x128xf32, #tpu.memory_space<hbm>> -> memref<26000x128xf32, #tpu.memory_space<hbm>>
    tpu.enqueue_indirect_dma source(%dma_start3A_843 : memref<26000x128xf32, #tpu.memory_space<hbm>>) target(%arg8 : memref<128x128xf32, #tpu.memory_space<vmem>>) offsets(%dma_start3A_840 : memref<128xi32, #tpu.memory_space<vmem>>) semaphore(%arg12 : memref<!tpu.dma_semaphore, #tpu.memory_space<semaphore_mem>>)
    %dma_wait3A_844 = arith.constant 0 : i32
    %dma_wait3A_845 = arith.constant 0 : i32
    %dma_wait3A_846 = tpu.memref_slice %arg5[%dma_wait3A_844, %dma_wait3A_845] : memref<16x128xi32, #tpu.memory_space<vmem>> -> memref<1x128xi32, #tpu.memory_space<vmem>>
    %dma_wait3A_847 = tpu.memref_squeeze %dma_wait3A_846 : memref<1x128xi32, #tpu.memory_space<vmem>> -> memref<128xi32, #tpu.memory_space<vmem>>
    %dma_wait3A_848 = arith.constant 0 : i32
    %dma_wait3A_849 = arith.constant 0 : i32
    %dma_wait3A_850 = tpu.memref_slice %arg2[%dma_wait3A_848, %dma_wait3A_849] : memref<26000x128xf32, #tpu.memory_space<hbm>> -> memref<26000x128xf32, #tpu.memory_space<hbm>>
    tpu.wait_indirect_dma semaphore(%arg10 : memref<!tpu.dma_semaphore, #tpu.memory_space<semaphore_mem>>) src(%dma_wait3A_850 : memref<26000x128xf32, #tpu.memory_space<hbm>>) dst(%arg6 : memref<128x128xf32, #tpu.memory_space<vmem>>)
    %add3A_851 = arith.constant 8 : i32
    %add3A_852 = arith.addi %mul3A_2, %add3A_851 : i32
    %jit3A_853 = arith.constant 16 : i32
    %eq3A_854 = arith.constant 0 : i32
    %eq3A_855 = arith.cmpi eq, %jit3A_853, %eq3A_854 : i32
    %jit3A_856 = arith.constant 1 : i32
    %select_n3A_857 = arith.select %eq3A_855, %jit3A_856, %jit3A_853 : i32
    %rem3A_858 = arith.remsi %add3A_852, %select_n3A_857 : i32
    %ne3A_859 = arith.constant 0 : i32
    %ne3A_860 = arith.cmpi ne, %rem3A_858, %ne3A_859 : i32
    %lt3A_861 = arith.constant 0 : i32
    %lt3A_862 = arith.cmpi slt, %rem3A_858, %lt3A_861 : i32
    %lt3A_863 = arith.constant 0 : i32
    %lt3A_864 = arith.cmpi slt, %select_n3A_857, %lt3A_863 : i32
    %ne3A_865 = arith.xori %lt3A_862, %lt3A_864 : i1
    %and3A_866 = arith.andi %ne3A_865, %ne3A_860 : i1
    %add3A_867 = arith.addi %rem3A_858, %select_n3A_857 : i32
    %select_n3A_868 = arith.select %and3A_866, %add3A_867, %rem3A_858 : i32
    %mul3A_869 = arith.constant 128 : i32
    %mul3A_870 = arith.muli %select_n3A_868, %mul3A_869 : i32
    %jit3A_871 = arith.constant 16 : i32
    %div3A_872 = arith.divsi %add3A_852, %jit3A_871 : i32
    %sign3A_873 = arith.constant 0 : i32
    %sign3A_874 = arith.cmpi sgt, %add3A_852, %sign3A_873 : i32
    %sign3A_875 = arith.extui %sign3A_874 : i1 to i32
    %sign3A_876 = arith.constant 0 : i32
    %sign3A_877 = arith.cmpi slt, %add3A_852, %sign3A_876 : i32
    %sign3A_878 = arith.extui %sign3A_877 : i1 to i32
    %sign3A_879 = arith.subi %sign3A_875, %sign3A_878 : i32
    %sign3A_880 = arith.constant 0 : i32
    %sign3A_881 = arith.cmpi sgt, %jit3A_871, %sign3A_880 : i32
    %sign3A_882 = arith.extui %sign3A_881 : i1 to i32
    %sign3A_883 = arith.constant 0 : i32
    %sign3A_884 = arith.cmpi slt, %jit3A_871, %sign3A_883 : i32
    %sign3A_885 = arith.extui %sign3A_884 : i1 to i32
    %sign3A_886 = arith.subi %sign3A_882, %sign3A_885 : i32
    %ne3A_887 = arith.cmpi ne, %sign3A_879, %sign3A_886 : i32
    %rem3A_888 = arith.remsi %add3A_852, %jit3A_871 : i32
    %ne3A_889 = arith.constant 0 : i32
    %ne3A_890 = arith.cmpi ne, %rem3A_888, %ne3A_889 : i32
    %and3A_891 = arith.andi %ne3A_887, %ne3A_890 : i1
    %sub3A_892 = arith.constant 1 : i32
    %sub3A_893 = arith.subi %div3A_872, %sub3A_892 : i32
    %select_n3A_894 = arith.select %and3A_891, %sub3A_893, %div3A_872 : i32
    %mul3A_895 = arith.constant 128 : i32
    %mul3A_896 = arith.muli %select_n3A_894, %mul3A_895 : i32
    %dma_start3A_897 = tpu.memref_slice %arg4[%mul3A_870, %mul3A_896] : memref<2048x3328xf32, #tpu.memory_space<hbm>> -> memref<128x128xf32, #tpu.memory_space<hbm>>
    %dma_start3A_898 = tpu.memref_slice %arg4[%mul3A_870, %mul3A_896] : memref<2048x3328xf32, #tpu.memory_space<hbm>> -> memref<128x128xf32, #tpu.memory_space<hbm>>
    tpu.enqueue_dma source(%arg6 : memref<128x128xf32, #tpu.memory_space<vmem>>) target(%dma_start3A_898 : memref<128x128xf32, #tpu.memory_space<hbm>>) target_semaphore(%arg14 : memref<!tpu.dma_semaphore, #tpu.memory_space<semaphore_mem>>)
    %add3A_899 = arith.constant 7 : i32
    %add3A_900 = arith.addi %mul3A_2, %add3A_899 : i32
    %jit3A_901 = arith.constant 16 : i32
    %eq3A_902 = arith.constant 0 : i32
    %eq3A_903 = arith.cmpi eq, %jit3A_901, %eq3A_902 : i32
    %jit3A_904 = arith.constant 1 : i32
    %select_n3A_905 = arith.select %eq3A_903, %jit3A_904, %jit3A_901 : i32
    %rem3A_906 = arith.remsi %add3A_900, %select_n3A_905 : i32
    %ne3A_907 = arith.constant 0 : i32
    %ne3A_908 = arith.cmpi ne, %rem3A_906, %ne3A_907 : i32
    %lt3A_909 = arith.constant 0 : i32
    %lt3A_910 = arith.cmpi slt, %rem3A_906, %lt3A_909 : i32
    %lt3A_911 = arith.constant 0 : i32
    %lt3A_912 = arith.cmpi slt, %select_n3A_905, %lt3A_911 : i32
    %ne3A_913 = arith.xori %lt3A_910, %lt3A_912 : i1
    %and3A_914 = arith.andi %ne3A_913, %ne3A_908 : i1
    %add3A_915 = arith.addi %rem3A_906, %select_n3A_905 : i32
    %select_n3A_916 = arith.select %and3A_914, %add3A_915, %rem3A_906 : i32
    %mul3A_917 = arith.constant 128 : i32
    %mul3A_918 = arith.muli %select_n3A_916, %mul3A_917 : i32
    %jit3A_919 = arith.constant 16 : i32
    %div3A_920 = arith.divsi %add3A_900, %jit3A_919 : i32
    %sign3A_921 = arith.constant 0 : i32
    %sign3A_922 = arith.cmpi sgt, %add3A_900, %sign3A_921 : i32
    %sign3A_923 = arith.extui %sign3A_922 : i1 to i32
    %sign3A_924 = arith.constant 0 : i32
    %sign3A_925 = arith.cmpi slt, %add3A_900, %sign3A_924 : i32
    %sign3A_926 = arith.extui %sign3A_925 : i1 to i32
    %sign3A_927 = arith.subi %sign3A_923, %sign3A_926 : i32
    %sign3A_928 = arith.constant 0 : i32
    %sign3A_929 = arith.cmpi sgt, %jit3A_919, %sign3A_928 : i32
    %sign3A_930 = arith.extui %sign3A_929 : i1 to i32
    %sign3A_931 = arith.constant 0 : i32
    %sign3A_932 = arith.cmpi slt, %jit3A_919, %sign3A_931 : i32
    %sign3A_933 = arith.extui %sign3A_932 : i1 to i32
    %sign3A_934 = arith.subi %sign3A_930, %sign3A_933 : i32
    %ne3A_935 = arith.cmpi ne, %sign3A_927, %sign3A_934 : i32
    %rem3A_936 = arith.remsi %add3A_900, %jit3A_919 : i32
    %ne3A_937 = arith.constant 0 : i32
    %ne3A_938 = arith.cmpi ne, %rem3A_936, %ne3A_937 : i32
    %and3A_939 = arith.andi %ne3A_935, %ne3A_938 : i1
    %sub3A_940 = arith.constant 1 : i32
    %sub3A_941 = arith.subi %div3A_920, %sub3A_940 : i32
    %select_n3A_942 = arith.select %and3A_939, %sub3A_941, %div3A_920 : i32
    %mul3A_943 = arith.constant 128 : i32
    %mul3A_944 = arith.muli %select_n3A_942, %mul3A_943 : i32
    %dma_wait3A_945 = tpu.memref_slice %arg4[%mul3A_918, %mul3A_944] : memref<2048x3328xf32, #tpu.memory_space<hbm>> -> memref<128x128xf32, #tpu.memory_space<hbm>>
    %dma_wait3A_946 = tpu.memref_slice %arg4[%mul3A_918, %mul3A_944] : memref<2048x3328xf32, #tpu.memory_space<hbm>> -> memref<128x128xf32, #tpu.memory_space<hbm>>
    tpu.wait_dma2 semaphore(%arg17 : memref<!tpu.dma_semaphore, #tpu.memory_space<semaphore_mem>>) src(%arg9 : memref<128x128xf32, #tpu.memory_space<vmem>>) dst(%dma_wait3A_946 : memref<128x128xf32, #tpu.memory_space<hbm>>)
    %dma_start3A_947 = arith.constant 11 : i32
    %dma_start3A_948 = arith.constant 0 : i32
    %dma_start3A_949 = tpu.memref_slice %arg5[%dma_start3A_947, %dma_start3A_948] : memref<16x128xi32, #tpu.memory_space<vmem>> -> memref<1x128xi32, #tpu.memory_space<vmem>>
    %dma_start3A_950 = tpu.memref_squeeze %dma_start3A_949 : memref<1x128xi32, #tpu.memory_space<vmem>> -> memref<128xi32, #tpu.memory_space<vmem>>
    %dma_start3A_951 = arith.constant 0 : i32
    %dma_start3A_952 = arith.constant 0 : i32
    %dma_start3A_953 = tpu.memref_slice %arg2[%dma_start3A_951, %dma_start3A_952] : memref<26000x128xf32, #tpu.memory_space<hbm>> -> memref<26000x128xf32, #tpu.memory_space<hbm>>
    tpu.enqueue_indirect_dma source(%dma_start3A_953 : memref<26000x128xf32, #tpu.memory_space<hbm>>) target(%arg9 : memref<128x128xf32, #tpu.memory_space<vmem>>) offsets(%dma_start3A_950 : memref<128xi32, #tpu.memory_space<vmem>>) semaphore(%arg13 : memref<!tpu.dma_semaphore, #tpu.memory_space<semaphore_mem>>)
    %dma_wait3A_954 = arith.constant 0 : i32
    %dma_wait3A_955 = arith.constant 0 : i32
    %dma_wait3A_956 = tpu.memref_slice %arg5[%dma_wait3A_954, %dma_wait3A_955] : memref<16x128xi32, #tpu.memory_space<vmem>> -> memref<1x128xi32, #tpu.memory_space<vmem>>
    %dma_wait3A_957 = tpu.memref_squeeze %dma_wait3A_956 : memref<1x128xi32, #tpu.memory_space<vmem>> -> memref<128xi32, #tpu.memory_space<vmem>>
    %dma_wait3A_958 = arith.constant 0 : i32
    %dma_wait3A_959 = arith.constant 0 : i32
    %dma_wait3A_960 = tpu.memref_slice %arg2[%dma_wait3A_958, %dma_wait3A_959] : memref<26000x128xf32, #tpu.memory_space<hbm>> -> memref<26000x128xf32, #tpu.memory_space<hbm>>
    tpu.wait_indirect_dma semaphore(%arg11 : memref<!tpu.dma_semaphore, #tpu.memory_space<semaphore_mem>>) src(%dma_wait3A_960 : memref<26000x128xf32, #tpu.memory_space<hbm>>) dst(%arg7 : memref<128x128xf32, #tpu.memory_space<vmem>>)
    %add3A_961 = arith.constant 9 : i32
    %add3A_962 = arith.addi %mul3A_2, %add3A_961 : i32
    %jit3A_963 = arith.constant 16 : i32
    %eq3A_964 = arith.constant 0 : i32
    %eq3A_965 = arith.cmpi eq, %jit3A_963, %eq3A_964 : i32
    %jit3A_966 = arith.constant 1 : i32
    %select_n3A_967 = arith.select %eq3A_965, %jit3A_966, %jit3A_963 : i32
    %rem3A_968 = arith.remsi %add3A_962, %select_n3A_967 : i32
    %ne3A_969 = arith.constant 0 : i32
    %ne3A_970 = arith.cmpi ne, %rem3A_968, %ne3A_969 : i32
    %lt3A_971 = arith.constant 0 : i32
    %lt3A_972 = arith.cmpi slt, %rem3A_968, %lt3A_971 : i32
    %lt3A_973 = arith.constant 0 : i32
    %lt3A_974 = arith.cmpi slt, %select_n3A_967, %lt3A_973 : i32
    %ne3A_975 = arith.xori %lt3A_972, %lt3A_974 : i1
    %and3A_976 = arith.andi %ne3A_975, %ne3A_970 : i1
    %add3A_977 = arith.addi %rem3A_968, %select_n3A_967 : i32
    %select_n3A_978 = arith.select %and3A_976, %add3A_977, %rem3A_968 : i32
    %mul3A_979 = arith.constant 128 : i32
    %mul3A_980 = arith.muli %select_n3A_978, %mul3A_979 : i32
    %jit3A_981 = arith.constant 16 : i32
    %div3A_982 = arith.divsi %add3A_962, %jit3A_981 : i32
    %sign3A_983 = arith.constant 0 : i32
    %sign3A_984 = arith.cmpi sgt, %add3A_962, %sign3A_983 : i32
    %sign3A_985 = arith.extui %sign3A_984 : i1 to i32
    %sign3A_986 = arith.constant 0 : i32
    %sign3A_987 = arith.cmpi slt, %add3A_962, %sign3A_986 : i32
    %sign3A_988 = arith.extui %sign3A_987 : i1 to i32
    %sign3A_989 = arith.subi %sign3A_985, %sign3A_988 : i32
    %sign3A_990 = arith.constant 0 : i32
    %sign3A_991 = arith.cmpi sgt, %jit3A_981, %sign3A_990 : i32
    %sign3A_992 = arith.extui %sign3A_991 : i1 to i32
    %sign3A_993 = arith.constant 0 : i32
    %sign3A_994 = arith.cmpi slt, %jit3A_981, %sign3A_993 : i32
    %sign3A_995 = arith.extui %sign3A_994 : i1 to i32
    %sign3A_996 = arith.subi %sign3A_992, %sign3A_995 : i32
    %ne3A_997 = arith.cmpi ne, %sign3A_989, %sign3A_996 : i32
    %rem3A_998 = arith.remsi %add3A_962, %jit3A_981 : i32
    %ne3A_999 = arith.constant 0 : i32
    %ne3A_1000 = arith.cmpi ne, %rem3A_998, %ne3A_999 : i32
    %and3A_1001 = arith.andi %ne3A_997, %ne3A_1000 : i1
    %sub3A_1002 = arith.constant 1 : i32
    %sub3A_1003 = arith.subi %div3A_982, %sub3A_1002 : i32
    %select_n3A_1004 = arith.select %and3A_1001, %sub3A_1003, %div3A_982 : i32
    %mul3A_1005 = arith.constant 128 : i32
    %mul3A_1006 = arith.muli %select_n3A_1004, %mul3A_1005 : i32
    %dma_start3A_1007 = tpu.memref_slice %arg4[%mul3A_980, %mul3A_1006] : memref<2048x3328xf32, #tpu.memory_space<hbm>> -> memref<128x128xf32, #tpu.memory_space<hbm>>
    %dma_start3A_1008 = tpu.memref_slice %arg4[%mul3A_980, %mul3A_1006] : memref<2048x3328xf32, #tpu.memory_space<hbm>> -> memref<128x128xf32, #tpu.memory_space<hbm>>
    tpu.enqueue_dma source(%arg7 : memref<128x128xf32, #tpu.memory_space<vmem>>) target(%dma_start3A_1008 : memref<128x128xf32, #tpu.memory_space<hbm>>) target_semaphore(%arg15 : memref<!tpu.dma_semaphore, #tpu.memory_space<semaphore_mem>>)
    %add3A_1009 = arith.constant 8 : i32
    %add3A_1010 = arith.addi %mul3A_2, %add3A_1009 : i32
    %jit3A_1011 = arith.constant 16 : i32
    %eq3A_1012 = arith.constant 0 : i32
    %eq3A_1013 = arith.cmpi eq, %jit3A_1011, %eq3A_1012 : i32
    %jit3A_1014 = arith.constant 1 : i32
    %select_n3A_1015 = arith.select %eq3A_1013, %jit3A_1014, %jit3A_1011 : i32
    %rem3A_1016 = arith.remsi %add3A_1010, %select_n3A_1015 : i32
    %ne3A_1017 = arith.constant 0 : i32
    %ne3A_1018 = arith.cmpi ne, %rem3A_1016, %ne3A_1017 : i32
    %lt3A_1019 = arith.constant 0 : i32
    %lt3A_1020 = arith.cmpi slt, %rem3A_1016, %lt3A_1019 : i32
    %lt3A_1021 = arith.constant 0 : i32
    %lt3A_1022 = arith.cmpi slt, %select_n3A_1015, %lt3A_1021 : i32
    %ne3A_1023 = arith.xori %lt3A_1020, %lt3A_1022 : i1
    %and3A_1024 = arith.andi %ne3A_1023, %ne3A_1018 : i1
    %add3A_1025 = arith.addi %rem3A_1016, %select_n3A_1015 : i32
    %select_n3A_1026 = arith.select %and3A_1024, %add3A_1025, %rem3A_1016 : i32
    %mul3A_1027 = arith.constant 128 : i32
    %mul3A_1028 = arith.muli %select_n3A_1026, %mul3A_1027 : i32
    %jit3A_1029 = arith.constant 16 : i32
    %div3A_1030 = arith.divsi %add3A_1010, %jit3A_1029 : i32
    %sign3A_1031 = arith.constant 0 : i32
    %sign3A_1032 = arith.cmpi sgt, %add3A_1010, %sign3A_1031 : i32
    %sign3A_1033 = arith.extui %sign3A_1032 : i1 to i32
    %sign3A_1034 = arith.constant 0 : i32
    %sign3A_1035 = arith.cmpi slt, %add3A_1010, %sign3A_1034 : i32
    %sign3A_1036 = arith.extui %sign3A_1035 : i1 to i32
    %sign3A_1037 = arith.subi %sign3A_1033, %sign3A_1036 : i32
    %sign3A_1038 = arith.constant 0 : i32
    %sign3A_1039 = arith.cmpi sgt, %jit3A_1029, %sign3A_1038 : i32
    %sign3A_1040 = arith.extui %sign3A_1039 : i1 to i32
    %sign3A_1041 = arith.constant 0 : i32
    %sign3A_1042 = arith.cmpi slt, %jit3A_1029, %sign3A_1041 : i32
    %sign3A_1043 = arith.extui %sign3A_1042 : i1 to i32
    %sign3A_1044 = arith.subi %sign3A_1040, %sign3A_1043 : i32
    %ne3A_1045 = arith.cmpi ne, %sign3A_1037, %sign3A_1044 : i32
    %rem3A_1046 = arith.remsi %add3A_1010, %jit3A_1029 : i32
    %ne3A_1047 = arith.constant 0 : i32
    %ne3A_1048 = arith.cmpi ne, %rem3A_1046, %ne3A_1047 : i32
    %and3A_1049 = arith.andi %ne3A_1045, %ne3A_1048 : i1
    %sub3A_1050 = arith.constant 1 : i32
    %sub3A_1051 = arith.subi %div3A_1030, %sub3A_1050 : i32
    %select_n3A_1052 = arith.select %and3A_1049, %sub3A_1051, %div3A_1030 : i32
    %mul3A_1053 = arith.constant 128 : i32
    %mul3A_1054 = arith.muli %select_n3A_1052, %mul3A_1053 : i32
    %dma_wait3A_1055 = tpu.memref_slice %arg4[%mul3A_1028, %mul3A_1054] : memref<2048x3328xf32, #tpu.memory_space<hbm>> -> memref<128x128xf32, #tpu.memory_space<hbm>>
    %dma_wait3A_1056 = tpu.memref_slice %arg4[%mul3A_1028, %mul3A_1054] : memref<2048x3328xf32, #tpu.memory_space<hbm>> -> memref<128x128xf32, #tpu.memory_space<hbm>>
    tpu.wait_dma2 semaphore(%arg14 : memref<!tpu.dma_semaphore, #tpu.memory_space<semaphore_mem>>) src(%arg6 : memref<128x128xf32, #tpu.memory_space<vmem>>) dst(%dma_wait3A_1056 : memref<128x128xf32, #tpu.memory_space<hbm>>)
    %dma_start3A_1057 = arith.constant 12 : i32
    %dma_start3A_1058 = arith.constant 0 : i32
    %dma_start3A_1059 = tpu.memref_slice %arg5[%dma_start3A_1057, %dma_start3A_1058] : memref<16x128xi32, #tpu.memory_space<vmem>> -> memref<1x128xi32, #tpu.memory_space<vmem>>
    %dma_start3A_1060 = tpu.memref_squeeze %dma_start3A_1059 : memref<1x128xi32, #tpu.memory_space<vmem>> -> memref<128xi32, #tpu.memory_space<vmem>>
    %dma_start3A_1061 = arith.constant 0 : i32
    %dma_start3A_1062 = arith.constant 0 : i32
    %dma_start3A_1063 = tpu.memref_slice %arg2[%dma_start3A_1061, %dma_start3A_1062] : memref<26000x128xf32, #tpu.memory_space<hbm>> -> memref<26000x128xf32, #tpu.memory_space<hbm>>
    tpu.enqueue_indirect_dma source(%dma_start3A_1063 : memref<26000x128xf32, #tpu.memory_space<hbm>>) target(%arg6 : memref<128x128xf32, #tpu.memory_space<vmem>>) offsets(%dma_start3A_1060 : memref<128xi32, #tpu.memory_space<vmem>>) semaphore(%arg10 : memref<!tpu.dma_semaphore, #tpu.memory_space<semaphore_mem>>)
    %dma_wait3A_1064 = arith.constant 0 : i32
    %dma_wait3A_1065 = arith.constant 0 : i32
    %dma_wait3A_1066 = tpu.memref_slice %arg5[%dma_wait3A_1064, %dma_wait3A_1065] : memref<16x128xi32, #tpu.memory_space<vmem>> -> memref<1x128xi32, #tpu.memory_space<vmem>>
    %dma_wait3A_1067 = tpu.memref_squeeze %dma_wait3A_1066 : memref<1x128xi32, #tpu.memory_space<vmem>> -> memref<128xi32, #tpu.memory_space<vmem>>
    %dma_wait3A_1068 = arith.constant 0 : i32
    %dma_wait3A_1069 = arith.constant 0 : i32
    %dma_wait3A_1070 = tpu.memref_slice %arg2[%dma_wait3A_1068, %dma_wait3A_1069] : memref<26000x128xf32, #tpu.memory_space<hbm>> -> memref<26000x128xf32, #tpu.memory_space<hbm>>
    tpu.wait_indirect_dma semaphore(%arg12 : memref<!tpu.dma_semaphore, #tpu.memory_space<semaphore_mem>>) src(%dma_wait3A_1070 : memref<26000x128xf32, #tpu.memory_space<hbm>>) dst(%arg8 : memref<128x128xf32, #tpu.memory_space<vmem>>)
    %add3A_1071 = arith.constant 10 : i32
    %add3A_1072 = arith.addi %mul3A_2, %add3A_1071 : i32
    %jit3A_1073 = arith.constant 16 : i32
    %eq3A_1074 = arith.constant 0 : i32
    %eq3A_1075 = arith.cmpi eq, %jit3A_1073, %eq3A_1074 : i32
    %jit3A_1076 = arith.constant 1 : i32
    %select_n3A_1077 = arith.select %eq3A_1075, %jit3A_1076, %jit3A_1073 : i32
    %rem3A_1078 = arith.remsi %add3A_1072, %select_n3A_1077 : i32
    %ne3A_1079 = arith.constant 0 : i32
    %ne3A_1080 = arith.cmpi ne, %rem3A_1078, %ne3A_1079 : i32
    %lt3A_1081 = arith.constant 0 : i32
    %lt3A_1082 = arith.cmpi slt, %rem3A_1078, %lt3A_1081 : i32
    %lt3A_1083 = arith.constant 0 : i32
    %lt3A_1084 = arith.cmpi slt, %select_n3A_1077, %lt3A_1083 : i32
    %ne3A_1085 = arith.xori %lt3A_1082, %lt3A_1084 : i1
    %and3A_1086 = arith.andi %ne3A_1085, %ne3A_1080 : i1
    %add3A_1087 = arith.addi %rem3A_1078, %select_n3A_1077 : i32
    %select_n3A_1088 = arith.select %and3A_1086, %add3A_1087, %rem3A_1078 : i32
    %mul3A_1089 = arith.constant 128 : i32
    %mul3A_1090 = arith.muli %select_n3A_1088, %mul3A_1089 : i32
    %jit3A_1091 = arith.constant 16 : i32
    %div3A_1092 = arith.divsi %add3A_1072, %jit3A_1091 : i32
    %sign3A_1093 = arith.constant 0 : i32
    %sign3A_1094 = arith.cmpi sgt, %add3A_1072, %sign3A_1093 : i32
    %sign3A_1095 = arith.extui %sign3A_1094 : i1 to i32
    %sign3A_1096 = arith.constant 0 : i32
    %sign3A_1097 = arith.cmpi slt, %add3A_1072, %sign3A_1096 : i32
    %sign3A_1098 = arith.extui %sign3A_1097 : i1 to i32
    %sign3A_1099 = arith.subi %sign3A_1095, %sign3A_1098 : i32
    %sign3A_1100 = arith.constant 0 : i32
    %sign3A_1101 = arith.cmpi sgt, %jit3A_1091, %sign3A_1100 : i32
    %sign3A_1102 = arith.extui %sign3A_1101 : i1 to i32
    %sign3A_1103 = arith.constant 0 : i32
    %sign3A_1104 = arith.cmpi slt, %jit3A_1091, %sign3A_1103 : i32
    %sign3A_1105 = arith.extui %sign3A_1104 : i1 to i32
    %sign3A_1106 = arith.subi %sign3A_1102, %sign3A_1105 : i32
    %ne3A_1107 = arith.cmpi ne, %sign3A_1099, %sign3A_1106 : i32
    %rem3A_1108 = arith.remsi %add3A_1072, %jit3A_1091 : i32
    %ne3A_1109 = arith.constant 0 : i32
    %ne3A_1110 = arith.cmpi ne, %rem3A_1108, %ne3A_1109 : i32
    %and3A_1111 = arith.andi %ne3A_1107, %ne3A_1110 : i1
    %sub3A_1112 = arith.constant 1 : i32
    %sub3A_1113 = arith.subi %div3A_1092, %sub3A_1112 : i32
    %select_n3A_1114 = arith.select %and3A_1111, %sub3A_1113, %div3A_1092 : i32
    %mul3A_1115 = arith.constant 128 : i32
    %mul3A_1116 = arith.muli %select_n3A_1114, %mul3A_1115 : i32
    %dma_start3A_1117 = tpu.memref_slice %arg4[%mul3A_1090, %mul3A_1116] : memref<2048x3328xf32, #tpu.memory_space<hbm>> -> memref<128x128xf32, #tpu.memory_space<hbm>>
    %dma_start3A_1118 = tpu.memref_slice %arg4[%mul3A_1090, %mul3A_1116] : memref<2048x3328xf32, #tpu.memory_space<hbm>> -> memref<128x128xf32, #tpu.memory_space<hbm>>
    tpu.enqueue_dma source(%arg8 : memref<128x128xf32, #tpu.memory_space<vmem>>) target(%dma_start3A_1118 : memref<128x128xf32, #tpu.memory_space<hbm>>) target_semaphore(%arg16 : memref<!tpu.dma_semaphore, #tpu.memory_space<semaphore_mem>>)
    %dma_wait3A_1119 = arith.constant 0 : i32
    %dma_wait3A_1120 = arith.constant 0 : i32
    %dma_wait3A_1121 = tpu.memref_slice %arg5[%dma_wait3A_1119, %dma_wait3A_1120] : memref<16x128xi32, #tpu.memory_space<vmem>> -> memref<1x128xi32, #tpu.memory_space<vmem>>
    %dma_wait3A_1122 = tpu.memref_squeeze %dma_wait3A_1121 : memref<1x128xi32, #tpu.memory_space<vmem>> -> memref<128xi32, #tpu.memory_space<vmem>>
    %dma_wait3A_1123 = arith.constant 0 : i32
    %dma_wait3A_1124 = arith.constant 0 : i32
    %dma_wait3A_1125 = tpu.memref_slice %arg2[%dma_wait3A_1123, %dma_wait3A_1124] : memref<26000x128xf32, #tpu.memory_space<hbm>> -> memref<26000x128xf32, #tpu.memory_space<hbm>>
    tpu.wait_indirect_dma semaphore(%arg13 : memref<!tpu.dma_semaphore, #tpu.memory_space<semaphore_mem>>) src(%dma_wait3A_1125 : memref<26000x128xf32, #tpu.memory_space<hbm>>) dst(%arg9 : memref<128x128xf32, #tpu.memory_space<vmem>>)
    %add3A_1126 = arith.constant 11 : i32
    %add3A_1127 = arith.addi %mul3A_2, %add3A_1126 : i32
    %jit3A_1128 = arith.constant 16 : i32
    %eq3A_1129 = arith.constant 0 : i32
    %eq3A_1130 = arith.cmpi eq, %jit3A_1128, %eq3A_1129 : i32
    %jit3A_1131 = arith.constant 1 : i32
    %select_n3A_1132 = arith.select %eq3A_1130, %jit3A_1131, %jit3A_1128 : i32
    %rem3A_1133 = arith.remsi %add3A_1127, %select_n3A_1132 : i32
    %ne3A_1134 = arith.constant 0 : i32
    %ne3A_1135 = arith.cmpi ne, %rem3A_1133, %ne3A_1134 : i32
    %lt3A_1136 = arith.constant 0 : i32
    %lt3A_1137 = arith.cmpi slt, %rem3A_1133, %lt3A_1136 : i32
    %lt3A_1138 = arith.constant 0 : i32
    %lt3A_1139 = arith.cmpi slt, %select_n3A_1132, %lt3A_1138 : i32
    %ne3A_1140 = arith.xori %lt3A_1137, %lt3A_1139 : i1
    %and3A_1141 = arith.andi %ne3A_1140, %ne3A_1135 : i1
    %add3A_1142 = arith.addi %rem3A_1133, %select_n3A_1132 : i32
    %select_n3A_1143 = arith.select %and3A_1141, %add3A_1142, %rem3A_1133 : i32
    %mul3A_1144 = arith.constant 128 : i32
    %mul3A_1145 = arith.muli %select_n3A_1143, %mul3A_1144 : i32
    %jit3A_1146 = arith.constant 16 : i32
    %div3A_1147 = arith.divsi %add3A_1127, %jit3A_1146 : i32
    %sign3A_1148 = arith.constant 0 : i32
    %sign3A_1149 = arith.cmpi sgt, %add3A_1127, %sign3A_1148 : i32
    %sign3A_1150 = arith.extui %sign3A_1149 : i1 to i32
    %sign3A_1151 = arith.constant 0 : i32
    %sign3A_1152 = arith.cmpi slt, %add3A_1127, %sign3A_1151 : i32
    %sign3A_1153 = arith.extui %sign3A_1152 : i1 to i32
    %sign3A_1154 = arith.subi %sign3A_1150, %sign3A_1153 : i32
    %sign3A_1155 = arith.constant 0 : i32
    %sign3A_1156 = arith.cmpi sgt, %jit3A_1146, %sign3A_1155 : i32
    %sign3A_1157 = arith.extui %sign3A_1156 : i1 to i32
    %sign3A_1158 = arith.constant 0 : i32
    %sign3A_1159 = arith.cmpi slt, %jit3A_1146, %sign3A_1158 : i32
    %sign3A_1160 = arith.extui %sign3A_1159 : i1 to i32
    %sign3A_1161 = arith.subi %sign3A_1157, %sign3A_1160 : i32
    %ne3A_1162 = arith.cmpi ne, %sign3A_1154, %sign3A_1161 : i32
    %rem3A_1163 = arith.remsi %add3A_1127, %jit3A_1146 : i32
    %ne3A_1164 = arith.constant 0 : i32
    %ne3A_1165 = arith.cmpi ne, %rem3A_1163, %ne3A_1164 : i32
    %and3A_1166 = arith.andi %ne3A_1162, %ne3A_1165 : i1
    %sub3A_1167 = arith.constant 1 : i32
    %sub3A_1168 = arith.subi %div3A_1147, %sub3A_1167 : i32
    %select_n3A_1169 = arith.select %and3A_1166, %sub3A_1168, %div3A_1147 : i32
    %mul3A_1170 = arith.constant 128 : i32
    %mul3A_1171 = arith.muli %select_n3A_1169, %mul3A_1170 : i32
    %dma_start3A_1172 = tpu.memref_slice %arg4[%mul3A_1145, %mul3A_1171] : memref<2048x3328xf32, #tpu.memory_space<hbm>> -> memref<128x128xf32, #tpu.memory_space<hbm>>
    %dma_start3A_1173 = tpu.memref_slice %arg4[%mul3A_1145, %mul3A_1171] : memref<2048x3328xf32, #tpu.memory_space<hbm>> -> memref<128x128xf32, #tpu.memory_space<hbm>>
    tpu.enqueue_dma source(%arg9 : memref<128x128xf32, #tpu.memory_space<vmem>>) target(%dma_start3A_1173 : memref<128x128xf32, #tpu.memory_space<hbm>>) target_semaphore(%arg17 : memref<!tpu.dma_semaphore, #tpu.memory_space<semaphore_mem>>)
    %dma_wait3A_1174 = arith.constant 0 : i32
    %dma_wait3A_1175 = arith.constant 0 : i32
    %dma_wait3A_1176 = tpu.memref_slice %arg5[%dma_wait3A_1174, %dma_wait3A_1175] : memref<16x128xi32, #tpu.memory_space<vmem>> -> memref<1x128xi32, #tpu.memory_space<vmem>>
    %dma_wait3A_1177 = tpu.memref_squeeze %dma_wait3A_1176 : memref<1x128xi32, #tpu.memory_space<vmem>> -> memref<128xi32, #tpu.memory_space<vmem>>
    %dma_wait3A_1178 = arith.constant 0 : i32
    %dma_wait3A_1179 = arith.constant 0 : i32
    %dma_wait3A_1180 = tpu.memref_slice %arg2[%dma_wait3A_1178, %dma_wait3A_1179] : memref<26000x128xf32, #tpu.memory_space<hbm>> -> memref<26000x128xf32, #tpu.memory_space<hbm>>
    tpu.wait_indirect_dma semaphore(%arg10 : memref<!tpu.dma_semaphore, #tpu.memory_space<semaphore_mem>>) src(%dma_wait3A_1180 : memref<26000x128xf32, #tpu.memory_space<hbm>>) dst(%arg6 : memref<128x128xf32, #tpu.memory_space<vmem>>)
    %add3A_1181 = arith.constant 12 : i32
    %add3A_1182 = arith.addi %mul3A_2, %add3A_1181 : i32
    %jit3A_1183 = arith.constant 16 : i32
    %eq3A_1184 = arith.constant 0 : i32
    %eq3A_1185 = arith.cmpi eq, %jit3A_1183, %eq3A_1184 : i32
    %jit3A_1186 = arith.constant 1 : i32
    %select_n3A_1187 = arith.select %eq3A_1185, %jit3A_1186, %jit3A_1183 : i32
    %rem3A_1188 = arith.remsi %add3A_1182, %select_n3A_1187 : i32
    %ne3A_1189 = arith.constant 0 : i32
    %ne3A_1190 = arith.cmpi ne, %rem3A_1188, %ne3A_1189 : i32
    %lt3A_1191 = arith.constant 0 : i32
    %lt3A_1192 = arith.cmpi slt, %rem3A_1188, %lt3A_1191 : i32
    %lt3A_1193 = arith.constant 0 : i32
    %lt3A_1194 = arith.cmpi slt, %select_n3A_1187, %lt3A_1193 : i32
    %ne3A_1195 = arith.xori %lt3A_1192, %lt3A_1194 : i1
    %and3A_1196 = arith.andi %ne3A_1195, %ne3A_1190 : i1
    %add3A_1197 = arith.addi %rem3A_1188, %select_n3A_1187 : i32
    %select_n3A_1198 = arith.select %and3A_1196, %add3A_1197, %rem3A_1188 : i32
    %mul3A_1199 = arith.constant 128 : i32
    %mul3A_1200 = arith.muli %select_n3A_1198, %mul3A_1199 : i32
    %jit3A_1201 = arith.constant 16 : i32
    %div3A_1202 = arith.divsi %add3A_1182, %jit3A_1201 : i32
    %sign3A_1203 = arith.constant 0 : i32
    %sign3A_1204 = arith.cmpi sgt, %add3A_1182, %sign3A_1203 : i32
    %sign3A_1205 = arith.extui %sign3A_1204 : i1 to i32
    %sign3A_1206 = arith.constant 0 : i32
    %sign3A_1207 = arith.cmpi slt, %add3A_1182, %sign3A_1206 : i32
    %sign3A_1208 = arith.extui %sign3A_1207 : i1 to i32
    %sign3A_1209 = arith.subi %sign3A_1205, %sign3A_1208 : i32
    %sign3A_1210 = arith.constant 0 : i32
    %sign3A_1211 = arith.cmpi sgt, %jit3A_1201, %sign3A_1210 : i32
    %sign3A_1212 = arith.extui %sign3A_1211 : i1 to i32
    %sign3A_1213 = arith.constant 0 : i32
    %sign3A_1214 = arith.cmpi slt, %jit3A_1201, %sign3A_1213 : i32
    %sign3A_1215 = arith.extui %sign3A_1214 : i1 to i32
    %sign3A_1216 = arith.subi %sign3A_1212, %sign3A_1215 : i32
    %ne3A_1217 = arith.cmpi ne, %sign3A_1209, %sign3A_1216 : i32
    %rem3A_1218 = arith.remsi %add3A_1182, %jit3A_1201 : i32
    %ne3A_1219 = arith.constant 0 : i32
    %ne3A_1220 = arith.cmpi ne, %rem3A_1218, %ne3A_1219 : i32
    %and3A_1221 = arith.andi %ne3A_1217, %ne3A_1220 : i1
    %sub3A_1222 = arith.constant 1 : i32
    %sub3A_1223 = arith.subi %div3A_1202, %sub3A_1222 : i32
    %select_n3A_1224 = arith.select %and3A_1221, %sub3A_1223, %div3A_1202 : i32
    %mul3A_1225 = arith.constant 128 : i32
    %mul3A_1226 = arith.muli %select_n3A_1224, %mul3A_1225 : i32
    %dma_start3A_1227 = tpu.memref_slice %arg4[%mul3A_1200, %mul3A_1226] : memref<2048x3328xf32, #tpu.memory_space<hbm>> -> memref<128x128xf32, #tpu.memory_space<hbm>>
    %dma_start3A_1228 = tpu.memref_slice %arg4[%mul3A_1200, %mul3A_1226] : memref<2048x3328xf32, #tpu.memory_space<hbm>> -> memref<128x128xf32, #tpu.memory_space<hbm>>
    tpu.enqueue_dma source(%arg6 : memref<128x128xf32, #tpu.memory_space<vmem>>) target(%dma_start3A_1228 : memref<128x128xf32, #tpu.memory_space<hbm>>) target_semaphore(%arg14 : memref<!tpu.dma_semaphore, #tpu.memory_space<semaphore_mem>>)
    %add3A_1229 = arith.constant 9 : i32
    %add3A_1230 = arith.addi %mul3A_2, %add3A_1229 : i32
    %jit3A_1231 = arith.constant 16 : i32
    %eq3A_1232 = arith.constant 0 : i32
    %eq3A_1233 = arith.cmpi eq, %jit3A_1231, %eq3A_1232 : i32
    %jit3A_1234 = arith.constant 1 : i32
    %select_n3A_1235 = arith.select %eq3A_1233, %jit3A_1234, %jit3A_1231 : i32
    %rem3A_1236 = arith.remsi %add3A_1230, %select_n3A_1235 : i32
    %ne3A_1237 = arith.constant 0 : i32
    %ne3A_1238 = arith.cmpi ne, %rem3A_1236, %ne3A_1237 : i32
    %lt3A_1239 = arith.constant 0 : i32
    %lt3A_1240 = arith.cmpi slt, %rem3A_1236, %lt3A_1239 : i32
    %lt3A_1241 = arith.constant 0 : i32
    %lt3A_1242 = arith.cmpi slt, %select_n3A_1235, %lt3A_1241 : i32
    %ne3A_1243 = arith.xori %lt3A_1240, %lt3A_1242 : i1
    %and3A_1244 = arith.andi %ne3A_1243, %ne3A_1238 : i1
    %add3A_1245 = arith.addi %rem3A_1236, %select_n3A_1235 : i32
    %select_n3A_1246 = arith.select %and3A_1244, %add3A_1245, %rem3A_1236 : i32
    %mul3A_1247 = arith.constant 128 : i32
    %mul3A_1248 = arith.muli %select_n3A_1246, %mul3A_1247 : i32
    %jit3A_1249 = arith.constant 16 : i32
    %div3A_1250 = arith.divsi %add3A_1230, %jit3A_1249 : i32
    %sign3A_1251 = arith.constant 0 : i32
    %sign3A_1252 = arith.cmpi sgt, %add3A_1230, %sign3A_1251 : i32
    %sign3A_1253 = arith.extui %sign3A_1252 : i1 to i32
    %sign3A_1254 = arith.constant 0 : i32
    %sign3A_1255 = arith.cmpi slt, %add3A_1230, %sign3A_1254 : i32
    %sign3A_1256 = arith.extui %sign3A_1255 : i1 to i32
    %sign3A_1257 = arith.subi %sign3A_1253, %sign3A_1256 : i32
    %sign3A_1258 = arith.constant 0 : i32
    %sign3A_1259 = arith.cmpi sgt, %jit3A_1249, %sign3A_1258 : i32
    %sign3A_1260 = arith.extui %sign3A_1259 : i1 to i32
    %sign3A_1261 = arith.constant 0 : i32
    %sign3A_1262 = arith.cmpi slt, %jit3A_1249, %sign3A_1261 : i32
    %sign3A_1263 = arith.extui %sign3A_1262 : i1 to i32
    %sign3A_1264 = arith.subi %sign3A_1260, %sign3A_1263 : i32
    %ne3A_1265 = arith.cmpi ne, %sign3A_1257, %sign3A_1264 : i32
    %rem3A_1266 = arith.remsi %add3A_1230, %jit3A_1249 : i32
    %ne3A_1267 = arith.constant 0 : i32
    %ne3A_1268 = arith.cmpi ne, %rem3A_1266, %ne3A_1267 : i32
    %and3A_1269 = arith.andi %ne3A_1265, %ne3A_1268 : i1
    %sub3A_1270 = arith.constant 1 : i32
    %sub3A_1271 = arith.subi %div3A_1250, %sub3A_1270 : i32
    %select_n3A_1272 = arith.select %and3A_1269, %sub3A_1271, %div3A_1250 : i32
    %mul3A_1273 = arith.constant 128 : i32
    %mul3A_1274 = arith.muli %select_n3A_1272, %mul3A_1273 : i32
    %dma_wait3A_1275 = tpu.memref_slice %arg4[%mul3A_1248, %mul3A_1274] : memref<2048x3328xf32, #tpu.memory_space<hbm>> -> memref<128x128xf32, #tpu.memory_space<hbm>>
    %dma_wait3A_1276 = tpu.memref_slice %arg4[%mul3A_1248, %mul3A_1274] : memref<2048x3328xf32, #tpu.memory_space<hbm>> -> memref<128x128xf32, #tpu.memory_space<hbm>>
    tpu.wait_dma2 semaphore(%arg15 : memref<!tpu.dma_semaphore, #tpu.memory_space<semaphore_mem>>) src(%arg7 : memref<128x128xf32, #tpu.memory_space<vmem>>) dst(%dma_wait3A_1276 : memref<128x128xf32, #tpu.memory_space<hbm>>)
    %add3A_1277 = arith.constant 10 : i32
    %add3A_1278 = arith.addi %mul3A_2, %add3A_1277 : i32
    %jit3A_1279 = arith.constant 16 : i32
    %eq3A_1280 = arith.constant 0 : i32
    %eq3A_1281 = arith.cmpi eq, %jit3A_1279, %eq3A_1280 : i32
    %jit3A_1282 = arith.constant 1 : i32
    %select_n3A_1283 = arith.select %eq3A_1281, %jit3A_1282, %jit3A_1279 : i32
    %rem3A_1284 = arith.remsi %add3A_1278, %select_n3A_1283 : i32
    %ne3A_1285 = arith.constant 0 : i32
    %ne3A_1286 = arith.cmpi ne, %rem3A_1284, %ne3A_1285 : i32
    %lt3A_1287 = arith.constant 0 : i32
    %lt3A_1288 = arith.cmpi slt, %rem3A_1284, %lt3A_1287 : i32
    %lt3A_1289 = arith.constant 0 : i32
    %lt3A_1290 = arith.cmpi slt, %select_n3A_1283, %lt3A_1289 : i32
    %ne3A_1291 = arith.xori %lt3A_1288, %lt3A_1290 : i1
    %and3A_1292 = arith.andi %ne3A_1291, %ne3A_1286 : i1
    %add3A_1293 = arith.addi %rem3A_1284, %select_n3A_1283 : i32
    %select_n3A_1294 = arith.select %and3A_1292, %add3A_1293, %rem3A_1284 : i32
    %mul3A_1295 = arith.constant 128 : i32
    %mul3A_1296 = arith.muli %select_n3A_1294, %mul3A_1295 : i32
    %jit3A_1297 = arith.constant 16 : i32
    %div3A_1298 = arith.divsi %add3A_1278, %jit3A_1297 : i32
    %sign3A_1299 = arith.constant 0 : i32
    %sign3A_1300 = arith.cmpi sgt, %add3A_1278, %sign3A_1299 : i32
    %sign3A_1301 = arith.extui %sign3A_1300 : i1 to i32
    %sign3A_1302 = arith.constant 0 : i32
    %sign3A_1303 = arith.cmpi slt, %add3A_1278, %sign3A_1302 : i32
    %sign3A_1304 = arith.extui %sign3A_1303 : i1 to i32
    %sign3A_1305 = arith.subi %sign3A_1301, %sign3A_1304 : i32
    %sign3A_1306 = arith.constant 0 : i32
    %sign3A_1307 = arith.cmpi sgt, %jit3A_1297, %sign3A_1306 : i32
    %sign3A_1308 = arith.extui %sign3A_1307 : i1 to i32
    %sign3A_1309 = arith.constant 0 : i32
    %sign3A_1310 = arith.cmpi slt, %jit3A_1297, %sign3A_1309 : i32
    %sign3A_1311 = arith.extui %sign3A_1310 : i1 to i32
    %sign3A_1312 = arith.subi %sign3A_1308, %sign3A_1311 : i32
    %ne3A_1313 = arith.cmpi ne, %sign3A_1305, %sign3A_1312 : i32
    %rem3A_1314 = arith.remsi %add3A_1278, %jit3A_1297 : i32
    %ne3A_1315 = arith.constant 0 : i32
    %ne3A_1316 = arith.cmpi ne, %rem3A_1314, %ne3A_1315 : i32
    %and3A_1317 = arith.andi %ne3A_1313, %ne3A_1316 : i1
    %sub3A_1318 = arith.constant 1 : i32
    %sub3A_1319 = arith.subi %div3A_1298, %sub3A_1318 : i32
    %select_n3A_1320 = arith.select %and3A_1317, %sub3A_1319, %div3A_1298 : i32
    %mul3A_1321 = arith.constant 128 : i32
    %mul3A_1322 = arith.muli %select_n3A_1320, %mul3A_1321 : i32
    %dma_wait3A_1323 = tpu.memref_slice %arg4[%mul3A_1296, %mul3A_1322] : memref<2048x3328xf32, #tpu.memory_space<hbm>> -> memref<128x128xf32, #tpu.memory_space<hbm>>
    %dma_wait3A_1324 = tpu.memref_slice %arg4[%mul3A_1296, %mul3A_1322] : memref<2048x3328xf32, #tpu.memory_space<hbm>> -> memref<128x128xf32, #tpu.memory_space<hbm>>
    tpu.wait_dma2 semaphore(%arg16 : memref<!tpu.dma_semaphore, #tpu.memory_space<semaphore_mem>>) src(%arg8 : memref<128x128xf32, #tpu.memory_space<vmem>>) dst(%dma_wait3A_1324 : memref<128x128xf32, #tpu.memory_space<hbm>>)
    %add3A_1325 = arith.constant 11 : i32
    %add3A_1326 = arith.addi %mul3A_2, %add3A_1325 : i32
    %jit3A_1327 = arith.constant 16 : i32
    %eq3A_1328 = arith.constant 0 : i32
    %eq3A_1329 = arith.cmpi eq, %jit3A_1327, %eq3A_1328 : i32
    %jit3A_1330 = arith.constant 1 : i32
    %select_n3A_1331 = arith.select %eq3A_1329, %jit3A_1330, %jit3A_1327 : i32
    %rem3A_1332 = arith.remsi %add3A_1326, %select_n3A_1331 : i32
    %ne3A_1333 = arith.constant 0 : i32
    %ne3A_1334 = arith.cmpi ne, %rem3A_1332, %ne3A_1333 : i32
    %lt3A_1335 = arith.constant 0 : i32
    %lt3A_1336 = arith.cmpi slt, %rem3A_1332, %lt3A_1335 : i32
    %lt3A_1337 = arith.constant 0 : i32
    %lt3A_1338 = arith.cmpi slt, %select_n3A_1331, %lt3A_1337 : i32
    %ne3A_1339 = arith.xori %lt3A_1336, %lt3A_1338 : i1
    %and3A_1340 = arith.andi %ne3A_1339, %ne3A_1334 : i1
    %add3A_1341 = arith.addi %rem3A_1332, %select_n3A_1331 : i32
    %select_n3A_1342 = arith.select %and3A_1340, %add3A_1341, %rem3A_1332 : i32
    %mul3A_1343 = arith.constant 128 : i32
    %mul3A_1344 = arith.muli %select_n3A_1342, %mul3A_1343 : i32
    %jit3A_1345 = arith.constant 16 : i32
    %div3A_1346 = arith.divsi %add3A_1326, %jit3A_1345 : i32
    %sign3A_1347 = arith.constant 0 : i32
    %sign3A_1348 = arith.cmpi sgt, %add3A_1326, %sign3A_1347 : i32
    %sign3A_1349 = arith.extui %sign3A_1348 : i1 to i32
    %sign3A_1350 = arith.constant 0 : i32
    %sign3A_1351 = arith.cmpi slt, %add3A_1326, %sign3A_1350 : i32
    %sign3A_1352 = arith.extui %sign3A_1351 : i1 to i32
    %sign3A_1353 = arith.subi %sign3A_1349, %sign3A_1352 : i32
    %sign3A_1354 = arith.constant 0 : i32
    %sign3A_1355 = arith.cmpi sgt, %jit3A_1345, %sign3A_1354 : i32
    %sign3A_1356 = arith.extui %sign3A_1355 : i1 to i32
    %sign3A_1357 = arith.constant 0 : i32
    %sign3A_1358 = arith.cmpi slt, %jit3A_1345, %sign3A_1357 : i32
    %sign3A_1359 = arith.extui %sign3A_1358 : i1 to i32
    %sign3A_1360 = arith.subi %sign3A_1356, %sign3A_1359 : i32
    %ne3A_1361 = arith.cmpi ne, %sign3A_1353, %sign3A_1360 : i32
    %rem3A_1362 = arith.remsi %add3A_1326, %jit3A_1345 : i32
    %ne3A_1363 = arith.constant 0 : i32
    %ne3A_1364 = arith.cmpi ne, %rem3A_1362, %ne3A_1363 : i32
    %and3A_1365 = arith.andi %ne3A_1361, %ne3A_1364 : i1
    %sub3A_1366 = arith.constant 1 : i32
    %sub3A_1367 = arith.subi %div3A_1346, %sub3A_1366 : i32
    %select_n3A_1368 = arith.select %and3A_1365, %sub3A_1367, %div3A_1346 : i32
    %mul3A_1369 = arith.constant 128 : i32
    %mul3A_1370 = arith.muli %select_n3A_1368, %mul3A_1369 : i32
    %dma_wait3A_1371 = tpu.memref_slice %arg4[%mul3A_1344, %mul3A_1370] : memref<2048x3328xf32, #tpu.memory_space<hbm>> -> memref<128x128xf32, #tpu.memory_space<hbm>>
    %dma_wait3A_1372 = tpu.memref_slice %arg4[%mul3A_1344, %mul3A_1370] : memref<2048x3328xf32, #tpu.memory_space<hbm>> -> memref<128x128xf32, #tpu.memory_space<hbm>>
    tpu.wait_dma2 semaphore(%arg17 : memref<!tpu.dma_semaphore, #tpu.memory_space<semaphore_mem>>) src(%arg9 : memref<128x128xf32, #tpu.memory_space<vmem>>) dst(%dma_wait3A_1372 : memref<128x128xf32, #tpu.memory_space<hbm>>)
    %add3A_1373 = arith.constant 12 : i32
    %add3A_1374 = arith.addi %mul3A_2, %add3A_1373 : i32
    %jit3A_1375 = arith.constant 16 : i32
    %eq3A_1376 = arith.constant 0 : i32
    %eq3A_1377 = arith.cmpi eq, %jit3A_1375, %eq3A_1376 : i32
    %jit3A_1378 = arith.constant 1 : i32
    %select_n3A_1379 = arith.select %eq3A_1377, %jit3A_1378, %jit3A_1375 : i32
    %rem3A_1380 = arith.remsi %add3A_1374, %select_n3A_1379 : i32
    %ne3A_1381 = arith.constant 0 : i32
    %ne3A_1382 = arith.cmpi ne, %rem3A_1380, %ne3A_1381 : i32
    %lt3A_1383 = arith.constant 0 : i32
    %lt3A_1384 = arith.cmpi slt, %rem3A_1380, %lt3A_1383 : i32
    %lt3A_1385 = arith.constant 0 : i32
    %lt3A_1386 = arith.cmpi slt, %select_n3A_1379, %lt3A_1385 : i32
    %ne3A_1387 = arith.xori %lt3A_1384, %lt3A_1386 : i1
    %and3A_1388 = arith.andi %ne3A_1387, %ne3A_1382 : i1
    %add3A_1389 = arith.addi %rem3A_1380, %select_n3A_1379 : i32
    %select_n3A_1390 = arith.select %and3A_1388, %add3A_1389, %rem3A_1380 : i32
    %mul3A_1391 = arith.constant 128 : i32
    %mul3A_1392 = arith.muli %select_n3A_1390, %mul3A_1391 : i32
    %jit3A_1393 = arith.constant 16 : i32
    %div3A_1394 = arith.divsi %add3A_1374, %jit3A_1393 : i32
    %sign3A_1395 = arith.constant 0 : i32
    %sign3A_1396 = arith.cmpi sgt, %add3A_1374, %sign3A_1395 : i32
    %sign3A_1397 = arith.extui %sign3A_1396 : i1 to i32
    %sign3A_1398 = arith.constant 0 : i32
    %sign3A_1399 = arith.cmpi slt, %add3A_1374, %sign3A_1398 : i32
    %sign3A_1400 = arith.extui %sign3A_1399 : i1 to i32
    %sign3A_1401 = arith.subi %sign3A_1397, %sign3A_1400 : i32
    %sign3A_1402 = arith.constant 0 : i32
    %sign3A_1403 = arith.cmpi sgt, %jit3A_1393, %sign3A_1402 : i32
    %sign3A_1404 = arith.extui %sign3A_1403 : i1 to i32
    %sign3A_1405 = arith.constant 0 : i32
    %sign3A_1406 = arith.cmpi slt, %jit3A_1393, %sign3A_1405 : i32
    %sign3A_1407 = arith.extui %sign3A_1406 : i1 to i32
    %sign3A_1408 = arith.subi %sign3A_1404, %sign3A_1407 : i32
    %ne3A_1409 = arith.cmpi ne, %sign3A_1401, %sign3A_1408 : i32
    %rem3A_1410 = arith.remsi %add3A_1374, %jit3A_1393 : i32
    %ne3A_1411 = arith.constant 0 : i32
    %ne3A_1412 = arith.cmpi ne, %rem3A_1410, %ne3A_1411 : i32
    %and3A_1413 = arith.andi %ne3A_1409, %ne3A_1412 : i1
    %sub3A_1414 = arith.constant 1 : i32
    %sub3A_1415 = arith.subi %div3A_1394, %sub3A_1414 : i32
    %select_n3A_1416 = arith.select %and3A_1413, %sub3A_1415, %div3A_1394 : i32
    %mul3A_1417 = arith.constant 128 : i32
    %mul3A_1418 = arith.muli %select_n3A_1416, %mul3A_1417 : i32
    %dma_wait3A_1419 = tpu.memref_slice %arg4[%mul3A_1392, %mul3A_1418] : memref<2048x3328xf32, #tpu.memory_space<hbm>> -> memref<128x128xf32, #tpu.memory_space<hbm>>
    %dma_wait3A_1420 = tpu.memref_slice %arg4[%mul3A_1392, %mul3A_1418] : memref<2048x3328xf32, #tpu.memory_space<hbm>> -> memref<128x128xf32, #tpu.memory_space<hbm>>
    tpu.wait_dma2 semaphore(%arg14 : memref<!tpu.dma_semaphore, #tpu.memory_space<semaphore_mem>>) src(%arg6 : memref<128x128xf32, #tpu.memory_space<vmem>>) dst(%dma_wait3A_1420 : memref<128x128xf32, #tpu.memory_space<hbm>>)
    return
  }
}

module attributes {stable_mosaic.version = 14 : i64} {
  func.func @_mlp_body(%arg0: i32, %arg1: memref<512x39xf32, #tpu.memory_space<vmem>>, %arg2: memref<512x3328xf32, #tpu.memory_space<vmem>>, %arg3: memref<39x1xf32, #tpu.memory_space<vmem>>, %arg4: memref<3328x1024xbf16, #tpu.memory_space<vmem>>, %arg5: memref<39x1024xf32, #tpu.memory_space<vmem>>, %arg6: memref<1x1024xf32, #tpu.memory_space<vmem>>, %arg7: memref<1x1024xf32, #tpu.memory_space<vmem>>, %arg8: memref<1x1024xf32, #tpu.memory_space<vmem>>, %arg9: memref<1024x512xbf16, #tpu.memory_space<vmem>>, %arg10: memref<1x512xf32, #tpu.memory_space<vmem>>, %arg11: memref<1x512xf32, #tpu.memory_space<vmem>>, %arg12: memref<1x512xf32, #tpu.memory_space<vmem>>, %arg13: memref<512x256xbf16, #tpu.memory_space<vmem>>, %arg14: memref<1x256xf32, #tpu.memory_space<vmem>>, %arg15: memref<1x256xf32, #tpu.memory_space<vmem>>, %arg16: memref<1x256xf32, #tpu.memory_space<vmem>>, %arg17: memref<256x1xbf16, #tpu.memory_space<vmem>>, %arg18: memref<1x1xf32, #tpu.memory_space<vmem>>, %arg19: memref<512x1xf32, #tpu.memory_space<vmem>>) attributes {dimension_semantics = [#tpu.dimension_semantics<arbitrary>], iteration_bounds = array<i64: 4>, scalar_prefetch = 0 : i64, scratch_operands = 0 : i64, tpu.core_type = #tpu.core_type<tc>, window_params = [{transform_indices = @transform_0, window_bounds = array<i64: 512, 39>}, {transform_indices = @transform_1, window_bounds = array<i64: 512, 3328>}, {pipeline_mode = #tpu.pipeline_mode<synchronous>, transform_indices = @transform_2, window_bounds = array<i64: 39, 1>}, {pipeline_mode = #tpu.pipeline_mode<synchronous>, transform_indices = @transform_3, window_bounds = array<i64: 3328, 1024>}, {pipeline_mode = #tpu.pipeline_mode<synchronous>, transform_indices = @transform_4, window_bounds = array<i64: 39, 1024>}, {pipeline_mode = #tpu.pipeline_mode<synchronous>, transform_indices = @transform_5, window_bounds = array<i64: 1, 1024>}, {pipeline_mode = #tpu.pipeline_mode<synchronous>, transform_indices = @transform_6, window_bounds = array<i64: 1, 1024>}, {pipeline_mode = #tpu.pipeline_mode<synchronous>, transform_indices = @transform_7, window_bounds = array<i64: 1, 1024>}, {pipeline_mode = #tpu.pipeline_mode<synchronous>, transform_indices = @transform_8, window_bounds = array<i64: 1024, 512>}, {pipeline_mode = #tpu.pipeline_mode<synchronous>, transform_indices = @transform_9, window_bounds = array<i64: 1, 512>}, {pipeline_mode = #tpu.pipeline_mode<synchronous>, transform_indices = @transform_10, window_bounds = array<i64: 1, 512>}, {pipeline_mode = #tpu.pipeline_mode<synchronous>, transform_indices = @transform_11, window_bounds = array<i64: 1, 512>}, {pipeline_mode = #tpu.pipeline_mode<synchronous>, transform_indices = @transform_12, window_bounds = array<i64: 512, 256>}, {pipeline_mode = #tpu.pipeline_mode<synchronous>, transform_indices = @transform_13, window_bounds = array<i64: 1, 256>}, {pipeline_mode = #tpu.pipeline_mode<synchronous>, transform_indices = @transform_14, window_bounds = array<i64: 1, 256>}, {pipeline_mode = #tpu.pipeline_mode<synchronous>, transform_indices = @transform_15, window_bounds = array<i64: 1, 256>}, {pipeline_mode = #tpu.pipeline_mode<synchronous>, transform_indices = @transform_16, window_bounds = array<i64: 256, 1>}, {pipeline_mode = #tpu.pipeline_mode<synchronous>, transform_indices = @transform_17, window_bounds = array<i64: 1, 1>}, {transform_indices = @transform_18, window_bounds = array<i64: 512, 1>}]} {
    %get3A = arith.constant 0 : index
    %get3A_0 = arith.constant 0 : index
    %get3A_1 = vector.load %arg1[%get3A, %get3A_0] : memref<512x39xf32, #tpu.memory_space<vmem>>, vector<512x39xf32>
    %get3A_2 = arith.constant 0 : index
    %get3A_3 = arith.constant 0 : index
    %get3A_4 = vector.load %arg2[%get3A_2, %get3A_3] : memref<512x3328xf32, #tpu.memory_space<vmem>>, vector<512x3328xf32>
    %convert_element_type3A = arith.truncf %get3A_4 : vector<512x3328xf32> to vector<512x3328xbf16>
    %get3A_5 = arith.constant 0 : index
    %get3A_6 = arith.constant 0 : index
    %get3A_7 = vector.load %arg4[%get3A_5, %get3A_6] : memref<3328x1024xbf16, #tpu.memory_space<vmem>>, vector<3328x1024xbf16>
    %dot_general3A = arith.constant dense<0.000000e+00> : vector<512x1024xf32>
    %dot_general3A_8 = tpu.matmul %convert_element_type3A, %get3A_7, %dot_general3A {dimension_numbers = #tpu.dot_dimension_numbers<[1], [0], [0], [1], [0, 0, 1, 1], [], []>, transpose_lhs_hint = false} : vector<512x3328xbf16>, vector<3328x1024xbf16>, vector<512x1024xf32> -> vector<512x1024xf32>
    %get3A_9 = arith.constant 0 : index
    %get3A_10 = arith.constant 0 : index
    %get3A_11 = vector.load %arg5[%get3A_9, %get3A_10] : memref<39x1024xf32, #tpu.memory_space<vmem>>, vector<39x1024xf32>
    %dot_general3A_12 = arith.constant dense<0.000000e+00> : vector<512x1024xf32>
    %dot_general3A_13 = tpu.matmul %get3A_1, %get3A_11, %dot_general3A_12 {dimension_numbers = #tpu.dot_dimension_numbers<[1], [0], [0], [1], [0, 0, 1, 1], [], []>, transpose_lhs_hint = false} : vector<512x39xf32>, vector<39x1024xf32>, vector<512x1024xf32> -> vector<512x1024xf32>
    %add3A = arith.addf %dot_general3A_8, %dot_general3A_13 : vector<512x1024xf32>
    %get3A_14 = arith.constant 0 : index
    %get3A_15 = arith.constant 0 : index
    %get3A_16 = vector.load %arg6[%get3A_14, %get3A_15] : memref<1x1024xf32, #tpu.memory_space<vmem>>, vector<1x1024xf32>
    %add3A_17 = vector.broadcast %get3A_16 : vector<1x1024xf32> to vector<512x1024xf32>
    %add3A_18 = arith.addf %add3A, %add3A_17 : vector<512x1024xf32>
    %get3A_19 = arith.constant 0 : index
    %get3A_20 = arith.constant 0 : index
    %get3A_21 = vector.load %arg7[%get3A_19, %get3A_20] : memref<1x1024xf32, #tpu.memory_space<vmem>>, vector<1x1024xf32>
    %mul3A = arith.constant 0.999500393 : f32
    %mul3A_22 = vector.broadcast %mul3A : f32 to vector<1x1024xf32>
    %mul3A_23 = arith.mulf %get3A_21, %mul3A_22 : vector<1x1024xf32>
    %mul3A_24 = vector.broadcast %mul3A_23 : vector<1x1024xf32> to vector<512x1024xf32>
    %mul3A_25 = arith.mulf %add3A_18, %mul3A_24 : vector<512x1024xf32>
    %get3A_26 = arith.constant 0 : index
    %get3A_27 = arith.constant 0 : index
    %get3A_28 = vector.load %arg8[%get3A_26, %get3A_27] : memref<1x1024xf32, #tpu.memory_space<vmem>>, vector<1x1024xf32>
    %add3A_29 = vector.broadcast %get3A_28 : vector<1x1024xf32> to vector<512x1024xf32>
    %add3A_30 = arith.addf %mul3A_25, %add3A_29 : vector<512x1024xf32>
    %max3A = arith.constant 0.000000e+00 : f32
    %max3A_31 = vector.broadcast %max3A : f32 to vector<512x1024xf32>
    %max3A_32 = arith.maximumf %add3A_30, %max3A_31 : vector<512x1024xf32>
    %convert_element_type3A_33 = arith.truncf %max3A_32 : vector<512x1024xf32> to vector<512x1024xbf16>
    %get3A_34 = arith.constant 0 : index
    %get3A_35 = arith.constant 0 : index
    %get3A_36 = vector.load %arg9[%get3A_34, %get3A_35] : memref<1024x512xbf16, #tpu.memory_space<vmem>>, vector<1024x512xbf16>
    %dot_general3A_37 = arith.constant dense<0.000000e+00> : vector<512x512xf32>
    %dot_general3A_38 = tpu.matmul %convert_element_type3A_33, %get3A_36, %dot_general3A_37 {dimension_numbers = #tpu.dot_dimension_numbers<[1], [0], [0], [1], [0, 0, 1, 1], [], []>, transpose_lhs_hint = false} : vector<512x1024xbf16>, vector<1024x512xbf16>, vector<512x512xf32> -> vector<512x512xf32>
    %get3A_39 = arith.constant 0 : index
    %get3A_40 = arith.constant 0 : index
    %get3A_41 = vector.load %arg10[%get3A_39, %get3A_40] : memref<1x512xf32, #tpu.memory_space<vmem>>, vector<1x512xf32>
    %add3A_42 = vector.broadcast %get3A_41 : vector<1x512xf32> to vector<512x512xf32>
    %add3A_43 = arith.addf %dot_general3A_38, %add3A_42 : vector<512x512xf32>
    %get3A_44 = arith.constant 0 : index
    %get3A_45 = arith.constant 0 : index
    %get3A_46 = vector.load %arg11[%get3A_44, %get3A_45] : memref<1x512xf32, #tpu.memory_space<vmem>>, vector<1x512xf32>
    %mul3A_47 = arith.constant 0.999500393 : f32
    %mul3A_48 = vector.broadcast %mul3A_47 : f32 to vector<1x512xf32>
    %mul3A_49 = arith.mulf %get3A_46, %mul3A_48 : vector<1x512xf32>
    %mul3A_50 = vector.broadcast %mul3A_49 : vector<1x512xf32> to vector<512x512xf32>
    %mul3A_51 = arith.mulf %add3A_43, %mul3A_50 : vector<512x512xf32>
    %get3A_52 = arith.constant 0 : index
    %get3A_53 = arith.constant 0 : index
    %get3A_54 = vector.load %arg12[%get3A_52, %get3A_53] : memref<1x512xf32, #tpu.memory_space<vmem>>, vector<1x512xf32>
    %add3A_55 = vector.broadcast %get3A_54 : vector<1x512xf32> to vector<512x512xf32>
    %add3A_56 = arith.addf %mul3A_51, %add3A_55 : vector<512x512xf32>
    %max3A_57 = arith.constant 0.000000e+00 : f32
    %max3A_58 = vector.broadcast %max3A_57 : f32 to vector<512x512xf32>
    %max3A_59 = arith.maximumf %add3A_56, %max3A_58 : vector<512x512xf32>
    %convert_element_type3A_60 = arith.truncf %max3A_59 : vector<512x512xf32> to vector<512x512xbf16>
    %get3A_61 = arith.constant 0 : index
    %get3A_62 = arith.constant 0 : index
    %get3A_63 = vector.load %arg13[%get3A_61, %get3A_62] : memref<512x256xbf16, #tpu.memory_space<vmem>>, vector<512x256xbf16>
    %dot_general3A_64 = arith.constant dense<0.000000e+00> : vector<512x256xf32>
    %dot_general3A_65 = tpu.matmul %convert_element_type3A_60, %get3A_63, %dot_general3A_64 {dimension_numbers = #tpu.dot_dimension_numbers<[1], [0], [0], [1], [0, 0, 1, 1], [], []>, transpose_lhs_hint = false} : vector<512x512xbf16>, vector<512x256xbf16>, vector<512x256xf32> -> vector<512x256xf32>
    %get3A_66 = arith.constant 0 : index
    %get3A_67 = arith.constant 0 : index
    %get3A_68 = vector.load %arg14[%get3A_66, %get3A_67] : memref<1x256xf32, #tpu.memory_space<vmem>>, vector<1x256xf32>
    %add3A_69 = vector.broadcast %get3A_68 : vector<1x256xf32> to vector<512x256xf32>
    %add3A_70 = arith.addf %dot_general3A_65, %add3A_69 : vector<512x256xf32>
    %get3A_71 = arith.constant 0 : index
    %get3A_72 = arith.constant 0 : index
    %get3A_73 = vector.load %arg15[%get3A_71, %get3A_72] : memref<1x256xf32, #tpu.memory_space<vmem>>, vector<1x256xf32>
    %mul3A_74 = arith.constant 0.999500393 : f32
    %mul3A_75 = vector.broadcast %mul3A_74 : f32 to vector<1x256xf32>
    %mul3A_76 = arith.mulf %get3A_73, %mul3A_75 : vector<1x256xf32>
    %mul3A_77 = vector.broadcast %mul3A_76 : vector<1x256xf32> to vector<512x256xf32>
    %mul3A_78 = arith.mulf %add3A_70, %mul3A_77 : vector<512x256xf32>
    %get3A_79 = arith.constant 0 : index
    %get3A_80 = arith.constant 0 : index
    %get3A_81 = vector.load %arg16[%get3A_79, %get3A_80] : memref<1x256xf32, #tpu.memory_space<vmem>>, vector<1x256xf32>
    %add3A_82 = vector.broadcast %get3A_81 : vector<1x256xf32> to vector<512x256xf32>
    %add3A_83 = arith.addf %mul3A_78, %add3A_82 : vector<512x256xf32>
    %max3A_84 = arith.constant 0.000000e+00 : f32
    %max3A_85 = vector.broadcast %max3A_84 : f32 to vector<512x256xf32>
    %max3A_86 = arith.maximumf %add3A_83, %max3A_85 : vector<512x256xf32>
    %convert_element_type3A_87 = arith.truncf %max3A_86 : vector<512x256xf32> to vector<512x256xbf16>
    %get3A_88 = arith.constant 0 : index
    %get3A_89 = arith.constant 0 : index
    %get3A_90 = vector.load %arg17[%get3A_88, %get3A_89] : memref<256x1xbf16, #tpu.memory_space<vmem>>, vector<256x1xbf16>
    %dot_general3A_91 = arith.constant dense<0.000000e+00> : vector<512x1xf32>
    %dot_general3A_92 = tpu.matmul %convert_element_type3A_87, %get3A_90, %dot_general3A_91 {dimension_numbers = #tpu.dot_dimension_numbers<[1], [0], [0], [1], [0, 0, 1, 1], [], []>, transpose_lhs_hint = false} : vector<512x256xbf16>, vector<256x1xbf16>, vector<512x1xf32> -> vector<512x1xf32>
    %get3A_93 = arith.constant 0 : index
    %get3A_94 = arith.constant 0 : index
    %get3A_95 = vector.load %arg3[%get3A_93, %get3A_94] : memref<39x1xf32, #tpu.memory_space<vmem>>, vector<39x1xf32>
    %dot_general3A_96 = arith.constant dense<0.000000e+00> : vector<512x1xf32>
    %dot_general3A_97 = tpu.matmul %get3A_1, %get3A_95, %dot_general3A_96 {dimension_numbers = #tpu.dot_dimension_numbers<[1], [0], [0], [1], [0, 0, 1, 1], [], []>, transpose_lhs_hint = false} : vector<512x39xf32>, vector<39x1xf32>, vector<512x1xf32> -> vector<512x1xf32>
    %add3A_98 = arith.addf %dot_general3A_92, %dot_general3A_97 : vector<512x1xf32>
    %get3A_99 = arith.constant 0 : index
    %get3A_100 = arith.constant 0 : index
    %get3A_101 = vector.load %arg18[%get3A_99, %get3A_100] : memref<1x1xf32, #tpu.memory_space<vmem>>, vector<1x1xf32>
    %add3A_102 = vector.broadcast %get3A_101 : vector<1x1xf32> to vector<512x1xf32>
    %add3A_103 = arith.addf %add3A_98, %add3A_102 : vector<512x1xf32>
    %logistic3A = arith.negf %add3A_103 : vector<512x1xf32>
    %logistic3A_104 = math.exp %logistic3A : vector<512x1xf32>
    %logistic3A_105 = arith.constant 1.000000e+00 : f32
    %logistic3A_106 = vector.broadcast %logistic3A_105 : f32 to vector<512x1xf32>
    %logistic3A_107 = arith.addf %logistic3A_106, %logistic3A_104 : vector<512x1xf32>
    %logistic3A_108 = arith.divf %logistic3A_106, %logistic3A_107 : vector<512x1xf32>
    %swap3A = arith.constant 0 : index
    %swap3A_109 = arith.constant 0 : index
    %swap3A_110 = vector.load %arg19[%swap3A, %swap3A_109] : memref<512x1xf32, #tpu.memory_space<vmem>>, vector<512x1xf32>
    tpu.vector_store %arg19[%swap3A, %swap3A_109], %logistic3A_108 {strides = array<i32>} : memref<512x1xf32, #tpu.memory_space<vmem>>, vector<512x1xf32>,
    return
  }
  func.func @transform_0(%arg0: i32) -> (i32, i32) {
    %c0_i32 = arith.constant 0 : i32
    %c0_i32_0 = arith.constant 0 : i32
    return %arg0, %c0_i32 : i32, i32
  }
  func.func @transform_1(%arg0: i32) -> (i32, i32) {
    %c0_i32 = arith.constant 0 : i32
    %c0_i32_0 = arith.constant 0 : i32
    return %arg0, %c0_i32 : i32, i32
  }
  func.func @transform_2(%arg0: i32) -> (i32, i32) {
    %c0_i32 = arith.constant 0 : i32
    %c0_i32_0 = arith.constant 0 : i32
    %c0_i32_1 = arith.constant 0 : i32
    return %c0_i32, %c0_i32_0 : i32, i32
  }
  func.func @transform_3(%arg0: i32) -> (i32, i32) {
    %c0_i32 = arith.constant 0 : i32
    %c0_i32_0 = arith.constant 0 : i32
    %c0_i32_1 = arith.constant 0 : i32
    return %c0_i32, %c0_i32_0 : i32, i32
  }
  func.func @transform_4(%arg0: i32) -> (i32, i32) {
    %c0_i32 = arith.constant 0 : i32
    %c0_i32_0 = arith.constant 0 : i32
    %c0_i32_1 = arith.constant 0 : i32
    return %c0_i32, %c0_i32_0 : i32, i32
  }
  func.func @transform_5(%arg0: i32) -> (i32, i32) {
    %c0_i32 = arith.constant 0 : i32
    %c0_i32_0 = arith.constant 0 : i32
    %c0_i32_1 = arith.constant 0 : i32
    return %c0_i32, %c0_i32_0 : i32, i32
  }
  func.func @transform_6(%arg0: i32) -> (i32, i32) {
    %c0_i32 = arith.constant 0 : i32
    %c0_i32_0 = arith.constant 0 : i32
    %c0_i32_1 = arith.constant 0 : i32
    return %c0_i32, %c0_i32_0 : i32, i32
  }
  func.func @transform_7(%arg0: i32) -> (i32, i32) {
    %c0_i32 = arith.constant 0 : i32
    %c0_i32_0 = arith.constant 0 : i32
    %c0_i32_1 = arith.constant 0 : i32
    return %c0_i32, %c0_i32_0 : i32, i32
  }
  func.func @transform_8(%arg0: i32) -> (i32, i32) {
    %c0_i32 = arith.constant 0 : i32
    %c0_i32_0 = arith.constant 0 : i32
    %c0_i32_1 = arith.constant 0 : i32
    return %c0_i32, %c0_i32_0 : i32, i32
  }
  func.func @transform_9(%arg0: i32) -> (i32, i32) {
    %c0_i32 = arith.constant 0 : i32
    %c0_i32_0 = arith.constant 0 : i32
    %c0_i32_1 = arith.constant 0 : i32
    return %c0_i32, %c0_i32_0 : i32, i32
  }
  func.func @transform_10(%arg0: i32) -> (i32, i32) {
    %c0_i32 = arith.constant 0 : i32
    %c0_i32_0 = arith.constant 0 : i32
    %c0_i32_1 = arith.constant 0 : i32
    return %c0_i32, %c0_i32_0 : i32, i32
  }
  func.func @transform_11(%arg0: i32) -> (i32, i32) {
    %c0_i32 = arith.constant 0 : i32
    %c0_i32_0 = arith.constant 0 : i32
    %c0_i32_1 = arith.constant 0 : i32
    return %c0_i32, %c0_i32_0 : i32, i32
  }
  func.func @transform_12(%arg0: i32) -> (i32, i32) {
    %c0_i32 = arith.constant 0 : i32
    %c0_i32_0 = arith.constant 0 : i32
    %c0_i32_1 = arith.constant 0 : i32
    return %c0_i32, %c0_i32_0 : i32, i32
  }
  func.func @transform_13(%arg0: i32) -> (i32, i32) {
    %c0_i32 = arith.constant 0 : i32
    %c0_i32_0 = arith.constant 0 : i32
    %c0_i32_1 = arith.constant 0 : i32
    return %c0_i32, %c0_i32_0 : i32, i32
  }
  func.func @transform_14(%arg0: i32) -> (i32, i32) {
    %c0_i32 = arith.constant 0 : i32
    %c0_i32_0 = arith.constant 0 : i32
    %c0_i32_1 = arith.constant 0 : i32
    return %c0_i32, %c0_i32_0 : i32, i32
  }
  func.func @transform_15(%arg0: i32) -> (i32, i32) {
    %c0_i32 = arith.constant 0 : i32
    %c0_i32_0 = arith.constant 0 : i32
    %c0_i32_1 = arith.constant 0 : i32
    return %c0_i32, %c0_i32_0 : i32, i32
  }
  func.func @transform_16(%arg0: i32) -> (i32, i32) {
    %c0_i32 = arith.constant 0 : i32
    %c0_i32_0 = arith.constant 0 : i32
    %c0_i32_1 = arith.constant 0 : i32
    return %c0_i32, %c0_i32_0 : i32, i32
  }
  func.func @transform_17(%arg0: i32) -> (i32, i32) {
    %c0_i32 = arith.constant 0 : i32
    %c0_i32_0 = arith.constant 0 : i32
    %c0_i32_1 = arith.constant 0 : i32
    return %c0_i32, %c0_i32_0 : i32, i32
  }
  func.func @transform_18(%arg0: i32) -> (i32, i32) {
    %c0_i32 = arith.constant 0 : i32
    %c0_i32_0 = arith.constant 0 : i32
    return %arg0, %c0_i32 : i32, i32
  }
}

</mosaic_0001>

<sc_bundles>
// kernel: kernel.6.cloned.1.call-start
scs
__scs_entry_jumppad:
0x0: {  	(pc) =	sbr.rel $0x88, $3  }
0x1: {  	(tag) =	ssettag $0x0;
	lr =	simm.s32 $0x1  }
0x2: {  	[smem:$0x3F8F] =	sst lr;
	_ =	strace $0xD0000000  }
0x3: {  	_ = 	snop  }
0x4: {  	_ = 	snop  }
0x5: {  	_ = 	snop  }
0x6: {  	_ = 	snop  }
0x7: {  	_ = 	snop  }
__scs_overlays_trampoline_lowered:
0x8: {  	[smem:$0x3F9E] =	sst s0  }
0x9: {  	[smem:$0x3F9F] =	sst s1  }
0xa: {  	[smem:$0x3FA0] =	sst s2  }
0xb: {  	[smem:$0x3FA1] =	sst s3  }
0xc: {  	[smem:$0x3FA2] =	sst s4  }
0xd: {  	[smem:$0x3FA3] =	sst s5  }
0xe: {  	[smem:$0x3FA4] =	sst s6  }
0xf: {  	[smem:$0x3FA5] =	sst s7  }
0x10: {  	[smem:$0x3FA6] =	sst s8  }
0x11: {  	[smem:$0x3FA7] =	sst s9;
	s0 =	simm.s32 @!p0 $0x0  }
0x12: {  	s1 =	sld [smem:$0x3F8D];
	s0 =	simm.s32 @p0 $0x1  }
0x13: {  	[smem:$0x3FA8] =	sst s0;
	s0 =	simm.s32 @!p1 $0x0  }
0x14: {  	s2 =	sld [smem:$0x3F8C];
	s0 =	simm.s32 @p1 $0x1  }
0x15: {  	[smem:$0x3FA9] =	sst s0;
	s0 =	simm.s32 @!p2 $0x0  }
0x16: {  	s3 =	sld [smem:$0x3FDB];
	s0 =	simm.s32 @p2 $0x1  }
0x17: {  	s4 =	simm.s32 $0x1BF5;
	[smem:$0x3FAB] =	sst s0  }
0x18: {  	s0 =	sld [smem:$0x3F8E];
	_ =	swait.ge [sflag:s4], $0x0  }
0x19: {  	s7 =	sld [smem:$0x3F8F]  }
0x1a: {  	s8 =	sadd.s32 $0xFFFFE003, lr  }
0x1b: {  	s9 =	sadd.s32 $0xFFFFFEF7, lr;
	s5 =	simm.s32 $0xFFFFFFFF;
	p2 =	slt.u32 s8, $0xFFFFF086  }
0x1c: {  	p1 =	slt.u32 s9, $0xF7A;
	s5 =	simm.s32 @!p2 $0x0  }
0x1d: {  	s5 =	simm.s32 @p1 $0x1;
	p0 =	seq.s32 s7, s2  }
0x1e: {  	s7 =	smul.u32 @!p0 $0xF7A, s2;
	p2 =	seq.s32 @!p0 s5, $0x0  }
0x1f: {  	s9 =	smul.u32 $0xF7A, s1;
	s8 =	simm.s32 @!p0 $0x1BF5;
	p2 =	por !p2, p0  }
0x20: {  	[sflag:s8] =	ssyncset.s32 @!p0 $0xFFFFF086;
	s6 =	sadd.s32 @!p0 s3, s7;
	s7 =	simm.s32 @!p0 $0x108  }
0x21: {  	s3 =	sadd.s32 s3, s9;
	s6 =	sadd.s32 @!p0 $0x88, s6;
	s7 =	simm.s32 @p2 $0x1082  }
0x22: {  	[simem:s7], [sflag:s8] =	dma.local @!p0 [hbm:s6], $0xF7A  }
0x23: {  	s9 =	sor.u32 $0xD0000000, s2;
	s6 =	simm.s32 $0x108;
	_ =	swait.ge @!p0 [sflag:s8], $0x0  }
0x24: {  	s3 =	sadd.s32 $0x88, s3;
	s6 =	simm.s32 @!p1 $0x1082;
	[sflag:s4] =	ssyncset.s32 $0xFFFFF086  }
0x25: {  	[simem:s6], [sflag:s4] =	dma.local [hbm:s3], $0xF7A  }
0x26: {  	[smem:$0x3F8F] =	sst s1;
	(tag) =	ssettag s2;
	_ =	strace s9  }
0x27: {  	s1 =	sld [smem:$0x3F9F]  }
0x28: {  	s2 =	sld [smem:$0x3FA0]  }
0x29: {  	s4 =	sld [smem:$0x3FA2]  }
0x2a: {  	p0 =	seq.s32 s5, $0x0;
	s5 =	sld [smem:$0x3FA3]  }
0x2b: {  	s6 =	sld [smem:$0x3FA4]  }
0x2c: {  	s7 =	sld [smem:$0x3FA5]  }
0x2d: {  	s3 =	simm.s32 $0x108;
	s8 =	sld [smem:$0x3FA6]  }
0x2e: {  	s3 =	simm.s32 @!p0 $0x1082;
	s9 =	sld [smem:$0x3FA7]  }
0x2f: {  	lr =	sadd.s32 s0, s3;
	s0 =	sld [smem:$0x3F9E]  }
0x30: {  	s3 =	sld [smem:$0x3FA1]  }
0x31: {  	[smem:$0x3FAA] =	sst s10  }
0x32: {  	s10 =	sld [smem:$0x3FA8];
	_ =	sdelay $0x3  }
0x33: {  	p0 =	seq.s32 s10, $0x1;
	s10 =	sld [smem:$0x3FAA];
	_ =	sdelay $0x3  }
0x34: {  	[smem:$0x3FAA] =	sst s10  }
0x35: {  	s10 =	sld [smem:$0x3FA9];
	_ =	sdelay $0x3  }
0x36: {  	p1 =	seq.s32 s10, $0x1;
	s10 =	sld [smem:$0x3FAA];
	_ =	sdelay $0x3  }
0x37: {  	[smem:$0x3FAA] =	sst s10  }
0x38: {  	s10 =	sld [smem:$0x3FAB]  }
0x39: {  	_ = 	snop;
	(pc) =	sbr.ind lr, $3  }
0x3a: {  	_ = 	snop  }
0x3b: {  	_ = 	snop  }
0x3c: {  	p2 =	seq.s32 s10, $0x1;
	s10 =	sld [smem:$0x3FAA]  }
0x3d: {  	_ =	shalt  }
0x3e: {  	_ =	shalt  }
0x3f: {  	_ =	shalt  }
0x40: {  	_ =	shalt  }
0x41: {  	_ =	shalt  }
0x42: {  	_ =	shalt  }
0x43: {  	_ =	shalt  }
0x44: {  	_ =	shalt  }
0x45: {  	_ =	shalt  }
0x46: {  	_ =	shalt  }
0x47: {  	_ =	shalt  }
0x48: {  	_ =	shalt  }
0x49: {  	_ =	shalt  }
0x4a: {  	_ =	shalt  }
0x4b: {  	_ =	shalt  }
0x4c: {  	_ =	shalt  }
0x4d: {  	_ =	shalt  }
0x4e: {  	_ =	shalt  }
0x4f: {  	_ =	shalt  }
0x50: {  	_ =	shalt  }
0x51: {  	_ =	shalt  }
0x52: {  	_ =	shalt  }
0x53: {  	_ =	shalt  }
0x54: {  	_ =	shalt  }
0x55: {  	_ =	shalt  }
0x56: {  	_ =	shalt  }
0x57: {  	_ =	shalt  }
0x58: {  	_ =	shalt  }
0x59: {  	_ =	shalt  }
0x5a: {  	_ =	shalt  }
0x5b: {  	_ =	shalt  }
0x5c: {  	_ =	shalt  }
0x5d: {  	_ =	shalt  }
0x5e: {  	_ =	shalt  }
0x5f: {  	_ =	shalt  }
0x60: {  	_ =	shalt  }
0x61: {  	_ =	shalt  }
0x62: {  	_ =	shalt  }
0x63: {  	_ =	shalt  }
0x64: {  	_ =	shalt  }
0x65: {  	_ =	shalt  }
0x66: {  	_ =	shalt  }
0x67: {  	_ =	shalt  }
0x68: {  	_ =	shalt  }
0x69: {  	_ =	shalt  }
0x6a: {  	_ =	shalt  }
0x6b: {  	_ =	shalt  }
0x6c: {  	_ =	shalt  }
0x6d: {  	_ =	shalt  }
0x6e: {  	_ =	shalt  }
0x6f: {  	_ =	shalt  }
0x70: {  	_ =	shalt  }
0x71: {  	_ =	shalt  }
0x72: {  	_ =	shalt  }
0x73: {  	_ =	shalt  }
0x74: {  	_ =	shalt  }
0x75: {  	_ =	shalt  }
0x76: {  	_ =	shalt  }
0x77: {  	_ =	shalt  }
0x78: {  	_ =	shalt  }
0x79: {  	_ =	shalt  }
0x7a: {  	_ =	shalt  }
0x7b: {  	_ =	shalt  }
0x7c: {  	_ =	shalt  }
0x7d: {  	_ =	shalt  }
0x7e: {  	_ =	shalt  }
0x7f: {  	_ =	shalt  }
0x80: {  	_ =	shalt  }
0x81: {  	_ =	shalt  }
0x82: {  	_ =	shalt  }
0x83: {  	_ =	shalt  }
0x84: {  	_ =	shalt  }
0x85: {  	_ =	shalt  }
0x86: {  	_ =	shalt  }
0x87: {  	_ =	shalt  }
.Lfunc_end0:
.L_simem_size_0:
called_computation_lowered:
.L_overlay_start_0:
0x88: {  	s2 =	sld [smem:$0x3FD9]  }
0x89: {  	s3 =	sld [smem:$0x3FFE];
	_ =	sdelay $0x1  }
0x8a: {  	s1 =	srdreg.scid  }
0x8b: {  	s0 =	sand.u32 $0x1, s1  }
0x8c: {  	s17 =	sshll.u32 s0, $0xA;
	s2 =	sadd.s32 s3, s2  }
0x8d: {  	s2 =	sadd.s32 s2, s17  }
0x8e: {  	[smem:$0x3FB6] =	sst s2  }
0x8f: {  	_ = 	snop  }
0x90: {  	s2 =	sld [smem:$0x3FC8];
	(tm) =	ssettm $0x1  }
0x91: {  	s18 =	sld [smem:$0x3FFB];
	_ =	sdelay $0x3  }
0x92: {  	_ =	strace s18  }
0x93: {  	s3 =	sld [smem:$0x3FFC];
	_ =	sdelay $0x3  }
0x94: {  	_ =	strace s3  }
0x95: {  	s3 =	sld [smem:$0x3FFD];
	_ =	sdelay $0x3  }
0x96: {  	_ =	strace s3  }
0x97: {  	_ =	strace $0x8FFFFFFF  }
0x98: {  	s19 =	sld [smem:$0x3FDB];
	_ =	sdelay $0x1  }
0x99: {  	s4 =	simm.s32 $_scs_section_size  }
0x9a: {  	s5 =	simm.s32 $_size__tile_overlayer_lowered;
	s6 =	simm.s32 $_tile_overlayer_lowered  }
0x9b: {  	s22 =	simm.s32 $0x1BFF;
	s21 =	sshll.u32 s6, $0x1;
	s3 =	sadd.s32 s4, s19  }
0x9c: {  	s7 =	simm.s32 $0x0;
	s20 =	sshll.u32 s5, $0x1;
	s5 =	sadd.s32 s21, s3  }
0x9d: {  	[timem:s7], [sflag:s22] =	dma.local [hbm:s5], s20  }
0x9e: {  	_ =	swait.ge [sflag:s22], s20  }
0x9f: {  	s4 =	ssub.s32 $0x0, s20;
	[sflag:s22] =	ssyncset.done $0x0  }
0xa0: {  	[sflag:s22] =	ssyncadd.s32 s4;
	_ =	sdelay $0x1  }
0xa1: {  	s23 =	simm.s32 $0x1B8B  }
0xa2: {  	_ =	swait.ge [sflag:s23], $0x1  }
0xa3: {  	[sflag:s23] =	ssyncset.done $0x0  }
0xa4: {  	s25 =	simm.s32 $0x1B8E;
	s24 =	sld [smem:$0x3FFE];
	[sflag:s23] =	ssyncadd.s32 $0xFFFFFFFF  }
0xa5: {  	s26 =	simm.s32 $execute0_lowered;
	[smem:$0x3FD2] =	sst s25  }
0xa6: {  	s5 =	sshll.u32 s26, $0x1;
	_ =	strace $0x80000046;
	[dreg:$0x1] =	wrdreg $0xFFFFFFFF  }
0xa7: {  	s28 =	simm.s32 $_size_execute0_lowered;
	s3 =	sadd.s32 s3, s5;
	[dreg:$0x0] =	wrdreg $0x0  }
0xa8: {  	s5 =	sshll.u32 s28, $0x1;
	[dreg:$0x2] =	wrdreg s3  }
0xa9: {  	[dreg:$0x3] =	wrdreg s5  }
0xaa: {  	[dreg:$0x4] =	wrdreg $0xC0  }
0xab: {  	_ =	task [dreg:s7], $0x5FFFF  }
0xac: {  	[dreg:$0x1] =	wrdreg $0xFFFFFFFF  }
0xad: {  	[dreg:$0x0] =	wrdreg $0x60  }
0xae: {  	[dreg:$0x2] =	wrdreg s2  }
0xaf: {  	[dreg:$0x3] =	wrdreg s24  }
0xb0: {  	[dreg:$0x4] =	wrdreg $0x9  }
0xb1: {  	_ =	task.clear_ibuf [dreg:s7], $0x5FFFF;
	_ =	strace $0x90000046  }
0xb2: {  	s29 =	simm.s32 $0x9;
	_ =	strace $0x80000048  }
0xb3: {  	_ =	swait.ge [sflag:s29], $0x1  }
0xb4: {  	[sflag:s29] =	ssyncadd.s32 $0xFFFFFFFF  }
0xb5: {  	_ =	strace $0x90000048  }
0xb6: {  	_ =	sfence  }
0xb7: {  	s30 =	sld [smem:$0x0];
	_ =	sdelay $0x2  }
0xb8: {  	s31 =	sshll.u32 s1, $0xD;
	s1 =	sshrl.u32 s1, $0x2  }
0xb9: {  	s3 =	sand.u32 $0x4000, s31;
	s1 =	sadd.s32 s1, s30  }
0xba: {  	s0 =	sor.u32 s3, s0;
	s1 =	sshll.u32 s1, $0x11  }
0xbb: {  	s0 =	sor.u32 s1, s0  }
0xbc: {  	s0 =	sadd.s32 $0x8F2B, s0  }
0xbd: {  	[sflag:s0] =	ssyncadd.remote.s32 $0x1  }
0xbe: {  	_ =	sfence.sel $0xFFFF  }
0xbf: {  	[dreg:$0x0] =	wrdreg $0xFFFFFFFF;
	(pc) =	sbr.abs _section_cstart, $3  }
0xc0: {  	[dreg:$0x1] =	wrdreg $0xFFFFFFFF  }
0xc1: {  	_ =	task.clear_ibuf [dreg:s7], $0x2FFFF;
	_ =	strace $0x9FFFFFFF  }
0xc2: {  	(tm) =	ssettm $0x7FFFFFFF  }
0xc3: {  	_ =	shalt  }
tec
execute0_lowered:
.L_overlay_start_1:
0x0: {  	(tag) =	ssettag $0x1  }
0x1: {  	s2 =	rddreg [dreg:$0x0];
	s0 =	srdreg.scid  }
0x2: {  	s3 =	stileid.u32;
	s1 =	rddreg [dreg:$0x1];
	s29 =	simm.s32 $0x9  }
0x3: {  	s30 =	simm.s32 $0x100;
	s0 =	sand.u32 $0x1, s0;
	s4 =	sshll.u32 s3, $0x1  }
0x4: {  	s31 =	simm.s32 $0x180;
	s3 =	simm.s32 $0x0;
	s5 =	sor.u32 s0, s4  }
0x5: {  	s28 =	simm.s32 $0x200;
	[smem:$0x7FF] =	sst s3;
	s6 =	smul.u32 $0xD0, s5  }
0x6: {  	p0 =	por $0x0, $0x0;
	_ =	strace $0x80000047;
	s4 =	smul.u32 $0xD, s5  }
0x7: {  	s7 =	sshll.u32 s5, $0x8;
	s8 =	smul.u32 $0x340, s5;
	s5 =	ssub.s32 $0x2, s0  }
0x8: {  	s7 =	sadd.s32 s7, s1;
	s1 =	sadd.s32 $0x5C00, s1;
	s6 =	sand.u32 $0xF0, s6  }
0x9: {  	s8 =	sand.u32 $0x7C00, s8;
	s9 =	sadd.s32 $0x1, s4;
	s7 =	sadd.s32 $0x3C00, s7  }
0xa: {  	s14 =	sadd.s32 $0x2, s4;
	s18 =	sadd.s32 $0x3, s4;
	s21 =	sadd.s32 $0x4, s4  }
0xb: {  	s26 =	sadd.s32 $0x5, s4;
	s10 =	smul.u32 $0x6800, s6;
	s6 =	sshrl.u32 s5, $0x1  }
0xc: {  	s11 =	sshll.u32 s9, $0x4;
	[dreg:$0x3] =	wrdreg s7;
	s13 =	sshll.u32 s9, $0x6  }
0xd: {  	s17 =	sshll.u32 s14, $0x6;
	s20 =	sshll.u32 s18, $0x4;
	s9 =	sshll.u32 s18, $0x6  }
0xe: {  	s22 =	sshll.u32 s21, $0x4;
	s12 =	sand.u32 $0xF0, s11;
	s9 =	sand.u32 $0xFC00, s9  }
0xf: {  	s11 =	sadd.s32 $0x6, s4;
	s5 =	ssub.s32 s5, s6;
	s0 =	sor.u32 s8, s10  }
0x10: {  	s7 =	smul.u32 $0x6800, s12;
	s8 =	sand.u32 $0xFC00, s13;
	s10 =	sshll.u32 s14, $0x4  }
0x11: {  	s12 =	sshll.u32 s11, $0x4;
	s0 =	sshrl.u32 s0, $0x3;
	s16 =	sand.u32 $0xF0, s10  }
0x12: {  	s10 =	sand.u32 $0xF0, s22;
	s14 =	sand.u32 $0xF0, s12;
	s0 =	sadd.s32 s1, s0  }
0x13: {  	s15 =	sadd.s32 s8, s7;
	s7 =	smul.u32 $0x6800, s16;
	s8 =	sand.u32 $0xFC00, s17  }
0x14: {  	s23 =	smul.u32 $0x6800, s10;
	s10 =	sshll.u32 s26, $0x4;
	s16 =	sshll.u32 s11, $0x6  }
0x15: {  	s17 =	sadd.s32 $0x7, s4;
	[dreg:$0x4] =	wrdreg s0;
	s0 =	sshrl.u32 s15, $0x3  }
0x16: {  	s15 =	smul.u32 $0x6800, s14;
	s18 =	sshll.u32 s17, $0x4;
	s14 =	sadd.s32 $0xA, s4  }
0x17: {  	s0 =	sadd.s32 s1, s0;
	s19 =	sadd.s32 s8, s7;
	s7 =	sand.u32 $0xF0, s20  }
0x18: {  	s8 =	sshll.u32 s21, $0x6;
	s20 =	sand.u32 $0xF0, s18;
	s21 =	sshll.u32 s17, $0x6  }
0x19: {  	s18 =	sshll.u32 s14, $0x6;
	[dreg:$0x5] =	wrdreg s0;
	s0 =	sshrl.u32 s19, $0x3  }
0x1a: {  	s7 =	smul.u32 $0x6800, s7;
	s25 =	sand.u32 $0xFC00, s8;
	s8 =	sshll.u32 s26, $0x6  }
0x1b: {  	s22 =	sand.u32 $0xFC00, s21;
	s6 =	sand.u32 $0xFC00, s18;
	s18 =	simm.s32 $0x3  }
0x1c: {  	s0 =	sadd.s32 s1, s0;
	s13 =	sand.u32 $0xFC00, s8;
	s8 =	sand.u32 $0xFC00, s16  }
0x1d: {  	s16 =	sshll.u32 s14, $0x4;
	s14 =	simm.s32 $0x8;
	s7 =	sadd.s32 s9, s7  }
0x1e: {  	[dreg:$0x6] =	wrdreg s0;
	s17 =	sand.u32 $0xF0, s16;
	s16 =	simm.s32 $0x4800  }
0x1f: {  	s24 =	sshrl.u32 s7, $0x3;
	s7 =	sadd.s32 s25, s23;
	s23 =	sadd.s32 $0x8, s4  }
0x20: {  	s25 =	sadd.s32 $0x9, s4;
	s0 =	sadd.s32 s1, s24;
	s9 =	sshrl.u32 s7, $0x3  }
0x21: {  	s7 =	sand.u32 $0xF0, s10;
	s24 =	sshll.u32 s23, $0x4;
	s26 =	sshll.u32 s25, $0x4  }
0x22: {  	[dreg:$0x7] =	wrdreg s0;
	s0 =	sadd.s32 s1, s9;
	s7 =	smul.u32 $0x6800, s7  }
0x23: {  	s10 =	sand.u32 $0xF0, s26;
	s9 =	sshll.u32 s25, $0x6;
	s26 =	simm.s32 $0x280  }
0x24: {  	s25 =	simm.s32 $0x300;
	[dreg:$0x8] =	wrdreg s0;
	s10 =	smul.u32 $0x6800, s10  }
0x25: {  	s11 =	sand.u32 $0xFC00, s9;
	s9 =	simm.s32 $0x6800;
	s0 =	sadd.s32 s13, s7  }
0x26: {  	s7 =	sadd.s32 s8, s15;
	s8 =	sshll.u32 s23, $0x6;
	s0 =	sshrl.u32 s0, $0x3  }
0x27: {  	s19 =	sshrl.u32 s7, $0x3;
	s7 =	smul.u32 $0x6800, s20;
	s8 =	sand.u32 $0xFC00, s8  }
0x28: {  	s13 =	sadd.s32 s11, s10;
	s10 =	simm.s32 $0xC800;
	s0 =	sadd.s32 s1, s0  }
0x29: {  	s11 =	simm.s32 $0x6;
	[dreg:$0x9] =	wrdreg s0;
	s0 =	sadd.s32 s1, s19  }
0x2a: {  	s19 =	sadd.s32 $0xB, s4;
	s4 =	sadd.s32 $0xC, s4;
	[dreg:$0xa] =	wrdreg s0  }
0x2b: {  	s0 =	sadd.s32 s22, s7;
	s7 =	sand.u32 $0xF0, s24;
	s20 =	sshll.u32 s19, $0x4  }
0x2c: {  	s22 =	sshll.u32 s4, $0x4;
	s4 =	sshll.u32 s4, $0x6;
	s24 =	smax.u32 s5, $0x1  }
0x2d: {  	s5 =	simm.s32 $0x5;
	s0 =	sshrl.u32 s0, $0x3;
	s7 =	smul.u32 $0x6800, s7  }
0x2e: {  	s21 =	sand.u32 $0xF0, s20;
	s4 =	sand.u32 $0xFC00, s4;
	p1 =	sne.s32 s24, $0x1  }
0x2f: {  	s20 =	simm.s32 $0x600;
	s0 =	sadd.s32 s1, s0;
	s7 =	sadd.s32 s8, s7  }
0x30: {  	[dreg:$0xb] =	wrdreg s0;
	s8 =	sand.u32 $0xF0, s22;
	s22 =	simm.s32 $0x500  }
0x31: {  	s12 =	sshrl.u32 s7, $0x3;
	s7 =	sshrl.u32 s13, $0x3;
	s8 =	smul.u32 $0x6800, s8  }
0x32: {  	s13 =	simm.s32 $0x8800;
	s0 =	sadd.s32 s1, s12;
	s15 =	sadd.s32 s1, s7  }
0x33: {  	s7 =	sshll.u32 s19, $0x6;
	s19 =	simm.s32 $0x2;
	[dreg:$0xc] =	wrdreg s0  }
0x34: {  	s12 =	simm.s32 $0x7;
	[dreg:$0xd] =	wrdreg s15;
	s0 =	smul.u32 $0x6800, s17  }
0x35: {  	s7 =	sand.u32 $0xFC00, s7;
	s4 =	sadd.s32 s4, s8;
	s15 =	simm.s32 $0x80  }
0x36: {  	s8 =	simm.s32 $0x400;
	s17 =	simm.s32 $0x4;
	s0 =	sadd.s32 s6, s0  }
0x37: {  	s4 =	sshrl.u32 s4, $0x3;
	s6 =	smul.u32 $0x6800, s21;
	s0 =	sshrl.u32 s0, $0x3  }
.Ltmp0:
0x38: {  	s4 =	sadd.s32 s1, s4;
	s0 =	sadd.s32 s1, s0;
	(pc) =	sbr.rel @!p1 .LBB2_3-.Ltmp0, $4  }
0x39: {  	s21 =	simm.s32 $0x580;
	s6 =	sadd.s32 s7, s6;
	[dreg:$0xe] =	wrdreg s0  }
0x3a: {  	s7 =	simm.s32 $0x1;
	s6 =	sshrl.u32 s6, $0x3;
	s0 =	rddreg [dreg:$0x3]  }
0x3b: {  	s23 =	sadd.s32 s1, s6;
	s6 =	simm.s32 $0x800;
	s1 =	sadd.s32 $0xFFFFFFFF, s24  }
0x3c: {  	s24 =	simm.s32 $0x380;
	[dreg:$0xf] =	wrdreg s23;
	s23 =	simm.s32 $0x480  }
0x3d: {  	[tilespmem:s3], [sflag:$0x9] =	stream.linear.gather [hbm4b:s0+s3], $0x800, $0x38;
	[tilespmem:$0x10800] =	vst v63  }
0x3e: {  	_ =	swait.ge [sflag:s29], $0x800  }
0x3f: {  	[sflag:s29] =	ssyncset.done $0x0  }
0x40: {  	[sflag:s29] =	ssyncadd.s32 $0xFFFFF800  }
0x41: {  	[tilespmem:s6], [sflag:$0x1] =	stream.indirect.gather [hbm4b:s2+s15], $0x80, s3, s15, $0xb8;
	[tilespmem:$0x10800] =	vst v63  }
0x42: {  	_ = 	snop  }
0x43: {  	[tilespmem:s16], [sflag:$0x2] =	stream.indirect.gather [hbm4b:s2+s15], $0x80, s15, s15, $0xb8;
	[tilespmem:$0x10800] =	vst v63  }
0x44: {  	_ = 	snop  }
0x45: {  	[tilespmem:s13], [sflag:$0x3] =	stream.indirect.gather [hbm4b:s2+s15], $0x80, s30, s15, $0xb8;
	[tilespmem:$0x10800] =	vst v63  }
0x46: {  	_ = 	snop  }
0x47: {  	[tilespmem:s10], [sflag:$0x4] =	stream.indirect.gather [hbm4b:s2+s15], $0x80, s31, s15, $0xb8;
	[tilespmem:$0x10800] =	vst v63  }
0x48: {  	_ =	swait.ge [sflag:s7], $0x4000  }
0x49: {  	[sflag:s7] =	ssyncset.done $0x0  }
0x4a: {  	s0 =	rddreg [dreg:$0x4];
	[sflag:s7] =	ssyncadd.s32 $0xFFFFC000  }
0x4b: {  	[hbm4b:s0+s8] =	stream.strided.scatter [tilespmem:s6], [sflag:$0x5], $0x4000, s9, s8, $0x38;
	[tilespmem:$0x10800] =	vst v63  }
0x4c: {  	_ =	swait.ge [sflag:s19], $0x4000  }
0x4d: {  	[sflag:s19] =	ssyncset.done $0x0  }
0x4e: {  	s0 =	rddreg [dreg:$0x5];
	[sflag:s19] =	ssyncadd.s32 $0xFFFFC000  }
0x4f: {  	[hbm4b:s0+s8] =	stream.strided.scatter [tilespmem:s16], [sflag:$0x6], $0x4000, s9, s8, $0x38;
	[tilespmem:$0x10800] =	vst v63  }
0x50: {  	_ =	swait.ge [sflag:s5], $0x4000  }
0x51: {  	[sflag:s5] =	ssyncset.done $0x0  }
0x52: {  	[sflag:s5] =	ssyncadd.s32 $0xFFFFC000  }
0x53: {  	[tilespmem:s6], [sflag:$0x1] =	stream.indirect.gather [hbm4b:s2+s15], $0x80, s28, s15, $0xb8;
	[tilespmem:$0x10800] =	vst v63  }
0x54: {  	_ =	swait.ge [sflag:s18], $0x4000  }
0x55: {  	[sflag:s18] =	ssyncset.done $0x0  }
0x56: {  	s0 =	rddreg [dreg:$0x6];
	[sflag:s18] =	ssyncadd.s32 $0xFFFFC000  }
0x57: {  	[hbm4b:s0+s8] =	stream.strided.scatter [tilespmem:s13], [sflag:$0x7], $0x4000, s9, s8, $0x38;
	[tilespmem:$0x10800] =	vst v63  }
0x58: {  	_ =	swait.ge [sflag:s11], $0x4000  }
0x59: {  	[sflag:s11] =	ssyncset.done $0x0  }
0x5a: {  	[sflag:s11] =	ssyncadd.s32 $0xFFFFC000  }
0x5b: {  	[tilespmem:s16], [sflag:$0x2] =	stream.indirect.gather [hbm4b:s2+s15], $0x80, s26, s15, $0xb8;
	[tilespmem:$0x10800] =	vst v63  }
0x5c: {  	_ =	swait.ge [sflag:s17], $0x4000  }
0x5d: {  	[sflag:s17] =	ssyncset.done $0x0  }
0x5e: {  	s0 =	rddreg [dreg:$0x7];
	[sflag:s17] =	ssyncadd.s32 $0xFFFFC000  }
0x5f: {  	[hbm4b:s0+s8] =	stream.strided.scatter [tilespmem:s10], [sflag:$0x8], $0x4000, s9, s8, $0x38;
	[tilespmem:$0x10800] =	vst v63  }
0x60: {  	_ =	swait.ge [sflag:s12], $0x4000  }
0x61: {  	[sflag:s12] =	ssyncset.done $0x0  }
0x62: {  	[sflag:s12] =	ssyncadd.s32 $0xFFFFC000  }
0x63: {  	[tilespmem:s13], [sflag:$0x3] =	stream.indirect.gather [hbm4b:s2+s15], $0x80, s25, s15, $0xb8;
	[tilespmem:$0x10800] =	vst v63  }
0x64: {  	_ =	swait.ge [sflag:s7], $0x4000  }
0x65: {  	[sflag:s7] =	ssyncset.done $0x0  }
0x66: {  	s0 =	rddreg [dreg:$0x8];
	[sflag:s7] =	ssyncadd.s32 $0xFFFFC000  }
0x67: {  	[hbm4b:s0+s8] =	stream.strided.scatter [tilespmem:s6], [sflag:$0x5], $0x4000, s9, s8, $0x38;
	[tilespmem:$0x10800] =	vst v63  }
0x68: {  	_ =	swait.ge [sflag:s14], $0x4000  }
0x69: {  	[sflag:s14] =	ssyncset.done $0x0  }
0x6a: {  	[sflag:s14] =	ssyncadd.s32 $0xFFFFC000  }
0x6b: {  	[tilespmem:s10], [sflag:$0x4] =	stream.indirect.gather [hbm4b:s2+s15], $0x80, s24, s15, $0xb8;
	[tilespmem:$0x10800] =	vst v63  }
0x6c: {  	_ =	swait.ge [sflag:s19], $0x4000  }
0x6d: {  	[sflag:s19] =	ssyncset.done $0x0  }
0x6e: {  	s0 =	rddreg [dreg:$0x9];
	[sflag:s19] =	ssyncadd.s32 $0xFFFFC000  }
0x6f: {  	[hbm4b:s0+s8] =	stream.strided.scatter [tilespmem:s16], [sflag:$0x6], $0x4000, s9, s8, $0x38;
	[tilespmem:$0x10800] =	vst v63  }
0x70: {  	_ =	swait.ge [sflag:s5], $0x4000  }
0x71: {  	[sflag:s5] =	ssyncset.done $0x0  }
0x72: {  	[sflag:s5] =	ssyncadd.s32 $0xFFFFC000  }
0x73: {  	[tilespmem:s6], [sflag:$0x1] =	stream.indirect.gather [hbm4b:s2+s15], $0x80, s8, s15, $0xb8;
	[tilespmem:$0x10800] =	vst v63  }
0x74: {  	_ =	swait.ge [sflag:s18], $0x4000  }
0x75: {  	[sflag:s18] =	ssyncset.done $0x0  }
0x76: {  	s0 =	rddreg [dreg:$0xa];
	[sflag:s18] =	ssyncadd.s32 $0xFFFFC000  }
0x77: {  	[hbm4b:s0+s8] =	stream.strided.scatter [tilespmem:s13], [sflag:$0x7], $0x4000, s9, s8, $0x38;
	[tilespmem:$0x10800] =	vst v63  }
0x78: {  	_ =	swait.ge [sflag:s11], $0x4000  }
0x79: {  	[sflag:s11] =	ssyncset.done $0x0  }
0x7a: {  	[sflag:s11] =	ssyncadd.s32 $0xFFFFC000  }
0x7b: {  	[tilespmem:s16], [sflag:$0x2] =	stream.indirect.gather [hbm4b:s2+s15], $0x80, s23, s15, $0xb8;
	[tilespmem:$0x10800] =	vst v63  }
0x7c: {  	_ =	swait.ge [sflag:s17], $0x4000  }
0x7d: {  	[sflag:s17] =	ssyncset.done $0x0  }
0x7e: {  	s0 =	rddreg [dreg:$0xb];
	[sflag:s17] =	ssyncadd.s32 $0xFFFFC000  }
0x7f: {  	[hbm4b:s0+s8] =	stream.strided.scatter [tilespmem:s10], [sflag:$0x8], $0x4000, s9, s8, $0x38;
	[tilespmem:$0x10800] =	vst v63  }
0x80: {  	_ =	swait.ge [sflag:s12], $0x4000  }
0x81: {  	[sflag:s12] =	ssyncset.done $0x0  }
0x82: {  	[sflag:s12] =	ssyncadd.s32 $0xFFFFC000  }
0x83: {  	[tilespmem:s13], [sflag:$0x3] =	stream.indirect.gather [hbm4b:s2+s15], $0x80, s22, s15, $0xb8;
	[tilespmem:$0x10800] =	vst v63  }
0x84: {  	_ =	swait.ge [sflag:s7], $0x4000  }
0x85: {  	[sflag:s7] =	ssyncset.done $0x0  }
0x86: {  	s0 =	rddreg [dreg:$0xc];
	[sflag:s7] =	ssyncadd.s32 $0xFFFFC000  }
0x87: {  	[hbm4b:s0+s8] =	stream.strided.scatter [tilespmem:s6], [sflag:$0x5], $0x4000, s9, s8, $0x38;
	[tilespmem:$0x10800] =	vst v63  }
0x88: {  	_ =	swait.ge [sflag:s14], $0x4000  }
0x89: {  	[sflag:s14] =	ssyncset.done $0x0  }
0x8a: {  	[sflag:s14] =	ssyncadd.s32 $0xFFFFC000  }
0x8b: {  	[tilespmem:s10], [sflag:$0x4] =	stream.indirect.gather [hbm4b:s2+s15], $0x80, s21, s15, $0xb8;
	[tilespmem:$0x10800] =	vst v63  }
0x8c: {  	_ =	swait.ge [sflag:s19], $0x4000  }
0x8d: {  	[sflag:s19] =	ssyncset.done $0x0  }
0x8e: {  	s0 =	rddreg [dreg:$0xd];
	[sflag:s19] =	ssyncadd.s32 $0xFFFFC000  }
0x8f: {  	[hbm4b:s0+s8] =	stream.strided.scatter [tilespmem:s16], [sflag:$0x6], $0x4000, s9, s8, $0x38;
	[tilespmem:$0x10800] =	vst v63  }
0x90: {  	_ =	swait.ge [sflag:s5], $0x4000  }
0x91: {  	[sflag:s5] =	ssyncset.done $0x0  }
0x92: {  	[sflag:s5] =	ssyncadd.s32 $0xFFFFC000  }
0x93: {  	[tilespmem:s6], [sflag:$0x1] =	stream.indirect.gather [hbm4b:s2+s15], $0x80, s20, s15, $0xb8;
	[tilespmem:$0x10800] =	vst v63  }
0x94: {  	_ =	swait.ge [sflag:s18], $0x4000  }
0x95: {  	[sflag:s18] =	ssyncset.done $0x0  }
0x96: {  	s0 =	rddreg [dreg:$0xe];
	[sflag:s18] =	ssyncadd.s32 $0xFFFFC000  }
0x97: {  	[hbm4b:s0+s8] =	stream.strided.scatter [tilespmem:s13], [sflag:$0x7], $0x4000, s9, s8, $0x38;
	[tilespmem:$0x10800] =	vst v63  }
0x98: {  	_ =	swait.ge [sflag:s17], $0x4000  }
0x99: {  	[sflag:s17] =	ssyncset.done $0x0  }
0x9a: {  	s0 =	rddreg [dreg:$0xf];
	[sflag:s17] =	ssyncadd.s32 $0xFFFFC000  }
0x9b: {  	[hbm4b:s0+s8] =	stream.strided.scatter [tilespmem:s10], [sflag:$0x8], $0x4000, s9, s8, $0x38;
	[tilespmem:$0x10800] =	vst v63  }
0x9c: {  	_ =	swait.ge [sflag:s7], $0x4000  }
0x9d: {  	[sflag:s7] =	ssyncset.done $0x0  }
0x9e: {  	[sflag:s7] =	ssyncadd.s32 $0xFFFFC000  }
0x9f: {  	[hbm4b:s4+s8] =	stream.strided.scatter [tilespmem:s6], [sflag:$0x5], $0x4000, s9, s8, $0x38;
	[tilespmem:$0x10800] =	vst v63  }
0xa0: {  	_ =	swait.ge [sflag:s11], $0x4000  }
0xa1: {  	[sflag:s11] =	ssyncset.done $0x0  }
0xa2: {  	[sflag:s11] =	ssyncadd.s32 $0xFFFFC000  }
0xa3: {  	_ =	swait.ge [sflag:s12], $0x4000  }
0xa4: {  	[sflag:s12] =	ssyncset.done $0x0  }
0xa5: {  	p1 =	sne.s32 s1, $0x1;
	[sflag:s12] =	ssyncadd.s32 $0xFFFFC000  }
.Ltmp1:
0xa6: {  	_ =	swait.ge [sflag:s14], $0x4000;
	(pc) =	sbr.rel @!p1 .LBB2_3-.Ltmp1, $4  }
0xa7: {  	[sflag:s14] =	ssyncset.done $0x0  }
0xa8: {  	[sflag:s14] =	ssyncadd.s32 $0xFFFFC000  }
0xa9: {  	s1 =	sadd.s32 $0xFFFFFFFF, s1;
	_ =	swait.ge [sflag:s5], $0x4000  }
0xaa: {  	p0 =	por $0x1, $0x1;
	s0 =	rddreg [dreg:$0x3];
	[sflag:s5] =	ssyncset.done $0x0  }
.LBB2_2:
0xab: {  	[sflag:s5] =	ssyncadd.s32 $0xFFFFC000  }
0xac: {  	[tilespmem:s3], [sflag:$0x9] =	stream.linear.gather [hbm4b:s0+s3], $0x800, $0x38;
	[tilespmem:$0x10800] =	vst v63  }
0xad: {  	_ =	swait.ge [sflag:s29], $0x800  }
0xae: {  	[sflag:s29] =	ssyncset.done $0x0  }
0xaf: {  	[sflag:s29] =	ssyncadd.s32 $0xFFFFF800  }
0xb0: {  	[tilespmem:s6], [sflag:$0x1] =	stream.indirect.gather [hbm4b:s2+s15], $0x80, s3, s15, $0xb8;
	[tilespmem:$0x10800] =	vst v63  }
0xb1: {  	_ = 	snop  }
0xb2: {  	[tilespmem:s16], [sflag:$0x2] =	stream.indirect.gather [hbm4b:s2+s15], $0x80, s15, s15, $0xb8;
	[tilespmem:$0x10800] =	vst v63  }
0xb3: {  	_ = 	snop  }
0xb4: {  	[tilespmem:s13], [sflag:$0x3] =	stream.indirect.gather [hbm4b:s2+s15], $0x80, s30, s15, $0xb8;
	[tilespmem:$0x10800] =	vst v63  }
0xb5: {  	_ = 	snop  }
0xb6: {  	[tilespmem:s10], [sflag:$0x4] =	stream.indirect.gather [hbm4b:s2+s15], $0x80, s31, s15, $0xb8;
	[tilespmem:$0x10800] =	vst v63  }
0xb7: {  	_ =	swait.ge [sflag:s7], $0x4000  }
0xb8: {  	[sflag:s7] =	ssyncset.done $0x0  }
0xb9: {  	s0 =	rddreg [dreg:$0x4];
	[sflag:s7] =	ssyncadd.s32 $0xFFFFC000  }
0xba: {  	[hbm4b:s0+s8] =	stream.strided.scatter [tilespmem:s6], [sflag:$0x5], $0x4000, s9, s8, $0x38;
	[tilespmem:$0x10800] =	vst v63  }
0xbb: {  	_ =	swait.ge [sflag:s19], $0x4000  }
0xbc: {  	[sflag:s19] =	ssyncset.done $0x0  }
0xbd: {  	s0 =	rddreg [dreg:$0x5];
	[sflag:s19] =	ssyncadd.s32 $0xFFFFC000  }
0xbe: {  	[hbm4b:s0+s8] =	stream.strided.scatter [tilespmem:s16], [sflag:$0x6], $0x4000, s9, s8, $0x38;
	[tilespmem:$0x10800] =	vst v63  }
0xbf: {  	_ =	swait.ge [sflag:s5], $0x4000  }
0xc0: {  	[sflag:s5] =	ssyncset.done $0x0  }
0xc1: {  	[sflag:s5] =	ssyncadd.s32 $0xFFFFC000  }
0xc2: {  	[tilespmem:s6], [sflag:$0x1] =	stream.indirect.gather [hbm4b:s2+s15], $0x80, s28, s15, $0xb8;
	[tilespmem:$0x10800] =	vst v63  }
0xc3: {  	_ =	swait.ge [sflag:s18], $0x4000  }
0xc4: {  	[sflag:s18] =	ssyncset.done $0x0  }
0xc5: {  	s0 =	rddreg [dreg:$0x6];
	[sflag:s18] =	ssyncadd.s32 $0xFFFFC000  }
0xc6: {  	[hbm4b:s0+s8] =	stream.strided.scatter [tilespmem:s13], [sflag:$0x7], $0x4000, s9, s8, $0x38;
	[tilespmem:$0x10800] =	vst v63  }
0xc7: {  	_ =	swait.ge [sflag:s11], $0x4000  }
0xc8: {  	[sflag:s11] =	ssyncset.done $0x0  }
0xc9: {  	[sflag:s11] =	ssyncadd.s32 $0xFFFFC000  }
0xca: {  	[tilespmem:s16], [sflag:$0x2] =	stream.indirect.gather [hbm4b:s2+s15], $0x80, s26, s15, $0xb8;
	[tilespmem:$0x10800] =	vst v63  }
0xcb: {  	_ =	swait.ge [sflag:s17], $0x4000  }
0xcc: {  	[sflag:s17] =	ssyncset.done $0x0  }
0xcd: {  	s0 =	rddreg [dreg:$0x7];
	[sflag:s17] =	ssyncadd.s32 $0xFFFFC000  }
0xce: {  	[hbm4b:s0+s8] =	stream.strided.scatter [tilespmem:s10], [sflag:$0x8], $0x4000, s9, s8, $0x38;
	[tilespmem:$0x10800] =	vst v63  }
0xcf: {  	_ =	swait.ge [sflag:s12], $0x4000  }
0xd0: {  	[sflag:s12] =	ssyncset.done $0x0  }
0xd1: {  	[sflag:s12] =	ssyncadd.s32 $0xFFFFC000  }
0xd2: {  	[tilespmem:s13], [sflag:$0x3] =	stream.indirect.gather [hbm4b:s2+s15], $0x80, s25, s15, $0xb8;
	[tilespmem:$0x10800] =	vst v63  }
0xd3: {  	_ =	swait.ge [sflag:s7], $0x4000  }
0xd4: {  	[sflag:s7] =	ssyncset.done $0x0  }
0xd5: {  	s0 =	rddreg [dreg:$0x8];
	[sflag:s7] =	ssyncadd.s32 $0xFFFFC000  }
0xd6: {  	[hbm4b:s0+s8] =	stream.strided.scatter [tilespmem:s6], [sflag:$0x5], $0x4000, s9, s8, $0x38;
	[tilespmem:$0x10800] =	vst v63  }
0xd7: {  	_ =	swait.ge [sflag:s14], $0x4000  }
0xd8: {  	[sflag:s14] =	ssyncset.done $0x0  }
0xd9: {  	[sflag:s14] =	ssyncadd.s32 $0xFFFFC000  }
0xda: {  	[tilespmem:s10], [sflag:$0x4] =	stream.indirect.gather [hbm4b:s2+s15], $0x80, s24, s15, $0xb8;
	[tilespmem:$0x10800] =	vst v63  }
0xdb: {  	_ =	swait.ge [sflag:s19], $0x4000  }
0xdc: {  	[sflag:s19] =	ssyncset.done $0x0  }
0xdd: {  	s0 =	rddreg [dreg:$0x9];
	[sflag:s19] =	ssyncadd.s32 $0xFFFFC000  }
0xde: {  	[hbm4b:s0+s8] =	stream.strided.scatter [tilespmem:s16], [sflag:$0x6], $0x4000, s9, s8, $0x38;
	[tilespmem:$0x10800] =	vst v63  }
0xdf: {  	_ =	swait.ge [sflag:s5], $0x4000  }
0xe0: {  	[sflag:s5] =	ssyncset.done $0x0  }
0xe1: {  	[sflag:s5] =	ssyncadd.s32 $0xFFFFC000  }
0xe2: {  	[tilespmem:s6], [sflag:$0x1] =	stream.indirect.gather [hbm4b:s2+s15], $0x80, s8, s15, $0xb8;
	[tilespmem:$0x10800] =	vst v63  }
0xe3: {  	_ =	swait.ge [sflag:s18], $0x4000  }
0xe4: {  	[sflag:s18] =	ssyncset.done $0x0  }
0xe5: {  	s0 =	rddreg [dreg:$0xa];
	[sflag:s18] =	ssyncadd.s32 $0xFFFFC000  }
0xe6: {  	[hbm4b:s0+s8] =	stream.strided.scatter [tilespmem:s13], [sflag:$0x7], $0x4000, s9, s8, $0x38;
	[tilespmem:$0x10800] =	vst v63  }
0xe7: {  	_ =	swait.ge [sflag:s11], $0x4000  }
0xe8: {  	[sflag:s11] =	ssyncset.done $0x0  }
0xe9: {  	[sflag:s11] =	ssyncadd.s32 $0xFFFFC000  }
0xea: {  	[tilespmem:s16], [sflag:$0x2] =	stream.indirect.gather [hbm4b:s2+s15], $0x80, s23, s15, $0xb8;
	[tilespmem:$0x10800] =	vst v63  }
0xeb: {  	_ =	swait.ge [sflag:s17], $0x4000  }
0xec: {  	[sflag:s17] =	ssyncset.done $0x0  }
0xed: {  	s0 =	rddreg [dreg:$0xb];
	[sflag:s17] =	ssyncadd.s32 $0xFFFFC000  }
0xee: {  	[hbm4b:s0+s8] =	stream.strided.scatter [tilespmem:s10], [sflag:$0x8], $0x4000, s9, s8, $0x38;
	[tilespmem:$0x10800] =	vst v63  }
0xef: {  	_ =	swait.ge [sflag:s12], $0x4000  }
0xf0: {  	[sflag:s12] =	ssyncset.done $0x0  }
0xf1: {  	[sflag:s12] =	ssyncadd.s32 $0xFFFFC000  }
0xf2: {  	[tilespmem:s13], [sflag:$0x3] =	stream.indirect.gather [hbm4b:s2+s15], $0x80, s22, s15, $0xb8;
	[tilespmem:$0x10800] =	vst v63  }
0xf3: {  	_ =	swait.ge [sflag:s7], $0x4000  }
0xf4: {  	[sflag:s7] =	ssyncset.done $0x0  }
0xf5: {  	s0 =	rddreg [dreg:$0xc];
	[sflag:s7] =	ssyncadd.s32 $0xFFFFC000  }
0xf6: {  	[hbm4b:s0+s8] =	stream.strided.scatter [tilespmem:s6], [sflag:$0x5], $0x4000, s9, s8, $0x38;
	[tilespmem:$0x10800] =	vst v63  }
0xf7: {  	_ =	swait.ge [sflag:s14], $0x4000  }
0xf8: {  	[sflag:s14] =	ssyncset.done $0x0  }
0xf9: {  	[sflag:s14] =	ssyncadd.s32 $0xFFFFC000  }
0xfa: {  	[tilespmem:s10], [sflag:$0x4] =	stream.indirect.gather [hbm4b:s2+s15], $0x80, s21, s15, $0xb8;
	[tilespmem:$0x10800] =	vst v63  }
0xfb: {  	_ =	swait.ge [sflag:s19], $0x4000  }
0xfc: {  	[sflag:s19] =	ssyncset.done $0x0  }
0xfd: {  	s0 =	rddreg [dreg:$0xd];
	[sflag:s19] =	ssyncadd.s32 $0xFFFFC000  }
0xfe: {  	[hbm4b:s0+s8] =	stream.strided.scatter [tilespmem:s16], [sflag:$0x6], $0x4000, s9, s8, $0x38;
	[tilespmem:$0x10800] =	vst v63  }
0xff: {  	_ =	swait.ge [sflag:s5], $0x4000  }
0x100: {  	[sflag:s5] =	ssyncset.done $0x0  }
0x101: {  	[sflag:s5] =	ssyncadd.s32 $0xFFFFC000  }
0x102: {  	[tilespmem:s6], [sflag:$0x1] =	stream.indirect.gather [hbm4b:s2+s15], $0x80, s20, s15, $0xb8;
	[tilespmem:$0x10800] =	vst v63  }
0x103: {  	_ =	swait.ge [sflag:s18], $0x4000  }
0x104: {  	[sflag:s18] =	ssyncset.done $0x0  }
0x105: {  	s0 =	rddreg [dreg:$0xe];
	[sflag:s18] =	ssyncadd.s32 $0xFFFFC000  }
0x106: {  	[hbm4b:s0+s8] =	stream.strided.scatter [tilespmem:s13], [sflag:$0x7], $0x4000, s9, s8, $0x38;
	[tilespmem:$0x10800] =	vst v63  }
0x107: {  	_ =	swait.ge [sflag:s17], $0x4000  }
0x108: {  	[sflag:s17] =	ssyncset.done $0x0  }
0x109: {  	s0 =	rddreg [dreg:$0xf];
	[sflag:s17] =	ssyncadd.s32 $0xFFFFC000  }
0x10a: {  	[hbm4b:s0+s8] =	stream.strided.scatter [tilespmem:s10], [sflag:$0x8], $0x4000, s9, s8, $0x38;
	[tilespmem:$0x10800] =	vst v63  }
0x10b: {  	_ =	swait.ge [sflag:s7], $0x4000  }
0x10c: {  	[sflag:s7] =	ssyncset.done $0x0  }
0x10d: {  	[sflag:s7] =	ssyncadd.s32 $0xFFFFC000  }
0x10e: {  	[hbm4b:s4+s8] =	stream.strided.scatter [tilespmem:s6], [sflag:$0x5], $0x4000, s9, s8, $0x38;
	[tilespmem:$0x10800] =	vst v63  }
0x10f: {  	_ =	swait.ge [sflag:s11], $0x4000  }
0x110: {  	[sflag:s11] =	ssyncset.done $0x0  }
0x111: {  	[sflag:s11] =	ssyncadd.s32 $0xFFFFC000  }
0x112: {  	_ =	swait.ge [sflag:s12], $0x4000  }
0x113: {  	[sflag:s12] =	ssyncset.done $0x0  }
0x114: {  	p1 =	sne.s32 s1, $0x1;
	[sflag:s12] =	ssyncadd.s32 $0xFFFFC000  }
.Ltmp2:
0x115: {  	_ =	swait.ge [sflag:s14], $0x4000;
	(pc) =	sbr.rel @p1 .LBB2_2-.Ltmp2, $4  }
0x116: {  	[sflag:s14] =	ssyncset.done $0x0  }
0x117: {  	[sflag:s14] =	ssyncadd.s32 $0xFFFFC000  }
0x118: {  	_ =	swait.ge [sflag:s5], $0x4000  }
0x119: {  	s1 =	sadd.s32 $0xFFFFFFFF, s1;
	s0 =	rddreg [dreg:$0x3];
	[sflag:s5] =	ssyncset.done $0x0  }
.LBB2_3:
0x11a: {  	[sflag:s5] =	ssyncadd.s32 @p0 $0xFFFFC000  }
0x11b: {  	[tilespmem:s3], [sflag:$0x9] =	stream.linear.gather [hbm4b:s0+s3], $0x800, $0x38;
	[tilespmem:$0x10800] =	vst v63  }
0x11c: {  	_ =	swait.ge [sflag:s29], $0x800  }
0x11d: {  	[sflag:s29] =	ssyncset.done $0x0  }
0x11e: {  	[sflag:s29] =	ssyncadd.s32 $0xFFFFF800  }
0x11f: {  	[tilespmem:s6], [sflag:$0x1] =	stream.indirect.gather [hbm4b:s2+s15], $0x80, s3, s15, $0xb8;
	[tilespmem:$0x10800] =	vst v63  }
0x120: {  	_ = 	snop  }
0x121: {  	[tilespmem:s16], [sflag:$0x2] =	stream.indirect.gather [hbm4b:s2+s15], $0x80, s15, s15, $0xb8;
	[tilespmem:$0x10800] =	vst v63  }
0x122: {  	_ = 	snop  }
0x123: {  	[tilespmem:s13], [sflag:$0x3] =	stream.indirect.gather [hbm4b:s2+s15], $0x80, s30, s15, $0xb8;
	[tilespmem:$0x10800] =	vst v63  }
0x124: {  	_ = 	snop  }
0x125: {  	[tilespmem:s10], [sflag:$0x4] =	stream.indirect.gather [hbm4b:s2+s15], $0x80, s31, s15, $0xb8;
	[tilespmem:$0x10800] =	vst v63  }
0x126: {  	_ =	swait.ge [sflag:s7], $0x4000  }
0x127: {  	[sflag:s7] =	ssyncset.done $0x0  }
0x128: {  	s3 =	rddreg [dreg:$0x4];
	[sflag:s7] =	ssyncadd.s32 $0xFFFFC000  }
0x129: {  	[hbm4b:s3+s8] =	stream.strided.scatter [tilespmem:s6], [sflag:$0x5], $0x4000, s9, s8, $0x38;
	[tilespmem:$0x10800] =	vst v63  }
0x12a: {  	_ =	swait.ge [sflag:s19], $0x4000  }
0x12b: {  	[sflag:s19] =	ssyncset.done $0x0  }
0x12c: {  	s29 =	rddreg [dreg:$0x5];
	[sflag:s19] =	ssyncadd.s32 $0xFFFFC000  }
0x12d: {  	[hbm4b:s29+s8] =	stream.strided.scatter [tilespmem:s16], [sflag:$0x6], $0x4000, s9, s8, $0x38;
	[tilespmem:$0x10800] =	vst v63  }
0x12e: {  	_ =	swait.ge [sflag:s5], $0x4000  }
0x12f: {  	[sflag:s5] =	ssyncset.done $0x0  }
0x130: {  	[sflag:s5] =	ssyncadd.s32 $0xFFFFC000  }
0x131: {  	[tilespmem:s6], [sflag:$0x1] =	stream.indirect.gather [hbm4b:s2+s15], $0x80, s28, s15, $0xb8;
	[tilespmem:$0x10800] =	vst v63  }
0x132: {  	_ =	swait.ge [sflag:s18], $0x4000  }
0x133: {  	[sflag:s18] =	ssyncset.done $0x0  }
0x134: {  	s30 =	rddreg [dreg:$0x6];
	[sflag:s18] =	ssyncadd.s32 $0xFFFFC000  }
0x135: {  	[hbm4b:s30+s8] =	stream.strided.scatter [tilespmem:s13], [sflag:$0x7], $0x4000, s9, s8, $0x38;
	[tilespmem:$0x10800] =	vst v63  }
0x136: {  	_ =	swait.ge [sflag:s11], $0x4000  }
0x137: {  	[sflag:s11] =	ssyncset.done $0x0  }
0x138: {  	[sflag:s11] =	ssyncadd.s32 $0xFFFFC000  }
0x139: {  	[tilespmem:s16], [sflag:$0x2] =	stream.indirect.gather [hbm4b:s2+s15], $0x80, s26, s15, $0xb8;
	[tilespmem:$0x10800] =	vst v63  }
0x13a: {  	_ =	swait.ge [sflag:s17], $0x4000  }
0x13b: {  	[sflag:s17] =	ssyncset.done $0x0  }
0x13c: {  	s31 =	rddreg [dreg:$0x7];
	[sflag:s17] =	ssyncadd.s32 $0xFFFFC000  }
0x13d: {  	[hbm4b:s31+s8] =	stream.strided.scatter [tilespmem:s10], [sflag:$0x8], $0x4000, s9, s8, $0x38;
	[tilespmem:$0x10800] =	vst v63  }
0x13e: {  	_ =	swait.ge [sflag:s12], $0x4000  }
0x13f: {  	[sflag:s12] =	ssyncset.done $0x0  }
0x140: {  	[sflag:s12] =	ssyncadd.s32 $0xFFFFC000  }
0x141: {  	[tilespmem:s13], [sflag:$0x3] =	stream.indirect.gather [hbm4b:s2+s15], $0x80, s25, s15, $0xb8;
	[tilespmem:$0x10800] =	vst v63  }
0x142: {  	_ =	swait.ge [sflag:s7], $0x4000  }
0x143: {  	[sflag:s7] =	ssyncset.done $0x0  }
0x144: {  	s1 =	rddreg [dreg:$0x8];
	[sflag:s7] =	ssyncadd.s32 $0xFFFFC000  }
0x145: {  	[hbm4b:s1+s8] =	stream.strided.scatter [tilespmem:s6], [sflag:$0x5], $0x4000, s9, s8, $0x38;
	[tilespmem:$0x10800] =	vst v63  }
0x146: {  	_ =	swait.ge [sflag:s14], $0x4000  }
0x147: {  	[sflag:s14] =	ssyncset.done $0x0  }
0x148: {  	[sflag:s14] =	ssyncadd.s32 $0xFFFFC000  }
0x149: {  	[tilespmem:s10], [sflag:$0x4] =	stream.indirect.gather [hbm4b:s2+s15], $0x80, s24, s15, $0xb8;
	[tilespmem:$0x10800] =	vst v63  }
0x14a: {  	_ =	swait.ge [sflag:s19], $0x4000  }
0x14b: {  	[sflag:s19] =	ssyncset.done $0x0  }
0x14c: {  	s3 =	rddreg [dreg:$0x9];
	[sflag:s19] =	ssyncadd.s32 $0xFFFFC000  }
0x14d: {  	[hbm4b:s3+s8] =	stream.strided.scatter [tilespmem:s16], [sflag:$0x6], $0x4000, s9, s8, $0x38;
	[tilespmem:$0x10800] =	vst v63  }
0x14e: {  	_ =	swait.ge [sflag:s5], $0x4000  }
0x14f: {  	[sflag:s5] =	ssyncset.done $0x0  }
0x150: {  	[sflag:s5] =	ssyncadd.s32 $0xFFFFC000  }
0x151: {  	[tilespmem:s6], [sflag:$0x1] =	stream.indirect.gather [hbm4b:s2+s15], $0x80, s8, s15, $0xb8;
	[tilespmem:$0x10800] =	vst v63  }
0x152: {  	_ =	swait.ge [sflag:s18], $0x4000  }
0x153: {  	[sflag:s18] =	ssyncset.done $0x0  }
0x154: {  	s24 =	rddreg [dreg:$0xa];
	[sflag:s18] =	ssyncadd.s32 $0xFFFFC000  }
0x155: {  	[hbm4b:s24+s8] =	stream.strided.scatter [tilespmem:s13], [sflag:$0x7], $0x4000, s9, s8, $0x38;
	[tilespmem:$0x10800] =	vst v63  }
0x156: {  	_ =	swait.ge [sflag:s11], $0x4000  }
0x157: {  	[sflag:s11] =	ssyncset.done $0x0  }
0x158: {  	[sflag:s11] =	ssyncadd.s32 $0xFFFFC000  }
0x159: {  	[tilespmem:s16], [sflag:$0x2] =	stream.indirect.gather [hbm4b:s2+s15], $0x80, s23, s15, $0xb8;
	[tilespmem:$0x10800] =	vst v63  }
0x15a: {  	_ =	swait.ge [sflag:s17], $0x4000  }
0x15b: {  	[sflag:s17] =	ssyncset.done $0x0  }
0x15c: {  	s25 =	rddreg [dreg:$0xb];
	[sflag:s17] =	ssyncadd.s32 $0xFFFFC000  }
0x15d: {  	[hbm4b:s25+s8] =	stream.strided.scatter [tilespmem:s10], [sflag:$0x8], $0x4000, s9, s8, $0x38;
	[tilespmem:$0x10800] =	vst v63  }
0x15e: {  	_ =	swait.ge [sflag:s12], $0x4000  }
0x15f: {  	[sflag:s12] =	ssyncset.done $0x0  }
0x160: {  	[sflag:s12] =	ssyncadd.s32 $0xFFFFC000  }
0x161: {  	[tilespmem:s13], [sflag:$0x3] =	stream.indirect.gather [hbm4b:s2+s15], $0x80, s22, s15, $0xb8;
	[tilespmem:$0x10800] =	vst v63  }
0x162: {  	_ =	swait.ge [sflag:s7], $0x4000  }
0x163: {  	[sflag:s7] =	ssyncset.done $0x0  }
0x164: {  	s26 =	rddreg [dreg:$0xc];
	[sflag:s7] =	ssyncadd.s32 $0xFFFFC000  }
0x165: {  	[hbm4b:s26+s8] =	stream.strided.scatter [tilespmem:s6], [sflag:$0x5], $0x4000, s9, s8, $0x38;
	[tilespmem:$0x10800] =	vst v63  }
0x166: {  	_ =	swait.ge [sflag:s14], $0x4000  }
0x167: {  	[sflag:s14] =	ssyncset.done $0x0  }
0x168: {  	[sflag:s14] =	ssyncadd.s32 $0xFFFFC000  }
0x169: {  	[tilespmem:s10], [sflag:$0x4] =	stream.indirect.gather [hbm4b:s2+s15], $0x80, s21, s15, $0xb8;
	[tilespmem:$0x10800] =	vst v63  }
0x16a: {  	_ =	swait.ge [sflag:s19], $0x4000  }
0x16b: {  	[sflag:s19] =	ssyncset.done $0x0  }
0x16c: {  	s28 =	rddreg [dreg:$0xd];
	[sflag:s19] =	ssyncadd.s32 $0xFFFFC000  }
0x16d: {  	[hbm4b:s28+s8] =	stream.strided.scatter [tilespmem:s16], [sflag:$0x6], $0x4000, s9, s8, $0x38;
	[tilespmem:$0x10800] =	vst v63  }
0x16e: {  	_ =	swait.ge [sflag:s5], $0x4000  }
0x16f: {  	[sflag:s5] =	ssyncset.done $0x0  }
0x170: {  	[sflag:s5] =	ssyncadd.s32 $0xFFFFC000  }
0x171: {  	[tilespmem:s6], [sflag:$0x1] =	stream.indirect.gather [hbm4b:s2+s15], $0x80, s20, s15, $0xb8;
	[tilespmem:$0x10800] =	vst v63  }
0x172: {  	_ =	swait.ge [sflag:s18], $0x4000  }
0x173: {  	[sflag:s18] =	ssyncset.done $0x0  }
0x174: {  	s29 =	rddreg [dreg:$0xe];
	[sflag:s18] =	ssyncadd.s32 $0xFFFFC000  }
0x175: {  	[hbm4b:s29+s8] =	stream.strided.scatter [tilespmem:s13], [sflag:$0x7], $0x4000, s9, s8, $0x38;
	[tilespmem:$0x10800] =	vst v63  }
0x176: {  	_ =	swait.ge [sflag:s17], $0x4000  }
0x177: {  	[sflag:s17] =	ssyncset.done $0x0  }
0x178: {  	s30 =	rddreg [dreg:$0xf];
	[sflag:s17] =	ssyncadd.s32 $0xFFFFC000  }
0x179: {  	[hbm4b:s30+s8] =	stream.strided.scatter [tilespmem:s10], [sflag:$0x8], $0x4000, s9, s8, $0x38;
	[tilespmem:$0x10800] =	vst v63  }
0x17a: {  	_ =	swait.ge [sflag:s7], $0x4000  }
0x17b: {  	[sflag:s7] =	ssyncset.done $0x0  }
0x17c: {  	[sflag:s7] =	ssyncadd.s32 $0xFFFFC000  }
0x17d: {  	[hbm4b:s4+s8] =	stream.strided.scatter [tilespmem:s6], [sflag:$0x5], $0x4000, s9, s8, $0x38;
	[tilespmem:$0x10800] =	vst v63  }
0x17e: {  	_ =	swait.ge [sflag:s11], $0x4000  }
0x17f: {  	[sflag:s11] =	ssyncset.done $0x0  }
0x180: {  	[sflag:s11] =	ssyncadd.s32 $0xFFFFC000  }
0x181: {  	_ =	swait.ge [sflag:s12], $0x4000  }
0x182: {  	[sflag:s12] =	ssyncset.done $0x0  }
0x183: {  	[sflag:s12] =	ssyncadd.s32 $0xFFFFC000  }
0x184: {  	_ =	swait.ge [sflag:s14], $0x4000  }
0x185: {  	[sflag:s14] =	ssyncset.done $0x0  }
0x186: {  	[sflag:s14] =	ssyncadd.s32 $0xFFFFC000  }
0x187: {  	_ =	swait.ge [sflag:s5], $0x4000  }
0x188: {  	[sflag:s5] =	ssyncset.done $0x0  }
0x189: {  	[sflag:s5] =	ssyncadd.s32 $0xFFFFC000  }
0x18a: {  	_ =	sfence.sel $0x180000  }
0x18b: {  	[bflag:$0x0] =	sbarrier.arrive $0xFFFF  }
0x18c: {  	_ =	strace $0x90000047  }
0x18d: {  	s31 =	stileid.u32;
	[bflag:$0x2] =	sbarrier.arrive $0xFFFF  }
0x18e: {  	p0 =	sne.s32 s31, $0x0;
	s0 =	rddreg [dreg:$0x2]  }
0x18f: {  	s0 =	sadd.s32 @!p0 $0x100000, s0  }
0x190: {  	[sflag:s0] =	ssyncadd.tile.s32 @!p0 $0x1;
	_ =	shalt  }
.Lfunc_end2:
_tile_overlayer_lowered:
.L_overlay_start_2:
0x191: {  	(tag) =	ssettag $0x2  }
0x192: {  	s0 =	rddreg [dreg:$0x0];
	s2 =	stileid.u32  }
0x193: {  	s1 =	rddreg [dreg:$0x1];
	p0 =	sne.s32 s2, $0x0  }
0x194: {  	s3 =	rddreg [dreg:$0x2];
	[bflag:$0x3] =	sbarrier.arrive $0xFFFF;
	s2 =	simm.s32 @!p0 $0x1C09  }
0x195: {  	[timem:s3], [sflag:s2] =	dma.local @!p0 [hbm:s0], s1  }
0x196: {  	s0 =	simm.s32 @!p0 $0x9  }
0x197: {  	_ =	swait.ge @!p0 [sflag:s0], s1  }
0x198: {  	s1 =	ssub.s32 @!p0 $0x0, s1;
	[sflag:s0] =	ssyncset.done @!p0 $0x0  }
0x199: {  	[sflag:s0] =	ssyncadd.s32 @!p0 s1  }
0x19a: {  	[bflag:$0x3] =	sbarrier.arrive $0xFFFF  }
0x19b: {  	_ =	shalt  }

// kernel: kernel.9.cloned.1.call-start
scs
__scs_entry_jumppad:
0x0: {  	(pc) =	sbr.rel $0x88, $3  }
0x1: {  	(tag) =	ssettag $0x0;
	lr =	simm.s32 $0x1  }
0x2: {  	[smem:$0x3F8F] =	sst lr;
	_ =	strace $0xD0000000  }
0x3: {  	_ = 	snop  }
0x4: {  	_ = 	snop  }
0x5: {  	_ = 	snop  }
0x6: {  	_ = 	snop  }
0x7: {  	_ = 	snop  }
__scs_overlays_trampoline_lowered:
0x8: {  	[smem:$0x3F9E] =	sst s0  }
0x9: {  	[smem:$0x3F9F] =	sst s1  }
0xa: {  	[smem:$0x3FA0] =	sst s2  }
0xb: {  	[smem:$0x3FA1] =	sst s3  }
0xc: {  	[smem:$0x3FA2] =	sst s4  }
0xd: {  	[smem:$0x3FA3] =	sst s5  }
0xe: {  	[smem:$0x3FA4] =	sst s6  }
0xf: {  	[smem:$0x3FA5] =	sst s7  }
0x10: {  	[smem:$0x3FA6] =	sst s8  }
0x11: {  	[smem:$0x3FA7] =	sst s9;
	s0 =	simm.s32 @!p0 $0x0  }
0x12: {  	s1 =	sld [smem:$0x3F8D];
	s0 =	simm.s32 @p0 $0x1  }
0x13: {  	[smem:$0x3FA8] =	sst s0;
	s0 =	simm.s32 @!p1 $0x0  }
0x14: {  	s2 =	sld [smem:$0x3F8C];
	s0 =	simm.s32 @p1 $0x1  }
0x15: {  	[smem:$0x3FA9] =	sst s0;
	s0 =	simm.s32 @!p2 $0x0  }
0x16: {  	s3 =	sld [smem:$0x3FDB];
	s0 =	simm.s32 @p2 $0x1  }
0x17: {  	s4 =	simm.s32 $0x1BF5;
	[smem:$0x3FAB] =	sst s0  }
0x18: {  	s0 =	sld [smem:$0x3F8E];
	_ =	swait.ge [sflag:s4], $0x0  }
0x19: {  	s7 =	sld [smem:$0x3F8F]  }
0x1a: {  	s8 =	sadd.s32 $0xFFFFE003, lr  }
0x1b: {  	s9 =	sadd.s32 $0xFFFFFEF7, lr;
	s5 =	simm.s32 $0xFFFFFFFF;
	p2 =	slt.u32 s8, $0xFFFFF086  }
0x1c: {  	p1 =	slt.u32 s9, $0xF7A;
	s5 =	simm.s32 @!p2 $0x0  }
0x1d: {  	s5 =	simm.s32 @p1 $0x1;
	p0 =	seq.s32 s7, s2  }
0x1e: {  	s7 =	smul.u32 @!p0 $0xF7A, s2;
	p2 =	seq.s32 @!p0 s5, $0x0  }
0x1f: {  	s9 =	smul.u32 $0xF7A, s1;
	s8 =	simm.s32 @!p0 $0x1BF5;
	p2 =	por !p2, p0  }
0x20: {  	[sflag:s8] =	ssyncset.s32 @!p0 $0xFFFFF086;
	s6 =	sadd.s32 @!p0 s3, s7;
	s7 =	simm.s32 @!p0 $0x108  }
0x21: {  	s3 =	sadd.s32 s3, s9;
	s6 =	sadd.s32 @!p0 $0x88, s6;
	s7 =	simm.s32 @p2 $0x1082  }
0x22: {  	[simem:s7], [sflag:s8] =	dma.local @!p0 [hbm:s6], $0xF7A  }
0x23: {  	s9 =	sor.u32 $0xD0000000, s2;
	s6 =	simm.s32 $0x108;
	_ =	swait.ge @!p0 [sflag:s8], $0x0  }
0x24: {  	s3 =	sadd.s32 $0x88, s3;
	s6 =	simm.s32 @!p1 $0x1082;
	[sflag:s4] =	ssyncset.s32 $0xFFFFF086  }
0x25: {  	[simem:s6], [sflag:s4] =	dma.local [hbm:s3], $0xF7A  }
0x26: {  	[smem:$0x3F8F] =	sst s1;
	(tag) =	ssettag s2;
	_ =	strace s9  }
0x27: {  	s1 =	sld [smem:$0x3F9F]  }
0x28: {  	s2 =	sld [smem:$0x3FA0]  }
0x29: {  	s4 =	sld [smem:$0x3FA2]  }
0x2a: {  	p0 =	seq.s32 s5, $0x0;
	s5 =	sld [smem:$0x3FA3]  }
0x2b: {  	s6 =	sld [smem:$0x3FA4]  }
0x2c: {  	s7 =	sld [smem:$0x3FA5]  }
0x2d: {  	s3 =	simm.s32 $0x108;
	s8 =	sld [smem:$0x3FA6]  }
0x2e: {  	s3 =	simm.s32 @!p0 $0x1082;
	s9 =	sld [smem:$0x3FA7]  }
0x2f: {  	lr =	sadd.s32 s0, s3;
	s0 =	sld [smem:$0x3F9E]  }
0x30: {  	s3 =	sld [smem:$0x3FA1]  }
0x31: {  	[smem:$0x3FAA] =	sst s10  }
0x32: {  	s10 =	sld [smem:$0x3FA8];
	_ =	sdelay $0x3  }
0x33: {  	p0 =	seq.s32 s10, $0x1;
	s10 =	sld [smem:$0x3FAA];
	_ =	sdelay $0x3  }
0x34: {  	[smem:$0x3FAA] =	sst s10  }
0x35: {  	s10 =	sld [smem:$0x3FA9];
	_ =	sdelay $0x3  }
0x36: {  	p1 =	seq.s32 s10, $0x1;
	s10 =	sld [smem:$0x3FAA];
	_ =	sdelay $0x3  }
0x37: {  	[smem:$0x3FAA] =	sst s10  }
0x38: {  	s10 =	sld [smem:$0x3FAB]  }
0x39: {  	_ = 	snop;
	(pc) =	sbr.ind lr, $3  }
0x3a: {  	_ = 	snop  }
0x3b: {  	_ = 	snop  }
0x3c: {  	p2 =	seq.s32 s10, $0x1;
	s10 =	sld [smem:$0x3FAA]  }
0x3d: {  	_ =	shalt  }
0x3e: {  	_ =	shalt  }
0x3f: {  	_ =	shalt  }
0x40: {  	_ =	shalt  }
0x41: {  	_ =	shalt  }
0x42: {  	_ =	shalt  }
0x43: {  	_ =	shalt  }
0x44: {  	_ =	shalt  }
0x45: {  	_ =	shalt  }
0x46: {  	_ =	shalt  }
0x47: {  	_ =	shalt  }
0x48: {  	_ =	shalt  }
0x49: {  	_ =	shalt  }
0x4a: {  	_ =	shalt  }
0x4b: {  	_ =	shalt  }
0x4c: {  	_ =	shalt  }
0x4d: {  	_ =	shalt  }
0x4e: {  	_ =	shalt  }
0x4f: {  	_ =	shalt  }
0x50: {  	_ =	shalt  }
0x51: {  	_ =	shalt  }
0x52: {  	_ =	shalt  }
0x53: {  	_ =	shalt  }
0x54: {  	_ =	shalt  }
0x55: {  	_ =	shalt  }
0x56: {  	_ =	shalt  }
0x57: {  	_ =	shalt  }
0x58: {  	_ =	shalt  }
0x59: {  	_ =	shalt  }
0x5a: {  	_ =	shalt  }
0x5b: {  	_ =	shalt  }
0x5c: {  	_ =	shalt  }
0x5d: {  	_ =	shalt  }
0x5e: {  	_ =	shalt  }
0x5f: {  	_ =	shalt  }
0x60: {  	_ =	shalt  }
0x61: {  	_ =	shalt  }
0x62: {  	_ =	shalt  }
0x63: {  	_ =	shalt  }
0x64: {  	_ =	shalt  }
0x65: {  	_ =	shalt  }
0x66: {  	_ =	shalt  }
0x67: {  	_ =	shalt  }
0x68: {  	_ =	shalt  }
0x69: {  	_ =	shalt  }
0x6a: {  	_ =	shalt  }
0x6b: {  	_ =	shalt  }
0x6c: {  	_ =	shalt  }
0x6d: {  	_ =	shalt  }
0x6e: {  	_ =	shalt  }
0x6f: {  	_ =	shalt  }
0x70: {  	_ =	shalt  }
0x71: {  	_ =	shalt  }
0x72: {  	_ =	shalt  }
0x73: {  	_ =	shalt  }
0x74: {  	_ =	shalt  }
0x75: {  	_ =	shalt  }
0x76: {  	_ =	shalt  }
0x77: {  	_ =	shalt  }
0x78: {  	_ =	shalt  }
0x79: {  	_ =	shalt  }
0x7a: {  	_ =	shalt  }
0x7b: {  	_ =	shalt  }
0x7c: {  	_ =	shalt  }
0x7d: {  	_ =	shalt  }
0x7e: {  	_ =	shalt  }
0x7f: {  	_ =	shalt  }
0x80: {  	_ =	shalt  }
0x81: {  	_ =	shalt  }
0x82: {  	_ =	shalt  }
0x83: {  	_ =	shalt  }
0x84: {  	_ =	shalt  }
0x85: {  	_ =	shalt  }
0x86: {  	_ =	shalt  }
0x87: {  	_ =	shalt  }
.Lfunc_end0:
.L_simem_size_0:
called_computation.1_lowered:
.L_overlay_start_0:
0x88: {  	s2 =	sld [smem:$0x3FD9]  }
0x89: {  	s3 =	sld [smem:$0x3FFE];
	_ =	sdelay $0x1  }
0x8a: {  	s1 =	srdreg.scid  }
0x8b: {  	s0 =	sand.u32 $0x1, s1  }
0x8c: {  	s17 =	sshll.u32 s0, $0xA;
	s2 =	sadd.s32 s3, s2  }
0x8d: {  	s2 =	sadd.s32 s2, s17  }
0x8e: {  	[smem:$0x3FB6] =	sst s2  }
0x8f: {  	_ = 	snop  }
0x90: {  	s18 =	sld [smem:$0x3FC8];
	(tm) =	ssettm $0x1  }
0x91: {  	s19 =	sld [smem:$0x3FFB];
	_ =	sdelay $0x3  }
0x92: {  	_ =	strace s19  }
0x93: {  	s2 =	sld [smem:$0x3FFC];
	_ =	sdelay $0x3  }
0x94: {  	_ =	strace s2  }
0x95: {  	s2 =	sld [smem:$0x3FFD];
	_ =	sdelay $0x3  }
0x96: {  	_ =	strace s2  }
0x97: {  	_ =	strace $0x8FFFFFFF  }
0x98: {  	s20 =	sld [smem:$0x3FDB];
	_ =	sdelay $0x1  }
0x99: {  	s4 =	simm.s32 $_scs_section_size  }
0x9a: {  	s5 =	simm.s32 $_size__tile_overlayer_lowered;
	s6 =	simm.s32 $_tile_overlayer_lowered  }
0x9b: {  	s7 =	simm.s32 $0x1BFF;
	s21 =	sshll.u32 s6, $0x1;
	s4 =	sadd.s32 s4, s20  }
0x9c: {  	s22 =	simm.s32 $0x0;
	s5 =	sshll.u32 s5, $0x1;
	s6 =	sadd.s32 s21, s4  }
0x9d: {  	[timem:s22], [sflag:s7] =	dma.local [hbm:s6], s5  }
0x9e: {  	_ =	swait.ge [sflag:s7], s5  }
0x9f: {  	s5 =	ssub.s32 $0x0, s5;
	[sflag:s7] =	ssyncset.done $0x0  }
0xa0: {  	[sflag:s7] =	ssyncadd.s32 s5;
	_ =	sdelay $0x1  }
0xa1: {  	s23 =	simm.s32 $0x1B8B  }
0xa2: {  	_ =	swait.ge [sflag:s23], $0x1  }
0xa3: {  	[sflag:s23] =	ssyncset.done $0x0  }
0xa4: {  	[sflag:s23] =	ssyncadd.s32 $0xFFFFFFFF  }
0xa5: {  	s5 =	sld [smem:$0x0]  }
0xa6: {  	s6 =	sand.u32 $0xFFFFFFFE, s1  }
0xa7: {  	p0 =	sne.s32 s1, s6  }
0xa8: {  	s6 =	sshll.u32 @p0 s6, $0xE  }
0xa9: {  	s6 =	sadd.s32 @p0 $0x11B8D, s6;
	s7 =	sshll.u32 @p0 s5, $0x11  }
0xaa: {  	s6 =	sor.u32 @p0 s7, s6  }
0xab: {  	[sflag:s6] =	ssyncadd.remote.s32 @p0 $0x1;
	_ =	sdelay $0x1  }
0xac: {  	s6 =	simm.s32 @p0 $0x1B8D  }
0xad: {  	_ =	swait.eq @p0 [sflag:s6], $0x1  }
0xae: {  	[sflag:s6] =	ssyncadd.s32 @p0 $0xFFFFFFFF  }
0xaf: {  	s7 =	sshll.u32 @!p0 s1, $0xE  }
0xb0: {  	s7 =	sor.u32 @!p0 $0x4000, s7;
	s6 =	simm.s32 @!p0 $0x1B8D  }
0xb1: {  	s5 =	sshll.u32 @!p0 s5, $0x11;
	s7 =	sadd.s32 @!p0 $0x11B8D, s7;
	_ =	swait.eq @!p0 [sflag:s6], $0x1  }
0xb2: {  	s5 =	sor.u32 @!p0 s5, s7;
	[sflag:s6] =	ssyncadd.s32 @!p0 $0xFFFFFFFF  }
0xb3: {  	s25 =	simm.s32 $0x1B8E;
	s24 =	sld [smem:$0x3FFE];
	[sflag:s5] =	ssyncadd.remote.s32 @!p0 $0x1  }
0xb4: {  	s26 =	simm.s32 $execute0_lowered;
	[smem:$0x3FD2] =	sst s25  }
0xb5: {  	s6 =	sshll.u32 s26, $0x1;
	_ =	strace $0x80000049;
	[dreg:$0x1] =	wrdreg $0xFFFFFFFF  }
0xb6: {  	s28 =	simm.s32 $_size_execute0_lowered;
	s4 =	sadd.s32 s4, s6;
	[dreg:$0x0] =	wrdreg $0x0  }
0xb7: {  	s6 =	sshll.u32 s28, $0x1;
	[dreg:$0x2] =	wrdreg s4  }
0xb8: {  	[dreg:$0x3] =	wrdreg s6  }
0xb9: {  	[dreg:$0x4] =	wrdreg $0xC0  }
0xba: {  	_ =	task [dreg:s22], $0x5FFFF  }
0xbb: {  	[dreg:$0x1] =	wrdreg $0xFFFFFFFF  }
0xbc: {  	[dreg:$0x0] =	wrdreg $0x60  }
0xbd: {  	[dreg:$0x2] =	wrdreg s18  }
0xbe: {  	[dreg:$0x3] =	wrdreg s24  }
0xbf: {  	[dreg:$0x4] =	wrdreg $0xA  }
0xc0: {  	_ =	task.clear_ibuf [dreg:s22], $0x5FFFF;
	_ =	strace $0x90000049  }
0xc1: {  	s29 =	simm.s32 $0xA;
	_ =	strace $0x8000004B  }
0xc2: {  	_ =	swait.ge [sflag:s29], $0x1  }
0xc3: {  	[sflag:s29] =	ssyncadd.s32 $0xFFFFFFFF  }
0xc4: {  	_ =	strace $0x9000004B  }
0xc5: {  	_ =	sfence  }
0xc6: {  	s30 =	sld [smem:$0x0];
	_ =	sdelay $0x2  }
0xc7: {  	s31 =	sshll.u32 s1, $0xD;
	s1 =	sshrl.u32 s1, $0x2  }
0xc8: {  	s4 =	sand.u32 $0x4000, s31;
	s1 =	sadd.s32 s1, s30  }
0xc9: {  	s0 =	sor.u32 s4, s0;
	s1 =	sshll.u32 s1, $0x11  }
0xca: {  	s0 =	sor.u32 s1, s0  }
0xcb: {  	s0 =	sadd.s32 $0x8F2B, s0  }
0xcc: {  	[sflag:s0] =	ssyncadd.remote.s32 $0x1  }
0xcd: {  	_ =	sfence.sel $0xFFFF  }
0xce: {  	[dreg:$0x0] =	wrdreg $0xFFFFFFFF;
	(pc) =	sbr.abs _section_cstart, $3  }
0xcf: {  	[dreg:$0x1] =	wrdreg $0xFFFFFFFF  }
0xd0: {  	_ =	task.clear_ibuf [dreg:s22], $0x2FFFF;
	_ =	strace $0x9FFFFFFF  }
0xd1: {  	(tm) =	ssettm $0x7FFFFFFF  }
tec
execute0_lowered:
.L_overlay_start_1:
0x0: {  	(tag) =	ssettag $0x1  }
0x1: {  	s2 =	rddreg [dreg:$0x0];
	s0 =	srdreg.scid  }
0x2: {  	s3 =	stileid.u32;
	s1 =	rddreg [dreg:$0x1];
	s29 =	simm.s32 $0x9  }
0x3: {  	s30 =	simm.s32 $0x100;
	s0 =	sand.u32 $0x1, s0;
	s4 =	sshll.u32 s3, $0x1  }
0x4: {  	s31 =	simm.s32 $0x180;
	s3 =	simm.s32 $0x0;
	s5 =	sor.u32 s0, s4  }
0x5: {  	s28 =	simm.s32 $0x200;
	[smem:$0x7FF] =	sst s3;
	s6 =	smul.u32 $0xD0, s5  }
0x6: {  	p0 =	por $0x0, $0x0;
	_ =	strace $0x8000004A;
	s4 =	smul.u32 $0xD, s5  }
0x7: {  	s7 =	sshll.u32 s5, $0x8;
	s8 =	smul.u32 $0x340, s5;
	s5 =	ssub.s32 $0x2, s0  }
0x8: {  	s7 =	sadd.s32 s7, s1;
	s1 =	sadd.s32 $0xD7C00, s1;
	s6 =	sand.u32 $0xF0, s6  }
0x9: {  	s8 =	sand.u32 $0x7C00, s8;
	s9 =	sadd.s32 $0x1, s4;
	s7 =	sadd.s32 $0xD5C00, s7  }
0xa: {  	s14 =	sadd.s32 $0x2, s4;
	s18 =	sadd.s32 $0x3, s4;
	s21 =	sadd.s32 $0x4, s4  }
0xb: {  	s26 =	sadd.s32 $0x5, s4;
	s10 =	smul.u32 $0x6800, s6;
	s6 =	sshrl.u32 s5, $0x1  }
0xc: {  	s11 =	sshll.u32 s9, $0x4;
	[dreg:$0x3] =	wrdreg s7;
	s13 =	sshll.u32 s9, $0x6  }
0xd: {  	s17 =	sshll.u32 s14, $0x6;
	s20 =	sshll.u32 s18, $0x4;
	s9 =	sshll.u32 s18, $0x6  }
0xe: {  	s22 =	sshll.u32 s21, $0x4;
	s12 =	sand.u32 $0xF0, s11;
	s9 =	sand.u32 $0xFC00, s9  }
0xf: {  	s11 =	sadd.s32 $0x6, s4;
	s5 =	ssub.s32 s5, s6;
	s0 =	sor.u32 s8, s10  }
0x10: {  	s7 =	smul.u32 $0x6800, s12;
	s8 =	sand.u32 $0xFC00, s13;
	s10 =	sshll.u32 s14, $0x4  }
0x11: {  	s12 =	sshll.u32 s11, $0x4;
	s0 =	sshrl.u32 s0, $0x3;
	s16 =	sand.u32 $0xF0, s10  }
0x12: {  	s10 =	sand.u32 $0xF0, s22;
	s14 =	sand.u32 $0xF0, s12;
	s0 =	sadd.s32 s1, s0  }
0x13: {  	s15 =	sadd.s32 s8, s7;
	s7 =	smul.u32 $0x6800, s16;
	s8 =	sand.u32 $0xFC00, s17  }
0x14: {  	s23 =	smul.u32 $0x6800, s10;
	s10 =	sshll.u32 s26, $0x4;
	s16 =	sshll.u32 s11, $0x6  }
0x15: {  	s17 =	sadd.s32 $0x7, s4;
	[dreg:$0x4] =	wrdreg s0;
	s0 =	sshrl.u32 s15, $0x3  }
0x16: {  	s15 =	smul.u32 $0x6800, s14;
	s18 =	sshll.u32 s17, $0x4;
	s14 =	sadd.s32 $0xA, s4  }
0x17: {  	s0 =	sadd.s32 s1, s0;
	s19 =	sadd.s32 s8, s7;
	s7 =	sand.u32 $0xF0, s20  }
0x18: {  	s8 =	sshll.u32 s21, $0x6;
	s20 =	sand.u32 $0xF0, s18;
	s21 =	sshll.u32 s17, $0x6  }
0x19: {  	s18 =	sshll.u32 s14, $0x6;
	[dreg:$0x5] =	wrdreg s0;
	s0 =	sshrl.u32 s19, $0x3  }
0x1a: {  	s7 =	smul.u32 $0x6800, s7;
	s25 =	sand.u32 $0xFC00, s8;
	s8 =	sshll.u32 s26, $0x6  }
0x1b: {  	s22 =	sand.u32 $0xFC00, s21;
	s6 =	sand.u32 $0xFC00, s18;
	s18 =	simm.s32 $0x3  }
0x1c: {  	s0 =	sadd.s32 s1, s0;
	s13 =	sand.u32 $0xFC00, s8;
	s8 =	sand.u32 $0xFC00, s16  }
0x1d: {  	s16 =	sshll.u32 s14, $0x4;
	s14 =	simm.s32 $0x8;
	s7 =	sadd.s32 s9, s7  }
0x1e: {  	[dreg:$0x6] =	wrdreg s0;
	s17 =	sand.u32 $0xF0, s16;
	s16 =	simm.s32 $0x4800  }
0x1f: {  	s24 =	sshrl.u32 s7, $0x3;
	s7 =	sadd.s32 s25, s23;
	s23 =	sadd.s32 $0x8, s4  }
0x20: {  	s25 =	sadd.s32 $0x9, s4;
	s0 =	sadd.s32 s1, s24;
	s9 =	sshrl.u32 s7, $0x3  }
0x21: {  	s7 =	sand.u32 $0xF0, s10;
	s24 =	sshll.u32 s23, $0x4;
	s26 =	sshll.u32 s25, $0x4  }
0x22: {  	[dreg:$0x7] =	wrdreg s0;
	s0 =	sadd.s32 s1, s9;
	s7 =	smul.u32 $0x6800, s7  }
0x23: {  	s10 =	sand.u32 $0xF0, s26;
	s9 =	sshll.u32 s25, $0x6;
	s26 =	simm.s32 $0x280  }
0x24: {  	s25 =	simm.s32 $0x300;
	[dreg:$0x8] =	wrdreg s0;
	s10 =	smul.u32 $0x6800, s10  }
0x25: {  	s11 =	sand.u32 $0xFC00, s9;
	s9 =	simm.s32 $0x6800;
	s0 =	sadd.s32 s13, s7  }
0x26: {  	s7 =	sadd.s32 s8, s15;
	s8 =	sshll.u32 s23, $0x6;
	s0 =	sshrl.u32 s0, $0x3  }
0x27: {  	s19 =	sshrl.u32 s7, $0x3;
	s7 =	smul.u32 $0x6800, s20;
	s8 =	sand.u32 $0xFC00, s8  }
0x28: {  	s13 =	sadd.s32 s11, s10;
	s10 =	simm.s32 $0xC800;
	s0 =	sadd.s32 s1, s0  }
0x29: {  	s11 =	simm.s32 $0x6;
	[dreg:$0x9] =	wrdreg s0;
	s0 =	sadd.s32 s1, s19  }
0x2a: {  	s19 =	sadd.s32 $0xB, s4;
	s4 =	sadd.s32 $0xC, s4;
	[dreg:$0xa] =	wrdreg s0  }
0x2b: {  	s0 =	sadd.s32 s22, s7;
	s7 =	sand.u32 $0xF0, s24;
	s20 =	sshll.u32 s19, $0x4  }
0x2c: {  	s22 =	sshll.u32 s4, $0x4;
	s4 =	sshll.u32 s4, $0x6;
	s24 =	smax.u32 s5, $0x1  }
0x2d: {  	s5 =	simm.s32 $0x5;
	s0 =	sshrl.u32 s0, $0x3;
	s7 =	smul.u32 $0x6800, s7  }
0x2e: {  	s21 =	sand.u32 $0xF0, s20;
	s4 =	sand.u32 $0xFC00, s4;
	p1 =	sne.s32 s24, $0x1  }
0x2f: {  	s20 =	simm.s32 $0x600;
	s0 =	sadd.s32 s1, s0;
	s7 =	sadd.s32 s8, s7  }
0x30: {  	[dreg:$0xb] =	wrdreg s0;
	s8 =	sand.u32 $0xF0, s22;
	s22 =	simm.s32 $0x500  }
0x31: {  	s12 =	sshrl.u32 s7, $0x3;
	s7 =	sshrl.u32 s13, $0x3;
	s8 =	smul.u32 $0x6800, s8  }
0x32: {  	s13 =	simm.s32 $0x8800;
	s0 =	sadd.s32 s1, s12;
	s15 =	sadd.s32 s1, s7  }
0x33: {  	s7 =	sshll.u32 s19, $0x6;
	s19 =	simm.s32 $0x2;
	[dreg:$0xc] =	wrdreg s0  }
0x34: {  	s12 =	simm.s32 $0x7;
	[dreg:$0xd] =	wrdreg s15;
	s0 =	smul.u32 $0x6800, s17  }
0x35: {  	s7 =	sand.u32 $0xFC00, s7;
	s4 =	sadd.s32 s4, s8;
	s15 =	simm.s32 $0x80  }
0x36: {  	s8 =	simm.s32 $0x400;
	s17 =	simm.s32 $0x4;
	s0 =	sadd.s32 s6, s0  }
0x37: {  	s4 =	sshrl.u32 s4, $0x3;
	s6 =	smul.u32 $0x6800, s21;
	s0 =	sshrl.u32 s0, $0x3  }
.Ltmp0:
0x38: {  	s4 =	sadd.s32 s1, s4;
	s0 =	sadd.s32 s1, s0;
	(pc) =	sbr.rel @!p1 .LBB2_3-.Ltmp0, $4  }
0x39: {  	s21 =	simm.s32 $0x580;
	s6 =	sadd.s32 s7, s6;
	[dreg:$0xe] =	wrdreg s0  }
0x3a: {  	s7 =	simm.s32 $0x1;
	s6 =	sshrl.u32 s6, $0x3;
	s0 =	rddreg [dreg:$0x3]  }
0x3b: {  	s23 =	sadd.s32 s1, s6;
	s6 =	simm.s32 $0x800;
	s1 =	sadd.s32 $0xFFFFFFFF, s24  }
0x3c: {  	s24 =	simm.s32 $0x380;
	[dreg:$0xf] =	wrdreg s23;
	s23 =	simm.s32 $0x480  }
0x3d: {  	[tilespmem:s3], [sflag:$0x9] =	stream.linear.gather [hbm4b:s0+s3], $0x800, $0x38;
	[tilespmem:$0x10800] =	vst v63  }
0x3e: {  	_ =	swait.ge [sflag:s29], $0x800  }
0x3f: {  	[sflag:s29] =	ssyncset.done $0x0  }
0x40: {  	[sflag:s29] =	ssyncadd.s32 $0xFFFFF800  }
0x41: {  	[tilespmem:s6], [sflag:$0x1] =	stream.indirect.gather [hbm4b:s2+s15], $0x80, s3, s15, $0xb8;
	[tilespmem:$0x10800] =	vst v63  }
0x42: {  	_ = 	snop  }
0x43: {  	[tilespmem:s16], [sflag:$0x2] =	stream.indirect.gather [hbm4b:s2+s15], $0x80, s15, s15, $0xb8;
	[tilespmem:$0x10800] =	vst v63  }
0x44: {  	_ = 	snop  }
0x45: {  	[tilespmem:s13], [sflag:$0x3] =	stream.indirect.gather [hbm4b:s2+s15], $0x80, s30, s15, $0xb8;
	[tilespmem:$0x10800] =	vst v63  }
0x46: {  	_ = 	snop  }
0x47: {  	[tilespmem:s10], [sflag:$0x4] =	stream.indirect.gather [hbm4b:s2+s15], $0x80, s31, s15, $0xb8;
	[tilespmem:$0x10800] =	vst v63  }
0x48: {  	_ =	swait.ge [sflag:s7], $0x4000  }
0x49: {  	[sflag:s7] =	ssyncset.done $0x0  }
0x4a: {  	s0 =	rddreg [dreg:$0x4];
	[sflag:s7] =	ssyncadd.s32 $0xFFFFC000  }
0x4b: {  	[hbm4b:s0+s8] =	stream.strided.scatter [tilespmem:s6], [sflag:$0x5], $0x4000, s9, s8, $0x38;
	[tilespmem:$0x10800] =	vst v63  }
0x4c: {  	_ =	swait.ge [sflag:s19], $0x4000  }
0x4d: {  	[sflag:s19] =	ssyncset.done $0x0  }
0x4e: {  	s0 =	rddreg [dreg:$0x5];
	[sflag:s19] =	ssyncadd.s32 $0xFFFFC000  }
0x4f: {  	[hbm4b:s0+s8] =	stream.strided.scatter [tilespmem:s16], [sflag:$0x6], $0x4000, s9, s8, $0x38;
	[tilespmem:$0x10800] =	vst v63  }
0x50: {  	_ =	swait.ge [sflag:s5], $0x4000  }
0x51: {  	[sflag:s5] =	ssyncset.done $0x0  }
0x52: {  	[sflag:s5] =	ssyncadd.s32 $0xFFFFC000  }
0x53: {  	[tilespmem:s6], [sflag:$0x1] =	stream.indirect.gather [hbm4b:s2+s15], $0x80, s28, s15, $0xb8;
	[tilespmem:$0x10800] =	vst v63  }
0x54: {  	_ =	swait.ge [sflag:s18], $0x4000  }
0x55: {  	[sflag:s18] =	ssyncset.done $0x0  }
0x56: {  	s0 =	rddreg [dreg:$0x6];
	[sflag:s18] =	ssyncadd.s32 $0xFFFFC000  }
0x57: {  	[hbm4b:s0+s8] =	stream.strided.scatter [tilespmem:s13], [sflag:$0x7], $0x4000, s9, s8, $0x38;
	[tilespmem:$0x10800] =	vst v63  }
0x58: {  	_ =	swait.ge [sflag:s11], $0x4000  }
0x59: {  	[sflag:s11] =	ssyncset.done $0x0  }
0x5a: {  	[sflag:s11] =	ssyncadd.s32 $0xFFFFC000  }
0x5b: {  	[tilespmem:s16], [sflag:$0x2] =	stream.indirect.gather [hbm4b:s2+s15], $0x80, s26, s15, $0xb8;
	[tilespmem:$0x10800] =	vst v63  }
0x5c: {  	_ =	swait.ge [sflag:s17], $0x4000  }
0x5d: {  	[sflag:s17] =	ssyncset.done $0x0  }
0x5e: {  	s0 =	rddreg [dreg:$0x7];
	[sflag:s17] =	ssyncadd.s32 $0xFFFFC000  }
0x5f: {  	[hbm4b:s0+s8] =	stream.strided.scatter [tilespmem:s10], [sflag:$0x8], $0x4000, s9, s8, $0x38;
	[tilespmem:$0x10800] =	vst v63  }
0x60: {  	_ =	swait.ge [sflag:s12], $0x4000  }
0x61: {  	[sflag:s12] =	ssyncset.done $0x0  }
0x62: {  	[sflag:s12] =	ssyncadd.s32 $0xFFFFC000  }
0x63: {  	[tilespmem:s13], [sflag:$0x3] =	stream.indirect.gather [hbm4b:s2+s15], $0x80, s25, s15, $0xb8;
	[tilespmem:$0x10800] =	vst v63  }
0x64: {  	_ =	swait.ge [sflag:s7], $0x4000  }
0x65: {  	[sflag:s7] =	ssyncset.done $0x0  }
0x66: {  	s0 =	rddreg [dreg:$0x8];
	[sflag:s7] =	ssyncadd.s32 $0xFFFFC000  }
0x67: {  	[hbm4b:s0+s8] =	stream.strided.scatter [tilespmem:s6], [sflag:$0x5], $0x4000, s9, s8, $0x38;
	[tilespmem:$0x10800] =	vst v63  }
0x68: {  	_ =	swait.ge [sflag:s14], $0x4000  }
0x69: {  	[sflag:s14] =	ssyncset.done $0x0  }
0x6a: {  	[sflag:s14] =	ssyncadd.s32 $0xFFFFC000  }
0x6b: {  	[tilespmem:s10], [sflag:$0x4] =	stream.indirect.gather [hbm4b:s2+s15], $0x80, s24, s15, $0xb8;
	[tilespmem:$0x10800] =	vst v63  }
0x6c: {  	_ =	swait.ge [sflag:s19], $0x4000  }
0x6d: {  	[sflag:s19] =	ssyncset.done $0x0  }
0x6e: {  	s0 =	rddreg [dreg:$0x9];
	[sflag:s19] =	ssyncadd.s32 $0xFFFFC000  }
0x6f: {  	[hbm4b:s0+s8] =	stream.strided.scatter [tilespmem:s16], [sflag:$0x6], $0x4000, s9, s8, $0x38;
	[tilespmem:$0x10800] =	vst v63  }
0x70: {  	_ =	swait.ge [sflag:s5], $0x4000  }
0x71: {  	[sflag:s5] =	ssyncset.done $0x0  }
0x72: {  	[sflag:s5] =	ssyncadd.s32 $0xFFFFC000  }
0x73: {  	[tilespmem:s6], [sflag:$0x1] =	stream.indirect.gather [hbm4b:s2+s15], $0x80, s8, s15, $0xb8;
	[tilespmem:$0x10800] =	vst v63  }
0x74: {  	_ =	swait.ge [sflag:s18], $0x4000  }
0x75: {  	[sflag:s18] =	ssyncset.done $0x0  }
0x76: {  	s0 =	rddreg [dreg:$0xa];
	[sflag:s18] =	ssyncadd.s32 $0xFFFFC000  }
0x77: {  	[hbm4b:s0+s8] =	stream.strided.scatter [tilespmem:s13], [sflag:$0x7], $0x4000, s9, s8, $0x38;
	[tilespmem:$0x10800] =	vst v63  }
0x78: {  	_ =	swait.ge [sflag:s11], $0x4000  }
0x79: {  	[sflag:s11] =	ssyncset.done $0x0  }
0x7a: {  	[sflag:s11] =	ssyncadd.s32 $0xFFFFC000  }
0x7b: {  	[tilespmem:s16], [sflag:$0x2] =	stream.indirect.gather [hbm4b:s2+s15], $0x80, s23, s15, $0xb8;
	[tilespmem:$0x10800] =	vst v63  }
0x7c: {  	_ =	swait.ge [sflag:s17], $0x4000  }
0x7d: {  	[sflag:s17] =	ssyncset.done $0x0  }
0x7e: {  	s0 =	rddreg [dreg:$0xb];
	[sflag:s17] =	ssyncadd.s32 $0xFFFFC000  }
0x7f: {  	[hbm4b:s0+s8] =	stream.strided.scatter [tilespmem:s10], [sflag:$0x8], $0x4000, s9, s8, $0x38;
	[tilespmem:$0x10800] =	vst v63  }
0x80: {  	_ =	swait.ge [sflag:s12], $0x4000  }
0x81: {  	[sflag:s12] =	ssyncset.done $0x0  }
0x82: {  	[sflag:s12] =	ssyncadd.s32 $0xFFFFC000  }
0x83: {  	[tilespmem:s13], [sflag:$0x3] =	stream.indirect.gather [hbm4b:s2+s15], $0x80, s22, s15, $0xb8;
	[tilespmem:$0x10800] =	vst v63  }
0x84: {  	_ =	swait.ge [sflag:s7], $0x4000  }
0x85: {  	[sflag:s7] =	ssyncset.done $0x0  }
0x86: {  	s0 =	rddreg [dreg:$0xc];
	[sflag:s7] =	ssyncadd.s32 $0xFFFFC000  }
0x87: {  	[hbm4b:s0+s8] =	stream.strided.scatter [tilespmem:s6], [sflag:$0x5], $0x4000, s9, s8, $0x38;
	[tilespmem:$0x10800] =	vst v63  }
0x88: {  	_ =	swait.ge [sflag:s14], $0x4000  }
0x89: {  	[sflag:s14] =	ssyncset.done $0x0  }
0x8a: {  	[sflag:s14] =	ssyncadd.s32 $0xFFFFC000  }
0x8b: {  	[tilespmem:s10], [sflag:$0x4] =	stream.indirect.gather [hbm4b:s2+s15], $0x80, s21, s15, $0xb8;
	[tilespmem:$0x10800] =	vst v63  }
0x8c: {  	_ =	swait.ge [sflag:s19], $0x4000  }
0x8d: {  	[sflag:s19] =	ssyncset.done $0x0  }
0x8e: {  	s0 =	rddreg [dreg:$0xd];
	[sflag:s19] =	ssyncadd.s32 $0xFFFFC000  }
0x8f: {  	[hbm4b:s0+s8] =	stream.strided.scatter [tilespmem:s16], [sflag:$0x6], $0x4000, s9, s8, $0x38;
	[tilespmem:$0x10800] =	vst v63  }
0x90: {  	_ =	swait.ge [sflag:s5], $0x4000  }
0x91: {  	[sflag:s5] =	ssyncset.done $0x0  }
0x92: {  	[sflag:s5] =	ssyncadd.s32 $0xFFFFC000  }
0x93: {  	[tilespmem:s6], [sflag:$0x1] =	stream.indirect.gather [hbm4b:s2+s15], $0x80, s20, s15, $0xb8;
	[tilespmem:$0x10800] =	vst v63  }
0x94: {  	_ =	swait.ge [sflag:s18], $0x4000  }
0x95: {  	[sflag:s18] =	ssyncset.done $0x0  }
0x96: {  	s0 =	rddreg [dreg:$0xe];
	[sflag:s18] =	ssyncadd.s32 $0xFFFFC000  }
0x97: {  	[hbm4b:s0+s8] =	stream.strided.scatter [tilespmem:s13], [sflag:$0x7], $0x4000, s9, s8, $0x38;
	[tilespmem:$0x10800] =	vst v63  }
0x98: {  	_ =	swait.ge [sflag:s17], $0x4000  }
0x99: {  	[sflag:s17] =	ssyncset.done $0x0  }
0x9a: {  	s0 =	rddreg [dreg:$0xf];
	[sflag:s17] =	ssyncadd.s32 $0xFFFFC000  }
0x9b: {  	[hbm4b:s0+s8] =	stream.strided.scatter [tilespmem:s10], [sflag:$0x8], $0x4000, s9, s8, $0x38;
	[tilespmem:$0x10800] =	vst v63  }
0x9c: {  	_ =	swait.ge [sflag:s7], $0x4000  }
0x9d: {  	[sflag:s7] =	ssyncset.done $0x0  }
0x9e: {  	[sflag:s7] =	ssyncadd.s32 $0xFFFFC000  }
0x9f: {  	[hbm4b:s4+s8] =	stream.strided.scatter [tilespmem:s6], [sflag:$0x5], $0x4000, s9, s8, $0x38;
	[tilespmem:$0x10800] =	vst v63  }
0xa0: {  	_ =	swait.ge [sflag:s11], $0x4000  }
0xa1: {  	[sflag:s11] =	ssyncset.done $0x0  }
0xa2: {  	[sflag:s11] =	ssyncadd.s32 $0xFFFFC000  }
0xa3: {  	_ =	swait.ge [sflag:s12], $0x4000  }
0xa4: {  	[sflag:s12] =	ssyncset.done $0x0  }
0xa5: {  	p1 =	sne.s32 s1, $0x1;
	[sflag:s12] =	ssyncadd.s32 $0xFFFFC000  }
.Ltmp1:
0xa6: {  	_ =	swait.ge [sflag:s14], $0x4000;
	(pc) =	sbr.rel @!p1 .LBB2_3-.Ltmp1, $4  }
0xa7: {  	[sflag:s14] =	ssyncset.done $0x0  }
0xa8: {  	[sflag:s14] =	ssyncadd.s32 $0xFFFFC000  }
0xa9: {  	s1 =	sadd.s32 $0xFFFFFFFF, s1;
	_ =	swait.ge [sflag:s5], $0x4000  }
0xaa: {  	p0 =	por $0x1, $0x1;
	s0 =	rddreg [dreg:$0x3];
	[sflag:s5] =	ssyncset.done $0x0  }
.LBB2_2:
0xab: {  	[sflag:s5] =	ssyncadd.s32 $0xFFFFC000  }
0xac: {  	[tilespmem:s3], [sflag:$0x9] =	stream.linear.gather [hbm4b:s0+s3], $0x800, $0x38;
	[tilespmem:$0x10800] =	vst v63  }
0xad: {  	_ =	swait.ge [sflag:s29], $0x800  }
0xae: {  	[sflag:s29] =	ssyncset.done $0x0  }
0xaf: {  	[sflag:s29] =	ssyncadd.s32 $0xFFFFF800  }
0xb0: {  	[tilespmem:s6], [sflag:$0x1] =	stream.indirect.gather [hbm4b:s2+s15], $0x80, s3, s15, $0xb8;
	[tilespmem:$0x10800] =	vst v63  }
0xb1: {  	_ = 	snop  }
0xb2: {  	[tilespmem:s16], [sflag:$0x2] =	stream.indirect.gather [hbm4b:s2+s15], $0x80, s15, s15, $0xb8;
	[tilespmem:$0x10800] =	vst v63  }
0xb3: {  	_ = 	snop  }
0xb4: {  	[tilespmem:s13], [sflag:$0x3] =	stream.indirect.gather [hbm4b:s2+s15], $0x80, s30, s15, $0xb8;
	[tilespmem:$0x10800] =	vst v63  }
0xb5: {  	_ = 	snop  }
0xb6: {  	[tilespmem:s10], [sflag:$0x4] =	stream.indirect.gather [hbm4b:s2+s15], $0x80, s31, s15, $0xb8;
	[tilespmem:$0x10800] =	vst v63  }
0xb7: {  	_ =	swait.ge [sflag:s7], $0x4000  }
0xb8: {  	[sflag:s7] =	ssyncset.done $0x0  }
0xb9: {  	s0 =	rddreg [dreg:$0x4];
	[sflag:s7] =	ssyncadd.s32 $0xFFFFC000  }
0xba: {  	[hbm4b:s0+s8] =	stream.strided.scatter [tilespmem:s6], [sflag:$0x5], $0x4000, s9, s8, $0x38;
	[tilespmem:$0x10800] =	vst v63  }
0xbb: {  	_ =	swait.ge [sflag:s19], $0x4000  }
0xbc: {  	[sflag:s19] =	ssyncset.done $0x0  }
0xbd: {  	s0 =	rddreg [dreg:$0x5];
	[sflag:s19] =	ssyncadd.s32 $0xFFFFC000  }
0xbe: {  	[hbm4b:s0+s8] =	stream.strided.scatter [tilespmem:s16], [sflag:$0x6], $0x4000, s9, s8, $0x38;
	[tilespmem:$0x10800] =	vst v63  }
0xbf: {  	_ =	swait.ge [sflag:s5], $0x4000  }
0xc0: {  	[sflag:s5] =	ssyncset.done $0x0  }
0xc1: {  	[sflag:s5] =	ssyncadd.s32 $0xFFFFC000  }
0xc2: {  	[tilespmem:s6], [sflag:$0x1] =	stream.indirect.gather [hbm4b:s2+s15], $0x80, s28, s15, $0xb8;
	[tilespmem:$0x10800] =	vst v63  }
0xc3: {  	_ =	swait.ge [sflag:s18], $0x4000  }
0xc4: {  	[sflag:s18] =	ssyncset.done $0x0  }
0xc5: {  	s0 =	rddreg [dreg:$0x6];
	[sflag:s18] =	ssyncadd.s32 $0xFFFFC000  }
0xc6: {  	[hbm4b:s0+s8] =	stream.strided.scatter [tilespmem:s13], [sflag:$0x7], $0x4000, s9, s8, $0x38;
	[tilespmem:$0x10800] =	vst v63  }
0xc7: {  	_ =	swait.ge [sflag:s11], $0x4000  }
0xc8: {  	[sflag:s11] =	ssyncset.done $0x0  }
0xc9: {  	[sflag:s11] =	ssyncadd.s32 $0xFFFFC000  }
0xca: {  	[tilespmem:s16], [sflag:$0x2] =	stream.indirect.gather [hbm4b:s2+s15], $0x80, s26, s15, $0xb8;
	[tilespmem:$0x10800] =	vst v63  }
0xcb: {  	_ =	swait.ge [sflag:s17], $0x4000  }
0xcc: {  	[sflag:s17] =	ssyncset.done $0x0  }
0xcd: {  	s0 =	rddreg [dreg:$0x7];
	[sflag:s17] =	ssyncadd.s32 $0xFFFFC000  }
0xce: {  	[hbm4b:s0+s8] =	stream.strided.scatter [tilespmem:s10], [sflag:$0x8], $0x4000, s9, s8, $0x38;
	[tilespmem:$0x10800] =	vst v63  }
0xcf: {  	_ =	swait.ge [sflag:s12], $0x4000  }
0xd0: {  	[sflag:s12] =	ssyncset.done $0x0  }
0xd1: {  	[sflag:s12] =	ssyncadd.s32 $0xFFFFC000  }
0xd2: {  	[tilespmem:s13], [sflag:$0x3] =	stream.indirect.gather [hbm4b:s2+s15], $0x80, s25, s15, $0xb8;
	[tilespmem:$0x10800] =	vst v63  }
0xd3: {  	_ =	swait.ge [sflag:s7], $0x4000  }
0xd4: {  	[sflag:s7] =	ssyncset.done $0x0  }
0xd5: {  	s0 =	rddreg [dreg:$0x8];
	[sflag:s7] =	ssyncadd.s32 $0xFFFFC000  }
0xd6: {  	[hbm4b:s0+s8] =	stream.strided.scatter [tilespmem:s6], [sflag:$0x5], $0x4000, s9, s8, $0x38;
	[tilespmem:$0x10800] =	vst v63  }
0xd7: {  	_ =	swait.ge [sflag:s14], $0x4000  }
0xd8: {  	[sflag:s14] =	ssyncset.done $0x0  }
0xd9: {  	[sflag:s14] =	ssyncadd.s32 $0xFFFFC000  }
0xda: {  	[tilespmem:s10], [sflag:$0x4] =	stream.indirect.gather [hbm4b:s2+s15], $0x80, s24, s15, $0xb8;
	[tilespmem:$0x10800] =	vst v63  }
0xdb: {  	_ =	swait.ge [sflag:s19], $0x4000  }
0xdc: {  	[sflag:s19] =	ssyncset.done $0x0  }
0xdd: {  	s0 =	rddreg [dreg:$0x9];
	[sflag:s19] =	ssyncadd.s32 $0xFFFFC000  }
0xde: {  	[hbm4b:s0+s8] =	stream.strided.scatter [tilespmem:s16], [sflag:$0x6], $0x4000, s9, s8, $0x38;
	[tilespmem:$0x10800] =	vst v63  }
0xdf: {  	_ =	swait.ge [sflag:s5], $0x4000  }
0xe0: {  	[sflag:s5] =	ssyncset.done $0x0  }
0xe1: {  	[sflag:s5] =	ssyncadd.s32 $0xFFFFC000  }
0xe2: {  	[tilespmem:s6], [sflag:$0x1] =	stream.indirect.gather [hbm4b:s2+s15], $0x80, s8, s15, $0xb8;
	[tilespmem:$0x10800] =	vst v63  }
0xe3: {  	_ =	swait.ge [sflag:s18], $0x4000  }
0xe4: {  	[sflag:s18] =	ssyncset.done $0x0  }
0xe5: {  	s0 =	rddreg [dreg:$0xa];
	[sflag:s18] =	ssyncadd.s32 $0xFFFFC000  }
0xe6: {  	[hbm4b:s0+s8] =	stream.strided.scatter [tilespmem:s13], [sflag:$0x7], $0x4000, s9, s8, $0x38;
	[tilespmem:$0x10800] =	vst v63  }
0xe7: {  	_ =	swait.ge [sflag:s11], $0x4000  }
0xe8: {  	[sflag:s11] =	ssyncset.done $0x0  }
0xe9: {  	[sflag:s11] =	ssyncadd.s32 $0xFFFFC000  }
0xea: {  	[tilespmem:s16], [sflag:$0x2] =	stream.indirect.gather [hbm4b:s2+s15], $0x80, s23, s15, $0xb8;
	[tilespmem:$0x10800] =	vst v63  }
0xeb: {  	_ =	swait.ge [sflag:s17], $0x4000  }
0xec: {  	[sflag:s17] =	ssyncset.done $0x0  }
0xed: {  	s0 =	rddreg [dreg:$0xb];
	[sflag:s17] =	ssyncadd.s32 $0xFFFFC000  }
0xee: {  	[hbm4b:s0+s8] =	stream.strided.scatter [tilespmem:s10], [sflag:$0x8], $0x4000, s9, s8, $0x38;
	[tilespmem:$0x10800] =	vst v63  }
0xef: {  	_ =	swait.ge [sflag:s12], $0x4000  }
0xf0: {  	[sflag:s12] =	ssyncset.done $0x0  }
0xf1: {  	[sflag:s12] =	ssyncadd.s32 $0xFFFFC000  }
0xf2: {  	[tilespmem:s13], [sflag:$0x3] =	stream.indirect.gather [hbm4b:s2+s15], $0x80, s22, s15, $0xb8;
	[tilespmem:$0x10800] =	vst v63  }
0xf3: {  	_ =	swait.ge [sflag:s7], $0x4000  }
0xf4: {  	[sflag:s7] =	ssyncset.done $0x0  }
0xf5: {  	s0 =	rddreg [dreg:$0xc];
	[sflag:s7] =	ssyncadd.s32 $0xFFFFC000  }
0xf6: {  	[hbm4b:s0+s8] =	stream.strided.scatter [tilespmem:s6], [sflag:$0x5], $0x4000, s9, s8, $0x38;
	[tilespmem:$0x10800] =	vst v63  }
0xf7: {  	_ =	swait.ge [sflag:s14], $0x4000  }
0xf8: {  	[sflag:s14] =	ssyncset.done $0x0  }
0xf9: {  	[sflag:s14] =	ssyncadd.s32 $0xFFFFC000  }
0xfa: {  	[tilespmem:s10], [sflag:$0x4] =	stream.indirect.gather [hbm4b:s2+s15], $0x80, s21, s15, $0xb8;
	[tilespmem:$0x10800] =	vst v63  }
0xfb: {  	_ =	swait.ge [sflag:s19], $0x4000  }
0xfc: {  	[sflag:s19] =	ssyncset.done $0x0  }
0xfd: {  	s0 =	rddreg [dreg:$0xd];
	[sflag:s19] =	ssyncadd.s32 $0xFFFFC000  }
0xfe: {  	[hbm4b:s0+s8] =	stream.strided.scatter [tilespmem:s16], [sflag:$0x6], $0x4000, s9, s8, $0x38;
	[tilespmem:$0x10800] =	vst v63  }
0xff: {  	_ =	swait.ge [sflag:s5], $0x4000  }
0x100: {  	[sflag:s5] =	ssyncset.done $0x0  }
0x101: {  	[sflag:s5] =	ssyncadd.s32 $0xFFFFC000  }
0x102: {  	[tilespmem:s6], [sflag:$0x1] =	stream.indirect.gather [hbm4b:s2+s15], $0x80, s20, s15, $0xb8;
	[tilespmem:$0x10800] =	vst v63  }
0x103: {  	_ =	swait.ge [sflag:s18], $0x4000  }
0x104: {  	[sflag:s18] =	ssyncset.done $0x0  }
0x105: {  	s0 =	rddreg [dreg:$0xe];
	[sflag:s18] =	ssyncadd.s32 $0xFFFFC000  }
0x106: {  	[hbm4b:s0+s8] =	stream.strided.scatter [tilespmem:s13], [sflag:$0x7], $0x4000, s9, s8, $0x38;
	[tilespmem:$0x10800] =	vst v63  }
0x107: {  	_ =	swait.ge [sflag:s17], $0x4000  }
0x108: {  	[sflag:s17] =	ssyncset.done $0x0  }
0x109: {  	s0 =	rddreg [dreg:$0xf];
	[sflag:s17] =	ssyncadd.s32 $0xFFFFC000  }
0x10a: {  	[hbm4b:s0+s8] =	stream.strided.scatter [tilespmem:s10], [sflag:$0x8], $0x4000, s9, s8, $0x38;
	[tilespmem:$0x10800] =	vst v63  }
0x10b: {  	_ =	swait.ge [sflag:s7], $0x4000  }
0x10c: {  	[sflag:s7] =	ssyncset.done $0x0  }
0x10d: {  	[sflag:s7] =	ssyncadd.s32 $0xFFFFC000  }
0x10e: {  	[hbm4b:s4+s8] =	stream.strided.scatter [tilespmem:s6], [sflag:$0x5], $0x4000, s9, s8, $0x38;
	[tilespmem:$0x10800] =	vst v63  }
0x10f: {  	_ =	swait.ge [sflag:s11], $0x4000  }
0x110: {  	[sflag:s11] =	ssyncset.done $0x0  }
0x111: {  	[sflag:s11] =	ssyncadd.s32 $0xFFFFC000  }
0x112: {  	_ =	swait.ge [sflag:s12], $0x4000  }
0x113: {  	[sflag:s12] =	ssyncset.done $0x0  }
0x114: {  	p1 =	sne.s32 s1, $0x1;
	[sflag:s12] =	ssyncadd.s32 $0xFFFFC000  }
.Ltmp2:
0x115: {  	_ =	swait.ge [sflag:s14], $0x4000;
	(pc) =	sbr.rel @p1 .LBB2_2-.Ltmp2, $4  }
0x116: {  	[sflag:s14] =	ssyncset.done $0x0  }
0x117: {  	[sflag:s14] =	ssyncadd.s32 $0xFFFFC000  }
0x118: {  	_ =	swait.ge [sflag:s5], $0x4000  }
0x119: {  	s1 =	sadd.s32 $0xFFFFFFFF, s1;
	s0 =	rddreg [dreg:$0x3];
	[sflag:s5] =	ssyncset.done $0x0  }
.LBB2_3:
0x11a: {  	[sflag:s5] =	ssyncadd.s32 @p0 $0xFFFFC000  }
0x11b: {  	[tilespmem:s3], [sflag:$0x9] =	stream.linear.gather [hbm4b:s0+s3], $0x800, $0x38;
	[tilespmem:$0x10800] =	vst v63  }
0x11c: {  	_ =	swait.ge [sflag:s29], $0x800  }
0x11d: {  	[sflag:s29] =	ssyncset.done $0x0  }
0x11e: {  	[sflag:s29] =	ssyncadd.s32 $0xFFFFF800  }
0x11f: {  	[tilespmem:s6], [sflag:$0x1] =	stream.indirect.gather [hbm4b:s2+s15], $0x80, s3, s15, $0xb8;
	[tilespmem:$0x10800] =	vst v63  }
0x120: {  	_ = 	snop  }
0x121: {  	[tilespmem:s16], [sflag:$0x2] =	stream.indirect.gather [hbm4b:s2+s15], $0x80, s15, s15, $0xb8;
	[tilespmem:$0x10800] =	vst v63  }
0x122: {  	_ = 	snop  }
0x123: {  	[tilespmem:s13], [sflag:$0x3] =	stream.indirect.gather [hbm4b:s2+s15], $0x80, s30, s15, $0xb8;
	[tilespmem:$0x10800] =	vst v63  }
0x124: {  	_ = 	snop  }
0x125: {  	[tilespmem:s10], [sflag:$0x4] =	stream.indirect.gather [hbm4b:s2+s15], $0x80, s31, s15, $0xb8;
	[tilespmem:$0x10800] =	vst v63  }
0x126: {  	_ =	swait.ge [sflag:s7], $0x4000  }
0x127: {  	[sflag:s7] =	ssyncset.done $0x0  }
0x128: {  	s3 =	rddreg [dreg:$0x4];
	[sflag:s7] =	ssyncadd.s32 $0xFFFFC000  }
0x129: {  	[hbm4b:s3+s8] =	stream.strided.scatter [tilespmem:s6], [sflag:$0x5], $0x4000, s9, s8, $0x38;
	[tilespmem:$0x10800] =	vst v63  }
0x12a: {  	_ =	swait.ge [sflag:s19], $0x4000  }
0x12b: {  	[sflag:s19] =	ssyncset.done $0x0  }
0x12c: {  	s29 =	rddreg [dreg:$0x5];
	[sflag:s19] =	ssyncadd.s32 $0xFFFFC000  }
0x12d: {  	[hbm4b:s29+s8] =	stream.strided.scatter [tilespmem:s16], [sflag:$0x6], $0x4000, s9, s8, $0x38;
	[tilespmem:$0x10800] =	vst v63  }
0x12e: {  	_ =	swait.ge [sflag:s5], $0x4000  }
0x12f: {  	[sflag:s5] =	ssyncset.done $0x0  }
0x130: {  	[sflag:s5] =	ssyncadd.s32 $0xFFFFC000  }
0x131: {  	[tilespmem:s6], [sflag:$0x1] =	stream.indirect.gather [hbm4b:s2+s15], $0x80, s28, s15, $0xb8;
	[tilespmem:$0x10800] =	vst v63  }
0x132: {  	_ =	swait.ge [sflag:s18], $0x4000  }
0x133: {  	[sflag:s18] =	ssyncset.done $0x0  }
0x134: {  	s30 =	rddreg [dreg:$0x6];
	[sflag:s18] =	ssyncadd.s32 $0xFFFFC000  }
0x135: {  	[hbm4b:s30+s8] =	stream.strided.scatter [tilespmem:s13], [sflag:$0x7], $0x4000, s9, s8, $0x38;
	[tilespmem:$0x10800] =	vst v63  }
0x136: {  	_ =	swait.ge [sflag:s11], $0x4000  }
0x137: {  	[sflag:s11] =	ssyncset.done $0x0  }
0x138: {  	[sflag:s11] =	ssyncadd.s32 $0xFFFFC000  }
0x139: {  	[tilespmem:s16], [sflag:$0x2] =	stream.indirect.gather [hbm4b:s2+s15], $0x80, s26, s15, $0xb8;
	[tilespmem:$0x10800] =	vst v63  }
0x13a: {  	_ =	swait.ge [sflag:s17], $0x4000  }
0x13b: {  	[sflag:s17] =	ssyncset.done $0x0  }
0x13c: {  	s31 =	rddreg [dreg:$0x7];
	[sflag:s17] =	ssyncadd.s32 $0xFFFFC000  }
0x13d: {  	[hbm4b:s31+s8] =	stream.strided.scatter [tilespmem:s10], [sflag:$0x8], $0x4000, s9, s8, $0x38;
	[tilespmem:$0x10800] =	vst v63  }
0x13e: {  	_ =	swait.ge [sflag:s12], $0x4000  }
0x13f: {  	[sflag:s12] =	ssyncset.done $0x0  }
0x140: {  	[sflag:s12] =	ssyncadd.s32 $0xFFFFC000  }
0x141: {  	[tilespmem:s13], [sflag:$0x3] =	stream.indirect.gather [hbm4b:s2+s15], $0x80, s25, s15, $0xb8;
	[tilespmem:$0x10800] =	vst v63  }
0x142: {  	_ =	swait.ge [sflag:s7], $0x4000  }
0x143: {  	[sflag:s7] =	ssyncset.done $0x0  }
0x144: {  	s1 =	rddreg [dreg:$0x8];
	[sflag:s7] =	ssyncadd.s32 $0xFFFFC000  }
0x145: {  	[hbm4b:s1+s8] =	stream.strided.scatter [tilespmem:s6], [sflag:$0x5], $0x4000, s9, s8, $0x38;
	[tilespmem:$0x10800] =	vst v63  }
0x146: {  	_ =	swait.ge [sflag:s14], $0x4000  }
0x147: {  	[sflag:s14] =	ssyncset.done $0x0  }
0x148: {  	[sflag:s14] =	ssyncadd.s32 $0xFFFFC000  }
0x149: {  	[tilespmem:s10], [sflag:$0x4] =	stream.indirect.gather [hbm4b:s2+s15], $0x80, s24, s15, $0xb8;
	[tilespmem:$0x10800] =	vst v63  }
0x14a: {  	_ =	swait.ge [sflag:s19], $0x4000  }
0x14b: {  	[sflag:s19] =	ssyncset.done $0x0  }
0x14c: {  	s3 =	rddreg [dreg:$0x9];
	[sflag:s19] =	ssyncadd.s32 $0xFFFFC000  }
0x14d: {  	[hbm4b:s3+s8] =	stream.strided.scatter [tilespmem:s16], [sflag:$0x6], $0x4000, s9, s8, $0x38;
	[tilespmem:$0x10800] =	vst v63  }
0x14e: {  	_ =	swait.ge [sflag:s5], $0x4000  }
0x14f: {  	[sflag:s5] =	ssyncset.done $0x0  }
0x150: {  	[sflag:s5] =	ssyncadd.s32 $0xFFFFC000  }
0x151: {  	[tilespmem:s6], [sflag:$0x1] =	stream.indirect.gather [hbm4b:s2+s15], $0x80, s8, s15, $0xb8;
	[tilespmem:$0x10800] =	vst v63  }
0x152: {  	_ =	swait.ge [sflag:s18], $0x4000  }
0x153: {  	[sflag:s18] =	ssyncset.done $0x0  }
0x154: {  	s24 =	rddreg [dreg:$0xa];
	[sflag:s18] =	ssyncadd.s32 $0xFFFFC000  }
0x155: {  	[hbm4b:s24+s8] =	stream.strided.scatter [tilespmem:s13], [sflag:$0x7], $0x4000, s9, s8, $0x38;
	[tilespmem:$0x10800] =	vst v63  }
0x156: {  	_ =	swait.ge [sflag:s11], $0x4000  }
0x157: {  	[sflag:s11] =	ssyncset.done $0x0  }
0x158: {  	[sflag:s11] =	ssyncadd.s32 $0xFFFFC000  }
0x159: {  	[tilespmem:s16], [sflag:$0x2] =	stream.indirect.gather [hbm4b:s2+s15], $0x80, s23, s15, $0xb8;
	[tilespmem:$0x10800] =	vst v63  }
0x15a: {  	_ =	swait.ge [sflag:s17], $0x4000  }
0x15b: {  	[sflag:s17] =	ssyncset.done $0x0  }
0x15c: {  	s25 =	rddreg [dreg:$0xb];
	[sflag:s17] =	ssyncadd.s32 $0xFFFFC000  }
0x15d: {  	[hbm4b:s25+s8] =	stream.strided.scatter [tilespmem:s10], [sflag:$0x8], $0x4000, s9, s8, $0x38;
	[tilespmem:$0x10800] =	vst v63  }
0x15e: {  	_ =	swait.ge [sflag:s12], $0x4000  }
0x15f: {  	[sflag:s12] =	ssyncset.done $0x0  }
0x160: {  	[sflag:s12] =	ssyncadd.s32 $0xFFFFC000  }
0x161: {  	[tilespmem:s13], [sflag:$0x3] =	stream.indirect.gather [hbm4b:s2+s15], $0x80, s22, s15, $0xb8;
	[tilespmem:$0x10800] =	vst v63  }
0x162: {  	_ =	swait.ge [sflag:s7], $0x4000  }
0x163: {  	[sflag:s7] =	ssyncset.done $0x0  }
0x164: {  	s26 =	rddreg [dreg:$0xc];
	[sflag:s7] =	ssyncadd.s32 $0xFFFFC000  }
0x165: {  	[hbm4b:s26+s8] =	stream.strided.scatter [tilespmem:s6], [sflag:$0x5], $0x4000, s9, s8, $0x38;
	[tilespmem:$0x10800] =	vst v63  }
0x166: {  	_ =	swait.ge [sflag:s14], $0x4000  }
0x167: {  	[sflag:s14] =	ssyncset.done $0x0  }
0x168: {  	[sflag:s14] =	ssyncadd.s32 $0xFFFFC000  }
0x169: {  	[tilespmem:s10], [sflag:$0x4] =	stream.indirect.gather [hbm4b:s2+s15], $0x80, s21, s15, $0xb8;
	[tilespmem:$0x10800] =	vst v63  }
0x16a: {  	_ =	swait.ge [sflag:s19], $0x4000  }
0x16b: {  	[sflag:s19] =	ssyncset.done $0x0  }
0x16c: {  	s28 =	rddreg [dreg:$0xd];
	[sflag:s19] =	ssyncadd.s32 $0xFFFFC000  }
0x16d: {  	[hbm4b:s28+s8] =	stream.strided.scatter [tilespmem:s16], [sflag:$0x6], $0x4000, s9, s8, $0x38;
	[tilespmem:$0x10800] =	vst v63  }
0x16e: {  	_ =	swait.ge [sflag:s5], $0x4000  }
0x16f: {  	[sflag:s5] =	ssyncset.done $0x0  }
0x170: {  	[sflag:s5] =	ssyncadd.s32 $0xFFFFC000  }
0x171: {  	[tilespmem:s6], [sflag:$0x1] =	stream.indirect.gather [hbm4b:s2+s15], $0x80, s20, s15, $0xb8;
	[tilespmem:$0x10800] =	vst v63  }
0x172: {  	_ =	swait.ge [sflag:s18], $0x4000  }
0x173: {  	[sflag:s18] =	ssyncset.done $0x0  }
0x174: {  	s29 =	rddreg [dreg:$0xe];
	[sflag:s18] =	ssyncadd.s32 $0xFFFFC000  }
0x175: {  	[hbm4b:s29+s8] =	stream.strided.scatter [tilespmem:s13], [sflag:$0x7], $0x4000, s9, s8, $0x38;
	[tilespmem:$0x10800] =	vst v63  }
0x176: {  	_ =	swait.ge [sflag:s17], $0x4000  }
0x177: {  	[sflag:s17] =	ssyncset.done $0x0  }
0x178: {  	s30 =	rddreg [dreg:$0xf];
	[sflag:s17] =	ssyncadd.s32 $0xFFFFC000  }
0x179: {  	[hbm4b:s30+s8] =	stream.strided.scatter [tilespmem:s10], [sflag:$0x8], $0x4000, s9, s8, $0x38;
	[tilespmem:$0x10800] =	vst v63  }
0x17a: {  	_ =	swait.ge [sflag:s7], $0x4000  }
0x17b: {  	[sflag:s7] =	ssyncset.done $0x0  }
0x17c: {  	[sflag:s7] =	ssyncadd.s32 $0xFFFFC000  }
0x17d: {  	[hbm4b:s4+s8] =	stream.strided.scatter [tilespmem:s6], [sflag:$0x5], $0x4000, s9, s8, $0x38;
	[tilespmem:$0x10800] =	vst v63  }
0x17e: {  	_ =	swait.ge [sflag:s11], $0x4000  }
0x17f: {  	[sflag:s11] =	ssyncset.done $0x0  }
0x180: {  	[sflag:s11] =	ssyncadd.s32 $0xFFFFC000  }
0x181: {  	_ =	swait.ge [sflag:s12], $0x4000  }
0x182: {  	[sflag:s12] =	ssyncset.done $0x0  }
0x183: {  	[sflag:s12] =	ssyncadd.s32 $0xFFFFC000  }
0x184: {  	_ =	swait.ge [sflag:s14], $0x4000  }
0x185: {  	[sflag:s14] =	ssyncset.done $0x0  }
0x186: {  	[sflag:s14] =	ssyncadd.s32 $0xFFFFC000  }
0x187: {  	_ =	swait.ge [sflag:s5], $0x4000  }
0x188: {  	[sflag:s5] =	ssyncset.done $0x0  }
0x189: {  	[sflag:s5] =	ssyncadd.s32 $0xFFFFC000  }
0x18a: {  	_ =	sfence.sel $0x180000  }
0x18b: {  	[bflag:$0x0] =	sbarrier.arrive $0xFFFF  }
0x18c: {  	_ =	strace $0x9000004A  }
0x18d: {  	s31 =	stileid.u32;
	[bflag:$0x2] =	sbarrier.arrive $0xFFFF  }
0x18e: {  	p0 =	sne.s32 s31, $0x0;
	s0 =	rddreg [dreg:$0x2]  }
0x18f: {  	s0 =	sadd.s32 @!p0 $0x100000, s0  }
0x190: {  	[sflag:s0] =	ssyncadd.tile.s32 @!p0 $0x1;
	_ =	shalt  }
.Lfunc_end2:
_tile_overlayer_lowered:
.L_overlay_start_2:
0x191: {  	(tag) =	ssettag $0x2  }
0x192: {  	s0 =	rddreg [dreg:$0x0];
	s2 =	stileid.u32  }
0x193: {  	s1 =	rddreg [dreg:$0x1];
	p0 =	sne.s32 s2, $0x0  }
0x194: {  	s3 =	rddreg [dreg:$0x2];
	[bflag:$0x3] =	sbarrier.arrive $0xFFFF;
	s2 =	simm.s32 @!p0 $0x1C09  }
0x195: {  	[timem:s3], [sflag:s2] =	dma.local @!p0 [hbm:s0], s1  }
0x196: {  	s0 =	simm.s32 @!p0 $0x9  }
0x197: {  	_ =	swait.ge @!p0 [sflag:s0], s1  }
0x198: {  	s1 =	ssub.s32 @!p0 $0x0, s1;
	[sflag:s0] =	ssyncset.done @!p0 $0x0  }
0x199: {  	[sflag:s0] =	ssyncadd.s32 @!p0 s1  }
0x19a: {  	[bflag:$0x3] =	sbarrier.arrive $0xFFFF  }
0x19b: {  	_ =	shalt  }

</sc_bundles>
